<compile_context>
chip_gen: v7x
topology: tpu7x:2x2x1
jax: 0.10.2.dev20260603
libtpu: 0.0.44.dev20260713+nightly
codegen_flags: <defaults>
</compile_context>

<pallas_src>
import functools

import jax
import jax.numpy as jnp
from jax import lax
from jax.experimental import pallas as pl
from jax.experimental.pallas import tpu as pltpu
from jax.experimental.pallas import tpu_sc as plsc

_NC = 2
_NS = 16
_NW = _NC * _NS
_NBUF = 8
_LANE = 128


@functools.lru_cache(maxsize=None)
def _make_gather(B, D):
    b_per_w = B // _NW
    n_chunks = b_per_w // _NBUF
    mesh = plsc.VectorSubcoreMesh(core_axis_name="c", subcore_axis_name="s")

    @functools.partial(
        pl.kernel,
        mesh=mesh,
        compiler_params=pltpu.CompilerParams(needs_layout_passes=False),
        out_type=(
            jax.ShapeDtypeStruct((D, B), jnp.float32),
            jax.ShapeDtypeStruct((D, B), jnp.float32),
        ),
        scratch_types=[
            pltpu.VMEM((b_per_w + 16,), jnp.int32),
            pltpu.VMEM((b_per_w + 16,), jnp.int32),
            pltpu.VMEM((_NBUF, D, _LANE), jnp.float32),
            pltpu.VMEM((_NBUF, D, _LANE), jnp.float32),
            pltpu.VMEM((D, b_per_w), jnp.float32),
            pltpu.VMEM((D, b_per_w), jnp.float32),
            [pltpu.SemaphoreType.DMA] * _NBUF,
        ],
    )
    def gather_kernel(uid_hbm, iid_hbm, wuT_hbm, wiT_hbm, ueT_hbm, ieT_hbm,
                      uidx_v, iidx_v, ulb_v, ilb_v,
                      urows_v, irows_v, sems):
        wid = lax.axis_index("s") * _NC + lax.axis_index("c")
        base = wid * b_per_w
        pltpu.sync_copy(uid_hbm.at[pl.ds(base, b_per_w)],
                        uidx_v.at[pl.ds(0, b_per_w)])
        pltpu.sync_copy(iid_hbm.at[pl.ds(base, b_per_w)],
                        iidx_v.at[pl.ds(0, b_per_w)])

        rows = lax.iota(jnp.int32, 16)

        def fire(u, v, b):
            uo = pl.multiple_of((u // _LANE) * _LANE, _LANE)
            pltpu.async_copy(wuT_hbm.at[:, pl.ds(uo, _LANE)],
                             ulb_v.at[b], sems[b])
            vo = pl.multiple_of((v // _LANE) * _LANE, _LANE)
            pltpu.async_copy(wiT_hbm.at[:, pl.ds(vo, _LANE)],
                             ilb_v.at[b], sems[b])

        def extract(lb, col, out, i):
            coli = jnp.full((16,), col % _LANE, jnp.int32)
            outi = jnp.full((16,), i, jnp.int32)
            for half in range(D // 16):
                r = rows + (16 * half)
                x = plsc.load_gather(lb, [r, coli])
                plsc.store_scatter(out, [r, outi], x)

        def drain_slot(b):
            pltpu.make_async_copy(wuT_hbm.at[:, pl.ds(0, _LANE)],
                                  ulb_v.at[b], sems[b]).wait()
            pltpu.make_async_copy(wiT_hbm.at[:, pl.ds(0, _LANE)],
                                  ilb_v.at[b], sems[b]).wait()

        uv0_p = uidx_v[pl.ds(0, 16)]
        iv0_p = iidx_v[pl.ds(0, 16)]
        for b in range(_NBUF):
            fire(uv0_p[b], iv0_p[b], b)

        def chunk_body(c, carry):
            o = pl.multiple_of(c * 16, 16)
            uv0 = uidx_v[pl.ds(o, 16)]
            iv0 = iidx_v[pl.ds(o, 16)]
            o1 = pl.multiple_of(c * 16 + 16, 16)
            uv1 = uidx_v[pl.ds(o1, 16)]
            iv1 = iidx_v[pl.ds(o1, 16)]
            for b in range(_NBUF):
                i = c * 16 + b
                drain_slot(b)
                extract(ulb_v.at[b], uv0[b], urows_v, i)
                extract(ilb_v.at[b], iv0[b], irows_v, i)
                fire(uv0[b + 8], iv0[b + 8], b)
            for b in range(_NBUF):
                i = c * 16 + 8 + b
                drain_slot(b)
                extract(ulb_v.at[b], uv0[b + 8], urows_v, i)
                extract(ilb_v.at[b], iv0[b + 8], irows_v, i)

                @pl.when(i + 8 < b_per_w)
                def _():
                    fire(uv1[b], iv1[b], b)
            return carry

        lax.fori_loop(0, b_per_w // 16, chunk_body, 0)

        pltpu.sync_copy(urows_v, ueT_hbm.at[:, pl.ds(base, b_per_w)])
        pltpu.sync_copy(irows_v, ieT_hbm.at[:, pl.ds(base, b_per_w)])

    return gather_kernel


@functools.lru_cache(maxsize=None)
def _make_mlp(B, D, H1, H2, bb):
    grid = (B // bb,)

    def mlp_kernel(ueT_ref, ieT_ref, w1T_ref, b1_ref, w2T_ref, b2_ref,
                   wo_ref, bo_ref, out_ref):
        hT = (
            jnp.dot(w1T_ref[:, :D], ueT_ref[...], preferred_element_type=jnp.float32)
            + jnp.dot(w1T_ref[:, D:], ieT_ref[...], preferred_element_type=jnp.float32)
            + b1_ref[...]
        )
        hT = jnp.maximum(hT, 0.0)
        h2T = jnp.dot(w2T_ref[...], hT, preferred_element_type=jnp.float32) + b2_ref[...]
        h2T = jnp.maximum(h2T, 0.0)
        logits = jnp.sum(h2T * wo_ref[...], axis=0) + bo_ref[0, 0]
        out_ref[...] = jax.nn.sigmoid(logits)

    return pl.pallas_call(
        mlp_kernel,
        grid=grid,
        in_specs=[
            pl.BlockSpec((D, bb), lambda i: (0, i)),
            pl.BlockSpec((D, bb), lambda i: (0, i)),
            pl.BlockSpec((H1, 2 * D), lambda i: (0, 0)),
            pl.BlockSpec((H1, 1), lambda i: (0, 0)),
            pl.BlockSpec((H2, H1), lambda i: (0, 0)),
            pl.BlockSpec((H2, 1), lambda i: (0, 0)),
            pl.BlockSpec((H2, 1), lambda i: (0, 0)),
            pl.BlockSpec((1, 1), lambda i: (0, 0), memory_space=pltpu.SMEM),
        ],
        out_specs=pl.BlockSpec((bb,), lambda i: (i,)),
        out_shape=jax.ShapeDtypeStruct((B,), jnp.float32),
    )


def kernel(user_ids, item_ids, Wu, Wi, W1, b1, W2, b2, Wo, bo):
    B = user_ids.shape[0]
    D = Wu.shape[1]
    H1 = W1.shape[1]
    H2 = W2.shape[1]
    uid = user_ids.astype(jnp.int32)
    iid = item_ids.astype(jnp.int32)
    n_parts = 1
    bp = B // n_parts
    bb = 4096
    gather = _make_gather(bp, D)
    mlp = _make_mlp(bp, D, H1, H2, bb)
    WuT, WiT, W1T, W2T = Wu.T, Wi.T, W1.T, W2.T
    b1c = b1.reshape(H1, 1)
    b2c = b2.reshape(H2, 1)
    boc = bo.reshape(1, 1)
    outs = []
    for p in range(n_parts):
        ueT, ieT = gather(uid[p * bp:(p + 1) * bp], iid[p * bp:(p + 1) * bp],
                          WuT, WiT)
        outs.append(mlp(ueT, ieT, W1T, b1c, W2T, b2c, Wo, boc))
    return jnp.concatenate(outs)

# --- scband reference (transcript-rebuilt; emitter-appended) ---
"""Pipeline reference for scband-deep-mfmodel-29059748725419 (READ-ONLY COPY).

The authoritative reference and input builder live on the scoring server;
editing this copy changes nothing except your own understanding.
"""

import jax, jax.numpy as jnp
import numpy as np

NUM_USERS = 1000000
NUM_ITEMS = 1000000
EMB = 32
HID = [64, 32]
BATCH = 16384


def setup_inputs(seed: int = 0) -> dict:
    key = jax.random.key(seed)
    ks = jax.random.split(key, 12)
    user_ids = jax.random.randint(ks[0], (BATCH,), 0, NUM_USERS).astype(jnp.int64) if jax.config.jax_enable_x64 else jax.random.randint(ks[0], (BATCH,), 0, NUM_USERS)
    item_ids = jax.random.randint(ks[1], (BATCH,), 0, NUM_ITEMS)
    # Embedding tables: normal(0, 0.01); padding_idx=0 row zeroed (torch nn.Embedding padding_idx)
    Wu = (jax.random.normal(ks[2], (NUM_USERS + 1, EMB), dtype=jnp.float32) * 0.01).at[0].set(0.0)
    Wi = (jax.random.normal(ks[3], (NUM_ITEMS + 1, EMB), dtype=jnp.float32) * 0.01).at[0].set(0.0)
    def xavier(k, fan_in, fan_out):
        limit = float(np.sqrt(6.0 / (fan_in + fan_out)))
        return jax.random.uniform(k, (fan_in, fan_out), dtype=jnp.float32, minval=-limit, maxval=limit)
    d_in = EMB * 2
    W1 = xavier(ks[4], d_in, HID[0]); b1 = jnp.zeros((HID[0],), jnp.float32)
    W2 = xavier(ks[5], HID[0], HID[1]); b2 = jnp.zeros((HID[1],), jnp.float32)
    Wo = xavier(ks[6], HID[1], 1); bo = jnp.zeros((1,), jnp.float32)
    return {"user_ids": user_ids, "item_ids": item_ids, "Wu": Wu, "Wi": Wi,
            "W1": W1, "b1": b1, "W2": W2, "b2": b2, "Wo": Wo, "bo": bo}


def reference(user_ids, item_ids, Wu, Wi, W1, b1, W2, b2, Wo, bo):
    user_emb = jnp.take(Wu, user_ids, axis=0)   # [B, EMB] embedding gather
    item_emb = jnp.take(Wi, item_ids, axis=0)   # [B, EMB] embedding gather
    x = jnp.concatenate([user_emb, item_emb], axis=1)  # [B, 2*EMB]
    x = jax.nn.relu(x @ W1 + b1)
    x = jax.nn.relu(x @ W2 + b2)
    logits = x @ Wo + bo                        # [B, 1]
    predictions = jax.nn.sigmoid(logits)
    return jnp.squeeze(predictions, axis=-1)    # [B]

if __name__ == "__main__":
    import jax
    _d = setup_inputs()
    print(jax.jit(kernel)(*tuple(_d.values())))

</pallas_src>

<mosaic_0001>
#map = affine_map<(d0, d1) -> (0)>
#map1 = affine_map<(d0, d1) -> (0, 0)>
module attributes {stable_mosaic.version = 14 : i64} {
  func.func @gather_kernel(%arg0: i32, %arg1: i32, %arg2: memref<16384xi32, #tpu.memory_space<hbm>>, %arg3: memref<16384xi32, #tpu.memory_space<hbm>>, %arg4: memref<32x1000001xf32, #tpu.memory_space<hbm>>, %arg5: memref<32x1000001xf32, #tpu.memory_space<hbm>>, %arg6: memref<32x16384xf32, #tpu.memory_space<hbm>>, %arg7: memref<32x16384xf32, #tpu.memory_space<hbm>>, %arg8: memref<528xi32, #tpu.memory_space<vmem>>, %arg9: memref<528xi32, #tpu.memory_space<vmem>>, %arg10: memref<8x32x128xf32, #tpu.memory_space<vmem>>, %arg11: memref<8x32x128xf32, #tpu.memory_space<vmem>>, %arg12: memref<32x512xf32, #tpu.memory_space<vmem>>, %arg13: memref<32x512xf32, #tpu.memory_space<vmem>>, %arg14: memref<!tpu.dma_semaphore, #tpu.memory_space<semaphore_mem>>, %arg15: memref<!tpu.dma_semaphore, #tpu.memory_space<semaphore_mem>>, %arg16: memref<!tpu.dma_semaphore, #tpu.memory_space<semaphore_mem>>, %arg17: memref<!tpu.dma_semaphore, #tpu.memory_space<semaphore_mem>>, %arg18: memref<!tpu.dma_semaphore, #tpu.memory_space<semaphore_mem>>, %arg19: memref<!tpu.dma_semaphore, #tpu.memory_space<semaphore_mem>>, %arg20: memref<!tpu.dma_semaphore, #tpu.memory_space<semaphore_mem>>, %arg21: memref<!tpu.dma_semaphore, #tpu.memory_space<semaphore_mem>>) attributes {dimension_semantics = [#tpu.dimension_semantics<core_parallel>, #tpu.dimension_semantics<subcore_parallel>], iteration_bounds = array<i64: 2, 16>, scalar_prefetch = 0 : i64, scratch_operands = 14 : i64, tpu.core_type = #tpu.core_type<sc_vector_subcore>, window_params = [{transform_indices = #map}, {transform_indices = #map}, {transform_indices = #map1}, {transform_indices = #map1}, {transform_indices = #map1}, {transform_indices = #map1}]} {
    %mul3A = arith.constant 2 : i32
    %mul3A_0 = arith.muli %arg1, %mul3A : i32
    %add3A = arith.addi %mul3A_0, %arg0 : i32
    %mul3A_1 = arith.constant 512 : i32
    %mul3A_2 = arith.muli %add3A, %mul3A_1 : i32
    "tpu.region"() ({
      %run_scoped3A = tpu.sem_alloc : memref<!tpu.dma_semaphore, #tpu.memory_space<semaphore_mem>>
      %dma_start3A_671 = arith.constant 0 : i32
      %dma_start3A_672 = tpu.memref_slice %arg8[%dma_start3A_671] : memref<528xi32, #tpu.memory_space<vmem>> -> memref<512xi32, #tpu.memory_space<vmem>>
      %dma_start3A_673 = tpu.memref_slice %arg2[%mul3A_2] : memref<16384xi32, #tpu.memory_space<hbm>> -> memref<512xi32, #tpu.memory_space<hbm>>
      %dma_start3A_674 = arith.constant 0 : i32
      %dma_start3A_675 = tpu.memref_slice %arg8[%dma_start3A_674] : memref<528xi32, #tpu.memory_space<vmem>> -> memref<512xi32, #tpu.memory_space<vmem>>
      %dma_start3A_676 = tpu.memref_slice %arg2[%mul3A_2] : memref<16384xi32, #tpu.memory_space<hbm>> -> memref<512xi32, #tpu.memory_space<hbm>>
      tpu.enqueue_dma source(%dma_start3A_676 : memref<512xi32, #tpu.memory_space<hbm>>) target(%dma_start3A_675 : memref<512xi32, #tpu.memory_space<vmem>>) target_semaphore(%run_scoped3A : memref<!tpu.dma_semaphore, #tpu.memory_space<semaphore_mem>>)
      %dma_wait3A = arith.constant 0 : i32
      %dma_wait3A_677 = tpu.memref_slice %arg8[%dma_wait3A] : memref<528xi32, #tpu.memory_space<vmem>> -> memref<512xi32, #tpu.memory_space<vmem>>
      %dma_wait3A_678 = tpu.memref_slice %arg2[%mul3A_2] : memref<16384xi32, #tpu.memory_space<hbm>> -> memref<512xi32, #tpu.memory_space<hbm>>
      %dma_wait3A_679 = arith.constant 0 : i32
      %dma_wait3A_680 = tpu.memref_slice %arg8[%dma_wait3A_679] : memref<528xi32, #tpu.memory_space<vmem>> -> memref<512xi32, #tpu.memory_space<vmem>>
      %dma_wait3A_681 = tpu.memref_slice %arg2[%mul3A_2] : memref<16384xi32, #tpu.memory_space<hbm>> -> memref<512xi32, #tpu.memory_space<hbm>>
      tpu.wait_dma2 semaphore(%run_scoped3A : memref<!tpu.dma_semaphore, #tpu.memory_space<semaphore_mem>>) src(%dma_wait3A_681 : memref<512xi32, #tpu.memory_space<hbm>>) dst(%dma_wait3A_680 : memref<512xi32, #tpu.memory_space<vmem>>)
      tpu.yield
    }) : () -> ()
    "tpu.region"() ({
      %run_scoped3A = tpu.sem_alloc : memref<!tpu.dma_semaphore, #tpu.memory_space<semaphore_mem>>
      %dma_start3A_671 = arith.constant 0 : i32
      %dma_start3A_672 = tpu.memref_slice %arg9[%dma_start3A_671] : memref<528xi32, #tpu.memory_space<vmem>> -> memref<512xi32, #tpu.memory_space<vmem>>
      %dma_start3A_673 = tpu.memref_slice %arg3[%mul3A_2] : memref<16384xi32, #tpu.memory_space<hbm>> -> memref<512xi32, #tpu.memory_space<hbm>>
      %dma_start3A_674 = arith.constant 0 : i32
      %dma_start3A_675 = tpu.memref_slice %arg9[%dma_start3A_674] : memref<528xi32, #tpu.memory_space<vmem>> -> memref<512xi32, #tpu.memory_space<vmem>>
      %dma_start3A_676 = tpu.memref_slice %arg3[%mul3A_2] : memref<16384xi32, #tpu.memory_space<hbm>> -> memref<512xi32, #tpu.memory_space<hbm>>
      tpu.enqueue_dma source(%dma_start3A_676 : memref<512xi32, #tpu.memory_space<hbm>>) target(%dma_start3A_675 : memref<512xi32, #tpu.memory_space<vmem>>) target_semaphore(%run_scoped3A : memref<!tpu.dma_semaphore, #tpu.memory_space<semaphore_mem>>)
      %dma_wait3A = arith.constant 0 : i32
      %dma_wait3A_677 = tpu.memref_slice %arg9[%dma_wait3A] : memref<528xi32, #tpu.memory_space<vmem>> -> memref<512xi32, #tpu.memory_space<vmem>>
      %dma_wait3A_678 = tpu.memref_slice %arg3[%mul3A_2] : memref<16384xi32, #tpu.memory_space<hbm>> -> memref<512xi32, #tpu.memory_space<hbm>>
      %dma_wait3A_679 = arith.constant 0 : i32
      %dma_wait3A_680 = tpu.memref_slice %arg9[%dma_wait3A_679] : memref<528xi32, #tpu.memory_space<vmem>> -> memref<512xi32, #tpu.memory_space<vmem>>
      %dma_wait3A_681 = tpu.memref_slice %arg3[%mul3A_2] : memref<16384xi32, #tpu.memory_space<hbm>> -> memref<512xi32, #tpu.memory_space<hbm>>
      tpu.wait_dma2 semaphore(%run_scoped3A : memref<!tpu.dma_semaphore, #tpu.memory_space<semaphore_mem>>) src(%dma_wait3A_681 : memref<512xi32, #tpu.memory_space<hbm>>) dst(%dma_wait3A_680 : memref<512xi32, #tpu.memory_space<vmem>>)
      tpu.yield
    }) : () -> ()
    %iota3A = tpu.iota {dimensions = array<i32: 0>} : vector<16xi32>
    %get3A = arith.constant 0 : index
    %get3A_3 = tpu.vector_load %arg8[%get3A] {strides = array<i32>} : memref<528xi32, #tpu.memory_space<vmem>>, vector<16xi32>,
    %get3A_4 = arith.constant 0 : index
    %get3A_5 = tpu.vector_load %arg9[%get3A_4] {strides = array<i32>} : memref<528xi32, #tpu.memory_space<vmem>>, vector<16xi32>,
    %slice3A = vector.extract_strided_slice %get3A_3 {offsets = [0], sizes = [1], strides = [1]} : vector<16xi32> to vector<1xi32>
    %squeeze3A = vector.extract %slice3A[0] : i32 from vector<1xi32>
    %slice3A_6 = vector.extract_strided_slice %get3A_5 {offsets = [0], sizes = [1], strides = [1]} : vector<16xi32> to vector<1xi32>
    %squeeze3A_7 = vector.extract %slice3A_6[0] : i32 from vector<1xi32>
    %jit3A = arith.constant 128 : i32
    %div3A = arith.divsi %squeeze3A, %jit3A : i32
    %sign3A = arith.constant 0 : i32
    %sign3A_8 = arith.cmpi sgt, %squeeze3A, %sign3A : i32
    %sign3A_9 = arith.extui %sign3A_8 : i1 to i32
    %sign3A_10 = arith.constant 0 : i32
    %sign3A_11 = arith.cmpi slt, %squeeze3A, %sign3A_10 : i32
    %sign3A_12 = arith.extui %sign3A_11 : i1 to i32
    %sign3A_13 = arith.subi %sign3A_9, %sign3A_12 : i32
    %sign3A_14 = arith.constant 0 : i32
    %sign3A_15 = arith.cmpi sgt, %jit3A, %sign3A_14 : i32
    %sign3A_16 = arith.extui %sign3A_15 : i1 to i32
    %sign3A_17 = arith.constant 0 : i32
    %sign3A_18 = arith.cmpi slt, %jit3A, %sign3A_17 : i32
    %sign3A_19 = arith.extui %sign3A_18 : i1 to i32
    %sign3A_20 = arith.subi %sign3A_16, %sign3A_19 : i32
    %ne3A = arith.cmpi ne, %sign3A_13, %sign3A_20 : i32
    %rem3A = arith.remsi %squeeze3A, %jit3A : i32
    %ne3A_21 = arith.constant 0 : i32
    %ne3A_22 = arith.cmpi ne, %rem3A, %ne3A_21 : i32
    %and3A = arith.andi %ne3A, %ne3A_22 : i1
    %sub3A = arith.constant 1 : i32
    %sub3A_23 = arith.subi %div3A, %sub3A : i32
    %select_n3A = arith.select %and3A, %sub3A_23, %div3A : i32
    %mul3A_24 = arith.constant 128 : i32
    %mul3A_25 = arith.muli %select_n3A, %mul3A_24 : i32
    %multiple_of3A = tpu.assume_multiple %mul3A_25, 128 : i32
    %dma_start3A = arith.constant 0 : i32
    %dma_start3A_26 = arith.constant 0 : i32
    %dma_start3A_27 = arith.constant 0 : i32
    %dma_start3A_28 = tpu.memref_slice %arg10[%dma_start3A, %dma_start3A_26, %dma_start3A_27] : memref<8x32x128xf32, #tpu.memory_space<vmem>> -> memref<1x32x128xf32, #tpu.memory_space<vmem>>
    %dma_start3A_29 = tpu.memref_squeeze %dma_start3A_28 : memref<1x32x128xf32, #tpu.memory_space<vmem>> -> memref<32x128xf32, #tpu.memory_space<vmem>>
    %dma_start3A_30 = arith.constant 0 : i32
    %dma_start3A_31 = tpu.memref_slice %arg4[%dma_start3A_30, %multiple_of3A] : memref<32x1000001xf32, #tpu.memory_space<hbm>> -> memref<32x128xf32, #tpu.memory_space<hbm>>
    %dma_start3A_32 = arith.constant 0 : i32
    %dma_start3A_33 = arith.constant 0 : i32
    %dma_start3A_34 = tpu.memref_slice %arg10[%dma_start3A, %dma_start3A_32, %dma_start3A_33] : memref<8x32x128xf32, #tpu.memory_space<vmem>> -> memref<1x32x128xf32, #tpu.memory_space<vmem>>
    %dma_start3A_35 = tpu.memref_squeeze %dma_start3A_34 : memref<1x32x128xf32, #tpu.memory_space<vmem>> -> memref<32x128xf32, #tpu.memory_space<vmem>>
    %dma_start3A_36 = arith.constant 0 : i32
    %dma_start3A_37 = tpu.memref_slice %arg4[%dma_start3A_36, %multiple_of3A] : memref<32x1000001xf32, #tpu.memory_space<hbm>> -> memref<32x128xf32, #tpu.memory_space<hbm>>
    tpu.enqueue_dma source(%dma_start3A_37 : memref<32x128xf32, #tpu.memory_space<hbm>>) target(%dma_start3A_35 : memref<32x128xf32, #tpu.memory_space<vmem>>) target_semaphore(%arg14 : memref<!tpu.dma_semaphore, #tpu.memory_space<semaphore_mem>>)
    %jit3A_38 = arith.constant 128 : i32
    %div3A_39 = arith.divsi %squeeze3A_7, %jit3A_38 : i32
    %sign3A_40 = arith.constant 0 : i32
    %sign3A_41 = arith.cmpi sgt, %squeeze3A_7, %sign3A_40 : i32
    %sign3A_42 = arith.extui %sign3A_41 : i1 to i32
    %sign3A_43 = arith.constant 0 : i32
    %sign3A_44 = arith.cmpi slt, %squeeze3A_7, %sign3A_43 : i32
    %sign3A_45 = arith.extui %sign3A_44 : i1 to i32
    %sign3A_46 = arith.subi %sign3A_42, %sign3A_45 : i32
    %sign3A_47 = arith.constant 0 : i32
    %sign3A_48 = arith.cmpi sgt, %jit3A_38, %sign3A_47 : i32
    %sign3A_49 = arith.extui %sign3A_48 : i1 to i32
    %sign3A_50 = arith.constant 0 : i32
    %sign3A_51 = arith.cmpi slt, %jit3A_38, %sign3A_50 : i32
    %sign3A_52 = arith.extui %sign3A_51 : i1 to i32
    %sign3A_53 = arith.subi %sign3A_49, %sign3A_52 : i32
    %ne3A_54 = arith.cmpi ne, %sign3A_46, %sign3A_53 : i32
    %rem3A_55 = arith.remsi %squeeze3A_7, %jit3A_38 : i32
    %ne3A_56 = arith.constant 0 : i32
    %ne3A_57 = arith.cmpi ne, %rem3A_55, %ne3A_56 : i32
    %and3A_58 = arith.andi %ne3A_54, %ne3A_57 : i1
    %sub3A_59 = arith.constant 1 : i32
    %sub3A_60 = arith.subi %div3A_39, %sub3A_59 : i32
    %select_n3A_61 = arith.select %and3A_58, %sub3A_60, %div3A_39 : i32
    %mul3A_62 = arith.constant 128 : i32
    %mul3A_63 = arith.muli %select_n3A_61, %mul3A_62 : i32
    %multiple_of3A_64 = tpu.assume_multiple %mul3A_63, 128 : i32
    %dma_start3A_65 = arith.constant 0 : i32
    %dma_start3A_66 = arith.constant 0 : i32
    %dma_start3A_67 = arith.constant 0 : i32
    %dma_start3A_68 = tpu.memref_slice %arg11[%dma_start3A_65, %dma_start3A_66, %dma_start3A_67] : memref<8x32x128xf32, #tpu.memory_space<vmem>> -> memref<1x32x128xf32, #tpu.memory_space<vmem>>
    %dma_start3A_69 = tpu.memref_squeeze %dma_start3A_68 : memref<1x32x128xf32, #tpu.memory_space<vmem>> -> memref<32x128xf32, #tpu.memory_space<vmem>>
    %dma_start3A_70 = arith.constant 0 : i32
    %dma_start3A_71 = tpu.memref_slice %arg5[%dma_start3A_70, %multiple_of3A_64] : memref<32x1000001xf32, #tpu.memory_space<hbm>> -> memref<32x128xf32, #tpu.memory_space<hbm>>
    %dma_start3A_72 = arith.constant 0 : i32
    %dma_start3A_73 = arith.constant 0 : i32
    %dma_start3A_74 = tpu.memref_slice %arg11[%dma_start3A_65, %dma_start3A_72, %dma_start3A_73] : memref<8x32x128xf32, #tpu.memory_space<vmem>> -> memref<1x32x128xf32, #tpu.memory_space<vmem>>
    %dma_start3A_75 = tpu.memref_squeeze %dma_start3A_74 : memref<1x32x128xf32, #tpu.memory_space<vmem>> -> memref<32x128xf32, #tpu.memory_space<vmem>>
    %dma_start3A_76 = arith.constant 0 : i32
    %dma_start3A_77 = tpu.memref_slice %arg5[%dma_start3A_76, %multiple_of3A_64] : memref<32x1000001xf32, #tpu.memory_space<hbm>> -> memref<32x128xf32, #tpu.memory_space<hbm>>
    tpu.enqueue_dma source(%dma_start3A_77 : memref<32x128xf32, #tpu.memory_space<hbm>>) target(%dma_start3A_75 : memref<32x128xf32, #tpu.memory_space<vmem>>) target_semaphore(%arg14 : memref<!tpu.dma_semaphore, #tpu.memory_space<semaphore_mem>>)
    %slice3A_78 = vector.extract_strided_slice %get3A_3 {offsets = [1], sizes = [1], strides = [1]} : vector<16xi32> to vector<1xi32>
    %squeeze3A_79 = vector.extract %slice3A_78[0] : i32 from vector<1xi32>
    %slice3A_80 = vector.extract_strided_slice %get3A_5 {offsets = [1], sizes = [1], strides = [1]} : vector<16xi32> to vector<1xi32>
    %squeeze3A_81 = vector.extract %slice3A_80[0] : i32 from vector<1xi32>
    %jit3A_82 = arith.constant 128 : i32
    %div3A_83 = arith.divsi %squeeze3A_79, %jit3A_82 : i32
    %sign3A_84 = arith.constant 0 : i32
    %sign3A_85 = arith.cmpi sgt, %squeeze3A_79, %sign3A_84 : i32
    %sign3A_86 = arith.extui %sign3A_85 : i1 to i32
    %sign3A_87 = arith.constant 0 : i32
    %sign3A_88 = arith.cmpi slt, %squeeze3A_79, %sign3A_87 : i32
    %sign3A_89 = arith.extui %sign3A_88 : i1 to i32
    %sign3A_90 = arith.subi %sign3A_86, %sign3A_89 : i32
    %sign3A_91 = arith.constant 0 : i32
    %sign3A_92 = arith.cmpi sgt, %jit3A_82, %sign3A_91 : i32
    %sign3A_93 = arith.extui %sign3A_92 : i1 to i32
    %sign3A_94 = arith.constant 0 : i32
    %sign3A_95 = arith.cmpi slt, %jit3A_82, %sign3A_94 : i32
    %sign3A_96 = arith.extui %sign3A_95 : i1 to i32
    %sign3A_97 = arith.subi %sign3A_93, %sign3A_96 : i32
    %ne3A_98 = arith.cmpi ne, %sign3A_90, %sign3A_97 : i32
    %rem3A_99 = arith.remsi %squeeze3A_79, %jit3A_82 : i32
    %ne3A_100 = arith.constant 0 : i32
    %ne3A_101 = arith.cmpi ne, %rem3A_99, %ne3A_100 : i32
    %and3A_102 = arith.andi %ne3A_98, %ne3A_101 : i1
    %sub3A_103 = arith.constant 1 : i32
    %sub3A_104 = arith.subi %div3A_83, %sub3A_103 : i32
    %select_n3A_105 = arith.select %and3A_102, %sub3A_104, %div3A_83 : i32
    %mul3A_106 = arith.constant 128 : i32
    %mul3A_107 = arith.muli %select_n3A_105, %mul3A_106 : i32
    %multiple_of3A_108 = tpu.assume_multiple %mul3A_107, 128 : i32
    %dma_start3A_109 = arith.constant 1 : i32
    %dma_start3A_110 = arith.constant 0 : i32
    %dma_start3A_111 = arith.constant 0 : i32
    %dma_start3A_112 = tpu.memref_slice %arg10[%dma_start3A_109, %dma_start3A_110, %dma_start3A_111] : memref<8x32x128xf32, #tpu.memory_space<vmem>> -> memref<1x32x128xf32, #tpu.memory_space<vmem>>
    %dma_start3A_113 = tpu.memref_squeeze %dma_start3A_112 : memref<1x32x128xf32, #tpu.memory_space<vmem>> -> memref<32x128xf32, #tpu.memory_space<vmem>>
    %dma_start3A_114 = arith.constant 0 : i32
    %dma_start3A_115 = tpu.memref_slice %arg4[%dma_start3A_114, %multiple_of3A_108] : memref<32x1000001xf32, #tpu.memory_space<hbm>> -> memref<32x128xf32, #tpu.memory_space<hbm>>
    %dma_start3A_116 = arith.constant 0 : i32
    %dma_start3A_117 = arith.constant 0 : i32
    %dma_start3A_118 = tpu.memref_slice %arg10[%dma_start3A_109, %dma_start3A_116, %dma_start3A_117] : memref<8x32x128xf32, #tpu.memory_space<vmem>> -> memref<1x32x128xf32, #tpu.memory_space<vmem>>
    %dma_start3A_119 = tpu.memref_squeeze %dma_start3A_118 : memref<1x32x128xf32, #tpu.memory_space<vmem>> -> memref<32x128xf32, #tpu.memory_space<vmem>>
    %dma_start3A_120 = arith.constant 0 : i32
    %dma_start3A_121 = tpu.memref_slice %arg4[%dma_start3A_120, %multiple_of3A_108] : memref<32x1000001xf32, #tpu.memory_space<hbm>> -> memref<32x128xf32, #tpu.memory_space<hbm>>
    tpu.enqueue_dma source(%dma_start3A_121 : memref<32x128xf32, #tpu.memory_space<hbm>>) target(%dma_start3A_119 : memref<32x128xf32, #tpu.memory_space<vmem>>) target_semaphore(%arg15 : memref<!tpu.dma_semaphore, #tpu.memory_space<semaphore_mem>>)
    %jit3A_122 = arith.constant 128 : i32
    %div3A_123 = arith.divsi %squeeze3A_81, %jit3A_122 : i32
    %sign3A_124 = arith.constant 0 : i32
    %sign3A_125 = arith.cmpi sgt, %squeeze3A_81, %sign3A_124 : i32
    %sign3A_126 = arith.extui %sign3A_125 : i1 to i32
    %sign3A_127 = arith.constant 0 : i32
    %sign3A_128 = arith.cmpi slt, %squeeze3A_81, %sign3A_127 : i32
    %sign3A_129 = arith.extui %sign3A_128 : i1 to i32
    %sign3A_130 = arith.subi %sign3A_126, %sign3A_129 : i32
    %sign3A_131 = arith.constant 0 : i32
    %sign3A_132 = arith.cmpi sgt, %jit3A_122, %sign3A_131 : i32
    %sign3A_133 = arith.extui %sign3A_132 : i1 to i32
    %sign3A_134 = arith.constant 0 : i32
    %sign3A_135 = arith.cmpi slt, %jit3A_122, %sign3A_134 : i32
    %sign3A_136 = arith.extui %sign3A_135 : i1 to i32
    %sign3A_137 = arith.subi %sign3A_133, %sign3A_136 : i32
    %ne3A_138 = arith.cmpi ne, %sign3A_130, %sign3A_137 : i32
    %rem3A_139 = arith.remsi %squeeze3A_81, %jit3A_122 : i32
    %ne3A_140 = arith.constant 0 : i32
    %ne3A_141 = arith.cmpi ne, %rem3A_139, %ne3A_140 : i32
    %and3A_142 = arith.andi %ne3A_138, %ne3A_141 : i1
    %sub3A_143 = arith.constant 1 : i32
    %sub3A_144 = arith.subi %div3A_123, %sub3A_143 : i32
    %select_n3A_145 = arith.select %and3A_142, %sub3A_144, %div3A_123 : i32
    %mul3A_146 = arith.constant 128 : i32
    %mul3A_147 = arith.muli %select_n3A_145, %mul3A_146 : i32
    %multiple_of3A_148 = tpu.assume_multiple %mul3A_147, 128 : i32
    %dma_start3A_149 = arith.constant 1 : i32
    %dma_start3A_150 = arith.constant 0 : i32
    %dma_start3A_151 = arith.constant 0 : i32
    %dma_start3A_152 = tpu.memref_slice %arg11[%dma_start3A_149, %dma_start3A_150, %dma_start3A_151] : memref<8x32x128xf32, #tpu.memory_space<vmem>> -> memref<1x32x128xf32, #tpu.memory_space<vmem>>
    %dma_start3A_153 = tpu.memref_squeeze %dma_start3A_152 : memref<1x32x128xf32, #tpu.memory_space<vmem>> -> memref<32x128xf32, #tpu.memory_space<vmem>>
    %dma_start3A_154 = arith.constant 0 : i32
    %dma_start3A_155 = tpu.memref_slice %arg5[%dma_start3A_154, %multiple_of3A_148] : memref<32x1000001xf32, #tpu.memory_space<hbm>> -> memref<32x128xf32, #tpu.memory_space<hbm>>
    %dma_start3A_156 = arith.constant 0 : i32
    %dma_start3A_157 = arith.constant 0 : i32
    %dma_start3A_158 = tpu.memref_slice %arg11[%dma_start3A_149, %dma_start3A_156, %dma_start3A_157] : memref<8x32x128xf32, #tpu.memory_space<vmem>> -> memref<1x32x128xf32, #tpu.memory_space<vmem>>
    %dma_start3A_159 = tpu.memref_squeeze %dma_start3A_158 : memref<1x32x128xf32, #tpu.memory_space<vmem>> -> memref<32x128xf32, #tpu.memory_space<vmem>>
    %dma_start3A_160 = arith.constant 0 : i32
    %dma_start3A_161 = tpu.memref_slice %arg5[%dma_start3A_160, %multiple_of3A_148] : memref<32x1000001xf32, #tpu.memory_space<hbm>> -> memref<32x128xf32, #tpu.memory_space<hbm>>
    tpu.enqueue_dma source(%dma_start3A_161 : memref<32x128xf32, #tpu.memory_space<hbm>>) target(%dma_start3A_159 : memref<32x128xf32, #tpu.memory_space<vmem>>) target_semaphore(%arg15 : memref<!tpu.dma_semaphore, #tpu.memory_space<semaphore_mem>>)
    %slice3A_162 = vector.extract_strided_slice %get3A_3 {offsets = [2], sizes = [1], strides = [1]} : vector<16xi32> to vector<1xi32>
    %squeeze3A_163 = vector.extract %slice3A_162[0] : i32 from vector<1xi32>
    %slice3A_164 = vector.extract_strided_slice %get3A_5 {offsets = [2], sizes = [1], strides = [1]} : vector<16xi32> to vector<1xi32>
    %squeeze3A_165 = vector.extract %slice3A_164[0] : i32 from vector<1xi32>
    %jit3A_166 = arith.constant 128 : i32
    %div3A_167 = arith.divsi %squeeze3A_163, %jit3A_166 : i32
    %sign3A_168 = arith.constant 0 : i32
    %sign3A_169 = arith.cmpi sgt, %squeeze3A_163, %sign3A_168 : i32
    %sign3A_170 = arith.extui %sign3A_169 : i1 to i32
    %sign3A_171 = arith.constant 0 : i32
    %sign3A_172 = arith.cmpi slt, %squeeze3A_163, %sign3A_171 : i32
    %sign3A_173 = arith.extui %sign3A_172 : i1 to i32
    %sign3A_174 = arith.subi %sign3A_170, %sign3A_173 : i32
    %sign3A_175 = arith.constant 0 : i32
    %sign3A_176 = arith.cmpi sgt, %jit3A_166, %sign3A_175 : i32
    %sign3A_177 = arith.extui %sign3A_176 : i1 to i32
    %sign3A_178 = arith.constant 0 : i32
    %sign3A_179 = arith.cmpi slt, %jit3A_166, %sign3A_178 : i32
    %sign3A_180 = arith.extui %sign3A_179 : i1 to i32
    %sign3A_181 = arith.subi %sign3A_177, %sign3A_180 : i32
    %ne3A_182 = arith.cmpi ne, %sign3A_174, %sign3A_181 : i32
    %rem3A_183 = arith.remsi %squeeze3A_163, %jit3A_166 : i32
    %ne3A_184 = arith.constant 0 : i32
    %ne3A_185 = arith.cmpi ne, %rem3A_183, %ne3A_184 : i32
    %and3A_186 = arith.andi %ne3A_182, %ne3A_185 : i1
    %sub3A_187 = arith.constant 1 : i32
    %sub3A_188 = arith.subi %div3A_167, %sub3A_187 : i32
    %select_n3A_189 = arith.select %and3A_186, %sub3A_188, %div3A_167 : i32
    %mul3A_190 = arith.constant 128 : i32
    %mul3A_191 = arith.muli %select_n3A_189, %mul3A_190 : i32
    %multiple_of3A_192 = tpu.assume_multiple %mul3A_191, 128 : i32
    %dma_start3A_193 = arith.constant 2 : i32
    %dma_start3A_194 = arith.constant 0 : i32
    %dma_start3A_195 = arith.constant 0 : i32
    %dma_start3A_196 = tpu.memref_slice %arg10[%dma_start3A_193, %dma_start3A_194, %dma_start3A_195] : memref<8x32x128xf32, #tpu.memory_space<vmem>> -> memref<1x32x128xf32, #tpu.memory_space<vmem>>
    %dma_start3A_197 = tpu.memref_squeeze %dma_start3A_196 : memref<1x32x128xf32, #tpu.memory_space<vmem>> -> memref<32x128xf32, #tpu.memory_space<vmem>>
    %dma_start3A_198 = arith.constant 0 : i32
    %dma_start3A_199 = tpu.memref_slice %arg4[%dma_start3A_198, %multiple_of3A_192] : memref<32x1000001xf32, #tpu.memory_space<hbm>> -> memref<32x128xf32, #tpu.memory_space<hbm>>
    %dma_start3A_200 = arith.constant 0 : i32
    %dma_start3A_201 = arith.constant 0 : i32
    %dma_start3A_202 = tpu.memref_slice %arg10[%dma_start3A_193, %dma_start3A_200, %dma_start3A_201] : memref<8x32x128xf32, #tpu.memory_space<vmem>> -> memref<1x32x128xf32, #tpu.memory_space<vmem>>
    %dma_start3A_203 = tpu.memref_squeeze %dma_start3A_202 : memref<1x32x128xf32, #tpu.memory_space<vmem>> -> memref<32x128xf32, #tpu.memory_space<vmem>>
    %dma_start3A_204 = arith.constant 0 : i32
    %dma_start3A_205 = tpu.memref_slice %arg4[%dma_start3A_204, %multiple_of3A_192] : memref<32x1000001xf32, #tpu.memory_space<hbm>> -> memref<32x128xf32, #tpu.memory_space<hbm>>
    tpu.enqueue_dma source(%dma_start3A_205 : memref<32x128xf32, #tpu.memory_space<hbm>>) target(%dma_start3A_203 : memref<32x128xf32, #tpu.memory_space<vmem>>) target_semaphore(%arg16 : memref<!tpu.dma_semaphore, #tpu.memory_space<semaphore_mem>>)
    %jit3A_206 = arith.constant 128 : i32
    %div3A_207 = arith.divsi %squeeze3A_165, %jit3A_206 : i32
    %sign3A_208 = arith.constant 0 : i32
    %sign3A_209 = arith.cmpi sgt, %squeeze3A_165, %sign3A_208 : i32
    %sign3A_210 = arith.extui %sign3A_209 : i1 to i32
    %sign3A_211 = arith.constant 0 : i32
    %sign3A_212 = arith.cmpi slt, %squeeze3A_165, %sign3A_211 : i32
    %sign3A_213 = arith.extui %sign3A_212 : i1 to i32
    %sign3A_214 = arith.subi %sign3A_210, %sign3A_213 : i32
    %sign3A_215 = arith.constant 0 : i32
    %sign3A_216 = arith.cmpi sgt, %jit3A_206, %sign3A_215 : i32
    %sign3A_217 = arith.extui %sign3A_216 : i1 to i32
    %sign3A_218 = arith.constant 0 : i32
    %sign3A_219 = arith.cmpi slt, %jit3A_206, %sign3A_218 : i32
    %sign3A_220 = arith.extui %sign3A_219 : i1 to i32
    %sign3A_221 = arith.subi %sign3A_217, %sign3A_220 : i32
    %ne3A_222 = arith.cmpi ne, %sign3A_214, %sign3A_221 : i32
    %rem3A_223 = arith.remsi %squeeze3A_165, %jit3A_206 : i32
    %ne3A_224 = arith.constant 0 : i32
    %ne3A_225 = arith.cmpi ne, %rem3A_223, %ne3A_224 : i32
    %and3A_226 = arith.andi %ne3A_222, %ne3A_225 : i1
    %sub3A_227 = arith.constant 1 : i32
    %sub3A_228 = arith.subi %div3A_207, %sub3A_227 : i32
    %select_n3A_229 = arith.select %and3A_226, %sub3A_228, %div3A_207 : i32
    %mul3A_230 = arith.constant 128 : i32
    %mul3A_231 = arith.muli %select_n3A_229, %mul3A_230 : i32
    %multiple_of3A_232 = tpu.assume_multiple %mul3A_231, 128 : i32
    %dma_start3A_233 = arith.constant 2 : i32
    %dma_start3A_234 = arith.constant 0 : i32
    %dma_start3A_235 = arith.constant 0 : i32
    %dma_start3A_236 = tpu.memref_slice %arg11[%dma_start3A_233, %dma_start3A_234, %dma_start3A_235] : memref<8x32x128xf32, #tpu.memory_space<vmem>> -> memref<1x32x128xf32, #tpu.memory_space<vmem>>
    %dma_start3A_237 = tpu.memref_squeeze %dma_start3A_236 : memref<1x32x128xf32, #tpu.memory_space<vmem>> -> memref<32x128xf32, #tpu.memory_space<vmem>>
    %dma_start3A_238 = arith.constant 0 : i32
    %dma_start3A_239 = tpu.memref_slice %arg5[%dma_start3A_238, %multiple_of3A_232] : memref<32x1000001xf32, #tpu.memory_space<hbm>> -> memref<32x128xf32, #tpu.memory_space<hbm>>
    %dma_start3A_240 = arith.constant 0 : i32
    %dma_start3A_241 = arith.constant 0 : i32
    %dma_start3A_242 = tpu.memref_slice %arg11[%dma_start3A_233, %dma_start3A_240, %dma_start3A_241] : memref<8x32x128xf32, #tpu.memory_space<vmem>> -> memref<1x32x128xf32, #tpu.memory_space<vmem>>
    %dma_start3A_243 = tpu.memref_squeeze %dma_start3A_242 : memref<1x32x128xf32, #tpu.memory_space<vmem>> -> memref<32x128xf32, #tpu.memory_space<vmem>>
    %dma_start3A_244 = arith.constant 0 : i32
    %dma_start3A_245 = tpu.memref_slice %arg5[%dma_start3A_244, %multiple_of3A_232] : memref<32x1000001xf32, #tpu.memory_space<hbm>> -> memref<32x128xf32, #tpu.memory_space<hbm>>
    tpu.enqueue_dma source(%dma_start3A_245 : memref<32x128xf32, #tpu.memory_space<hbm>>) target(%dma_start3A_243 : memref<32x128xf32, #tpu.memory_space<vmem>>) target_semaphore(%arg16 : memref<!tpu.dma_semaphore, #tpu.memory_space<semaphore_mem>>)
    %slice3A_246 = vector.extract_strided_slice %get3A_3 {offsets = [3], sizes = [1], strides = [1]} : vector<16xi32> to vector<1xi32>
    %squeeze3A_247 = vector.extract %slice3A_246[0] : i32 from vector<1xi32>
    %slice3A_248 = vector.extract_strided_slice %get3A_5 {offsets = [3], sizes = [1], strides = [1]} : vector<16xi32> to vector<1xi32>
    %squeeze3A_249 = vector.extract %slice3A_248[0] : i32 from vector<1xi32>
    %jit3A_250 = arith.constant 128 : i32
    %div3A_251 = arith.divsi %squeeze3A_247, %jit3A_250 : i32
    %sign3A_252 = arith.constant 0 : i32
    %sign3A_253 = arith.cmpi sgt, %squeeze3A_247, %sign3A_252 : i32
    %sign3A_254 = arith.extui %sign3A_253 : i1 to i32
    %sign3A_255 = arith.constant 0 : i32
    %sign3A_256 = arith.cmpi slt, %squeeze3A_247, %sign3A_255 : i32
    %sign3A_257 = arith.extui %sign3A_256 : i1 to i32
    %sign3A_258 = arith.subi %sign3A_254, %sign3A_257 : i32
    %sign3A_259 = arith.constant 0 : i32
    %sign3A_260 = arith.cmpi sgt, %jit3A_250, %sign3A_259 : i32
    %sign3A_261 = arith.extui %sign3A_260 : i1 to i32
    %sign3A_262 = arith.constant 0 : i32
    %sign3A_263 = arith.cmpi slt, %jit3A_250, %sign3A_262 : i32
    %sign3A_264 = arith.extui %sign3A_263 : i1 to i32
    %sign3A_265 = arith.subi %sign3A_261, %sign3A_264 : i32
    %ne3A_266 = arith.cmpi ne, %sign3A_258, %sign3A_265 : i32
    %rem3A_267 = arith.remsi %squeeze3A_247, %jit3A_250 : i32
    %ne3A_268 = arith.constant 0 : i32
    %ne3A_269 = arith.cmpi ne, %rem3A_267, %ne3A_268 : i32
    %and3A_270 = arith.andi %ne3A_266, %ne3A_269 : i1
    %sub3A_271 = arith.constant 1 : i32
    %sub3A_272 = arith.subi %div3A_251, %sub3A_271 : i32
    %select_n3A_273 = arith.select %and3A_270, %sub3A_272, %div3A_251 : i32
    %mul3A_274 = arith.constant 128 : i32
    %mul3A_275 = arith.muli %select_n3A_273, %mul3A_274 : i32
    %multiple_of3A_276 = tpu.assume_multiple %mul3A_275, 128 : i32
    %dma_start3A_277 = arith.constant 3 : i32
    %dma_start3A_278 = arith.constant 0 : i32
    %dma_start3A_279 = arith.constant 0 : i32
    %dma_start3A_280 = tpu.memref_slice %arg10[%dma_start3A_277, %dma_start3A_278, %dma_start3A_279] : memref<8x32x128xf32, #tpu.memory_space<vmem>> -> memref<1x32x128xf32, #tpu.memory_space<vmem>>
    %dma_start3A_281 = tpu.memref_squeeze %dma_start3A_280 : memref<1x32x128xf32, #tpu.memory_space<vmem>> -> memref<32x128xf32, #tpu.memory_space<vmem>>
    %dma_start3A_282 = arith.constant 0 : i32
    %dma_start3A_283 = tpu.memref_slice %arg4[%dma_start3A_282, %multiple_of3A_276] : memref<32x1000001xf32, #tpu.memory_space<hbm>> -> memref<32x128xf32, #tpu.memory_space<hbm>>
    %dma_start3A_284 = arith.constant 0 : i32
    %dma_start3A_285 = arith.constant 0 : i32
    %dma_start3A_286 = tpu.memref_slice %arg10[%dma_start3A_277, %dma_start3A_284, %dma_start3A_285] : memref<8x32x128xf32, #tpu.memory_space<vmem>> -> memref<1x32x128xf32, #tpu.memory_space<vmem>>
    %dma_start3A_287 = tpu.memref_squeeze %dma_start3A_286 : memref<1x32x128xf32, #tpu.memory_space<vmem>> -> memref<32x128xf32, #tpu.memory_space<vmem>>
    %dma_start3A_288 = arith.constant 0 : i32
    %dma_start3A_289 = tpu.memref_slice %arg4[%dma_start3A_288, %multiple_of3A_276] : memref<32x1000001xf32, #tpu.memory_space<hbm>> -> memref<32x128xf32, #tpu.memory_space<hbm>>
    tpu.enqueue_dma source(%dma_start3A_289 : memref<32x128xf32, #tpu.memory_space<hbm>>) target(%dma_start3A_287 : memref<32x128xf32, #tpu.memory_space<vmem>>) target_semaphore(%arg17 : memref<!tpu.dma_semaphore, #tpu.memory_space<semaphore_mem>>)
    %jit3A_290 = arith.constant 128 : i32
    %div3A_291 = arith.divsi %squeeze3A_249, %jit3A_290 : i32
    %sign3A_292 = arith.constant 0 : i32
    %sign3A_293 = arith.cmpi sgt, %squeeze3A_249, %sign3A_292 : i32
    %sign3A_294 = arith.extui %sign3A_293 : i1 to i32
    %sign3A_295 = arith.constant 0 : i32
    %sign3A_296 = arith.cmpi slt, %squeeze3A_249, %sign3A_295 : i32
    %sign3A_297 = arith.extui %sign3A_296 : i1 to i32
    %sign3A_298 = arith.subi %sign3A_294, %sign3A_297 : i32
    %sign3A_299 = arith.constant 0 : i32
    %sign3A_300 = arith.cmpi sgt, %jit3A_290, %sign3A_299 : i32
    %sign3A_301 = arith.extui %sign3A_300 : i1 to i32
    %sign3A_302 = arith.constant 0 : i32
    %sign3A_303 = arith.cmpi slt, %jit3A_290, %sign3A_302 : i32
    %sign3A_304 = arith.extui %sign3A_303 : i1 to i32
    %sign3A_305 = arith.subi %sign3A_301, %sign3A_304 : i32
    %ne3A_306 = arith.cmpi ne, %sign3A_298, %sign3A_305 : i32
    %rem3A_307 = arith.remsi %squeeze3A_249, %jit3A_290 : i32
    %ne3A_308 = arith.constant 0 : i32
    %ne3A_309 = arith.cmpi ne, %rem3A_307, %ne3A_308 : i32
    %and3A_310 = arith.andi %ne3A_306, %ne3A_309 : i1
    %sub3A_311 = arith.constant 1 : i32
    %sub3A_312 = arith.subi %div3A_291, %sub3A_311 : i32
    %select_n3A_313 = arith.select %and3A_310, %sub3A_312, %div3A_291 : i32
    %mul3A_314 = arith.constant 128 : i32
    %mul3A_315 = arith.muli %select_n3A_313, %mul3A_314 : i32
    %multiple_of3A_316 = tpu.assume_multiple %mul3A_315, 128 : i32
    %dma_start3A_317 = arith.constant 3 : i32
    %dma_start3A_318 = arith.constant 0 : i32
    %dma_start3A_319 = arith.constant 0 : i32
    %dma_start3A_320 = tpu.memref_slice %arg11[%dma_start3A_317, %dma_start3A_318, %dma_start3A_319] : memref<8x32x128xf32, #tpu.memory_space<vmem>> -> memref<1x32x128xf32, #tpu.memory_space<vmem>>
    %dma_start3A_321 = tpu.memref_squeeze %dma_start3A_320 : memref<1x32x128xf32, #tpu.memory_space<vmem>> -> memref<32x128xf32, #tpu.memory_space<vmem>>
    %dma_start3A_322 = arith.constant 0 : i32
    %dma_start3A_323 = tpu.memref_slice %arg5[%dma_start3A_322, %multiple_of3A_316] : memref<32x1000001xf32, #tpu.memory_space<hbm>> -> memref<32x128xf32, #tpu.memory_space<hbm>>
    %dma_start3A_324 = arith.constant 0 : i32
    %dma_start3A_325 = arith.constant 0 : i32
    %dma_start3A_326 = tpu.memref_slice %arg11[%dma_start3A_317, %dma_start3A_324, %dma_start3A_325] : memref<8x32x128xf32, #tpu.memory_space<vmem>> -> memref<1x32x128xf32, #tpu.memory_space<vmem>>
    %dma_start3A_327 = tpu.memref_squeeze %dma_start3A_326 : memref<1x32x128xf32, #tpu.memory_space<vmem>> -> memref<32x128xf32, #tpu.memory_space<vmem>>
    %dma_start3A_328 = arith.constant 0 : i32
    %dma_start3A_329 = tpu.memref_slice %arg5[%dma_start3A_328, %multiple_of3A_316] : memref<32x1000001xf32, #tpu.memory_space<hbm>> -> memref<32x128xf32, #tpu.memory_space<hbm>>
    tpu.enqueue_dma source(%dma_start3A_329 : memref<32x128xf32, #tpu.memory_space<hbm>>) target(%dma_start3A_327 : memref<32x128xf32, #tpu.memory_space<vmem>>) target_semaphore(%arg17 : memref<!tpu.dma_semaphore, #tpu.memory_space<semaphore_mem>>)
    %slice3A_330 = vector.extract_strided_slice %get3A_3 {offsets = [4], sizes = [1], strides = [1]} : vector<16xi32> to vector<1xi32>
    %squeeze3A_331 = vector.extract %slice3A_330[0] : i32 from vector<1xi32>
    %slice3A_332 = vector.extract_strided_slice %get3A_5 {offsets = [4], sizes = [1], strides = [1]} : vector<16xi32> to vector<1xi32>
    %squeeze3A_333 = vector.extract %slice3A_332[0] : i32 from vector<1xi32>
    %jit3A_334 = arith.constant 128 : i32
    %div3A_335 = arith.divsi %squeeze3A_331, %jit3A_334 : i32
    %sign3A_336 = arith.constant 0 : i32
    %sign3A_337 = arith.cmpi sgt, %squeeze3A_331, %sign3A_336 : i32
    %sign3A_338 = arith.extui %sign3A_337 : i1 to i32
    %sign3A_339 = arith.constant 0 : i32
    %sign3A_340 = arith.cmpi slt, %squeeze3A_331, %sign3A_339 : i32
    %sign3A_341 = arith.extui %sign3A_340 : i1 to i32
    %sign3A_342 = arith.subi %sign3A_338, %sign3A_341 : i32
    %sign3A_343 = arith.constant 0 : i32
    %sign3A_344 = arith.cmpi sgt, %jit3A_334, %sign3A_343 : i32
    %sign3A_345 = arith.extui %sign3A_344 : i1 to i32
    %sign3A_346 = arith.constant 0 : i32
    %sign3A_347 = arith.cmpi slt, %jit3A_334, %sign3A_346 : i32
    %sign3A_348 = arith.extui %sign3A_347 : i1 to i32
    %sign3A_349 = arith.subi %sign3A_345, %sign3A_348 : i32
    %ne3A_350 = arith.cmpi ne, %sign3A_342, %sign3A_349 : i32
    %rem3A_351 = arith.remsi %squeeze3A_331, %jit3A_334 : i32
    %ne3A_352 = arith.constant 0 : i32
    %ne3A_353 = arith.cmpi ne, %rem3A_351, %ne3A_352 : i32
    %and3A_354 = arith.andi %ne3A_350, %ne3A_353 : i1
    %sub3A_355 = arith.constant 1 : i32
    %sub3A_356 = arith.subi %div3A_335, %sub3A_355 : i32
    %select_n3A_357 = arith.select %and3A_354, %sub3A_356, %div3A_335 : i32
    %mul3A_358 = arith.constant 128 : i32
    %mul3A_359 = arith.muli %select_n3A_357, %mul3A_358 : i32
    %multiple_of3A_360 = tpu.assume_multiple %mul3A_359, 128 : i32
    %dma_start3A_361 = arith.constant 4 : i32
    %dma_start3A_362 = arith.constant 0 : i32
    %dma_start3A_363 = arith.constant 0 : i32
    %dma_start3A_364 = tpu.memref_slice %arg10[%dma_start3A_361, %dma_start3A_362, %dma_start3A_363] : memref<8x32x128xf32, #tpu.memory_space<vmem>> -> memref<1x32x128xf32, #tpu.memory_space<vmem>>
    %dma_start3A_365 = tpu.memref_squeeze %dma_start3A_364 : memref<1x32x128xf32, #tpu.memory_space<vmem>> -> memref<32x128xf32, #tpu.memory_space<vmem>>
    %dma_start3A_366 = arith.constant 0 : i32
    %dma_start3A_367 = tpu.memref_slice %arg4[%dma_start3A_366, %multiple_of3A_360] : memref<32x1000001xf32, #tpu.memory_space<hbm>> -> memref<32x128xf32, #tpu.memory_space<hbm>>
    %dma_start3A_368 = arith.constant 0 : i32
    %dma_start3A_369 = arith.constant 0 : i32
    %dma_start3A_370 = tpu.memref_slice %arg10[%dma_start3A_361, %dma_start3A_368, %dma_start3A_369] : memref<8x32x128xf32, #tpu.memory_space<vmem>> -> memref<1x32x128xf32, #tpu.memory_space<vmem>>
    %dma_start3A_371 = tpu.memref_squeeze %dma_start3A_370 : memref<1x32x128xf32, #tpu.memory_space<vmem>> -> memref<32x128xf32, #tpu.memory_space<vmem>>
    %dma_start3A_372 = arith.constant 0 : i32
    %dma_start3A_373 = tpu.memref_slice %arg4[%dma_start3A_372, %multiple_of3A_360] : memref<32x1000001xf32, #tpu.memory_space<hbm>> -> memref<32x128xf32, #tpu.memory_space<hbm>>
    tpu.enqueue_dma source(%dma_start3A_373 : memref<32x128xf32, #tpu.memory_space<hbm>>) target(%dma_start3A_371 : memref<32x128xf32, #tpu.memory_space<vmem>>) target_semaphore(%arg18 : memref<!tpu.dma_semaphore, #tpu.memory_space<semaphore_mem>>)
    %jit3A_374 = arith.constant 128 : i32
    %div3A_375 = arith.divsi %squeeze3A_333, %jit3A_374 : i32
    %sign3A_376 = arith.constant 0 : i32
    %sign3A_377 = arith.cmpi sgt, %squeeze3A_333, %sign3A_376 : i32
    %sign3A_378 = arith.extui %sign3A_377 : i1 to i32
    %sign3A_379 = arith.constant 0 : i32
    %sign3A_380 = arith.cmpi slt, %squeeze3A_333, %sign3A_379 : i32
    %sign3A_381 = arith.extui %sign3A_380 : i1 to i32
    %sign3A_382 = arith.subi %sign3A_378, %sign3A_381 : i32
    %sign3A_383 = arith.constant 0 : i32
    %sign3A_384 = arith.cmpi sgt, %jit3A_374, %sign3A_383 : i32
    %sign3A_385 = arith.extui %sign3A_384 : i1 to i32
    %sign3A_386 = arith.constant 0 : i32
    %sign3A_387 = arith.cmpi slt, %jit3A_374, %sign3A_386 : i32
    %sign3A_388 = arith.extui %sign3A_387 : i1 to i32
    %sign3A_389 = arith.subi %sign3A_385, %sign3A_388 : i32
    %ne3A_390 = arith.cmpi ne, %sign3A_382, %sign3A_389 : i32
    %rem3A_391 = arith.remsi %squeeze3A_333, %jit3A_374 : i32
    %ne3A_392 = arith.constant 0 : i32
    %ne3A_393 = arith.cmpi ne, %rem3A_391, %ne3A_392 : i32
    %and3A_394 = arith.andi %ne3A_390, %ne3A_393 : i1
    %sub3A_395 = arith.constant 1 : i32
    %sub3A_396 = arith.subi %div3A_375, %sub3A_395 : i32
    %select_n3A_397 = arith.select %and3A_394, %sub3A_396, %div3A_375 : i32
    %mul3A_398 = arith.constant 128 : i32
    %mul3A_399 = arith.muli %select_n3A_397, %mul3A_398 : i32
    %multiple_of3A_400 = tpu.assume_multiple %mul3A_399, 128 : i32
    %dma_start3A_401 = arith.constant 4 : i32
    %dma_start3A_402 = arith.constant 0 : i32
    %dma_start3A_403 = arith.constant 0 : i32
    %dma_start3A_404 = tpu.memref_slice %arg11[%dma_start3A_401, %dma_start3A_402, %dma_start3A_403] : memref<8x32x128xf32, #tpu.memory_space<vmem>> -> memref<1x32x128xf32, #tpu.memory_space<vmem>>
    %dma_start3A_405 = tpu.memref_squeeze %dma_start3A_404 : memref<1x32x128xf32, #tpu.memory_space<vmem>> -> memref<32x128xf32, #tpu.memory_space<vmem>>
    %dma_start3A_406 = arith.constant 0 : i32
    %dma_start3A_407 = tpu.memref_slice %arg5[%dma_start3A_406, %multiple_of3A_400] : memref<32x1000001xf32, #tpu.memory_space<hbm>> -> memref<32x128xf32, #tpu.memory_space<hbm>>
    %dma_start3A_408 = arith.constant 0 : i32
    %dma_start3A_409 = arith.constant 0 : i32
    %dma_start3A_410 = tpu.memref_slice %arg11[%dma_start3A_401, %dma_start3A_408, %dma_start3A_409] : memref<8x32x128xf32, #tpu.memory_space<vmem>> -> memref<1x32x128xf32, #tpu.memory_space<vmem>>
    %dma_start3A_411 = tpu.memref_squeeze %dma_start3A_410 : memref<1x32x128xf32, #tpu.memory_space<vmem>> -> memref<32x128xf32, #tpu.memory_space<vmem>>
    %dma_start3A_412 = arith.constant 0 : i32
    %dma_start3A_413 = tpu.memref_slice %arg5[%dma_start3A_412, %multiple_of3A_400] : memref<32x1000001xf32, #tpu.memory_space<hbm>> -> memref<32x128xf32, #tpu.memory_space<hbm>>
    tpu.enqueue_dma source(%dma_start3A_413 : memref<32x128xf32, #tpu.memory_space<hbm>>) target(%dma_start3A_411 : memref<32x128xf32, #tpu.memory_space<vmem>>) target_semaphore(%arg18 : memref<!tpu.dma_semaphore, #tpu.memory_space<semaphore_mem>>)
    %slice3A_414 = vector.extract_strided_slice %get3A_3 {offsets = [5], sizes = [1], strides = [1]} : vector<16xi32> to vector<1xi32>
    %squeeze3A_415 = vector.extract %slice3A_414[0] : i32 from vector<1xi32>
    %slice3A_416 = vector.extract_strided_slice %get3A_5 {offsets = [5], sizes = [1], strides = [1]} : vector<16xi32> to vector<1xi32>
    %squeeze3A_417 = vector.extract %slice3A_416[0] : i32 from vector<1xi32>
    %jit3A_418 = arith.constant 128 : i32
    %div3A_419 = arith.divsi %squeeze3A_415, %jit3A_418 : i32
    %sign3A_420 = arith.constant 0 : i32
    %sign3A_421 = arith.cmpi sgt, %squeeze3A_415, %sign3A_420 : i32
    %sign3A_422 = arith.extui %sign3A_421 : i1 to i32
    %sign3A_423 = arith.constant 0 : i32
    %sign3A_424 = arith.cmpi slt, %squeeze3A_415, %sign3A_423 : i32
    %sign3A_425 = arith.extui %sign3A_424 : i1 to i32
    %sign3A_426 = arith.subi %sign3A_422, %sign3A_425 : i32
    %sign3A_427 = arith.constant 0 : i32
    %sign3A_428 = arith.cmpi sgt, %jit3A_418, %sign3A_427 : i32
    %sign3A_429 = arith.extui %sign3A_428 : i1 to i32
    %sign3A_430 = arith.constant 0 : i32
    %sign3A_431 = arith.cmpi slt, %jit3A_418, %sign3A_430 : i32
    %sign3A_432 = arith.extui %sign3A_431 : i1 to i32
    %sign3A_433 = arith.subi %sign3A_429, %sign3A_432 : i32
    %ne3A_434 = arith.cmpi ne, %sign3A_426, %sign3A_433 : i32
    %rem3A_435 = arith.remsi %squeeze3A_415, %jit3A_418 : i32
    %ne3A_436 = arith.constant 0 : i32
    %ne3A_437 = arith.cmpi ne, %rem3A_435, %ne3A_436 : i32
    %and3A_438 = arith.andi %ne3A_434, %ne3A_437 : i1
    %sub3A_439 = arith.constant 1 : i32
    %sub3A_440 = arith.subi %div3A_419, %sub3A_439 : i32
    %select_n3A_441 = arith.select %and3A_438, %sub3A_440, %div3A_419 : i32
    %mul3A_442 = arith.constant 128 : i32
    %mul3A_443 = arith.muli %select_n3A_441, %mul3A_442 : i32
    %multiple_of3A_444 = tpu.assume_multiple %mul3A_443, 128 : i32
    %dma_start3A_445 = arith.constant 5 : i32
    %dma_start3A_446 = arith.constant 0 : i32
    %dma_start3A_447 = arith.constant 0 : i32
    %dma_start3A_448 = tpu.memref_slice %arg10[%dma_start3A_445, %dma_start3A_446, %dma_start3A_447] : memref<8x32x128xf32, #tpu.memory_space<vmem>> -> memref<1x32x128xf32, #tpu.memory_space<vmem>>
    %dma_start3A_449 = tpu.memref_squeeze %dma_start3A_448 : memref<1x32x128xf32, #tpu.memory_space<vmem>> -> memref<32x128xf32, #tpu.memory_space<vmem>>
    %dma_start3A_450 = arith.constant 0 : i32
    %dma_start3A_451 = tpu.memref_slice %arg4[%dma_start3A_450, %multiple_of3A_444] : memref<32x1000001xf32, #tpu.memory_space<hbm>> -> memref<32x128xf32, #tpu.memory_space<hbm>>
    %dma_start3A_452 = arith.constant 0 : i32
    %dma_start3A_453 = arith.constant 0 : i32
    %dma_start3A_454 = tpu.memref_slice %arg10[%dma_start3A_445, %dma_start3A_452, %dma_start3A_453] : memref<8x32x128xf32, #tpu.memory_space<vmem>> -> memref<1x32x128xf32, #tpu.memory_space<vmem>>
    %dma_start3A_455 = tpu.memref_squeeze %dma_start3A_454 : memref<1x32x128xf32, #tpu.memory_space<vmem>> -> memref<32x128xf32, #tpu.memory_space<vmem>>
    %dma_start3A_456 = arith.constant 0 : i32
    %dma_start3A_457 = tpu.memref_slice %arg4[%dma_start3A_456, %multiple_of3A_444] : memref<32x1000001xf32, #tpu.memory_space<hbm>> -> memref<32x128xf32, #tpu.memory_space<hbm>>
    tpu.enqueue_dma source(%dma_start3A_457 : memref<32x128xf32, #tpu.memory_space<hbm>>) target(%dma_start3A_455 : memref<32x128xf32, #tpu.memory_space<vmem>>) target_semaphore(%arg19 : memref<!tpu.dma_semaphore, #tpu.memory_space<semaphore_mem>>)
    %jit3A_458 = arith.constant 128 : i32
    %div3A_459 = arith.divsi %squeeze3A_417, %jit3A_458 : i32
    %sign3A_460 = arith.constant 0 : i32
    %sign3A_461 = arith.cmpi sgt, %squeeze3A_417, %sign3A_460 : i32
    %sign3A_462 = arith.extui %sign3A_461 : i1 to i32
    %sign3A_463 = arith.constant 0 : i32
    %sign3A_464 = arith.cmpi slt, %squeeze3A_417, %sign3A_463 : i32
    %sign3A_465 = arith.extui %sign3A_464 : i1 to i32
    %sign3A_466 = arith.subi %sign3A_462, %sign3A_465 : i32
    %sign3A_467 = arith.constant 0 : i32
    %sign3A_468 = arith.cmpi sgt, %jit3A_458, %sign3A_467 : i32
    %sign3A_469 = arith.extui %sign3A_468 : i1 to i32
    %sign3A_470 = arith.constant 0 : i32
    %sign3A_471 = arith.cmpi slt, %jit3A_458, %sign3A_470 : i32
    %sign3A_472 = arith.extui %sign3A_471 : i1 to i32
    %sign3A_473 = arith.subi %sign3A_469, %sign3A_472 : i32
    %ne3A_474 = arith.cmpi ne, %sign3A_466, %sign3A_473 : i32
    %rem3A_475 = arith.remsi %squeeze3A_417, %jit3A_458 : i32
    %ne3A_476 = arith.constant 0 : i32
    %ne3A_477 = arith.cmpi ne, %rem3A_475, %ne3A_476 : i32
    %and3A_478 = arith.andi %ne3A_474, %ne3A_477 : i1
    %sub3A_479 = arith.constant 1 : i32
    %sub3A_480 = arith.subi %div3A_459, %sub3A_479 : i32
    %select_n3A_481 = arith.select %and3A_478, %sub3A_480, %div3A_459 : i32
    %mul3A_482 = arith.constant 128 : i32
    %mul3A_483 = arith.muli %select_n3A_481, %mul3A_482 : i32
    %multiple_of3A_484 = tpu.assume_multiple %mul3A_483, 128 : i32
    %dma_start3A_485 = arith.constant 5 : i32
    %dma_start3A_486 = arith.constant 0 : i32
    %dma_start3A_487 = arith.constant 0 : i32
    %dma_start3A_488 = tpu.memref_slice %arg11[%dma_start3A_485, %dma_start3A_486, %dma_start3A_487] : memref<8x32x128xf32, #tpu.memory_space<vmem>> -> memref<1x32x128xf32, #tpu.memory_space<vmem>>
    %dma_start3A_489 = tpu.memref_squeeze %dma_start3A_488 : memref<1x32x128xf32, #tpu.memory_space<vmem>> -> memref<32x128xf32, #tpu.memory_space<vmem>>
    %dma_start3A_490 = arith.constant 0 : i32
    %dma_start3A_491 = tpu.memref_slice %arg5[%dma_start3A_490, %multiple_of3A_484] : memref<32x1000001xf32, #tpu.memory_space<hbm>> -> memref<32x128xf32, #tpu.memory_space<hbm>>
    %dma_start3A_492 = arith.constant 0 : i32
    %dma_start3A_493 = arith.constant 0 : i32
    %dma_start3A_494 = tpu.memref_slice %arg11[%dma_start3A_485, %dma_start3A_492, %dma_start3A_493] : memref<8x32x128xf32, #tpu.memory_space<vmem>> -> memref<1x32x128xf32, #tpu.memory_space<vmem>>
    %dma_start3A_495 = tpu.memref_squeeze %dma_start3A_494 : memref<1x32x128xf32, #tpu.memory_space<vmem>> -> memref<32x128xf32, #tpu.memory_space<vmem>>
    %dma_start3A_496 = arith.constant 0 : i32
    %dma_start3A_497 = tpu.memref_slice %arg5[%dma_start3A_496, %multiple_of3A_484] : memref<32x1000001xf32, #tpu.memory_space<hbm>> -> memref<32x128xf32, #tpu.memory_space<hbm>>
    tpu.enqueue_dma source(%dma_start3A_497 : memref<32x128xf32, #tpu.memory_space<hbm>>) target(%dma_start3A_495 : memref<32x128xf32, #tpu.memory_space<vmem>>) target_semaphore(%arg19 : memref<!tpu.dma_semaphore, #tpu.memory_space<semaphore_mem>>)
    %slice3A_498 = vector.extract_strided_slice %get3A_3 {offsets = [6], sizes = [1], strides = [1]} : vector<16xi32> to vector<1xi32>
    %squeeze3A_499 = vector.extract %slice3A_498[0] : i32 from vector<1xi32>
    %slice3A_500 = vector.extract_strided_slice %get3A_5 {offsets = [6], sizes = [1], strides = [1]} : vector<16xi32> to vector<1xi32>
    %squeeze3A_501 = vector.extract %slice3A_500[0] : i32 from vector<1xi32>
    %jit3A_502 = arith.constant 128 : i32
    %div3A_503 = arith.divsi %squeeze3A_499, %jit3A_502 : i32
    %sign3A_504 = arith.constant 0 : i32
    %sign3A_505 = arith.cmpi sgt, %squeeze3A_499, %sign3A_504 : i32
    %sign3A_506 = arith.extui %sign3A_505 : i1 to i32
    %sign3A_507 = arith.constant 0 : i32
    %sign3A_508 = arith.cmpi slt, %squeeze3A_499, %sign3A_507 : i32
    %sign3A_509 = arith.extui %sign3A_508 : i1 to i32
    %sign3A_510 = arith.subi %sign3A_506, %sign3A_509 : i32
    %sign3A_511 = arith.constant 0 : i32
    %sign3A_512 = arith.cmpi sgt, %jit3A_502, %sign3A_511 : i32
    %sign3A_513 = arith.extui %sign3A_512 : i1 to i32
    %sign3A_514 = arith.constant 0 : i32
    %sign3A_515 = arith.cmpi slt, %jit3A_502, %sign3A_514 : i32
    %sign3A_516 = arith.extui %sign3A_515 : i1 to i32
    %sign3A_517 = arith.subi %sign3A_513, %sign3A_516 : i32
    %ne3A_518 = arith.cmpi ne, %sign3A_510, %sign3A_517 : i32
    %rem3A_519 = arith.remsi %squeeze3A_499, %jit3A_502 : i32
    %ne3A_520 = arith.constant 0 : i32
    %ne3A_521 = arith.cmpi ne, %rem3A_519, %ne3A_520 : i32
    %and3A_522 = arith.andi %ne3A_518, %ne3A_521 : i1
    %sub3A_523 = arith.constant 1 : i32
    %sub3A_524 = arith.subi %div3A_503, %sub3A_523 : i32
    %select_n3A_525 = arith.select %and3A_522, %sub3A_524, %div3A_503 : i32
    %mul3A_526 = arith.constant 128 : i32
    %mul3A_527 = arith.muli %select_n3A_525, %mul3A_526 : i32
    %multiple_of3A_528 = tpu.assume_multiple %mul3A_527, 128 : i32
    %dma_start3A_529 = arith.constant 6 : i32
    %dma_start3A_530 = arith.constant 0 : i32
    %dma_start3A_531 = arith.constant 0 : i32
    %dma_start3A_532 = tpu.memref_slice %arg10[%dma_start3A_529, %dma_start3A_530, %dma_start3A_531] : memref<8x32x128xf32, #tpu.memory_space<vmem>> -> memref<1x32x128xf32, #tpu.memory_space<vmem>>
    %dma_start3A_533 = tpu.memref_squeeze %dma_start3A_532 : memref<1x32x128xf32, #tpu.memory_space<vmem>> -> memref<32x128xf32, #tpu.memory_space<vmem>>
    %dma_start3A_534 = arith.constant 0 : i32
    %dma_start3A_535 = tpu.memref_slice %arg4[%dma_start3A_534, %multiple_of3A_528] : memref<32x1000001xf32, #tpu.memory_space<hbm>> -> memref<32x128xf32, #tpu.memory_space<hbm>>
    %dma_start3A_536 = arith.constant 0 : i32
    %dma_start3A_537 = arith.constant 0 : i32
    %dma_start3A_538 = tpu.memref_slice %arg10[%dma_start3A_529, %dma_start3A_536, %dma_start3A_537] : memref<8x32x128xf32, #tpu.memory_space<vmem>> -> memref<1x32x128xf32, #tpu.memory_space<vmem>>
    %dma_start3A_539 = tpu.memref_squeeze %dma_start3A_538 : memref<1x32x128xf32, #tpu.memory_space<vmem>> -> memref<32x128xf32, #tpu.memory_space<vmem>>
    %dma_start3A_540 = arith.constant 0 : i32
    %dma_start3A_541 = tpu.memref_slice %arg4[%dma_start3A_540, %multiple_of3A_528] : memref<32x1000001xf32, #tpu.memory_space<hbm>> -> memref<32x128xf32, #tpu.memory_space<hbm>>
    tpu.enqueue_dma source(%dma_start3A_541 : memref<32x128xf32, #tpu.memory_space<hbm>>) target(%dma_start3A_539 : memref<32x128xf32, #tpu.memory_space<vmem>>) target_semaphore(%arg20 : memref<!tpu.dma_semaphore, #tpu.memory_space<semaphore_mem>>)
    %jit3A_542 = arith.constant 128 : i32
    %div3A_543 = arith.divsi %squeeze3A_501, %jit3A_542 : i32
    %sign3A_544 = arith.constant 0 : i32
    %sign3A_545 = arith.cmpi sgt, %squeeze3A_501, %sign3A_544 : i32
    %sign3A_546 = arith.extui %sign3A_545 : i1 to i32
    %sign3A_547 = arith.constant 0 : i32
    %sign3A_548 = arith.cmpi slt, %squeeze3A_501, %sign3A_547 : i32
    %sign3A_549 = arith.extui %sign3A_548 : i1 to i32
    %sign3A_550 = arith.subi %sign3A_546, %sign3A_549 : i32
    %sign3A_551 = arith.constant 0 : i32
    %sign3A_552 = arith.cmpi sgt, %jit3A_542, %sign3A_551 : i32
    %sign3A_553 = arith.extui %sign3A_552 : i1 to i32
    %sign3A_554 = arith.constant 0 : i32
    %sign3A_555 = arith.cmpi slt, %jit3A_542, %sign3A_554 : i32
    %sign3A_556 = arith.extui %sign3A_555 : i1 to i32
    %sign3A_557 = arith.subi %sign3A_553, %sign3A_556 : i32
    %ne3A_558 = arith.cmpi ne, %sign3A_550, %sign3A_557 : i32
    %rem3A_559 = arith.remsi %squeeze3A_501, %jit3A_542 : i32
    %ne3A_560 = arith.constant 0 : i32
    %ne3A_561 = arith.cmpi ne, %rem3A_559, %ne3A_560 : i32
    %and3A_562 = arith.andi %ne3A_558, %ne3A_561 : i1
    %sub3A_563 = arith.constant 1 : i32
    %sub3A_564 = arith.subi %div3A_543, %sub3A_563 : i32
    %select_n3A_565 = arith.select %and3A_562, %sub3A_564, %div3A_543 : i32
    %mul3A_566 = arith.constant 128 : i32
    %mul3A_567 = arith.muli %select_n3A_565, %mul3A_566 : i32
    %multiple_of3A_568 = tpu.assume_multiple %mul3A_567, 128 : i32
    %dma_start3A_569 = arith.constant 6 : i32
    %dma_start3A_570 = arith.constant 0 : i32
    %dma_start3A_571 = arith.constant 0 : i32
    %dma_start3A_572 = tpu.memref_slice %arg11[%dma_start3A_569, %dma_start3A_570, %dma_start3A_571] : memref<8x32x128xf32, #tpu.memory_space<vmem>> -> memref<1x32x128xf32, #tpu.memory_space<vmem>>
    %dma_start3A_573 = tpu.memref_squeeze %dma_start3A_572 : memref<1x32x128xf32, #tpu.memory_space<vmem>> -> memref<32x128xf32, #tpu.memory_space<vmem>>
    %dma_start3A_574 = arith.constant 0 : i32
    %dma_start3A_575 = tpu.memref_slice %arg5[%dma_start3A_574, %multiple_of3A_568] : memref<32x1000001xf32, #tpu.memory_space<hbm>> -> memref<32x128xf32, #tpu.memory_space<hbm>>
    %dma_start3A_576 = arith.constant 0 : i32
    %dma_start3A_577 = arith.constant 0 : i32
    %dma_start3A_578 = tpu.memref_slice %arg11[%dma_start3A_569, %dma_start3A_576, %dma_start3A_577] : memref<8x32x128xf32, #tpu.memory_space<vmem>> -> memref<1x32x128xf32, #tpu.memory_space<vmem>>
    %dma_start3A_579 = tpu.memref_squeeze %dma_start3A_578 : memref<1x32x128xf32, #tpu.memory_space<vmem>> -> memref<32x128xf32, #tpu.memory_space<vmem>>
    %dma_start3A_580 = arith.constant 0 : i32
    %dma_start3A_581 = tpu.memref_slice %arg5[%dma_start3A_580, %multiple_of3A_568] : memref<32x1000001xf32, #tpu.memory_space<hbm>> -> memref<32x128xf32, #tpu.memory_space<hbm>>
    tpu.enqueue_dma source(%dma_start3A_581 : memref<32x128xf32, #tpu.memory_space<hbm>>) target(%dma_start3A_579 : memref<32x128xf32, #tpu.memory_space<vmem>>) target_semaphore(%arg20 : memref<!tpu.dma_semaphore, #tpu.memory_space<semaphore_mem>>)
    %slice3A_582 = vector.extract_strided_slice %get3A_3 {offsets = [7], sizes = [1], strides = [1]} : vector<16xi32> to vector<1xi32>
    %squeeze3A_583 = vector.extract %slice3A_582[0] : i32 from vector<1xi32>
    %slice3A_584 = vector.extract_strided_slice %get3A_5 {offsets = [7], sizes = [1], strides = [1]} : vector<16xi32> to vector<1xi32>
    %squeeze3A_585 = vector.extract %slice3A_584[0] : i32 from vector<1xi32>
    %jit3A_586 = arith.constant 128 : i32
    %div3A_587 = arith.divsi %squeeze3A_583, %jit3A_586 : i32
    %sign3A_588 = arith.constant 0 : i32
    %sign3A_589 = arith.cmpi sgt, %squeeze3A_583, %sign3A_588 : i32
    %sign3A_590 = arith.extui %sign3A_589 : i1 to i32
    %sign3A_591 = arith.constant 0 : i32
    %sign3A_592 = arith.cmpi slt, %squeeze3A_583, %sign3A_591 : i32
    %sign3A_593 = arith.extui %sign3A_592 : i1 to i32
    %sign3A_594 = arith.subi %sign3A_590, %sign3A_593 : i32
    %sign3A_595 = arith.constant 0 : i32
    %sign3A_596 = arith.cmpi sgt, %jit3A_586, %sign3A_595 : i32
    %sign3A_597 = arith.extui %sign3A_596 : i1 to i32
    %sign3A_598 = arith.constant 0 : i32
    %sign3A_599 = arith.cmpi slt, %jit3A_586, %sign3A_598 : i32
    %sign3A_600 = arith.extui %sign3A_599 : i1 to i32
    %sign3A_601 = arith.subi %sign3A_597, %sign3A_600 : i32
    %ne3A_602 = arith.cmpi ne, %sign3A_594, %sign3A_601 : i32
    %rem3A_603 = arith.remsi %squeeze3A_583, %jit3A_586 : i32
    %ne3A_604 = arith.constant 0 : i32
    %ne3A_605 = arith.cmpi ne, %rem3A_603, %ne3A_604 : i32
    %and3A_606 = arith.andi %ne3A_602, %ne3A_605 : i1
    %sub3A_607 = arith.constant 1 : i32
    %sub3A_608 = arith.subi %div3A_587, %sub3A_607 : i32
    %select_n3A_609 = arith.select %and3A_606, %sub3A_608, %div3A_587 : i32
    %mul3A_610 = arith.constant 128 : i32
    %mul3A_611 = arith.muli %select_n3A_609, %mul3A_610 : i32
    %multiple_of3A_612 = tpu.assume_multiple %mul3A_611, 128 : i32
    %dma_start3A_613 = arith.constant 7 : i32
    %dma_start3A_614 = arith.constant 0 : i32
    %dma_start3A_615 = arith.constant 0 : i32
    %dma_start3A_616 = tpu.memref_slice %arg10[%dma_start3A_613, %dma_start3A_614, %dma_start3A_615] : memref<8x32x128xf32, #tpu.memory_space<vmem>> -> memref<1x32x128xf32, #tpu.memory_space<vmem>>
    %dma_start3A_617 = tpu.memref_squeeze %dma_start3A_616 : memref<1x32x128xf32, #tpu.memory_space<vmem>> -> memref<32x128xf32, #tpu.memory_space<vmem>>
    %dma_start3A_618 = arith.constant 0 : i32
    %dma_start3A_619 = tpu.memref_slice %arg4[%dma_start3A_618, %multiple_of3A_612] : memref<32x1000001xf32, #tpu.memory_space<hbm>> -> memref<32x128xf32, #tpu.memory_space<hbm>>
    %dma_start3A_620 = arith.constant 0 : i32
    %dma_start3A_621 = arith.constant 0 : i32
    %dma_start3A_622 = tpu.memref_slice %arg10[%dma_start3A_613, %dma_start3A_620, %dma_start3A_621] : memref<8x32x128xf32, #tpu.memory_space<vmem>> -> memref<1x32x128xf32, #tpu.memory_space<vmem>>
    %dma_start3A_623 = tpu.memref_squeeze %dma_start3A_622 : memref<1x32x128xf32, #tpu.memory_space<vmem>> -> memref<32x128xf32, #tpu.memory_space<vmem>>
    %dma_start3A_624 = arith.constant 0 : i32
    %dma_start3A_625 = tpu.memref_slice %arg4[%dma_start3A_624, %multiple_of3A_612] : memref<32x1000001xf32, #tpu.memory_space<hbm>> -> memref<32x128xf32, #tpu.memory_space<hbm>>
    tpu.enqueue_dma source(%dma_start3A_625 : memref<32x128xf32, #tpu.memory_space<hbm>>) target(%dma_start3A_623 : memref<32x128xf32, #tpu.memory_space<vmem>>) target_semaphore(%arg21 : memref<!tpu.dma_semaphore, #tpu.memory_space<semaphore_mem>>)
    %jit3A_626 = arith.constant 128 : i32
    %div3A_627 = arith.divsi %squeeze3A_585, %jit3A_626 : i32
    %sign3A_628 = arith.constant 0 : i32
    %sign3A_629 = arith.cmpi sgt, %squeeze3A_585, %sign3A_628 : i32
    %sign3A_630 = arith.extui %sign3A_629 : i1 to i32
    %sign3A_631 = arith.constant 0 : i32
    %sign3A_632 = arith.cmpi slt, %squeeze3A_585, %sign3A_631 : i32
    %sign3A_633 = arith.extui %sign3A_632 : i1 to i32
    %sign3A_634 = arith.subi %sign3A_630, %sign3A_633 : i32
    %sign3A_635 = arith.constant 0 : i32
    %sign3A_636 = arith.cmpi sgt, %jit3A_626, %sign3A_635 : i32
    %sign3A_637 = arith.extui %sign3A_636 : i1 to i32
    %sign3A_638 = arith.constant 0 : i32
    %sign3A_639 = arith.cmpi slt, %jit3A_626, %sign3A_638 : i32
    %sign3A_640 = arith.extui %sign3A_639 : i1 to i32
    %sign3A_641 = arith.subi %sign3A_637, %sign3A_640 : i32
    %ne3A_642 = arith.cmpi ne, %sign3A_634, %sign3A_641 : i32
    %rem3A_643 = arith.remsi %squeeze3A_585, %jit3A_626 : i32
    %ne3A_644 = arith.constant 0 : i32
    %ne3A_645 = arith.cmpi ne, %rem3A_643, %ne3A_644 : i32
    %and3A_646 = arith.andi %ne3A_642, %ne3A_645 : i1
    %sub3A_647 = arith.constant 1 : i32
    %sub3A_648 = arith.subi %div3A_627, %sub3A_647 : i32
    %select_n3A_649 = arith.select %and3A_646, %sub3A_648, %div3A_627 : i32
    %mul3A_650 = arith.constant 128 : i32
    %mul3A_651 = arith.muli %select_n3A_649, %mul3A_650 : i32
    %multiple_of3A_652 = tpu.assume_multiple %mul3A_651, 128 : i32
    %dma_start3A_653 = arith.constant 7 : i32
    %dma_start3A_654 = arith.constant 0 : i32
    %dma_start3A_655 = arith.constant 0 : i32
    %dma_start3A_656 = tpu.memref_slice %arg11[%dma_start3A_653, %dma_start3A_654, %dma_start3A_655] : memref<8x32x128xf32, #tpu.memory_space<vmem>> -> memref<1x32x128xf32, #tpu.memory_space<vmem>>
    %dma_start3A_657 = tpu.memref_squeeze %dma_start3A_656 : memref<1x32x128xf32, #tpu.memory_space<vmem>> -> memref<32x128xf32, #tpu.memory_space<vmem>>
    %dma_start3A_658 = arith.constant 0 : i32
    %dma_start3A_659 = tpu.memref_slice %arg5[%dma_start3A_658, %multiple_of3A_652] : memref<32x1000001xf32, #tpu.memory_space<hbm>> -> memref<32x128xf32, #tpu.memory_space<hbm>>
    %dma_start3A_660 = arith.constant 0 : i32
    %dma_start3A_661 = arith.constant 0 : i32
    %dma_start3A_662 = tpu.memref_slice %arg11[%dma_start3A_653, %dma_start3A_660, %dma_start3A_661] : memref<8x32x128xf32, #tpu.memory_space<vmem>> -> memref<1x32x128xf32, #tpu.memory_space<vmem>>
    %dma_start3A_663 = tpu.memref_squeeze %dma_start3A_662 : memref<1x32x128xf32, #tpu.memory_space<vmem>> -> memref<32x128xf32, #tpu.memory_space<vmem>>
    %dma_start3A_664 = arith.constant 0 : i32
    %dma_start3A_665 = tpu.memref_slice %arg5[%dma_start3A_664, %multiple_of3A_652] : memref<32x1000001xf32, #tpu.memory_space<hbm>> -> memref<32x128xf32, #tpu.memory_space<hbm>>
    tpu.enqueue_dma source(%dma_start3A_665 : memref<32x128xf32, #tpu.memory_space<hbm>>) target(%dma_start3A_663 : memref<32x128xf32, #tpu.memory_space<vmem>>) target_semaphore(%arg21 : memref<!tpu.dma_semaphore, #tpu.memory_space<semaphore_mem>>)
    %scan3A = arith.constant 0 : i32
    %scan3A_666 = arith.constant 0 : i32
    %scan3A_667 = arith.constant 32 : i32
    %scan3A_668 = arith.addi %scan3A_666, %scan3A_667 : i32
    %scan3A_669 = arith.constant 1 : i32
    scf.for %scan3A_671 = %scan3A_666 to %scan3A_668 step %scan3A_669  : i32 {
      %mul3A_672 = arith.constant 16 : i32
      %mul3A_673 = arith.muli %scan3A_671, %mul3A_672 : i32
      %multiple_of3A_674 = tpu.assume_multiple %mul3A_673, 16 : i32
      %get3A_675 = arith.index_cast %multiple_of3A_674 : i32 to index
      %get3A_676 = tpu.vector_load %arg8[%get3A_675] {strides = array<i32>} : memref<528xi32, #tpu.memory_space<vmem>>, vector<16xi32>,
      %get3A_677 = arith.index_cast %multiple_of3A_674 : i32 to index
      %get3A_678 = tpu.vector_load %arg9[%get3A_677] {strides = array<i32>} : memref<528xi32, #tpu.memory_space<vmem>>, vector<16xi32>,
      %mul3A_679 = arith.constant 16 : i32
      %mul3A_680 = arith.muli %scan3A_671, %mul3A_679 : i32
      %add3A_681 = arith.constant 16 : i32
      %add3A_682 = arith.addi %mul3A_680, %add3A_681 : i32
      %multiple_of3A_683 = tpu.assume_multiple %add3A_682, 16 : i32
      %get3A_684 = arith.index_cast %multiple_of3A_683 : i32 to index
      %get3A_685 = tpu.vector_load %arg8[%get3A_684] {strides = array<i32>} : memref<528xi32, #tpu.memory_space<vmem>>, vector<16xi32>,
      %get3A_686 = arith.index_cast %multiple_of3A_683 : i32 to index
      %get3A_687 = tpu.vector_load %arg9[%get3A_686] {strides = array<i32>} : memref<528xi32, #tpu.memory_space<vmem>>, vector<16xi32>,
      %mul3A_688 = arith.constant 16 : i32
      %mul3A_689 = arith.muli %scan3A_671, %mul3A_688 : i32
      %add3A_690 = arith.constant 0 : i32
      %add3A_691 = arith.addi %mul3A_689, %add3A_690 : i32
      %dma_wait3A = arith.constant 0 : i32
      %dma_wait3A_692 = arith.constant 0 : i32
      %dma_wait3A_693 = arith.constant 0 : i32
      %dma_wait3A_694 = tpu.memref_slice %arg10[%dma_wait3A, %dma_wait3A_692, %dma_wait3A_693] : memref<8x32x128xf32, #tpu.memory_space<vmem>> -> memref<1x32x128xf32, #tpu.memory_space<vmem>>
      %dma_wait3A_695 = tpu.memref_squeeze %dma_wait3A_694 : memref<1x32x128xf32, #tpu.memory_space<vmem>> -> memref<32x128xf32, #tpu.memory_space<vmem>>
      %dma_wait3A_696 = arith.constant 0 : i32
      %dma_wait3A_697 = arith.constant 0 : i32
      %dma_wait3A_698 = tpu.memref_slice %arg4[%dma_wait3A_696, %dma_wait3A_697] : memref<32x1000001xf32, #tpu.memory_space<hbm>> -> memref<32x128xf32, #tpu.memory_space<hbm>>
      %dma_wait3A_699 = arith.constant 0 : i32
      %dma_wait3A_700 = arith.constant 0 : i32
      %dma_wait3A_701 = tpu.memref_slice %arg10[%dma_wait3A, %dma_wait3A_699, %dma_wait3A_700] : memref<8x32x128xf32, #tpu.memory_space<vmem>> -> memref<1x32x128xf32, #tpu.memory_space<vmem>>
      %dma_wait3A_702 = tpu.memref_squeeze %dma_wait3A_701 : memref<1x32x128xf32, #tpu.memory_space<vmem>> -> memref<32x128xf32, #tpu.memory_space<vmem>>
      %dma_wait3A_703 = arith.constant 0 : i32
      %dma_wait3A_704 = arith.constant 0 : i32
      %dma_wait3A_705 = tpu.memref_slice %arg4[%dma_wait3A_703, %dma_wait3A_704] : memref<32x1000001xf32, #tpu.memory_space<hbm>> -> memref<32x128xf32, #tpu.memory_space<hbm>>
      tpu.wait_dma2 semaphore(%arg14 : memref<!tpu.dma_semaphore, #tpu.memory_space<semaphore_mem>>) src(%dma_wait3A_705 : memref<32x128xf32, #tpu.memory_space<hbm>>) dst(%dma_wait3A_702 : memref<32x128xf32, #tpu.memory_space<vmem>>)
      %dma_wait3A_706 = arith.constant 0 : i32
      %dma_wait3A_707 = arith.constant 0 : i32
      %dma_wait3A_708 = arith.constant 0 : i32
      %dma_wait3A_709 = tpu.memref_slice %arg11[%dma_wait3A_706, %dma_wait3A_707, %dma_wait3A_708] : memref<8x32x128xf32, #tpu.memory_space<vmem>> -> memref<1x32x128xf32, #tpu.memory_space<vmem>>
      %dma_wait3A_710 = tpu.memref_squeeze %dma_wait3A_709 : memref<1x32x128xf32, #tpu.memory_space<vmem>> -> memref<32x128xf32, #tpu.memory_space<vmem>>
      %dma_wait3A_711 = arith.constant 0 : i32
      %dma_wait3A_712 = arith.constant 0 : i32
      %dma_wait3A_713 = tpu.memref_slice %arg5[%dma_wait3A_711, %dma_wait3A_712] : memref<32x1000001xf32, #tpu.memory_space<hbm>> -> memref<32x128xf32, #tpu.memory_space<hbm>>
      %dma_wait3A_714 = arith.constant 0 : i32
      %dma_wait3A_715 = arith.constant 0 : i32
      %dma_wait3A_716 = tpu.memref_slice %arg11[%dma_wait3A_706, %dma_wait3A_714, %dma_wait3A_715] : memref<8x32x128xf32, #tpu.memory_space<vmem>> -> memref<1x32x128xf32, #tpu.memory_space<vmem>>
      %dma_wait3A_717 = tpu.memref_squeeze %dma_wait3A_716 : memref<1x32x128xf32, #tpu.memory_space<vmem>> -> memref<32x128xf32, #tpu.memory_space<vmem>>
      %dma_wait3A_718 = arith.constant 0 : i32
      %dma_wait3A_719 = arith.constant 0 : i32
      %dma_wait3A_720 = tpu.memref_slice %arg5[%dma_wait3A_718, %dma_wait3A_719] : memref<32x1000001xf32, #tpu.memory_space<hbm>> -> memref<32x128xf32, #tpu.memory_space<hbm>>
      tpu.wait_dma2 semaphore(%arg14 : memref<!tpu.dma_semaphore, #tpu.memory_space<semaphore_mem>>) src(%dma_wait3A_720 : memref<32x128xf32, #tpu.memory_space<hbm>>) dst(%dma_wait3A_717 : memref<32x128xf32, #tpu.memory_space<vmem>>)
      %slice3A_721 = vector.extract_strided_slice %get3A_676 {offsets = [0], sizes = [1], strides = [1]} : vector<16xi32> to vector<1xi32>
      %squeeze3A_722 = vector.extract %slice3A_721[0] : i32 from vector<1xi32>
      %jit3A_723 = arith.constant 128 : i32
      %eq3A = arith.constant 0 : i32
      %eq3A_724 = arith.cmpi eq, %jit3A_723, %eq3A : i32
      %jit3A_725 = arith.constant 1 : i32
      %select_n3A_726 = arith.select %eq3A_724, %jit3A_725, %jit3A_723 : i32
      %rem3A_727 = arith.remsi %squeeze3A_722, %select_n3A_726 : i32
      %ne3A_728 = arith.constant 0 : i32
      %ne3A_729 = arith.cmpi ne, %rem3A_727, %ne3A_728 : i32
      %lt3A = arith.constant 0 : i32
      %lt3A_730 = arith.cmpi slt, %rem3A_727, %lt3A : i32
      %lt3A_731 = arith.constant 0 : i32
      %lt3A_732 = arith.cmpi slt, %select_n3A_726, %lt3A_731 : i32
      %ne3A_733 = arith.xori %lt3A_730, %lt3A_732 : i1
      %and3A_734 = arith.andi %ne3A_733, %ne3A_729 : i1
      %add3A_735 = arith.addi %rem3A_727, %select_n3A_726 : i32
      %select_n3A_736 = arith.select %and3A_734, %add3A_735, %rem3A_727 : i32
      %broadcast_in_dim3A = vector.broadcast %select_n3A_736 : i32 to vector<16xi32>
      %broadcast_in_dim3A_737 = vector.broadcast %add3A_691 : i32 to vector<16xi32>
      %add3A_738 = arith.constant 0 : i32
      %add3A_739 = vector.broadcast %add3A_738 : i32 to vector<16xi32>
      %add3A_740 = arith.addi %iota3A, %add3A_739 : vector<16xi32>
      %gather3A = arith.constant 0 : i32
      %gather3A_741 = arith.constant 0 : i32
      %gather3A_742 = arith.constant 0 : i32
      %gather3A_743 = tpu.memref_slice %arg10[%gather3A, %gather3A_741, %gather3A_742] : memref<8x32x128xf32, #tpu.memory_space<vmem>> -> memref<1x32x128xf32, #tpu.memory_space<vmem>>
      %gather3A_744 = tpu.memref_squeeze %gather3A_743 : memref<1x32x128xf32, #tpu.memory_space<vmem>> -> memref<32x128xf32, #tpu.memory_space<vmem>>
      %gather3A_745 = tpu.vector_load_idx %gather3A_744[%add3A_740, %broadcast_in_dim3A] : memref<32x128xf32, #tpu.memory_space<vmem>>[vector<16xi32>, vector<16xi32>], vector<16xf32>,
      tpu.vector_store_idx %arg12[%add3A_740, %broadcast_in_dim3A_737], %gather3A_745 : memref<32x512xf32, #tpu.memory_space<vmem>>[vector<16xi32>, vector<16xi32>], vector<16xf32>,
      %add3A_746 = arith.constant 16 : i32
      %add3A_747 = vector.broadcast %add3A_746 : i32 to vector<16xi32>
      %add3A_748 = arith.addi %iota3A, %add3A_747 : vector<16xi32>
      %gather3A_749 = arith.constant 0 : i32
      %gather3A_750 = arith.constant 0 : i32
      %gather3A_751 = arith.constant 0 : i32
      %gather3A_752 = tpu.memref_slice %arg10[%gather3A_749, %gather3A_750, %gather3A_751] : memref<8x32x128xf32, #tpu.memory_space<vmem>> -> memref<1x32x128xf32, #tpu.memory_space<vmem>>
      %gather3A_753 = tpu.memref_squeeze %gather3A_752 : memref<1x32x128xf32, #tpu.memory_space<vmem>> -> memref<32x128xf32, #tpu.memory_space<vmem>>
      %gather3A_754 = tpu.vector_load_idx %gather3A_753[%add3A_748, %broadcast_in_dim3A] : memref<32x128xf32, #tpu.memory_space<vmem>>[vector<16xi32>, vector<16xi32>], vector<16xf32>,
      tpu.vector_store_idx %arg12[%add3A_748, %broadcast_in_dim3A_737], %gather3A_754 : memref<32x512xf32, #tpu.memory_space<vmem>>[vector<16xi32>, vector<16xi32>], vector<16xf32>,
      %slice3A_755 = vector.extract_strided_slice %get3A_678 {offsets = [0], sizes = [1], strides = [1]} : vector<16xi32> to vector<1xi32>
      %squeeze3A_756 = vector.extract %slice3A_755[0] : i32 from vector<1xi32>
      %jit3A_757 = arith.constant 128 : i32
      %eq3A_758 = arith.constant 0 : i32
      %eq3A_759 = arith.cmpi eq, %jit3A_757, %eq3A_758 : i32
      %jit3A_760 = arith.constant 1 : i32
      %select_n3A_761 = arith.select %eq3A_759, %jit3A_760, %jit3A_757 : i32
      %rem3A_762 = arith.remsi %squeeze3A_756, %select_n3A_761 : i32
      %ne3A_763 = arith.constant 0 : i32
      %ne3A_764 = arith.cmpi ne, %rem3A_762, %ne3A_763 : i32
      %lt3A_765 = arith.constant 0 : i32
      %lt3A_766 = arith.cmpi slt, %rem3A_762, %lt3A_765 : i32
      %lt3A_767 = arith.constant 0 : i32
      %lt3A_768 = arith.cmpi slt, %select_n3A_761, %lt3A_767 : i32
      %ne3A_769 = arith.xori %lt3A_766, %lt3A_768 : i1
      %and3A_770 = arith.andi %ne3A_769, %ne3A_764 : i1
      %add3A_771 = arith.addi %rem3A_762, %select_n3A_761 : i32
      %select_n3A_772 = arith.select %and3A_770, %add3A_771, %rem3A_762 : i32
      %broadcast_in_dim3A_773 = vector.broadcast %select_n3A_772 : i32 to vector<16xi32>
      %broadcast_in_dim3A_774 = vector.broadcast %add3A_691 : i32 to vector<16xi32>
      %add3A_775 = arith.constant 0 : i32
      %add3A_776 = vector.broadcast %add3A_775 : i32 to vector<16xi32>
      %add3A_777 = arith.addi %iota3A, %add3A_776 : vector<16xi32>
      %gather3A_778 = arith.constant 0 : i32
      %gather3A_779 = arith.constant 0 : i32
      %gather3A_780 = arith.constant 0 : i32
      %gather3A_781 = tpu.memref_slice %arg11[%gather3A_778, %gather3A_779, %gather3A_780] : memref<8x32x128xf32, #tpu.memory_space<vmem>> -> memref<1x32x128xf32, #tpu.memory_space<vmem>>
      %gather3A_782 = tpu.memref_squeeze %gather3A_781 : memref<1x32x128xf32, #tpu.memory_space<vmem>> -> memref<32x128xf32, #tpu.memory_space<vmem>>
      %gather3A_783 = tpu.vector_load_idx %gather3A_782[%add3A_777, %broadcast_in_dim3A_773] : memref<32x128xf32, #tpu.memory_space<vmem>>[vector<16xi32>, vector<16xi32>], vector<16xf32>,
      tpu.vector_store_idx %arg13[%add3A_777, %broadcast_in_dim3A_774], %gather3A_783 : memref<32x512xf32, #tpu.memory_space<vmem>>[vector<16xi32>, vector<16xi32>], vector<16xf32>,
      %add3A_784 = arith.constant 16 : i32
      %add3A_785 = vector.broadcast %add3A_784 : i32 to vector<16xi32>
      %add3A_786 = arith.addi %iota3A, %add3A_785 : vector<16xi32>
      %gather3A_787 = arith.constant 0 : i32
      %gather3A_788 = arith.constant 0 : i32
      %gather3A_789 = arith.constant 0 : i32
      %gather3A_790 = tpu.memref_slice %arg11[%gather3A_787, %gather3A_788, %gather3A_789] : memref<8x32x128xf32, #tpu.memory_space<vmem>> -> memref<1x32x128xf32, #tpu.memory_space<vmem>>
      %gather3A_791 = tpu.memref_squeeze %gather3A_790 : memref<1x32x128xf32, #tpu.memory_space<vmem>> -> memref<32x128xf32, #tpu.memory_space<vmem>>
      %gather3A_792 = tpu.vector_load_idx %gather3A_791[%add3A_786, %broadcast_in_dim3A_773] : memref<32x128xf32, #tpu.memory_space<vmem>>[vector<16xi32>, vector<16xi32>], vector<16xf32>,
      tpu.vector_store_idx %arg13[%add3A_786, %broadcast_in_dim3A_774], %gather3A_792 : memref<32x512xf32, #tpu.memory_space<vmem>>[vector<16xi32>, vector<16xi32>], vector<16xf32>,
      %slice3A_793 = vector.extract_strided_slice %get3A_676 {offsets = [8], sizes = [1], strides = [1]} : vector<16xi32> to vector<1xi32>
      %squeeze3A_794 = vector.extract %slice3A_793[0] : i32 from vector<1xi32>
      %slice3A_795 = vector.extract_strided_slice %get3A_678 {offsets = [8], sizes = [1], strides = [1]} : vector<16xi32> to vector<1xi32>
      %squeeze3A_796 = vector.extract %slice3A_795[0] : i32 from vector<1xi32>
      %jit3A_797 = arith.constant 128 : i32
      %div3A_798 = arith.divsi %squeeze3A_794, %jit3A_797 : i32
      %sign3A_799 = arith.constant 0 : i32
      %sign3A_800 = arith.cmpi sgt, %squeeze3A_794, %sign3A_799 : i32
      %sign3A_801 = arith.extui %sign3A_800 : i1 to i32
      %sign3A_802 = arith.constant 0 : i32
      %sign3A_803 = arith.cmpi slt, %squeeze3A_794, %sign3A_802 : i32
      %sign3A_804 = arith.extui %sign3A_803 : i1 to i32
      %sign3A_805 = arith.subi %sign3A_801, %sign3A_804 : i32
      %sign3A_806 = arith.constant 0 : i32
      %sign3A_807 = arith.cmpi sgt, %jit3A_797, %sign3A_806 : i32
      %sign3A_808 = arith.extui %sign3A_807 : i1 to i32
      %sign3A_809 = arith.constant 0 : i32
      %sign3A_810 = arith.cmpi slt, %jit3A_797, %sign3A_809 : i32
      %sign3A_811 = arith.extui %sign3A_810 : i1 to i32
      %sign3A_812 = arith.subi %sign3A_808, %sign3A_811 : i32
      %ne3A_813 = arith.cmpi ne, %sign3A_805, %sign3A_812 : i32
      %rem3A_814 = arith.remsi %squeeze3A_794, %jit3A_797 : i32
      %ne3A_815 = arith.constant 0 : i32
      %ne3A_816 = arith.cmpi ne, %rem3A_814, %ne3A_815 : i32
      %and3A_817 = arith.andi %ne3A_813, %ne3A_816 : i1
      %sub3A_818 = arith.constant 1 : i32
      %sub3A_819 = arith.subi %div3A_798, %sub3A_818 : i32
      %select_n3A_820 = arith.select %and3A_817, %sub3A_819, %div3A_798 : i32
      %mul3A_821 = arith.constant 128 : i32
      %mul3A_822 = arith.muli %select_n3A_820, %mul3A_821 : i32
      %multiple_of3A_823 = tpu.assume_multiple %mul3A_822, 128 : i32
      %dma_start3A_824 = arith.constant 0 : i32
      %dma_start3A_825 = arith.constant 0 : i32
      %dma_start3A_826 = arith.constant 0 : i32
      %dma_start3A_827 = tpu.memref_slice %arg10[%dma_start3A_824, %dma_start3A_825, %dma_start3A_826] : memref<8x32x128xf32, #tpu.memory_space<vmem>> -> memref<1x32x128xf32, #tpu.memory_space<vmem>>
      %dma_start3A_828 = tpu.memref_squeeze %dma_start3A_827 : memref<1x32x128xf32, #tpu.memory_space<vmem>> -> memref<32x128xf32, #tpu.memory_space<vmem>>
      %dma_start3A_829 = arith.constant 0 : i32
      %dma_start3A_830 = tpu.memref_slice %arg4[%dma_start3A_829, %multiple_of3A_823] : memref<32x1000001xf32, #tpu.memory_space<hbm>> -> memref<32x128xf32, #tpu.memory_space<hbm>>
      %dma_start3A_831 = arith.constant 0 : i32
      %dma_start3A_832 = arith.constant 0 : i32
      %dma_start3A_833 = tpu.memref_slice %arg10[%dma_start3A_824, %dma_start3A_831, %dma_start3A_832] : memref<8x32x128xf32, #tpu.memory_space<vmem>> -> memref<1x32x128xf32, #tpu.memory_space<vmem>>
      %dma_start3A_834 = tpu.memref_squeeze %dma_start3A_833 : memref<1x32x128xf32, #tpu.memory_space<vmem>> -> memref<32x128xf32, #tpu.memory_space<vmem>>
      %dma_start3A_835 = arith.constant 0 : i32
      %dma_start3A_836 = tpu.memref_slice %arg4[%dma_start3A_835, %multiple_of3A_823] : memref<32x1000001xf32, #tpu.memory_space<hbm>> -> memref<32x128xf32, #tpu.memory_space<hbm>>
      tpu.enqueue_dma source(%dma_start3A_836 : memref<32x128xf32, #tpu.memory_space<hbm>>) target(%dma_start3A_834 : memref<32x128xf32, #tpu.memory_space<vmem>>) target_semaphore(%arg14 : memref<!tpu.dma_semaphore, #tpu.memory_space<semaphore_mem>>)
      %jit3A_837 = arith.constant 128 : i32
      %div3A_838 = arith.divsi %squeeze3A_796, %jit3A_837 : i32
      %sign3A_839 = arith.constant 0 : i32
      %sign3A_840 = arith.cmpi sgt, %squeeze3A_796, %sign3A_839 : i32
      %sign3A_841 = arith.extui %sign3A_840 : i1 to i32
      %sign3A_842 = arith.constant 0 : i32
      %sign3A_843 = arith.cmpi slt, %squeeze3A_796, %sign3A_842 : i32
      %sign3A_844 = arith.extui %sign3A_843 : i1 to i32
      %sign3A_845 = arith.subi %sign3A_841, %sign3A_844 : i32
      %sign3A_846 = arith.constant 0 : i32
      %sign3A_847 = arith.cmpi sgt, %jit3A_837, %sign3A_846 : i32
      %sign3A_848 = arith.extui %sign3A_847 : i1 to i32
      %sign3A_849 = arith.constant 0 : i32
      %sign3A_850 = arith.cmpi slt, %jit3A_837, %sign3A_849 : i32
      %sign3A_851 = arith.extui %sign3A_850 : i1 to i32
      %sign3A_852 = arith.subi %sign3A_848, %sign3A_851 : i32
      %ne3A_853 = arith.cmpi ne, %sign3A_845, %sign3A_852 : i32
      %rem3A_854 = arith.remsi %squeeze3A_796, %jit3A_837 : i32
      %ne3A_855 = arith.constant 0 : i32
      %ne3A_856 = arith.cmpi ne, %rem3A_854, %ne3A_855 : i32
      %and3A_857 = arith.andi %ne3A_853, %ne3A_856 : i1
      %sub3A_858 = arith.constant 1 : i32
      %sub3A_859 = arith.subi %div3A_838, %sub3A_858 : i32
      %select_n3A_860 = arith.select %and3A_857, %sub3A_859, %div3A_838 : i32
      %mul3A_861 = arith.constant 128 : i32
      %mul3A_862 = arith.muli %select_n3A_860, %mul3A_861 : i32
      %multiple_of3A_863 = tpu.assume_multiple %mul3A_862, 128 : i32
      %dma_start3A_864 = arith.constant 0 : i32
      %dma_start3A_865 = arith.constant 0 : i32
      %dma_start3A_866 = arith.constant 0 : i32
      %dma_start3A_867 = tpu.memref_slice %arg11[%dma_start3A_864, %dma_start3A_865, %dma_start3A_866] : memref<8x32x128xf32, #tpu.memory_space<vmem>> -> memref<1x32x128xf32, #tpu.memory_space<vmem>>
      %dma_start3A_868 = tpu.memref_squeeze %dma_start3A_867 : memref<1x32x128xf32, #tpu.memory_space<vmem>> -> memref<32x128xf32, #tpu.memory_space<vmem>>
      %dma_start3A_869 = arith.constant 0 : i32
      %dma_start3A_870 = tpu.memref_slice %arg5[%dma_start3A_869, %multiple_of3A_863] : memref<32x1000001xf32, #tpu.memory_space<hbm>> -> memref<32x128xf32, #tpu.memory_space<hbm>>
      %dma_start3A_871 = arith.constant 0 : i32
      %dma_start3A_872 = arith.constant 0 : i32
      %dma_start3A_873 = tpu.memref_slice %arg11[%dma_start3A_864, %dma_start3A_871, %dma_start3A_872] : memref<8x32x128xf32, #tpu.memory_space<vmem>> -> memref<1x32x128xf32, #tpu.memory_space<vmem>>
      %dma_start3A_874 = tpu.memref_squeeze %dma_start3A_873 : memref<1x32x128xf32, #tpu.memory_space<vmem>> -> memref<32x128xf32, #tpu.memory_space<vmem>>
      %dma_start3A_875 = arith.constant 0 : i32
      %dma_start3A_876 = tpu.memref_slice %arg5[%dma_start3A_875, %multiple_of3A_863] : memref<32x1000001xf32, #tpu.memory_space<hbm>> -> memref<32x128xf32, #tpu.memory_space<hbm>>
      tpu.enqueue_dma source(%dma_start3A_876 : memref<32x128xf32, #tpu.memory_space<hbm>>) target(%dma_start3A_874 : memref<32x128xf32, #tpu.memory_space<vmem>>) target_semaphore(%arg14 : memref<!tpu.dma_semaphore, #tpu.memory_space<semaphore_mem>>)
      %mul3A_877 = arith.constant 16 : i32
      %mul3A_878 = arith.muli %scan3A_671, %mul3A_877 : i32
      %add3A_879 = arith.constant 1 : i32
      %add3A_880 = arith.addi %mul3A_878, %add3A_879 : i32
      %dma_wait3A_881 = arith.constant 1 : i32
      %dma_wait3A_882 = arith.constant 0 : i32
      %dma_wait3A_883 = arith.constant 0 : i32
      %dma_wait3A_884 = tpu.memref_slice %arg10[%dma_wait3A_881, %dma_wait3A_882, %dma_wait3A_883] : memref<8x32x128xf32, #tpu.memory_space<vmem>> -> memref<1x32x128xf32, #tpu.memory_space<vmem>>
      %dma_wait3A_885 = tpu.memref_squeeze %dma_wait3A_884 : memref<1x32x128xf32, #tpu.memory_space<vmem>> -> memref<32x128xf32, #tpu.memory_space<vmem>>
      %dma_wait3A_886 = arith.constant 0 : i32
      %dma_wait3A_887 = arith.constant 0 : i32
      %dma_wait3A_888 = tpu.memref_slice %arg4[%dma_wait3A_886, %dma_wait3A_887] : memref<32x1000001xf32, #tpu.memory_space<hbm>> -> memref<32x128xf32, #tpu.memory_space<hbm>>
      %dma_wait3A_889 = arith.constant 0 : i32
      %dma_wait3A_890 = arith.constant 0 : i32
      %dma_wait3A_891 = tpu.memref_slice %arg10[%dma_wait3A_881, %dma_wait3A_889, %dma_wait3A_890] : memref<8x32x128xf32, #tpu.memory_space<vmem>> -> memref<1x32x128xf32, #tpu.memory_space<vmem>>
      %dma_wait3A_892 = tpu.memref_squeeze %dma_wait3A_891 : memref<1x32x128xf32, #tpu.memory_space<vmem>> -> memref<32x128xf32, #tpu.memory_space<vmem>>
      %dma_wait3A_893 = arith.constant 0 : i32
      %dma_wait3A_894 = arith.constant 0 : i32
      %dma_wait3A_895 = tpu.memref_slice %arg4[%dma_wait3A_893, %dma_wait3A_894] : memref<32x1000001xf32, #tpu.memory_space<hbm>> -> memref<32x128xf32, #tpu.memory_space<hbm>>
      tpu.wait_dma2 semaphore(%arg15 : memref<!tpu.dma_semaphore, #tpu.memory_space<semaphore_mem>>) src(%dma_wait3A_895 : memref<32x128xf32, #tpu.memory_space<hbm>>) dst(%dma_wait3A_892 : memref<32x128xf32, #tpu.memory_space<vmem>>)
      %dma_wait3A_896 = arith.constant 1 : i32
      %dma_wait3A_897 = arith.constant 0 : i32
      %dma_wait3A_898 = arith.constant 0 : i32
      %dma_wait3A_899 = tpu.memref_slice %arg11[%dma_wait3A_896, %dma_wait3A_897, %dma_wait3A_898] : memref<8x32x128xf32, #tpu.memory_space<vmem>> -> memref<1x32x128xf32, #tpu.memory_space<vmem>>
      %dma_wait3A_900 = tpu.memref_squeeze %dma_wait3A_899 : memref<1x32x128xf32, #tpu.memory_space<vmem>> -> memref<32x128xf32, #tpu.memory_space<vmem>>
      %dma_wait3A_901 = arith.constant 0 : i32
      %dma_wait3A_902 = arith.constant 0 : i32
      %dma_wait3A_903 = tpu.memref_slice %arg5[%dma_wait3A_901, %dma_wait3A_902] : memref<32x1000001xf32, #tpu.memory_space<hbm>> -> memref<32x128xf32, #tpu.memory_space<hbm>>
      %dma_wait3A_904 = arith.constant 0 : i32
      %dma_wait3A_905 = arith.constant 0 : i32
      %dma_wait3A_906 = tpu.memref_slice %arg11[%dma_wait3A_896, %dma_wait3A_904, %dma_wait3A_905] : memref<8x32x128xf32, #tpu.memory_space<vmem>> -> memref<1x32x128xf32, #tpu.memory_space<vmem>>
      %dma_wait3A_907 = tpu.memref_squeeze %dma_wait3A_906 : memref<1x32x128xf32, #tpu.memory_space<vmem>> -> memref<32x128xf32, #tpu.memory_space<vmem>>
      %dma_wait3A_908 = arith.constant 0 : i32
      %dma_wait3A_909 = arith.constant 0 : i32
      %dma_wait3A_910 = tpu.memref_slice %arg5[%dma_wait3A_908, %dma_wait3A_909] : memref<32x1000001xf32, #tpu.memory_space<hbm>> -> memref<32x128xf32, #tpu.memory_space<hbm>>
      tpu.wait_dma2 semaphore(%arg15 : memref<!tpu.dma_semaphore, #tpu.memory_space<semaphore_mem>>) src(%dma_wait3A_910 : memref<32x128xf32, #tpu.memory_space<hbm>>) dst(%dma_wait3A_907 : memref<32x128xf32, #tpu.memory_space<vmem>>)
      %slice3A_911 = vector.extract_strided_slice %get3A_676 {offsets = [1], sizes = [1], strides = [1]} : vector<16xi32> to vector<1xi32>
      %squeeze3A_912 = vector.extract %slice3A_911[0] : i32 from vector<1xi32>
      %jit3A_913 = arith.constant 128 : i32
      %eq3A_914 = arith.constant 0 : i32
      %eq3A_915 = arith.cmpi eq, %jit3A_913, %eq3A_914 : i32
      %jit3A_916 = arith.constant 1 : i32
      %select_n3A_917 = arith.select %eq3A_915, %jit3A_916, %jit3A_913 : i32
      %rem3A_918 = arith.remsi %squeeze3A_912, %select_n3A_917 : i32
      %ne3A_919 = arith.constant 0 : i32
      %ne3A_920 = arith.cmpi ne, %rem3A_918, %ne3A_919 : i32
      %lt3A_921 = arith.constant 0 : i32
      %lt3A_922 = arith.cmpi slt, %rem3A_918, %lt3A_921 : i32
      %lt3A_923 = arith.constant 0 : i32
      %lt3A_924 = arith.cmpi slt, %select_n3A_917, %lt3A_923 : i32
      %ne3A_925 = arith.xori %lt3A_922, %lt3A_924 : i1
      %and3A_926 = arith.andi %ne3A_925, %ne3A_920 : i1
      %add3A_927 = arith.addi %rem3A_918, %select_n3A_917 : i32
      %select_n3A_928 = arith.select %and3A_926, %add3A_927, %rem3A_918 : i32
      %broadcast_in_dim3A_929 = vector.broadcast %select_n3A_928 : i32 to vector<16xi32>
      %broadcast_in_dim3A_930 = vector.broadcast %add3A_880 : i32 to vector<16xi32>
      %add3A_931 = arith.constant 0 : i32
      %add3A_932 = vector.broadcast %add3A_931 : i32 to vector<16xi32>
      %add3A_933 = arith.addi %iota3A, %add3A_932 : vector<16xi32>
      %gather3A_934 = arith.constant 1 : i32
      %gather3A_935 = arith.constant 0 : i32
      %gather3A_936 = arith.constant 0 : i32
      %gather3A_937 = tpu.memref_slice %arg10[%gather3A_934, %gather3A_935, %gather3A_936] : memref<8x32x128xf32, #tpu.memory_space<vmem>> -> memref<1x32x128xf32, #tpu.memory_space<vmem>>
      %gather3A_938 = tpu.memref_squeeze %gather3A_937 : memref<1x32x128xf32, #tpu.memory_space<vmem>> -> memref<32x128xf32, #tpu.memory_space<vmem>>
      %gather3A_939 = tpu.vector_load_idx %gather3A_938[%add3A_933, %broadcast_in_dim3A_929] : memref<32x128xf32, #tpu.memory_space<vmem>>[vector<16xi32>, vector<16xi32>], vector<16xf32>,
      tpu.vector_store_idx %arg12[%add3A_933, %broadcast_in_dim3A_930], %gather3A_939 : memref<32x512xf32, #tpu.memory_space<vmem>>[vector<16xi32>, vector<16xi32>], vector<16xf32>,
      %add3A_940 = arith.constant 16 : i32
      %add3A_941 = vector.broadcast %add3A_940 : i32 to vector<16xi32>
      %add3A_942 = arith.addi %iota3A, %add3A_941 : vector<16xi32>
      %gather3A_943 = arith.constant 1 : i32
      %gather3A_944 = arith.constant 0 : i32
      %gather3A_945 = arith.constant 0 : i32
      %gather3A_946 = tpu.memref_slice %arg10[%gather3A_943, %gather3A_944, %gather3A_945] : memref<8x32x128xf32, #tpu.memory_space<vmem>> -> memref<1x32x128xf32, #tpu.memory_space<vmem>>
      %gather3A_947 = tpu.memref_squeeze %gather3A_946 : memref<1x32x128xf32, #tpu.memory_space<vmem>> -> memref<32x128xf32, #tpu.memory_space<vmem>>
      %gather3A_948 = tpu.vector_load_idx %gather3A_947[%add3A_942, %broadcast_in_dim3A_929] : memref<32x128xf32, #tpu.memory_space<vmem>>[vector<16xi32>, vector<16xi32>], vector<16xf32>,
      tpu.vector_store_idx %arg12[%add3A_942, %broadcast_in_dim3A_930], %gather3A_948 : memref<32x512xf32, #tpu.memory_space<vmem>>[vector<16xi32>, vector<16xi32>], vector<16xf32>,
      %slice3A_949 = vector.extract_strided_slice %get3A_678 {offsets = [1], sizes = [1], strides = [1]} : vector<16xi32> to vector<1xi32>
      %squeeze3A_950 = vector.extract %slice3A_949[0] : i32 from vector<1xi32>
      %jit3A_951 = arith.constant 128 : i32
      %eq3A_952 = arith.constant 0 : i32
      %eq3A_953 = arith.cmpi eq, %jit3A_951, %eq3A_952 : i32
      %jit3A_954 = arith.constant 1 : i32
      %select_n3A_955 = arith.select %eq3A_953, %jit3A_954, %jit3A_951 : i32
      %rem3A_956 = arith.remsi %squeeze3A_950, %select_n3A_955 : i32
      %ne3A_957 = arith.constant 0 : i32
      %ne3A_958 = arith.cmpi ne, %rem3A_956, %ne3A_957 : i32
      %lt3A_959 = arith.constant 0 : i32
      %lt3A_960 = arith.cmpi slt, %rem3A_956, %lt3A_959 : i32
      %lt3A_961 = arith.constant 0 : i32
      %lt3A_962 = arith.cmpi slt, %select_n3A_955, %lt3A_961 : i32
      %ne3A_963 = arith.xori %lt3A_960, %lt3A_962 : i1
      %and3A_964 = arith.andi %ne3A_963, %ne3A_958 : i1
      %add3A_965 = arith.addi %rem3A_956, %select_n3A_955 : i32
      %select_n3A_966 = arith.select %and3A_964, %add3A_965, %rem3A_956 : i32
      %broadcast_in_dim3A_967 = vector.broadcast %select_n3A_966 : i32 to vector<16xi32>
      %broadcast_in_dim3A_968 = vector.broadcast %add3A_880 : i32 to vector<16xi32>
      %add3A_969 = arith.constant 0 : i32
      %add3A_970 = vector.broadcast %add3A_969 : i32 to vector<16xi32>
      %add3A_971 = arith.addi %iota3A, %add3A_970 : vector<16xi32>
      %gather3A_972 = arith.constant 1 : i32
      %gather3A_973 = arith.constant 0 : i32
      %gather3A_974 = arith.constant 0 : i32
      %gather3A_975 = tpu.memref_slice %arg11[%gather3A_972, %gather3A_973, %gather3A_974] : memref<8x32x128xf32, #tpu.memory_space<vmem>> -> memref<1x32x128xf32, #tpu.memory_space<vmem>>
      %gather3A_976 = tpu.memref_squeeze %gather3A_975 : memref<1x32x128xf32, #tpu.memory_space<vmem>> -> memref<32x128xf32, #tpu.memory_space<vmem>>
      %gather3A_977 = tpu.vector_load_idx %gather3A_976[%add3A_971, %broadcast_in_dim3A_967] : memref<32x128xf32, #tpu.memory_space<vmem>>[vector<16xi32>, vector<16xi32>], vector<16xf32>,
      tpu.vector_store_idx %arg13[%add3A_971, %broadcast_in_dim3A_968], %gather3A_977 : memref<32x512xf32, #tpu.memory_space<vmem>>[vector<16xi32>, vector<16xi32>], vector<16xf32>,
      %add3A_978 = arith.constant 16 : i32
      %add3A_979 = vector.broadcast %add3A_978 : i32 to vector<16xi32>
      %add3A_980 = arith.addi %iota3A, %add3A_979 : vector<16xi32>
      %gather3A_981 = arith.constant 1 : i32
      %gather3A_982 = arith.constant 0 : i32
      %gather3A_983 = arith.constant 0 : i32
      %gather3A_984 = tpu.memref_slice %arg11[%gather3A_981, %gather3A_982, %gather3A_983] : memref<8x32x128xf32, #tpu.memory_space<vmem>> -> memref<1x32x128xf32, #tpu.memory_space<vmem>>
      %gather3A_985 = tpu.memref_squeeze %gather3A_984 : memref<1x32x128xf32, #tpu.memory_space<vmem>> -> memref<32x128xf32, #tpu.memory_space<vmem>>
      %gather3A_986 = tpu.vector_load_idx %gather3A_985[%add3A_980, %broadcast_in_dim3A_967] : memref<32x128xf32, #tpu.memory_space<vmem>>[vector<16xi32>, vector<16xi32>], vector<16xf32>,
      tpu.vector_store_idx %arg13[%add3A_980, %broadcast_in_dim3A_968], %gather3A_986 : memref<32x512xf32, #tpu.memory_space<vmem>>[vector<16xi32>, vector<16xi32>], vector<16xf32>,
      %slice3A_987 = vector.extract_strided_slice %get3A_676 {offsets = [9], sizes = [1], strides = [1]} : vector<16xi32> to vector<1xi32>
      %squeeze3A_988 = vector.extract %slice3A_987[0] : i32 from vector<1xi32>
      %slice3A_989 = vector.extract_strided_slice %get3A_678 {offsets = [9], sizes = [1], strides = [1]} : vector<16xi32> to vector<1xi32>
      %squeeze3A_990 = vector.extract %slice3A_989[0] : i32 from vector<1xi32>
      %jit3A_991 = arith.constant 128 : i32
      %div3A_992 = arith.divsi %squeeze3A_988, %jit3A_991 : i32
      %sign3A_993 = arith.constant 0 : i32
      %sign3A_994 = arith.cmpi sgt, %squeeze3A_988, %sign3A_993 : i32
      %sign3A_995 = arith.extui %sign3A_994 : i1 to i32
      %sign3A_996 = arith.constant 0 : i32
      %sign3A_997 = arith.cmpi slt, %squeeze3A_988, %sign3A_996 : i32
      %sign3A_998 = arith.extui %sign3A_997 : i1 to i32
      %sign3A_999 = arith.subi %sign3A_995, %sign3A_998 : i32
      %sign3A_1000 = arith.constant 0 : i32
      %sign3A_1001 = arith.cmpi sgt, %jit3A_991, %sign3A_1000 : i32
      %sign3A_1002 = arith.extui %sign3A_1001 : i1 to i32
      %sign3A_1003 = arith.constant 0 : i32
      %sign3A_1004 = arith.cmpi slt, %jit3A_991, %sign3A_1003 : i32
      %sign3A_1005 = arith.extui %sign3A_1004 : i1 to i32
      %sign3A_1006 = arith.subi %sign3A_1002, %sign3A_1005 : i32
      %ne3A_1007 = arith.cmpi ne, %sign3A_999, %sign3A_1006 : i32
      %rem3A_1008 = arith.remsi %squeeze3A_988, %jit3A_991 : i32
      %ne3A_1009 = arith.constant 0 : i32
      %ne3A_1010 = arith.cmpi ne, %rem3A_1008, %ne3A_1009 : i32
      %and3A_1011 = arith.andi %ne3A_1007, %ne3A_1010 : i1
      %sub3A_1012 = arith.constant 1 : i32
      %sub3A_1013 = arith.subi %div3A_992, %sub3A_1012 : i32
      %select_n3A_1014 = arith.select %and3A_1011, %sub3A_1013, %div3A_992 : i32
      %mul3A_1015 = arith.constant 128 : i32
      %mul3A_1016 = arith.muli %select_n3A_1014, %mul3A_1015 : i32
      %multiple_of3A_1017 = tpu.assume_multiple %mul3A_1016, 128 : i32
      %dma_start3A_1018 = arith.constant 1 : i32
      %dma_start3A_1019 = arith.constant 0 : i32
      %dma_start3A_1020 = arith.constant 0 : i32
      %dma_start3A_1021 = tpu.memref_slice %arg10[%dma_start3A_1018, %dma_start3A_1019, %dma_start3A_1020] : memref<8x32x128xf32, #tpu.memory_space<vmem>> -> memref<1x32x128xf32, #tpu.memory_space<vmem>>
      %dma_start3A_1022 = tpu.memref_squeeze %dma_start3A_1021 : memref<1x32x128xf32, #tpu.memory_space<vmem>> -> memref<32x128xf32, #tpu.memory_space<vmem>>
      %dma_start3A_1023 = arith.constant 0 : i32
      %dma_start3A_1024 = tpu.memref_slice %arg4[%dma_start3A_1023, %multiple_of3A_1017] : memref<32x1000001xf32, #tpu.memory_space<hbm>> -> memref<32x128xf32, #tpu.memory_space<hbm>>
      %dma_start3A_1025 = arith.constant 0 : i32
      %dma_start3A_1026 = arith.constant 0 : i32
      %dma_start3A_1027 = tpu.memref_slice %arg10[%dma_start3A_1018, %dma_start3A_1025, %dma_start3A_1026] : memref<8x32x128xf32, #tpu.memory_space<vmem>> -> memref<1x32x128xf32, #tpu.memory_space<vmem>>
      %dma_start3A_1028 = tpu.memref_squeeze %dma_start3A_1027 : memref<1x32x128xf32, #tpu.memory_space<vmem>> -> memref<32x128xf32, #tpu.memory_space<vmem>>
      %dma_start3A_1029 = arith.constant 0 : i32
      %dma_start3A_1030 = tpu.memref_slice %arg4[%dma_start3A_1029, %multiple_of3A_1017] : memref<32x1000001xf32, #tpu.memory_space<hbm>> -> memref<32x128xf32, #tpu.memory_space<hbm>>
      tpu.enqueue_dma source(%dma_start3A_1030 : memref<32x128xf32, #tpu.memory_space<hbm>>) target(%dma_start3A_1028 : memref<32x128xf32, #tpu.memory_space<vmem>>) target_semaphore(%arg15 : memref<!tpu.dma_semaphore, #tpu.memory_space<semaphore_mem>>)
      %jit3A_1031 = arith.constant 128 : i32
      %div3A_1032 = arith.divsi %squeeze3A_990, %jit3A_1031 : i32
      %sign3A_1033 = arith.constant 0 : i32
      %sign3A_1034 = arith.cmpi sgt, %squeeze3A_990, %sign3A_1033 : i32
      %sign3A_1035 = arith.extui %sign3A_1034 : i1 to i32
      %sign3A_1036 = arith.constant 0 : i32
      %sign3A_1037 = arith.cmpi slt, %squeeze3A_990, %sign3A_1036 : i32
      %sign3A_1038 = arith.extui %sign3A_1037 : i1 to i32
      %sign3A_1039 = arith.subi %sign3A_1035, %sign3A_1038 : i32
      %sign3A_1040 = arith.constant 0 : i32
      %sign3A_1041 = arith.cmpi sgt, %jit3A_1031, %sign3A_1040 : i32
      %sign3A_1042 = arith.extui %sign3A_1041 : i1 to i32
      %sign3A_1043 = arith.constant 0 : i32
      %sign3A_1044 = arith.cmpi slt, %jit3A_1031, %sign3A_1043 : i32
      %sign3A_1045 = arith.extui %sign3A_1044 : i1 to i32
      %sign3A_1046 = arith.subi %sign3A_1042, %sign3A_1045 : i32
      %ne3A_1047 = arith.cmpi ne, %sign3A_1039, %sign3A_1046 : i32
      %rem3A_1048 = arith.remsi %squeeze3A_990, %jit3A_1031 : i32
      %ne3A_1049 = arith.constant 0 : i32
      %ne3A_1050 = arith.cmpi ne, %rem3A_1048, %ne3A_1049 : i32
      %and3A_1051 = arith.andi %ne3A_1047, %ne3A_1050 : i1
      %sub3A_1052 = arith.constant 1 : i32
      %sub3A_1053 = arith.subi %div3A_1032, %sub3A_1052 : i32
      %select_n3A_1054 = arith.select %and3A_1051, %sub3A_1053, %div3A_1032 : i32
      %mul3A_1055 = arith.constant 128 : i32
      %mul3A_1056 = arith.muli %select_n3A_1054, %mul3A_1055 : i32
      %multiple_of3A_1057 = tpu.assume_multiple %mul3A_1056, 128 : i32
      %dma_start3A_1058 = arith.constant 1 : i32
      %dma_start3A_1059 = arith.constant 0 : i32
      %dma_start3A_1060 = arith.constant 0 : i32
      %dma_start3A_1061 = tpu.memref_slice %arg11[%dma_start3A_1058, %dma_start3A_1059, %dma_start3A_1060] : memref<8x32x128xf32, #tpu.memory_space<vmem>> -> memref<1x32x128xf32, #tpu.memory_space<vmem>>
      %dma_start3A_1062 = tpu.memref_squeeze %dma_start3A_1061 : memref<1x32x128xf32, #tpu.memory_space<vmem>> -> memref<32x128xf32, #tpu.memory_space<vmem>>
      %dma_start3A_1063 = arith.constant 0 : i32
      %dma_start3A_1064 = tpu.memref_slice %arg5[%dma_start3A_1063, %multiple_of3A_1057] : memref<32x1000001xf32, #tpu.memory_space<hbm>> -> memref<32x128xf32, #tpu.memory_space<hbm>>
      %dma_start3A_1065 = arith.constant 0 : i32
      %dma_start3A_1066 = arith.constant 0 : i32
      %dma_start3A_1067 = tpu.memref_slice %arg11[%dma_start3A_1058, %dma_start3A_1065, %dma_start3A_1066] : memref<8x32x128xf32, #tpu.memory_space<vmem>> -> memref<1x32x128xf32, #tpu.memory_space<vmem>>
      %dma_start3A_1068 = tpu.memref_squeeze %dma_start3A_1067 : memref<1x32x128xf32, #tpu.memory_space<vmem>> -> memref<32x128xf32, #tpu.memory_space<vmem>>
      %dma_start3A_1069 = arith.constant 0 : i32
      %dma_start3A_1070 = tpu.memref_slice %arg5[%dma_start3A_1069, %multiple_of3A_1057] : memref<32x1000001xf32, #tpu.memory_space<hbm>> -> memref<32x128xf32, #tpu.memory_space<hbm>>
      tpu.enqueue_dma source(%dma_start3A_1070 : memref<32x128xf32, #tpu.memory_space<hbm>>) target(%dma_start3A_1068 : memref<32x128xf32, #tpu.memory_space<vmem>>) target_semaphore(%arg15 : memref<!tpu.dma_semaphore, #tpu.memory_space<semaphore_mem>>)
      %mul3A_1071 = arith.constant 16 : i32
      %mul3A_1072 = arith.muli %scan3A_671, %mul3A_1071 : i32
      %add3A_1073 = arith.constant 2 : i32
      %add3A_1074 = arith.addi %mul3A_1072, %add3A_1073 : i32
      %dma_wait3A_1075 = arith.constant 2 : i32
      %dma_wait3A_1076 = arith.constant 0 : i32
      %dma_wait3A_1077 = arith.constant 0 : i32
      %dma_wait3A_1078 = tpu.memref_slice %arg10[%dma_wait3A_1075, %dma_wait3A_1076, %dma_wait3A_1077] : memref<8x32x128xf32, #tpu.memory_space<vmem>> -> memref<1x32x128xf32, #tpu.memory_space<vmem>>
      %dma_wait3A_1079 = tpu.memref_squeeze %dma_wait3A_1078 : memref<1x32x128xf32, #tpu.memory_space<vmem>> -> memref<32x128xf32, #tpu.memory_space<vmem>>
      %dma_wait3A_1080 = arith.constant 0 : i32
      %dma_wait3A_1081 = arith.constant 0 : i32
      %dma_wait3A_1082 = tpu.memref_slice %arg4[%dma_wait3A_1080, %dma_wait3A_1081] : memref<32x1000001xf32, #tpu.memory_space<hbm>> -> memref<32x128xf32, #tpu.memory_space<hbm>>
      %dma_wait3A_1083 = arith.constant 0 : i32
      %dma_wait3A_1084 = arith.constant 0 : i32
      %dma_wait3A_1085 = tpu.memref_slice %arg10[%dma_wait3A_1075, %dma_wait3A_1083, %dma_wait3A_1084] : memref<8x32x128xf32, #tpu.memory_space<vmem>> -> memref<1x32x128xf32, #tpu.memory_space<vmem>>
      %dma_wait3A_1086 = tpu.memref_squeeze %dma_wait3A_1085 : memref<1x32x128xf32, #tpu.memory_space<vmem>> -> memref<32x128xf32, #tpu.memory_space<vmem>>
      %dma_wait3A_1087 = arith.constant 0 : i32
      %dma_wait3A_1088 = arith.constant 0 : i32
      %dma_wait3A_1089 = tpu.memref_slice %arg4[%dma_wait3A_1087, %dma_wait3A_1088] : memref<32x1000001xf32, #tpu.memory_space<hbm>> -> memref<32x128xf32, #tpu.memory_space<hbm>>
      tpu.wait_dma2 semaphore(%arg16 : memref<!tpu.dma_semaphore, #tpu.memory_space<semaphore_mem>>) src(%dma_wait3A_1089 : memref<32x128xf32, #tpu.memory_space<hbm>>) dst(%dma_wait3A_1086 : memref<32x128xf32, #tpu.memory_space<vmem>>)
      %dma_wait3A_1090 = arith.constant 2 : i32
      %dma_wait3A_1091 = arith.constant 0 : i32
      %dma_wait3A_1092 = arith.constant 0 : i32
      %dma_wait3A_1093 = tpu.memref_slice %arg11[%dma_wait3A_1090, %dma_wait3A_1091, %dma_wait3A_1092] : memref<8x32x128xf32, #tpu.memory_space<vmem>> -> memref<1x32x128xf32, #tpu.memory_space<vmem>>
      %dma_wait3A_1094 = tpu.memref_squeeze %dma_wait3A_1093 : memref<1x32x128xf32, #tpu.memory_space<vmem>> -> memref<32x128xf32, #tpu.memory_space<vmem>>
      %dma_wait3A_1095 = arith.constant 0 : i32
      %dma_wait3A_1096 = arith.constant 0 : i32
      %dma_wait3A_1097 = tpu.memref_slice %arg5[%dma_wait3A_1095, %dma_wait3A_1096] : memref<32x1000001xf32, #tpu.memory_space<hbm>> -> memref<32x128xf32, #tpu.memory_space<hbm>>
      %dma_wait3A_1098 = arith.constant 0 : i32
      %dma_wait3A_1099 = arith.constant 0 : i32
      %dma_wait3A_1100 = tpu.memref_slice %arg11[%dma_wait3A_1090, %dma_wait3A_1098, %dma_wait3A_1099] : memref<8x32x128xf32, #tpu.memory_space<vmem>> -> memref<1x32x128xf32, #tpu.memory_space<vmem>>
      %dma_wait3A_1101 = tpu.memref_squeeze %dma_wait3A_1100 : memref<1x32x128xf32, #tpu.memory_space<vmem>> -> memref<32x128xf32, #tpu.memory_space<vmem>>
      %dma_wait3A_1102 = arith.constant 0 : i32
      %dma_wait3A_1103 = arith.constant 0 : i32
      %dma_wait3A_1104 = tpu.memref_slice %arg5[%dma_wait3A_1102, %dma_wait3A_1103] : memref<32x1000001xf32, #tpu.memory_space<hbm>> -> memref<32x128xf32, #tpu.memory_space<hbm>>
      tpu.wait_dma2 semaphore(%arg16 : memref<!tpu.dma_semaphore, #tpu.memory_space<semaphore_mem>>) src(%dma_wait3A_1104 : memref<32x128xf32, #tpu.memory_space<hbm>>) dst(%dma_wait3A_1101 : memref<32x128xf32, #tpu.memory_space<vmem>>)
      %slice3A_1105 = vector.extract_strided_slice %get3A_676 {offsets = [2], sizes = [1], strides = [1]} : vector<16xi32> to vector<1xi32>
      %squeeze3A_1106 = vector.extract %slice3A_1105[0] : i32 from vector<1xi32>
      %jit3A_1107 = arith.constant 128 : i32
      %eq3A_1108 = arith.constant 0 : i32
      %eq3A_1109 = arith.cmpi eq, %jit3A_1107, %eq3A_1108 : i32
      %jit3A_1110 = arith.constant 1 : i32
      %select_n3A_1111 = arith.select %eq3A_1109, %jit3A_1110, %jit3A_1107 : i32
      %rem3A_1112 = arith.remsi %squeeze3A_1106, %select_n3A_1111 : i32
      %ne3A_1113 = arith.constant 0 : i32
      %ne3A_1114 = arith.cmpi ne, %rem3A_1112, %ne3A_1113 : i32
      %lt3A_1115 = arith.constant 0 : i32
      %lt3A_1116 = arith.cmpi slt, %rem3A_1112, %lt3A_1115 : i32
      %lt3A_1117 = arith.constant 0 : i32
      %lt3A_1118 = arith.cmpi slt, %select_n3A_1111, %lt3A_1117 : i32
      %ne3A_1119 = arith.xori %lt3A_1116, %lt3A_1118 : i1
      %and3A_1120 = arith.andi %ne3A_1119, %ne3A_1114 : i1
      %add3A_1121 = arith.addi %rem3A_1112, %select_n3A_1111 : i32
      %select_n3A_1122 = arith.select %and3A_1120, %add3A_1121, %rem3A_1112 : i32
      %broadcast_in_dim3A_1123 = vector.broadcast %select_n3A_1122 : i32 to vector<16xi32>
      %broadcast_in_dim3A_1124 = vector.broadcast %add3A_1074 : i32 to vector<16xi32>
      %add3A_1125 = arith.constant 0 : i32
      %add3A_1126 = vector.broadcast %add3A_1125 : i32 to vector<16xi32>
      %add3A_1127 = arith.addi %iota3A, %add3A_1126 : vector<16xi32>
      %gather3A_1128 = arith.constant 2 : i32
      %gather3A_1129 = arith.constant 0 : i32
      %gather3A_1130 = arith.constant 0 : i32
      %gather3A_1131 = tpu.memref_slice %arg10[%gather3A_1128, %gather3A_1129, %gather3A_1130] : memref<8x32x128xf32, #tpu.memory_space<vmem>> -> memref<1x32x128xf32, #tpu.memory_space<vmem>>
      %gather3A_1132 = tpu.memref_squeeze %gather3A_1131 : memref<1x32x128xf32, #tpu.memory_space<vmem>> -> memref<32x128xf32, #tpu.memory_space<vmem>>
      %gather3A_1133 = tpu.vector_load_idx %gather3A_1132[%add3A_1127, %broadcast_in_dim3A_1123] : memref<32x128xf32, #tpu.memory_space<vmem>>[vector<16xi32>, vector<16xi32>], vector<16xf32>,
      tpu.vector_store_idx %arg12[%add3A_1127, %broadcast_in_dim3A_1124], %gather3A_1133 : memref<32x512xf32, #tpu.memory_space<vmem>>[vector<16xi32>, vector<16xi32>], vector<16xf32>,
      %add3A_1134 = arith.constant 16 : i32
      %add3A_1135 = vector.broadcast %add3A_1134 : i32 to vector<16xi32>
      %add3A_1136 = arith.addi %iota3A, %add3A_1135 : vector<16xi32>
      %gather3A_1137 = arith.constant 2 : i32
      %gather3A_1138 = arith.constant 0 : i32
      %gather3A_1139 = arith.constant 0 : i32
      %gather3A_1140 = tpu.memref_slice %arg10[%gather3A_1137, %gather3A_1138, %gather3A_1139] : memref<8x32x128xf32, #tpu.memory_space<vmem>> -> memref<1x32x128xf32, #tpu.memory_space<vmem>>
      %gather3A_1141 = tpu.memref_squeeze %gather3A_1140 : memref<1x32x128xf32, #tpu.memory_space<vmem>> -> memref<32x128xf32, #tpu.memory_space<vmem>>
      %gather3A_1142 = tpu.vector_load_idx %gather3A_1141[%add3A_1136, %broadcast_in_dim3A_1123] : memref<32x128xf32, #tpu.memory_space<vmem>>[vector<16xi32>, vector<16xi32>], vector<16xf32>,
      tpu.vector_store_idx %arg12[%add3A_1136, %broadcast_in_dim3A_1124], %gather3A_1142 : memref<32x512xf32, #tpu.memory_space<vmem>>[vector<16xi32>, vector<16xi32>], vector<16xf32>,
      %slice3A_1143 = vector.extract_strided_slice %get3A_678 {offsets = [2], sizes = [1], strides = [1]} : vector<16xi32> to vector<1xi32>
      %squeeze3A_1144 = vector.extract %slice3A_1143[0] : i32 from vector<1xi32>
      %jit3A_1145 = arith.constant 128 : i32
      %eq3A_1146 = arith.constant 0 : i32
      %eq3A_1147 = arith.cmpi eq, %jit3A_1145, %eq3A_1146 : i32
      %jit3A_1148 = arith.constant 1 : i32
      %select_n3A_1149 = arith.select %eq3A_1147, %jit3A_1148, %jit3A_1145 : i32
      %rem3A_1150 = arith.remsi %squeeze3A_1144, %select_n3A_1149 : i32
      %ne3A_1151 = arith.constant 0 : i32
      %ne3A_1152 = arith.cmpi ne, %rem3A_1150, %ne3A_1151 : i32
      %lt3A_1153 = arith.constant 0 : i32
      %lt3A_1154 = arith.cmpi slt, %rem3A_1150, %lt3A_1153 : i32
      %lt3A_1155 = arith.constant 0 : i32
      %lt3A_1156 = arith.cmpi slt, %select_n3A_1149, %lt3A_1155 : i32
      %ne3A_1157 = arith.xori %lt3A_1154, %lt3A_1156 : i1
      %and3A_1158 = arith.andi %ne3A_1157, %ne3A_1152 : i1
      %add3A_1159 = arith.addi %rem3A_1150, %select_n3A_1149 : i32
      %select_n3A_1160 = arith.select %and3A_1158, %add3A_1159, %rem3A_1150 : i32
      %broadcast_in_dim3A_1161 = vector.broadcast %select_n3A_1160 : i32 to vector<16xi32>
      %broadcast_in_dim3A_1162 = vector.broadcast %add3A_1074 : i32 to vector<16xi32>
      %add3A_1163 = arith.constant 0 : i32
      %add3A_1164 = vector.broadcast %add3A_1163 : i32 to vector<16xi32>
      %add3A_1165 = arith.addi %iota3A, %add3A_1164 : vector<16xi32>
      %gather3A_1166 = arith.constant 2 : i32
      %gather3A_1167 = arith.constant 0 : i32
      %gather3A_1168 = arith.constant 0 : i32
      %gather3A_1169 = tpu.memref_slice %arg11[%gather3A_1166, %gather3A_1167, %gather3A_1168] : memref<8x32x128xf32, #tpu.memory_space<vmem>> -> memref<1x32x128xf32, #tpu.memory_space<vmem>>
      %gather3A_1170 = tpu.memref_squeeze %gather3A_1169 : memref<1x32x128xf32, #tpu.memory_space<vmem>> -> memref<32x128xf32, #tpu.memory_space<vmem>>
      %gather3A_1171 = tpu.vector_load_idx %gather3A_1170[%add3A_1165, %broadcast_in_dim3A_1161] : memref<32x128xf32, #tpu.memory_space<vmem>>[vector<16xi32>, vector<16xi32>], vector<16xf32>,
      tpu.vector_store_idx %arg13[%add3A_1165, %broadcast_in_dim3A_1162], %gather3A_1171 : memref<32x512xf32, #tpu.memory_space<vmem>>[vector<16xi32>, vector<16xi32>], vector<16xf32>,
      %add3A_1172 = arith.constant 16 : i32
      %add3A_1173 = vector.broadcast %add3A_1172 : i32 to vector<16xi32>
      %add3A_1174 = arith.addi %iota3A, %add3A_1173 : vector<16xi32>
      %gather3A_1175 = arith.constant 2 : i32
      %gather3A_1176 = arith.constant 0 : i32
      %gather3A_1177 = arith.constant 0 : i32
      %gather3A_1178 = tpu.memref_slice %arg11[%gather3A_1175, %gather3A_1176, %gather3A_1177] : memref<8x32x128xf32, #tpu.memory_space<vmem>> -> memref<1x32x128xf32, #tpu.memory_space<vmem>>
      %gather3A_1179 = tpu.memref_squeeze %gather3A_1178 : memref<1x32x128xf32, #tpu.memory_space<vmem>> -> memref<32x128xf32, #tpu.memory_space<vmem>>
      %gather3A_1180 = tpu.vector_load_idx %gather3A_1179[%add3A_1174, %broadcast_in_dim3A_1161] : memref<32x128xf32, #tpu.memory_space<vmem>>[vector<16xi32>, vector<16xi32>], vector<16xf32>,
      tpu.vector_store_idx %arg13[%add3A_1174, %broadcast_in_dim3A_1162], %gather3A_1180 : memref<32x512xf32, #tpu.memory_space<vmem>>[vector<16xi32>, vector<16xi32>], vector<16xf32>,
      %slice3A_1181 = vector.extract_strided_slice %get3A_676 {offsets = [10], sizes = [1], strides = [1]} : vector<16xi32> to vector<1xi32>
      %squeeze3A_1182 = vector.extract %slice3A_1181[0] : i32 from vector<1xi32>
      %slice3A_1183 = vector.extract_strided_slice %get3A_678 {offsets = [10], sizes = [1], strides = [1]} : vector<16xi32> to vector<1xi32>
      %squeeze3A_1184 = vector.extract %slice3A_1183[0] : i32 from vector<1xi32>
      %jit3A_1185 = arith.constant 128 : i32
      %div3A_1186 = arith.divsi %squeeze3A_1182, %jit3A_1185 : i32
      %sign3A_1187 = arith.constant 0 : i32
      %sign3A_1188 = arith.cmpi sgt, %squeeze3A_1182, %sign3A_1187 : i32
      %sign3A_1189 = arith.extui %sign3A_1188 : i1 to i32
      %sign3A_1190 = arith.constant 0 : i32
      %sign3A_1191 = arith.cmpi slt, %squeeze3A_1182, %sign3A_1190 : i32
      %sign3A_1192 = arith.extui %sign3A_1191 : i1 to i32
      %sign3A_1193 = arith.subi %sign3A_1189, %sign3A_1192 : i32
      %sign3A_1194 = arith.constant 0 : i32
      %sign3A_1195 = arith.cmpi sgt, %jit3A_1185, %sign3A_1194 : i32
      %sign3A_1196 = arith.extui %sign3A_1195 : i1 to i32
      %sign3A_1197 = arith.constant 0 : i32
      %sign3A_1198 = arith.cmpi slt, %jit3A_1185, %sign3A_1197 : i32
      %sign3A_1199 = arith.extui %sign3A_1198 : i1 to i32
      %sign3A_1200 = arith.subi %sign3A_1196, %sign3A_1199 : i32
      %ne3A_1201 = arith.cmpi ne, %sign3A_1193, %sign3A_1200 : i32
      %rem3A_1202 = arith.remsi %squeeze3A_1182, %jit3A_1185 : i32
      %ne3A_1203 = arith.constant 0 : i32
      %ne3A_1204 = arith.cmpi ne, %rem3A_1202, %ne3A_1203 : i32
      %and3A_1205 = arith.andi %ne3A_1201, %ne3A_1204 : i1
      %sub3A_1206 = arith.constant 1 : i32
      %sub3A_1207 = arith.subi %div3A_1186, %sub3A_1206 : i32
      %select_n3A_1208 = arith.select %and3A_1205, %sub3A_1207, %div3A_1186 : i32
      %mul3A_1209 = arith.constant 128 : i32
      %mul3A_1210 = arith.muli %select_n3A_1208, %mul3A_1209 : i32
      %multiple_of3A_1211 = tpu.assume_multiple %mul3A_1210, 128 : i32
      %dma_start3A_1212 = arith.constant 2 : i32
      %dma_start3A_1213 = arith.constant 0 : i32
      %dma_start3A_1214 = arith.constant 0 : i32
      %dma_start3A_1215 = tpu.memref_slice %arg10[%dma_start3A_1212, %dma_start3A_1213, %dma_start3A_1214] : memref<8x32x128xf32, #tpu.memory_space<vmem>> -> memref<1x32x128xf32, #tpu.memory_space<vmem>>
      %dma_start3A_1216 = tpu.memref_squeeze %dma_start3A_1215 : memref<1x32x128xf32, #tpu.memory_space<vmem>> -> memref<32x128xf32, #tpu.memory_space<vmem>>
      %dma_start3A_1217 = arith.constant 0 : i32
      %dma_start3A_1218 = tpu.memref_slice %arg4[%dma_start3A_1217, %multiple_of3A_1211] : memref<32x1000001xf32, #tpu.memory_space<hbm>> -> memref<32x128xf32, #tpu.memory_space<hbm>>
      %dma_start3A_1219 = arith.constant 0 : i32
      %dma_start3A_1220 = arith.constant 0 : i32
      %dma_start3A_1221 = tpu.memref_slice %arg10[%dma_start3A_1212, %dma_start3A_1219, %dma_start3A_1220] : memref<8x32x128xf32, #tpu.memory_space<vmem>> -> memref<1x32x128xf32, #tpu.memory_space<vmem>>
      %dma_start3A_1222 = tpu.memref_squeeze %dma_start3A_1221 : memref<1x32x128xf32, #tpu.memory_space<vmem>> -> memref<32x128xf32, #tpu.memory_space<vmem>>
      %dma_start3A_1223 = arith.constant 0 : i32
      %dma_start3A_1224 = tpu.memref_slice %arg4[%dma_start3A_1223, %multiple_of3A_1211] : memref<32x1000001xf32, #tpu.memory_space<hbm>> -> memref<32x128xf32, #tpu.memory_space<hbm>>
      tpu.enqueue_dma source(%dma_start3A_1224 : memref<32x128xf32, #tpu.memory_space<hbm>>) target(%dma_start3A_1222 : memref<32x128xf32, #tpu.memory_space<vmem>>) target_semaphore(%arg16 : memref<!tpu.dma_semaphore, #tpu.memory_space<semaphore_mem>>)
      %jit3A_1225 = arith.constant 128 : i32
      %div3A_1226 = arith.divsi %squeeze3A_1184, %jit3A_1225 : i32
      %sign3A_1227 = arith.constant 0 : i32
      %sign3A_1228 = arith.cmpi sgt, %squeeze3A_1184, %sign3A_1227 : i32
      %sign3A_1229 = arith.extui %sign3A_1228 : i1 to i32
      %sign3A_1230 = arith.constant 0 : i32
      %sign3A_1231 = arith.cmpi slt, %squeeze3A_1184, %sign3A_1230 : i32
      %sign3A_1232 = arith.extui %sign3A_1231 : i1 to i32
      %sign3A_1233 = arith.subi %sign3A_1229, %sign3A_1232 : i32
      %sign3A_1234 = arith.constant 0 : i32
      %sign3A_1235 = arith.cmpi sgt, %jit3A_1225, %sign3A_1234 : i32
      %sign3A_1236 = arith.extui %sign3A_1235 : i1 to i32
      %sign3A_1237 = arith.constant 0 : i32
      %sign3A_1238 = arith.cmpi slt, %jit3A_1225, %sign3A_1237 : i32
      %sign3A_1239 = arith.extui %sign3A_1238 : i1 to i32
      %sign3A_1240 = arith.subi %sign3A_1236, %sign3A_1239 : i32
      %ne3A_1241 = arith.cmpi ne, %sign3A_1233, %sign3A_1240 : i32
      %rem3A_1242 = arith.remsi %squeeze3A_1184, %jit3A_1225 : i32
      %ne3A_1243 = arith.constant 0 : i32
      %ne3A_1244 = arith.cmpi ne, %rem3A_1242, %ne3A_1243 : i32
      %and3A_1245 = arith.andi %ne3A_1241, %ne3A_1244 : i1
      %sub3A_1246 = arith.constant 1 : i32
      %sub3A_1247 = arith.subi %div3A_1226, %sub3A_1246 : i32
      %select_n3A_1248 = arith.select %and3A_1245, %sub3A_1247, %div3A_1226 : i32
      %mul3A_1249 = arith.constant 128 : i32
      %mul3A_1250 = arith.muli %select_n3A_1248, %mul3A_1249 : i32
      %multiple_of3A_1251 = tpu.assume_multiple %mul3A_1250, 128 : i32
      %dma_start3A_1252 = arith.constant 2 : i32
      %dma_start3A_1253 = arith.constant 0 : i32
      %dma_start3A_1254 = arith.constant 0 : i32
      %dma_start3A_1255 = tpu.memref_slice %arg11[%dma_start3A_1252, %dma_start3A_1253, %dma_start3A_1254] : memref<8x32x128xf32, #tpu.memory_space<vmem>> -> memref<1x32x128xf32, #tpu.memory_space<vmem>>
      %dma_start3A_1256 = tpu.memref_squeeze %dma_start3A_1255 : memref<1x32x128xf32, #tpu.memory_space<vmem>> -> memref<32x128xf32, #tpu.memory_space<vmem>>
      %dma_start3A_1257 = arith.constant 0 : i32
      %dma_start3A_1258 = tpu.memref_slice %arg5[%dma_start3A_1257, %multiple_of3A_1251] : memref<32x1000001xf32, #tpu.memory_space<hbm>> -> memref<32x128xf32, #tpu.memory_space<hbm>>
      %dma_start3A_1259 = arith.constant 0 : i32
      %dma_start3A_1260 = arith.constant 0 : i32
      %dma_start3A_1261 = tpu.memref_slice %arg11[%dma_start3A_1252, %dma_start3A_1259, %dma_start3A_1260] : memref<8x32x128xf32, #tpu.memory_space<vmem>> -> memref<1x32x128xf32, #tpu.memory_space<vmem>>
      %dma_start3A_1262 = tpu.memref_squeeze %dma_start3A_1261 : memref<1x32x128xf32, #tpu.memory_space<vmem>> -> memref<32x128xf32, #tpu.memory_space<vmem>>
      %dma_start3A_1263 = arith.constant 0 : i32
      %dma_start3A_1264 = tpu.memref_slice %arg5[%dma_start3A_1263, %multiple_of3A_1251] : memref<32x1000001xf32, #tpu.memory_space<hbm>> -> memref<32x128xf32, #tpu.memory_space<hbm>>
      tpu.enqueue_dma source(%dma_start3A_1264 : memref<32x128xf32, #tpu.memory_space<hbm>>) target(%dma_start3A_1262 : memref<32x128xf32, #tpu.memory_space<vmem>>) target_semaphore(%arg16 : memref<!tpu.dma_semaphore, #tpu.memory_space<semaphore_mem>>)
      %mul3A_1265 = arith.constant 16 : i32
      %mul3A_1266 = arith.muli %scan3A_671, %mul3A_1265 : i32
      %add3A_1267 = arith.constant 3 : i32
      %add3A_1268 = arith.addi %mul3A_1266, %add3A_1267 : i32
      %dma_wait3A_1269 = arith.constant 3 : i32
      %dma_wait3A_1270 = arith.constant 0 : i32
      %dma_wait3A_1271 = arith.constant 0 : i32
      %dma_wait3A_1272 = tpu.memref_slice %arg10[%dma_wait3A_1269, %dma_wait3A_1270, %dma_wait3A_1271] : memref<8x32x128xf32, #tpu.memory_space<vmem>> -> memref<1x32x128xf32, #tpu.memory_space<vmem>>
      %dma_wait3A_1273 = tpu.memref_squeeze %dma_wait3A_1272 : memref<1x32x128xf32, #tpu.memory_space<vmem>> -> memref<32x128xf32, #tpu.memory_space<vmem>>
      %dma_wait3A_1274 = arith.constant 0 : i32
      %dma_wait3A_1275 = arith.constant 0 : i32
      %dma_wait3A_1276 = tpu.memref_slice %arg4[%dma_wait3A_1274, %dma_wait3A_1275] : memref<32x1000001xf32, #tpu.memory_space<hbm>> -> memref<32x128xf32, #tpu.memory_space<hbm>>
      %dma_wait3A_1277 = arith.constant 0 : i32
      %dma_wait3A_1278 = arith.constant 0 : i32
      %dma_wait3A_1279 = tpu.memref_slice %arg10[%dma_wait3A_1269, %dma_wait3A_1277, %dma_wait3A_1278] : memref<8x32x128xf32, #tpu.memory_space<vmem>> -> memref<1x32x128xf32, #tpu.memory_space<vmem>>
      %dma_wait3A_1280 = tpu.memref_squeeze %dma_wait3A_1279 : memref<1x32x128xf32, #tpu.memory_space<vmem>> -> memref<32x128xf32, #tpu.memory_space<vmem>>
      %dma_wait3A_1281 = arith.constant 0 : i32
      %dma_wait3A_1282 = arith.constant 0 : i32
      %dma_wait3A_1283 = tpu.memref_slice %arg4[%dma_wait3A_1281, %dma_wait3A_1282] : memref<32x1000001xf32, #tpu.memory_space<hbm>> -> memref<32x128xf32, #tpu.memory_space<hbm>>
      tpu.wait_dma2 semaphore(%arg17 : memref<!tpu.dma_semaphore, #tpu.memory_space<semaphore_mem>>) src(%dma_wait3A_1283 : memref<32x128xf32, #tpu.memory_space<hbm>>) dst(%dma_wait3A_1280 : memref<32x128xf32, #tpu.memory_space<vmem>>)
      %dma_wait3A_1284 = arith.constant 3 : i32
      %dma_wait3A_1285 = arith.constant 0 : i32
      %dma_wait3A_1286 = arith.constant 0 : i32
      %dma_wait3A_1287 = tpu.memref_slice %arg11[%dma_wait3A_1284, %dma_wait3A_1285, %dma_wait3A_1286] : memref<8x32x128xf32, #tpu.memory_space<vmem>> -> memref<1x32x128xf32, #tpu.memory_space<vmem>>
      %dma_wait3A_1288 = tpu.memref_squeeze %dma_wait3A_1287 : memref<1x32x128xf32, #tpu.memory_space<vmem>> -> memref<32x128xf32, #tpu.memory_space<vmem>>
      %dma_wait3A_1289 = arith.constant 0 : i32
      %dma_wait3A_1290 = arith.constant 0 : i32
      %dma_wait3A_1291 = tpu.memref_slice %arg5[%dma_wait3A_1289, %dma_wait3A_1290] : memref<32x1000001xf32, #tpu.memory_space<hbm>> -> memref<32x128xf32, #tpu.memory_space<hbm>>
      %dma_wait3A_1292 = arith.constant 0 : i32
      %dma_wait3A_1293 = arith.constant 0 : i32
      %dma_wait3A_1294 = tpu.memref_slice %arg11[%dma_wait3A_1284, %dma_wait3A_1292, %dma_wait3A_1293] : memref<8x32x128xf32, #tpu.memory_space<vmem>> -> memref<1x32x128xf32, #tpu.memory_space<vmem>>
      %dma_wait3A_1295 = tpu.memref_squeeze %dma_wait3A_1294 : memref<1x32x128xf32, #tpu.memory_space<vmem>> -> memref<32x128xf32, #tpu.memory_space<vmem>>
      %dma_wait3A_1296 = arith.constant 0 : i32
      %dma_wait3A_1297 = arith.constant 0 : i32
      %dma_wait3A_1298 = tpu.memref_slice %arg5[%dma_wait3A_1296, %dma_wait3A_1297] : memref<32x1000001xf32, #tpu.memory_space<hbm>> -> memref<32x128xf32, #tpu.memory_space<hbm>>
      tpu.wait_dma2 semaphore(%arg17 : memref<!tpu.dma_semaphore, #tpu.memory_space<semaphore_mem>>) src(%dma_wait3A_1298 : memref<32x128xf32, #tpu.memory_space<hbm>>) dst(%dma_wait3A_1295 : memref<32x128xf32, #tpu.memory_space<vmem>>)
      %slice3A_1299 = vector.extract_strided_slice %get3A_676 {offsets = [3], sizes = [1], strides = [1]} : vector<16xi32> to vector<1xi32>
      %squeeze3A_1300 = vector.extract %slice3A_1299[0] : i32 from vector<1xi32>
      %jit3A_1301 = arith.constant 128 : i32
      %eq3A_1302 = arith.constant 0 : i32
      %eq3A_1303 = arith.cmpi eq, %jit3A_1301, %eq3A_1302 : i32
      %jit3A_1304 = arith.constant 1 : i32
      %select_n3A_1305 = arith.select %eq3A_1303, %jit3A_1304, %jit3A_1301 : i32
      %rem3A_1306 = arith.remsi %squeeze3A_1300, %select_n3A_1305 : i32
      %ne3A_1307 = arith.constant 0 : i32
      %ne3A_1308 = arith.cmpi ne, %rem3A_1306, %ne3A_1307 : i32
      %lt3A_1309 = arith.constant 0 : i32
      %lt3A_1310 = arith.cmpi slt, %rem3A_1306, %lt3A_1309 : i32
      %lt3A_1311 = arith.constant 0 : i32
      %lt3A_1312 = arith.cmpi slt, %select_n3A_1305, %lt3A_1311 : i32
      %ne3A_1313 = arith.xori %lt3A_1310, %lt3A_1312 : i1
      %and3A_1314 = arith.andi %ne3A_1313, %ne3A_1308 : i1
      %add3A_1315 = arith.addi %rem3A_1306, %select_n3A_1305 : i32
      %select_n3A_1316 = arith.select %and3A_1314, %add3A_1315, %rem3A_1306 : i32
      %broadcast_in_dim3A_1317 = vector.broadcast %select_n3A_1316 : i32 to vector<16xi32>
      %broadcast_in_dim3A_1318 = vector.broadcast %add3A_1268 : i32 to vector<16xi32>
      %add3A_1319 = arith.constant 0 : i32
      %add3A_1320 = vector.broadcast %add3A_1319 : i32 to vector<16xi32>
      %add3A_1321 = arith.addi %iota3A, %add3A_1320 : vector<16xi32>
      %gather3A_1322 = arith.constant 3 : i32
      %gather3A_1323 = arith.constant 0 : i32
      %gather3A_1324 = arith.constant 0 : i32
      %gather3A_1325 = tpu.memref_slice %arg10[%gather3A_1322, %gather3A_1323, %gather3A_1324] : memref<8x32x128xf32, #tpu.memory_space<vmem>> -> memref<1x32x128xf32, #tpu.memory_space<vmem>>
      %gather3A_1326 = tpu.memref_squeeze %gather3A_1325 : memref<1x32x128xf32, #tpu.memory_space<vmem>> -> memref<32x128xf32, #tpu.memory_space<vmem>>
      %gather3A_1327 = tpu.vector_load_idx %gather3A_1326[%add3A_1321, %broadcast_in_dim3A_1317] : memref<32x128xf32, #tpu.memory_space<vmem>>[vector<16xi32>, vector<16xi32>], vector<16xf32>,
      tpu.vector_store_idx %arg12[%add3A_1321, %broadcast_in_dim3A_1318], %gather3A_1327 : memref<32x512xf32, #tpu.memory_space<vmem>>[vector<16xi32>, vector<16xi32>], vector<16xf32>,
      %add3A_1328 = arith.constant 16 : i32
      %add3A_1329 = vector.broadcast %add3A_1328 : i32 to vector<16xi32>
      %add3A_1330 = arith.addi %iota3A, %add3A_1329 : vector<16xi32>
      %gather3A_1331 = arith.constant 3 : i32
      %gather3A_1332 = arith.constant 0 : i32
      %gather3A_1333 = arith.constant 0 : i32
      %gather3A_1334 = tpu.memref_slice %arg10[%gather3A_1331, %gather3A_1332, %gather3A_1333] : memref<8x32x128xf32, #tpu.memory_space<vmem>> -> memref<1x32x128xf32, #tpu.memory_space<vmem>>
      %gather3A_1335 = tpu.memref_squeeze %gather3A_1334 : memref<1x32x128xf32, #tpu.memory_space<vmem>> -> memref<32x128xf32, #tpu.memory_space<vmem>>
      %gather3A_1336 = tpu.vector_load_idx %gather3A_1335[%add3A_1330, %broadcast_in_dim3A_1317] : memref<32x128xf32, #tpu.memory_space<vmem>>[vector<16xi32>, vector<16xi32>], vector<16xf32>,
      tpu.vector_store_idx %arg12[%add3A_1330, %broadcast_in_dim3A_1318], %gather3A_1336 : memref<32x512xf32, #tpu.memory_space<vmem>>[vector<16xi32>, vector<16xi32>], vector<16xf32>,
      %slice3A_1337 = vector.extract_strided_slice %get3A_678 {offsets = [3], sizes = [1], strides = [1]} : vector<16xi32> to vector<1xi32>
      %squeeze3A_1338 = vector.extract %slice3A_1337[0] : i32 from vector<1xi32>
      %jit3A_1339 = arith.constant 128 : i32
      %eq3A_1340 = arith.constant 0 : i32
      %eq3A_1341 = arith.cmpi eq, %jit3A_1339, %eq3A_1340 : i32
      %jit3A_1342 = arith.constant 1 : i32
      %select_n3A_1343 = arith.select %eq3A_1341, %jit3A_1342, %jit3A_1339 : i32
      %rem3A_1344 = arith.remsi %squeeze3A_1338, %select_n3A_1343 : i32
      %ne3A_1345 = arith.constant 0 : i32
      %ne3A_1346 = arith.cmpi ne, %rem3A_1344, %ne3A_1345 : i32
      %lt3A_1347 = arith.constant 0 : i32
      %lt3A_1348 = arith.cmpi slt, %rem3A_1344, %lt3A_1347 : i32
      %lt3A_1349 = arith.constant 0 : i32
      %lt3A_1350 = arith.cmpi slt, %select_n3A_1343, %lt3A_1349 : i32
      %ne3A_1351 = arith.xori %lt3A_1348, %lt3A_1350 : i1
      %and3A_1352 = arith.andi %ne3A_1351, %ne3A_1346 : i1
      %add3A_1353 = arith.addi %rem3A_1344, %select_n3A_1343 : i32
      %select_n3A_1354 = arith.select %and3A_1352, %add3A_1353, %rem3A_1344 : i32
      %broadcast_in_dim3A_1355 = vector.broadcast %select_n3A_1354 : i32 to vector<16xi32>
      %broadcast_in_dim3A_1356 = vector.broadcast %add3A_1268 : i32 to vector<16xi32>
      %add3A_1357 = arith.constant 0 : i32
      %add3A_1358 = vector.broadcast %add3A_1357 : i32 to vector<16xi32>
      %add3A_1359 = arith.addi %iota3A, %add3A_1358 : vector<16xi32>
      %gather3A_1360 = arith.constant 3 : i32
      %gather3A_1361 = arith.constant 0 : i32
      %gather3A_1362 = arith.constant 0 : i32
      %gather3A_1363 = tpu.memref_slice %arg11[%gather3A_1360, %gather3A_1361, %gather3A_1362] : memref<8x32x128xf32, #tpu.memory_space<vmem>> -> memref<1x32x128xf32, #tpu.memory_space<vmem>>
      %gather3A_1364 = tpu.memref_squeeze %gather3A_1363 : memref<1x32x128xf32, #tpu.memory_space<vmem>> -> memref<32x128xf32, #tpu.memory_space<vmem>>
      %gather3A_1365 = tpu.vector_load_idx %gather3A_1364[%add3A_1359, %broadcast_in_dim3A_1355] : memref<32x128xf32, #tpu.memory_space<vmem>>[vector<16xi32>, vector<16xi32>], vector<16xf32>,
      tpu.vector_store_idx %arg13[%add3A_1359, %broadcast_in_dim3A_1356], %gather3A_1365 : memref<32x512xf32, #tpu.memory_space<vmem>>[vector<16xi32>, vector<16xi32>], vector<16xf32>,
      %add3A_1366 = arith.constant 16 : i32
      %add3A_1367 = vector.broadcast %add3A_1366 : i32 to vector<16xi32>
      %add3A_1368 = arith.addi %iota3A, %add3A_1367 : vector<16xi32>
      %gather3A_1369 = arith.constant 3 : i32
      %gather3A_1370 = arith.constant 0 : i32
      %gather3A_1371 = arith.constant 0 : i32
      %gather3A_1372 = tpu.memref_slice %arg11[%gather3A_1369, %gather3A_1370, %gather3A_1371] : memref<8x32x128xf32, #tpu.memory_space<vmem>> -> memref<1x32x128xf32, #tpu.memory_space<vmem>>
      %gather3A_1373 = tpu.memref_squeeze %gather3A_1372 : memref<1x32x128xf32, #tpu.memory_space<vmem>> -> memref<32x128xf32, #tpu.memory_space<vmem>>
      %gather3A_1374 = tpu.vector_load_idx %gather3A_1373[%add3A_1368, %broadcast_in_dim3A_1355] : memref<32x128xf32, #tpu.memory_space<vmem>>[vector<16xi32>, vector<16xi32>], vector<16xf32>,
      tpu.vector_store_idx %arg13[%add3A_1368, %broadcast_in_dim3A_1356], %gather3A_1374 : memref<32x512xf32, #tpu.memory_space<vmem>>[vector<16xi32>, vector<16xi32>], vector<16xf32>,
      %slice3A_1375 = vector.extract_strided_slice %get3A_676 {offsets = [11], sizes = [1], strides = [1]} : vector<16xi32> to vector<1xi32>
      %squeeze3A_1376 = vector.extract %slice3A_1375[0] : i32 from vector<1xi32>
      %slice3A_1377 = vector.extract_strided_slice %get3A_678 {offsets = [11], sizes = [1], strides = [1]} : vector<16xi32> to vector<1xi32>
      %squeeze3A_1378 = vector.extract %slice3A_1377[0] : i32 from vector<1xi32>
      %jit3A_1379 = arith.constant 128 : i32
      %div3A_1380 = arith.divsi %squeeze3A_1376, %jit3A_1379 : i32
      %sign3A_1381 = arith.constant 0 : i32
      %sign3A_1382 = arith.cmpi sgt, %squeeze3A_1376, %sign3A_1381 : i32
      %sign3A_1383 = arith.extui %sign3A_1382 : i1 to i32
      %sign3A_1384 = arith.constant 0 : i32
      %sign3A_1385 = arith.cmpi slt, %squeeze3A_1376, %sign3A_1384 : i32
      %sign3A_1386 = arith.extui %sign3A_1385 : i1 to i32
      %sign3A_1387 = arith.subi %sign3A_1383, %sign3A_1386 : i32
      %sign3A_1388 = arith.constant 0 : i32
      %sign3A_1389 = arith.cmpi sgt, %jit3A_1379, %sign3A_1388 : i32
      %sign3A_1390 = arith.extui %sign3A_1389 : i1 to i32
      %sign3A_1391 = arith.constant 0 : i32
      %sign3A_1392 = arith.cmpi slt, %jit3A_1379, %sign3A_1391 : i32
      %sign3A_1393 = arith.extui %sign3A_1392 : i1 to i32
      %sign3A_1394 = arith.subi %sign3A_1390, %sign3A_1393 : i32
      %ne3A_1395 = arith.cmpi ne, %sign3A_1387, %sign3A_1394 : i32
      %rem3A_1396 = arith.remsi %squeeze3A_1376, %jit3A_1379 : i32
      %ne3A_1397 = arith.constant 0 : i32
      %ne3A_1398 = arith.cmpi ne, %rem3A_1396, %ne3A_1397 : i32
      %and3A_1399 = arith.andi %ne3A_1395, %ne3A_1398 : i1
      %sub3A_1400 = arith.constant 1 : i32
      %sub3A_1401 = arith.subi %div3A_1380, %sub3A_1400 : i32
      %select_n3A_1402 = arith.select %and3A_1399, %sub3A_1401, %div3A_1380 : i32
      %mul3A_1403 = arith.constant 128 : i32
      %mul3A_1404 = arith.muli %select_n3A_1402, %mul3A_1403 : i32
      %multiple_of3A_1405 = tpu.assume_multiple %mul3A_1404, 128 : i32
      %dma_start3A_1406 = arith.constant 3 : i32
      %dma_start3A_1407 = arith.constant 0 : i32
      %dma_start3A_1408 = arith.constant 0 : i32
      %dma_start3A_1409 = tpu.memref_slice %arg10[%dma_start3A_1406, %dma_start3A_1407, %dma_start3A_1408] : memref<8x32x128xf32, #tpu.memory_space<vmem>> -> memref<1x32x128xf32, #tpu.memory_space<vmem>>
      %dma_start3A_1410 = tpu.memref_squeeze %dma_start3A_1409 : memref<1x32x128xf32, #tpu.memory_space<vmem>> -> memref<32x128xf32, #tpu.memory_space<vmem>>
      %dma_start3A_1411 = arith.constant 0 : i32
      %dma_start3A_1412 = tpu.memref_slice %arg4[%dma_start3A_1411, %multiple_of3A_1405] : memref<32x1000001xf32, #tpu.memory_space<hbm>> -> memref<32x128xf32, #tpu.memory_space<hbm>>
      %dma_start3A_1413 = arith.constant 0 : i32
      %dma_start3A_1414 = arith.constant 0 : i32
      %dma_start3A_1415 = tpu.memref_slice %arg10[%dma_start3A_1406, %dma_start3A_1413, %dma_start3A_1414] : memref<8x32x128xf32, #tpu.memory_space<vmem>> -> memref<1x32x128xf32, #tpu.memory_space<vmem>>
      %dma_start3A_1416 = tpu.memref_squeeze %dma_start3A_1415 : memref<1x32x128xf32, #tpu.memory_space<vmem>> -> memref<32x128xf32, #tpu.memory_space<vmem>>
      %dma_start3A_1417 = arith.constant 0 : i32
      %dma_start3A_1418 = tpu.memref_slice %arg4[%dma_start3A_1417, %multiple_of3A_1405] : memref<32x1000001xf32, #tpu.memory_space<hbm>> -> memref<32x128xf32, #tpu.memory_space<hbm>>
      tpu.enqueue_dma source(%dma_start3A_1418 : memref<32x128xf32, #tpu.memory_space<hbm>>) target(%dma_start3A_1416 : memref<32x128xf32, #tpu.memory_space<vmem>>) target_semaphore(%arg17 : memref<!tpu.dma_semaphore, #tpu.memory_space<semaphore_mem>>)
      %jit3A_1419 = arith.constant 128 : i32
      %div3A_1420 = arith.divsi %squeeze3A_1378, %jit3A_1419 : i32
      %sign3A_1421 = arith.constant 0 : i32
      %sign3A_1422 = arith.cmpi sgt, %squeeze3A_1378, %sign3A_1421 : i32
      %sign3A_1423 = arith.extui %sign3A_1422 : i1 to i32
      %sign3A_1424 = arith.constant 0 : i32
      %sign3A_1425 = arith.cmpi slt, %squeeze3A_1378, %sign3A_1424 : i32
      %sign3A_1426 = arith.extui %sign3A_1425 : i1 to i32
      %sign3A_1427 = arith.subi %sign3A_1423, %sign3A_1426 : i32
      %sign3A_1428 = arith.constant 0 : i32
      %sign3A_1429 = arith.cmpi sgt, %jit3A_1419, %sign3A_1428 : i32
      %sign3A_1430 = arith.extui %sign3A_1429 : i1 to i32
      %sign3A_1431 = arith.constant 0 : i32
      %sign3A_1432 = arith.cmpi slt, %jit3A_1419, %sign3A_1431 : i32
      %sign3A_1433 = arith.extui %sign3A_1432 : i1 to i32
      %sign3A_1434 = arith.subi %sign3A_1430, %sign3A_1433 : i32
      %ne3A_1435 = arith.cmpi ne, %sign3A_1427, %sign3A_1434 : i32
      %rem3A_1436 = arith.remsi %squeeze3A_1378, %jit3A_1419 : i32
      %ne3A_1437 = arith.constant 0 : i32
      %ne3A_1438 = arith.cmpi ne, %rem3A_1436, %ne3A_1437 : i32
      %and3A_1439 = arith.andi %ne3A_1435, %ne3A_1438 : i1
      %sub3A_1440 = arith.constant 1 : i32
      %sub3A_1441 = arith.subi %div3A_1420, %sub3A_1440 : i32
      %select_n3A_1442 = arith.select %and3A_1439, %sub3A_1441, %div3A_1420 : i32
      %mul3A_1443 = arith.constant 128 : i32
      %mul3A_1444 = arith.muli %select_n3A_1442, %mul3A_1443 : i32
      %multiple_of3A_1445 = tpu.assume_multiple %mul3A_1444, 128 : i32
      %dma_start3A_1446 = arith.constant 3 : i32
      %dma_start3A_1447 = arith.constant 0 : i32
      %dma_start3A_1448 = arith.constant 0 : i32
      %dma_start3A_1449 = tpu.memref_slice %arg11[%dma_start3A_1446, %dma_start3A_1447, %dma_start3A_1448] : memref<8x32x128xf32, #tpu.memory_space<vmem>> -> memref<1x32x128xf32, #tpu.memory_space<vmem>>
      %dma_start3A_1450 = tpu.memref_squeeze %dma_start3A_1449 : memref<1x32x128xf32, #tpu.memory_space<vmem>> -> memref<32x128xf32, #tpu.memory_space<vmem>>
      %dma_start3A_1451 = arith.constant 0 : i32
      %dma_start3A_1452 = tpu.memref_slice %arg5[%dma_start3A_1451, %multiple_of3A_1445] : memref<32x1000001xf32, #tpu.memory_space<hbm>> -> memref<32x128xf32, #tpu.memory_space<hbm>>
      %dma_start3A_1453 = arith.constant 0 : i32
      %dma_start3A_1454 = arith.constant 0 : i32
      %dma_start3A_1455 = tpu.memref_slice %arg11[%dma_start3A_1446, %dma_start3A_1453, %dma_start3A_1454] : memref<8x32x128xf32, #tpu.memory_space<vmem>> -> memref<1x32x128xf32, #tpu.memory_space<vmem>>
      %dma_start3A_1456 = tpu.memref_squeeze %dma_start3A_1455 : memref<1x32x128xf32, #tpu.memory_space<vmem>> -> memref<32x128xf32, #tpu.memory_space<vmem>>
      %dma_start3A_1457 = arith.constant 0 : i32
      %dma_start3A_1458 = tpu.memref_slice %arg5[%dma_start3A_1457, %multiple_of3A_1445] : memref<32x1000001xf32, #tpu.memory_space<hbm>> -> memref<32x128xf32, #tpu.memory_space<hbm>>
      tpu.enqueue_dma source(%dma_start3A_1458 : memref<32x128xf32, #tpu.memory_space<hbm>>) target(%dma_start3A_1456 : memref<32x128xf32, #tpu.memory_space<vmem>>) target_semaphore(%arg17 : memref<!tpu.dma_semaphore, #tpu.memory_space<semaphore_mem>>)
      %mul3A_1459 = arith.constant 16 : i32
      %mul3A_1460 = arith.muli %scan3A_671, %mul3A_1459 : i32
      %add3A_1461 = arith.constant 4 : i32
      %add3A_1462 = arith.addi %mul3A_1460, %add3A_1461 : i32
      %dma_wait3A_1463 = arith.constant 4 : i32
      %dma_wait3A_1464 = arith.constant 0 : i32
      %dma_wait3A_1465 = arith.constant 0 : i32
      %dma_wait3A_1466 = tpu.memref_slice %arg10[%dma_wait3A_1463, %dma_wait3A_1464, %dma_wait3A_1465] : memref<8x32x128xf32, #tpu.memory_space<vmem>> -> memref<1x32x128xf32, #tpu.memory_space<vmem>>
      %dma_wait3A_1467 = tpu.memref_squeeze %dma_wait3A_1466 : memref<1x32x128xf32, #tpu.memory_space<vmem>> -> memref<32x128xf32, #tpu.memory_space<vmem>>
      %dma_wait3A_1468 = arith.constant 0 : i32
      %dma_wait3A_1469 = arith.constant 0 : i32
      %dma_wait3A_1470 = tpu.memref_slice %arg4[%dma_wait3A_1468, %dma_wait3A_1469] : memref<32x1000001xf32, #tpu.memory_space<hbm>> -> memref<32x128xf32, #tpu.memory_space<hbm>>
      %dma_wait3A_1471 = arith.constant 0 : i32
      %dma_wait3A_1472 = arith.constant 0 : i32
      %dma_wait3A_1473 = tpu.memref_slice %arg10[%dma_wait3A_1463, %dma_wait3A_1471, %dma_wait3A_1472] : memref<8x32x128xf32, #tpu.memory_space<vmem>> -> memref<1x32x128xf32, #tpu.memory_space<vmem>>
      %dma_wait3A_1474 = tpu.memref_squeeze %dma_wait3A_1473 : memref<1x32x128xf32, #tpu.memory_space<vmem>> -> memref<32x128xf32, #tpu.memory_space<vmem>>
      %dma_wait3A_1475 = arith.constant 0 : i32
      %dma_wait3A_1476 = arith.constant 0 : i32
      %dma_wait3A_1477 = tpu.memref_slice %arg4[%dma_wait3A_1475, %dma_wait3A_1476] : memref<32x1000001xf32, #tpu.memory_space<hbm>> -> memref<32x128xf32, #tpu.memory_space<hbm>>
      tpu.wait_dma2 semaphore(%arg18 : memref<!tpu.dma_semaphore, #tpu.memory_space<semaphore_mem>>) src(%dma_wait3A_1477 : memref<32x128xf32, #tpu.memory_space<hbm>>) dst(%dma_wait3A_1474 : memref<32x128xf32, #tpu.memory_space<vmem>>)
      %dma_wait3A_1478 = arith.constant 4 : i32
      %dma_wait3A_1479 = arith.constant 0 : i32
      %dma_wait3A_1480 = arith.constant 0 : i32
      %dma_wait3A_1481 = tpu.memref_slice %arg11[%dma_wait3A_1478, %dma_wait3A_1479, %dma_wait3A_1480] : memref<8x32x128xf32, #tpu.memory_space<vmem>> -> memref<1x32x128xf32, #tpu.memory_space<vmem>>
      %dma_wait3A_1482 = tpu.memref_squeeze %dma_wait3A_1481 : memref<1x32x128xf32, #tpu.memory_space<vmem>> -> memref<32x128xf32, #tpu.memory_space<vmem>>
      %dma_wait3A_1483 = arith.constant 0 : i32
      %dma_wait3A_1484 = arith.constant 0 : i32
      %dma_wait3A_1485 = tpu.memref_slice %arg5[%dma_wait3A_1483, %dma_wait3A_1484] : memref<32x1000001xf32, #tpu.memory_space<hbm>> -> memref<32x128xf32, #tpu.memory_space<hbm>>
      %dma_wait3A_1486 = arith.constant 0 : i32
      %dma_wait3A_1487 = arith.constant 0 : i32
      %dma_wait3A_1488 = tpu.memref_slice %arg11[%dma_wait3A_1478, %dma_wait3A_1486, %dma_wait3A_1487] : memref<8x32x128xf32, #tpu.memory_space<vmem>> -> memref<1x32x128xf32, #tpu.memory_space<vmem>>
      %dma_wait3A_1489 = tpu.memref_squeeze %dma_wait3A_1488 : memref<1x32x128xf32, #tpu.memory_space<vmem>> -> memref<32x128xf32, #tpu.memory_space<vmem>>
      %dma_wait3A_1490 = arith.constant 0 : i32
      %dma_wait3A_1491 = arith.constant 0 : i32
      %dma_wait3A_1492 = tpu.memref_slice %arg5[%dma_wait3A_1490, %dma_wait3A_1491] : memref<32x1000001xf32, #tpu.memory_space<hbm>> -> memref<32x128xf32, #tpu.memory_space<hbm>>
      tpu.wait_dma2 semaphore(%arg18 : memref<!tpu.dma_semaphore, #tpu.memory_space<semaphore_mem>>) src(%dma_wait3A_1492 : memref<32x128xf32, #tpu.memory_space<hbm>>) dst(%dma_wait3A_1489 : memref<32x128xf32, #tpu.memory_space<vmem>>)
      %slice3A_1493 = vector.extract_strided_slice %get3A_676 {offsets = [4], sizes = [1], strides = [1]} : vector<16xi32> to vector<1xi32>
      %squeeze3A_1494 = vector.extract %slice3A_1493[0] : i32 from vector<1xi32>
      %jit3A_1495 = arith.constant 128 : i32
      %eq3A_1496 = arith.constant 0 : i32
      %eq3A_1497 = arith.cmpi eq, %jit3A_1495, %eq3A_1496 : i32
      %jit3A_1498 = arith.constant 1 : i32
      %select_n3A_1499 = arith.select %eq3A_1497, %jit3A_1498, %jit3A_1495 : i32
      %rem3A_1500 = arith.remsi %squeeze3A_1494, %select_n3A_1499 : i32
      %ne3A_1501 = arith.constant 0 : i32
      %ne3A_1502 = arith.cmpi ne, %rem3A_1500, %ne3A_1501 : i32
      %lt3A_1503 = arith.constant 0 : i32
      %lt3A_1504 = arith.cmpi slt, %rem3A_1500, %lt3A_1503 : i32
      %lt3A_1505 = arith.constant 0 : i32
      %lt3A_1506 = arith.cmpi slt, %select_n3A_1499, %lt3A_1505 : i32
      %ne3A_1507 = arith.xori %lt3A_1504, %lt3A_1506 : i1
      %and3A_1508 = arith.andi %ne3A_1507, %ne3A_1502 : i1
      %add3A_1509 = arith.addi %rem3A_1500, %select_n3A_1499 : i32
      %select_n3A_1510 = arith.select %and3A_1508, %add3A_1509, %rem3A_1500 : i32
      %broadcast_in_dim3A_1511 = vector.broadcast %select_n3A_1510 : i32 to vector<16xi32>
      %broadcast_in_dim3A_1512 = vector.broadcast %add3A_1462 : i32 to vector<16xi32>
      %add3A_1513 = arith.constant 0 : i32
      %add3A_1514 = vector.broadcast %add3A_1513 : i32 to vector<16xi32>
      %add3A_1515 = arith.addi %iota3A, %add3A_1514 : vector<16xi32>
      %gather3A_1516 = arith.constant 4 : i32
      %gather3A_1517 = arith.constant 0 : i32
      %gather3A_1518 = arith.constant 0 : i32
      %gather3A_1519 = tpu.memref_slice %arg10[%gather3A_1516, %gather3A_1517, %gather3A_1518] : memref<8x32x128xf32, #tpu.memory_space<vmem>> -> memref<1x32x128xf32, #tpu.memory_space<vmem>>
      %gather3A_1520 = tpu.memref_squeeze %gather3A_1519 : memref<1x32x128xf32, #tpu.memory_space<vmem>> -> memref<32x128xf32, #tpu.memory_space<vmem>>
      %gather3A_1521 = tpu.vector_load_idx %gather3A_1520[%add3A_1515, %broadcast_in_dim3A_1511] : memref<32x128xf32, #tpu.memory_space<vmem>>[vector<16xi32>, vector<16xi32>], vector<16xf32>,
      tpu.vector_store_idx %arg12[%add3A_1515, %broadcast_in_dim3A_1512], %gather3A_1521 : memref<32x512xf32, #tpu.memory_space<vmem>>[vector<16xi32>, vector<16xi32>], vector<16xf32>,
      %add3A_1522 = arith.constant 16 : i32
      %add3A_1523 = vector.broadcast %add3A_1522 : i32 to vector<16xi32>
      %add3A_1524 = arith.addi %iota3A, %add3A_1523 : vector<16xi32>
      %gather3A_1525 = arith.constant 4 : i32
      %gather3A_1526 = arith.constant 0 : i32
      %gather3A_1527 = arith.constant 0 : i32
      %gather3A_1528 = tpu.memref_slice %arg10[%gather3A_1525, %gather3A_1526, %gather3A_1527] : memref<8x32x128xf32, #tpu.memory_space<vmem>> -> memref<1x32x128xf32, #tpu.memory_space<vmem>>
      %gather3A_1529 = tpu.memref_squeeze %gather3A_1528 : memref<1x32x128xf32, #tpu.memory_space<vmem>> -> memref<32x128xf32, #tpu.memory_space<vmem>>
      %gather3A_1530 = tpu.vector_load_idx %gather3A_1529[%add3A_1524, %broadcast_in_dim3A_1511] : memref<32x128xf32, #tpu.memory_space<vmem>>[vector<16xi32>, vector<16xi32>], vector<16xf32>,
      tpu.vector_store_idx %arg12[%add3A_1524, %broadcast_in_dim3A_1512], %gather3A_1530 : memref<32x512xf32, #tpu.memory_space<vmem>>[vector<16xi32>, vector<16xi32>], vector<16xf32>,
      %slice3A_1531 = vector.extract_strided_slice %get3A_678 {offsets = [4], sizes = [1], strides = [1]} : vector<16xi32> to vector<1xi32>
      %squeeze3A_1532 = vector.extract %slice3A_1531[0] : i32 from vector<1xi32>
      %jit3A_1533 = arith.constant 128 : i32
      %eq3A_1534 = arith.constant 0 : i32
      %eq3A_1535 = arith.cmpi eq, %jit3A_1533, %eq3A_1534 : i32
      %jit3A_1536 = arith.constant 1 : i32
      %select_n3A_1537 = arith.select %eq3A_1535, %jit3A_1536, %jit3A_1533 : i32
      %rem3A_1538 = arith.remsi %squeeze3A_1532, %select_n3A_1537 : i32
      %ne3A_1539 = arith.constant 0 : i32
      %ne3A_1540 = arith.cmpi ne, %rem3A_1538, %ne3A_1539 : i32
      %lt3A_1541 = arith.constant 0 : i32
      %lt3A_1542 = arith.cmpi slt, %rem3A_1538, %lt3A_1541 : i32
      %lt3A_1543 = arith.constant 0 : i32
      %lt3A_1544 = arith.cmpi slt, %select_n3A_1537, %lt3A_1543 : i32
      %ne3A_1545 = arith.xori %lt3A_1542, %lt3A_1544 : i1
      %and3A_1546 = arith.andi %ne3A_1545, %ne3A_1540 : i1
      %add3A_1547 = arith.addi %rem3A_1538, %select_n3A_1537 : i32
      %select_n3A_1548 = arith.select %and3A_1546, %add3A_1547, %rem3A_1538 : i32
      %broadcast_in_dim3A_1549 = vector.broadcast %select_n3A_1548 : i32 to vector<16xi32>
      %broadcast_in_dim3A_1550 = vector.broadcast %add3A_1462 : i32 to vector<16xi32>
      %add3A_1551 = arith.constant 0 : i32
      %add3A_1552 = vector.broadcast %add3A_1551 : i32 to vector<16xi32>
      %add3A_1553 = arith.addi %iota3A, %add3A_1552 : vector<16xi32>
      %gather3A_1554 = arith.constant 4 : i32
      %gather3A_1555 = arith.constant 0 : i32
      %gather3A_1556 = arith.constant 0 : i32
      %gather3A_1557 = tpu.memref_slice %arg11[%gather3A_1554, %gather3A_1555, %gather3A_1556] : memref<8x32x128xf32, #tpu.memory_space<vmem>> -> memref<1x32x128xf32, #tpu.memory_space<vmem>>
      %gather3A_1558 = tpu.memref_squeeze %gather3A_1557 : memref<1x32x128xf32, #tpu.memory_space<vmem>> -> memref<32x128xf32, #tpu.memory_space<vmem>>
      %gather3A_1559 = tpu.vector_load_idx %gather3A_1558[%add3A_1553, %broadcast_in_dim3A_1549] : memref<32x128xf32, #tpu.memory_space<vmem>>[vector<16xi32>, vector<16xi32>], vector<16xf32>,
      tpu.vector_store_idx %arg13[%add3A_1553, %broadcast_in_dim3A_1550], %gather3A_1559 : memref<32x512xf32, #tpu.memory_space<vmem>>[vector<16xi32>, vector<16xi32>], vector<16xf32>,
      %add3A_1560 = arith.constant 16 : i32
      %add3A_1561 = vector.broadcast %add3A_1560 : i32 to vector<16xi32>
      %add3A_1562 = arith.addi %iota3A, %add3A_1561 : vector<16xi32>
      %gather3A_1563 = arith.constant 4 : i32
      %gather3A_1564 = arith.constant 0 : i32
      %gather3A_1565 = arith.constant 0 : i32
      %gather3A_1566 = tpu.memref_slice %arg11[%gather3A_1563, %gather3A_1564, %gather3A_1565] : memref<8x32x128xf32, #tpu.memory_space<vmem>> -> memref<1x32x128xf32, #tpu.memory_space<vmem>>
      %gather3A_1567 = tpu.memref_squeeze %gather3A_1566 : memref<1x32x128xf32, #tpu.memory_space<vmem>> -> memref<32x128xf32, #tpu.memory_space<vmem>>
      %gather3A_1568 = tpu.vector_load_idx %gather3A_1567[%add3A_1562, %broadcast_in_dim3A_1549] : memref<32x128xf32, #tpu.memory_space<vmem>>[vector<16xi32>, vector<16xi32>], vector<16xf32>,
      tpu.vector_store_idx %arg13[%add3A_1562, %broadcast_in_dim3A_1550], %gather3A_1568 : memref<32x512xf32, #tpu.memory_space<vmem>>[vector<16xi32>, vector<16xi32>], vector<16xf32>,
      %slice3A_1569 = vector.extract_strided_slice %get3A_676 {offsets = [12], sizes = [1], strides = [1]} : vector<16xi32> to vector<1xi32>
      %squeeze3A_1570 = vector.extract %slice3A_1569[0] : i32 from vector<1xi32>
      %slice3A_1571 = vector.extract_strided_slice %get3A_678 {offsets = [12], sizes = [1], strides = [1]} : vector<16xi32> to vector<1xi32>
      %squeeze3A_1572 = vector.extract %slice3A_1571[0] : i32 from vector<1xi32>
      %jit3A_1573 = arith.constant 128 : i32
      %div3A_1574 = arith.divsi %squeeze3A_1570, %jit3A_1573 : i32
      %sign3A_1575 = arith.constant 0 : i32
      %sign3A_1576 = arith.cmpi sgt, %squeeze3A_1570, %sign3A_1575 : i32
      %sign3A_1577 = arith.extui %sign3A_1576 : i1 to i32
      %sign3A_1578 = arith.constant 0 : i32
      %sign3A_1579 = arith.cmpi slt, %squeeze3A_1570, %sign3A_1578 : i32
      %sign3A_1580 = arith.extui %sign3A_1579 : i1 to i32
      %sign3A_1581 = arith.subi %sign3A_1577, %sign3A_1580 : i32
      %sign3A_1582 = arith.constant 0 : i32
      %sign3A_1583 = arith.cmpi sgt, %jit3A_1573, %sign3A_1582 : i32
      %sign3A_1584 = arith.extui %sign3A_1583 : i1 to i32
      %sign3A_1585 = arith.constant 0 : i32
      %sign3A_1586 = arith.cmpi slt, %jit3A_1573, %sign3A_1585 : i32
      %sign3A_1587 = arith.extui %sign3A_1586 : i1 to i32
      %sign3A_1588 = arith.subi %sign3A_1584, %sign3A_1587 : i32
      %ne3A_1589 = arith.cmpi ne, %sign3A_1581, %sign3A_1588 : i32
      %rem3A_1590 = arith.remsi %squeeze3A_1570, %jit3A_1573 : i32
      %ne3A_1591 = arith.constant 0 : i32
      %ne3A_1592 = arith.cmpi ne, %rem3A_1590, %ne3A_1591 : i32
      %and3A_1593 = arith.andi %ne3A_1589, %ne3A_1592 : i1
      %sub3A_1594 = arith.constant 1 : i32
      %sub3A_1595 = arith.subi %div3A_1574, %sub3A_1594 : i32
      %select_n3A_1596 = arith.select %and3A_1593, %sub3A_1595, %div3A_1574 : i32
      %mul3A_1597 = arith.constant 128 : i32
      %mul3A_1598 = arith.muli %select_n3A_1596, %mul3A_1597 : i32
      %multiple_of3A_1599 = tpu.assume_multiple %mul3A_1598, 128 : i32
      %dma_start3A_1600 = arith.constant 4 : i32
      %dma_start3A_1601 = arith.constant 0 : i32
      %dma_start3A_1602 = arith.constant 0 : i32
      %dma_start3A_1603 = tpu.memref_slice %arg10[%dma_start3A_1600, %dma_start3A_1601, %dma_start3A_1602] : memref<8x32x128xf32, #tpu.memory_space<vmem>> -> memref<1x32x128xf32, #tpu.memory_space<vmem>>
      %dma_start3A_1604 = tpu.memref_squeeze %dma_start3A_1603 : memref<1x32x128xf32, #tpu.memory_space<vmem>> -> memref<32x128xf32, #tpu.memory_space<vmem>>
      %dma_start3A_1605 = arith.constant 0 : i32
      %dma_start3A_1606 = tpu.memref_slice %arg4[%dma_start3A_1605, %multiple_of3A_1599] : memref<32x1000001xf32, #tpu.memory_space<hbm>> -> memref<32x128xf32, #tpu.memory_space<hbm>>
      %dma_start3A_1607 = arith.constant 0 : i32
      %dma_start3A_1608 = arith.constant 0 : i32
      %dma_start3A_1609 = tpu.memref_slice %arg10[%dma_start3A_1600, %dma_start3A_1607, %dma_start3A_1608] : memref<8x32x128xf32, #tpu.memory_space<vmem>> -> memref<1x32x128xf32, #tpu.memory_space<vmem>>
      %dma_start3A_1610 = tpu.memref_squeeze %dma_start3A_1609 : memref<1x32x128xf32, #tpu.memory_space<vmem>> -> memref<32x128xf32, #tpu.memory_space<vmem>>
      %dma_start3A_1611 = arith.constant 0 : i32
      %dma_start3A_1612 = tpu.memref_slice %arg4[%dma_start3A_1611, %multiple_of3A_1599] : memref<32x1000001xf32, #tpu.memory_space<hbm>> -> memref<32x128xf32, #tpu.memory_space<hbm>>
      tpu.enqueue_dma source(%dma_start3A_1612 : memref<32x128xf32, #tpu.memory_space<hbm>>) target(%dma_start3A_1610 : memref<32x128xf32, #tpu.memory_space<vmem>>) target_semaphore(%arg18 : memref<!tpu.dma_semaphore, #tpu.memory_space<semaphore_mem>>)
      %jit3A_1613 = arith.constant 128 : i32
      %div3A_1614 = arith.divsi %squeeze3A_1572, %jit3A_1613 : i32
      %sign3A_1615 = arith.constant 0 : i32
      %sign3A_1616 = arith.cmpi sgt, %squeeze3A_1572, %sign3A_1615 : i32
      %sign3A_1617 = arith.extui %sign3A_1616 : i1 to i32
      %sign3A_1618 = arith.constant 0 : i32
      %sign3A_1619 = arith.cmpi slt, %squeeze3A_1572, %sign3A_1618 : i32
      %sign3A_1620 = arith.extui %sign3A_1619 : i1 to i32
      %sign3A_1621 = arith.subi %sign3A_1617, %sign3A_1620 : i32
      %sign3A_1622 = arith.constant 0 : i32
      %sign3A_1623 = arith.cmpi sgt, %jit3A_1613, %sign3A_1622 : i32
      %sign3A_1624 = arith.extui %sign3A_1623 : i1 to i32
      %sign3A_1625 = arith.constant 0 : i32
      %sign3A_1626 = arith.cmpi slt, %jit3A_1613, %sign3A_1625 : i32
      %sign3A_1627 = arith.extui %sign3A_1626 : i1 to i32
      %sign3A_1628 = arith.subi %sign3A_1624, %sign3A_1627 : i32
      %ne3A_1629 = arith.cmpi ne, %sign3A_1621, %sign3A_1628 : i32
      %rem3A_1630 = arith.remsi %squeeze3A_1572, %jit3A_1613 : i32
      %ne3A_1631 = arith.constant 0 : i32
      %ne3A_1632 = arith.cmpi ne, %rem3A_1630, %ne3A_1631 : i32
      %and3A_1633 = arith.andi %ne3A_1629, %ne3A_1632 : i1
      %sub3A_1634 = arith.constant 1 : i32
      %sub3A_1635 = arith.subi %div3A_1614, %sub3A_1634 : i32
      %select_n3A_1636 = arith.select %and3A_1633, %sub3A_1635, %div3A_1614 : i32
      %mul3A_1637 = arith.constant 128 : i32
      %mul3A_1638 = arith.muli %select_n3A_1636, %mul3A_1637 : i32
      %multiple_of3A_1639 = tpu.assume_multiple %mul3A_1638, 128 : i32
      %dma_start3A_1640 = arith.constant 4 : i32
      %dma_start3A_1641 = arith.constant 0 : i32
      %dma_start3A_1642 = arith.constant 0 : i32
      %dma_start3A_1643 = tpu.memref_slice %arg11[%dma_start3A_1640, %dma_start3A_1641, %dma_start3A_1642] : memref<8x32x128xf32, #tpu.memory_space<vmem>> -> memref<1x32x128xf32, #tpu.memory_space<vmem>>
      %dma_start3A_1644 = tpu.memref_squeeze %dma_start3A_1643 : memref<1x32x128xf32, #tpu.memory_space<vmem>> -> memref<32x128xf32, #tpu.memory_space<vmem>>
      %dma_start3A_1645 = arith.constant 0 : i32
      %dma_start3A_1646 = tpu.memref_slice %arg5[%dma_start3A_1645, %multiple_of3A_1639] : memref<32x1000001xf32, #tpu.memory_space<hbm>> -> memref<32x128xf32, #tpu.memory_space<hbm>>
      %dma_start3A_1647 = arith.constant 0 : i32
      %dma_start3A_1648 = arith.constant 0 : i32
      %dma_start3A_1649 = tpu.memref_slice %arg11[%dma_start3A_1640, %dma_start3A_1647, %dma_start3A_1648] : memref<8x32x128xf32, #tpu.memory_space<vmem>> -> memref<1x32x128xf32, #tpu.memory_space<vmem>>
      %dma_start3A_1650 = tpu.memref_squeeze %dma_start3A_1649 : memref<1x32x128xf32, #tpu.memory_space<vmem>> -> memref<32x128xf32, #tpu.memory_space<vmem>>
      %dma_start3A_1651 = arith.constant 0 : i32
      %dma_start3A_1652 = tpu.memref_slice %arg5[%dma_start3A_1651, %multiple_of3A_1639] : memref<32x1000001xf32, #tpu.memory_space<hbm>> -> memref<32x128xf32, #tpu.memory_space<hbm>>
      tpu.enqueue_dma source(%dma_start3A_1652 : memref<32x128xf32, #tpu.memory_space<hbm>>) target(%dma_start3A_1650 : memref<32x128xf32, #tpu.memory_space<vmem>>) target_semaphore(%arg18 : memref<!tpu.dma_semaphore, #tpu.memory_space<semaphore_mem>>)
      %mul3A_1653 = arith.constant 16 : i32
      %mul3A_1654 = arith.muli %scan3A_671, %mul3A_1653 : i32
      %add3A_1655 = arith.constant 5 : i32
      %add3A_1656 = arith.addi %mul3A_1654, %add3A_1655 : i32
      %dma_wait3A_1657 = arith.constant 5 : i32
      %dma_wait3A_1658 = arith.constant 0 : i32
      %dma_wait3A_1659 = arith.constant 0 : i32
      %dma_wait3A_1660 = tpu.memref_slice %arg10[%dma_wait3A_1657, %dma_wait3A_1658, %dma_wait3A_1659] : memref<8x32x128xf32, #tpu.memory_space<vmem>> -> memref<1x32x128xf32, #tpu.memory_space<vmem>>
      %dma_wait3A_1661 = tpu.memref_squeeze %dma_wait3A_1660 : memref<1x32x128xf32, #tpu.memory_space<vmem>> -> memref<32x128xf32, #tpu.memory_space<vmem>>
      %dma_wait3A_1662 = arith.constant 0 : i32
      %dma_wait3A_1663 = arith.constant 0 : i32
      %dma_wait3A_1664 = tpu.memref_slice %arg4[%dma_wait3A_1662, %dma_wait3A_1663] : memref<32x1000001xf32, #tpu.memory_space<hbm>> -> memref<32x128xf32, #tpu.memory_space<hbm>>
      %dma_wait3A_1665 = arith.constant 0 : i32
      %dma_wait3A_1666 = arith.constant 0 : i32
      %dma_wait3A_1667 = tpu.memref_slice %arg10[%dma_wait3A_1657, %dma_wait3A_1665, %dma_wait3A_1666] : memref<8x32x128xf32, #tpu.memory_space<vmem>> -> memref<1x32x128xf32, #tpu.memory_space<vmem>>
      %dma_wait3A_1668 = tpu.memref_squeeze %dma_wait3A_1667 : memref<1x32x128xf32, #tpu.memory_space<vmem>> -> memref<32x128xf32, #tpu.memory_space<vmem>>
      %dma_wait3A_1669 = arith.constant 0 : i32
      %dma_wait3A_1670 = arith.constant 0 : i32
      %dma_wait3A_1671 = tpu.memref_slice %arg4[%dma_wait3A_1669, %dma_wait3A_1670] : memref<32x1000001xf32, #tpu.memory_space<hbm>> -> memref<32x128xf32, #tpu.memory_space<hbm>>
      tpu.wait_dma2 semaphore(%arg19 : memref<!tpu.dma_semaphore, #tpu.memory_space<semaphore_mem>>) src(%dma_wait3A_1671 : memref<32x128xf32, #tpu.memory_space<hbm>>) dst(%dma_wait3A_1668 : memref<32x128xf32, #tpu.memory_space<vmem>>)
      %dma_wait3A_1672 = arith.constant 5 : i32
      %dma_wait3A_1673 = arith.constant 0 : i32
      %dma_wait3A_1674 = arith.constant 0 : i32
      %dma_wait3A_1675 = tpu.memref_slice %arg11[%dma_wait3A_1672, %dma_wait3A_1673, %dma_wait3A_1674] : memref<8x32x128xf32, #tpu.memory_space<vmem>> -> memref<1x32x128xf32, #tpu.memory_space<vmem>>
      %dma_wait3A_1676 = tpu.memref_squeeze %dma_wait3A_1675 : memref<1x32x128xf32, #tpu.memory_space<vmem>> -> memref<32x128xf32, #tpu.memory_space<vmem>>
      %dma_wait3A_1677 = arith.constant 0 : i32
      %dma_wait3A_1678 = arith.constant 0 : i32
      %dma_wait3A_1679 = tpu.memref_slice %arg5[%dma_wait3A_1677, %dma_wait3A_1678] : memref<32x1000001xf32, #tpu.memory_space<hbm>> -> memref<32x128xf32, #tpu.memory_space<hbm>>
      %dma_wait3A_1680 = arith.constant 0 : i32
      %dma_wait3A_1681 = arith.constant 0 : i32
      %dma_wait3A_1682 = tpu.memref_slice %arg11[%dma_wait3A_1672, %dma_wait3A_1680, %dma_wait3A_1681] : memref<8x32x128xf32, #tpu.memory_space<vmem>> -> memref<1x32x128xf32, #tpu.memory_space<vmem>>
      %dma_wait3A_1683 = tpu.memref_squeeze %dma_wait3A_1682 : memref<1x32x128xf32, #tpu.memory_space<vmem>> -> memref<32x128xf32, #tpu.memory_space<vmem>>
      %dma_wait3A_1684 = arith.constant 0 : i32
      %dma_wait3A_1685 = arith.constant 0 : i32
      %dma_wait3A_1686 = tpu.memref_slice %arg5[%dma_wait3A_1684, %dma_wait3A_1685] : memref<32x1000001xf32, #tpu.memory_space<hbm>> -> memref<32x128xf32, #tpu.memory_space<hbm>>
      tpu.wait_dma2 semaphore(%arg19 : memref<!tpu.dma_semaphore, #tpu.memory_space<semaphore_mem>>) src(%dma_wait3A_1686 : memref<32x128xf32, #tpu.memory_space<hbm>>) dst(%dma_wait3A_1683 : memref<32x128xf32, #tpu.memory_space<vmem>>)
      %slice3A_1687 = vector.extract_strided_slice %get3A_676 {offsets = [5], sizes = [1], strides = [1]} : vector<16xi32> to vector<1xi32>
      %squeeze3A_1688 = vector.extract %slice3A_1687[0] : i32 from vector<1xi32>
      %jit3A_1689 = arith.constant 128 : i32
      %eq3A_1690 = arith.constant 0 : i32
      %eq3A_1691 = arith.cmpi eq, %jit3A_1689, %eq3A_1690 : i32
      %jit3A_1692 = arith.constant 1 : i32
      %select_n3A_1693 = arith.select %eq3A_1691, %jit3A_1692, %jit3A_1689 : i32
      %rem3A_1694 = arith.remsi %squeeze3A_1688, %select_n3A_1693 : i32
      %ne3A_1695 = arith.constant 0 : i32
      %ne3A_1696 = arith.cmpi ne, %rem3A_1694, %ne3A_1695 : i32
      %lt3A_1697 = arith.constant 0 : i32
      %lt3A_1698 = arith.cmpi slt, %rem3A_1694, %lt3A_1697 : i32
      %lt3A_1699 = arith.constant 0 : i32
      %lt3A_1700 = arith.cmpi slt, %select_n3A_1693, %lt3A_1699 : i32
      %ne3A_1701 = arith.xori %lt3A_1698, %lt3A_1700 : i1
      %and3A_1702 = arith.andi %ne3A_1701, %ne3A_1696 : i1
      %add3A_1703 = arith.addi %rem3A_1694, %select_n3A_1693 : i32
      %select_n3A_1704 = arith.select %and3A_1702, %add3A_1703, %rem3A_1694 : i32
      %broadcast_in_dim3A_1705 = vector.broadcast %select_n3A_1704 : i32 to vector<16xi32>
      %broadcast_in_dim3A_1706 = vector.broadcast %add3A_1656 : i32 to vector<16xi32>
      %add3A_1707 = arith.constant 0 : i32
      %add3A_1708 = vector.broadcast %add3A_1707 : i32 to vector<16xi32>
      %add3A_1709 = arith.addi %iota3A, %add3A_1708 : vector<16xi32>
      %gather3A_1710 = arith.constant 5 : i32
      %gather3A_1711 = arith.constant 0 : i32
      %gather3A_1712 = arith.constant 0 : i32
      %gather3A_1713 = tpu.memref_slice %arg10[%gather3A_1710, %gather3A_1711, %gather3A_1712] : memref<8x32x128xf32, #tpu.memory_space<vmem>> -> memref<1x32x128xf32, #tpu.memory_space<vmem>>
      %gather3A_1714 = tpu.memref_squeeze %gather3A_1713 : memref<1x32x128xf32, #tpu.memory_space<vmem>> -> memref<32x128xf32, #tpu.memory_space<vmem>>
      %gather3A_1715 = tpu.vector_load_idx %gather3A_1714[%add3A_1709, %broadcast_in_dim3A_1705] : memref<32x128xf32, #tpu.memory_space<vmem>>[vector<16xi32>, vector<16xi32>], vector<16xf32>,
      tpu.vector_store_idx %arg12[%add3A_1709, %broadcast_in_dim3A_1706], %gather3A_1715 : memref<32x512xf32, #tpu.memory_space<vmem>>[vector<16xi32>, vector<16xi32>], vector<16xf32>,
      %add3A_1716 = arith.constant 16 : i32
      %add3A_1717 = vector.broadcast %add3A_1716 : i32 to vector<16xi32>
      %add3A_1718 = arith.addi %iota3A, %add3A_1717 : vector<16xi32>
      %gather3A_1719 = arith.constant 5 : i32
      %gather3A_1720 = arith.constant 0 : i32
      %gather3A_1721 = arith.constant 0 : i32
      %gather3A_1722 = tpu.memref_slice %arg10[%gather3A_1719, %gather3A_1720, %gather3A_1721] : memref<8x32x128xf32, #tpu.memory_space<vmem>> -> memref<1x32x128xf32, #tpu.memory_space<vmem>>
      %gather3A_1723 = tpu.memref_squeeze %gather3A_1722 : memref<1x32x128xf32, #tpu.memory_space<vmem>> -> memref<32x128xf32, #tpu.memory_space<vmem>>
      %gather3A_1724 = tpu.vector_load_idx %gather3A_1723[%add3A_1718, %broadcast_in_dim3A_1705] : memref<32x128xf32, #tpu.memory_space<vmem>>[vector<16xi32>, vector<16xi32>], vector<16xf32>,
      tpu.vector_store_idx %arg12[%add3A_1718, %broadcast_in_dim3A_1706], %gather3A_1724 : memref<32x512xf32, #tpu.memory_space<vmem>>[vector<16xi32>, vector<16xi32>], vector<16xf32>,
      %slice3A_1725 = vector.extract_strided_slice %get3A_678 {offsets = [5], sizes = [1], strides = [1]} : vector<16xi32> to vector<1xi32>
      %squeeze3A_1726 = vector.extract %slice3A_1725[0] : i32 from vector<1xi32>
      %jit3A_1727 = arith.constant 128 : i32
      %eq3A_1728 = arith.constant 0 : i32
      %eq3A_1729 = arith.cmpi eq, %jit3A_1727, %eq3A_1728 : i32
      %jit3A_1730 = arith.constant 1 : i32
      %select_n3A_1731 = arith.select %eq3A_1729, %jit3A_1730, %jit3A_1727 : i32
      %rem3A_1732 = arith.remsi %squeeze3A_1726, %select_n3A_1731 : i32
      %ne3A_1733 = arith.constant 0 : i32
      %ne3A_1734 = arith.cmpi ne, %rem3A_1732, %ne3A_1733 : i32
      %lt3A_1735 = arith.constant 0 : i32
      %lt3A_1736 = arith.cmpi slt, %rem3A_1732, %lt3A_1735 : i32
      %lt3A_1737 = arith.constant 0 : i32
      %lt3A_1738 = arith.cmpi slt, %select_n3A_1731, %lt3A_1737 : i32
      %ne3A_1739 = arith.xori %lt3A_1736, %lt3A_1738 : i1
      %and3A_1740 = arith.andi %ne3A_1739, %ne3A_1734 : i1
      %add3A_1741 = arith.addi %rem3A_1732, %select_n3A_1731 : i32
      %select_n3A_1742 = arith.select %and3A_1740, %add3A_1741, %rem3A_1732 : i32
      %broadcast_in_dim3A_1743 = vector.broadcast %select_n3A_1742 : i32 to vector<16xi32>
      %broadcast_in_dim3A_1744 = vector.broadcast %add3A_1656 : i32 to vector<16xi32>
      %add3A_1745 = arith.constant 0 : i32
      %add3A_1746 = vector.broadcast %add3A_1745 : i32 to vector<16xi32>
      %add3A_1747 = arith.addi %iota3A, %add3A_1746 : vector<16xi32>
      %gather3A_1748 = arith.constant 5 : i32
      %gather3A_1749 = arith.constant 0 : i32
      %gather3A_1750 = arith.constant 0 : i32
      %gather3A_1751 = tpu.memref_slice %arg11[%gather3A_1748, %gather3A_1749, %gather3A_1750] : memref<8x32x128xf32, #tpu.memory_space<vmem>> -> memref<1x32x128xf32, #tpu.memory_space<vmem>>
      %gather3A_1752 = tpu.memref_squeeze %gather3A_1751 : memref<1x32x128xf32, #tpu.memory_space<vmem>> -> memref<32x128xf32, #tpu.memory_space<vmem>>
      %gather3A_1753 = tpu.vector_load_idx %gather3A_1752[%add3A_1747, %broadcast_in_dim3A_1743] : memref<32x128xf32, #tpu.memory_space<vmem>>[vector<16xi32>, vector<16xi32>], vector<16xf32>,
      tpu.vector_store_idx %arg13[%add3A_1747, %broadcast_in_dim3A_1744], %gather3A_1753 : memref<32x512xf32, #tpu.memory_space<vmem>>[vector<16xi32>, vector<16xi32>], vector<16xf32>,
      %add3A_1754 = arith.constant 16 : i32
      %add3A_1755 = vector.broadcast %add3A_1754 : i32 to vector<16xi32>
      %add3A_1756 = arith.addi %iota3A, %add3A_1755 : vector<16xi32>
      %gather3A_1757 = arith.constant 5 : i32
      %gather3A_1758 = arith.constant 0 : i32
      %gather3A_1759 = arith.constant 0 : i32
      %gather3A_1760 = tpu.memref_slice %arg11[%gather3A_1757, %gather3A_1758, %gather3A_1759] : memref<8x32x128xf32, #tpu.memory_space<vmem>> -> memref<1x32x128xf32, #tpu.memory_space<vmem>>
      %gather3A_1761 = tpu.memref_squeeze %gather3A_1760 : memref<1x32x128xf32, #tpu.memory_space<vmem>> -> memref<32x128xf32, #tpu.memory_space<vmem>>
      %gather3A_1762 = tpu.vector_load_idx %gather3A_1761[%add3A_1756, %broadcast_in_dim3A_1743] : memref<32x128xf32, #tpu.memory_space<vmem>>[vector<16xi32>, vector<16xi32>], vector<16xf32>,
      tpu.vector_store_idx %arg13[%add3A_1756, %broadcast_in_dim3A_1744], %gather3A_1762 : memref<32x512xf32, #tpu.memory_space<vmem>>[vector<16xi32>, vector<16xi32>], vector<16xf32>,
      %slice3A_1763 = vector.extract_strided_slice %get3A_676 {offsets = [13], sizes = [1], strides = [1]} : vector<16xi32> to vector<1xi32>
      %squeeze3A_1764 = vector.extract %slice3A_1763[0] : i32 from vector<1xi32>
      %slice3A_1765 = vector.extract_strided_slice %get3A_678 {offsets = [13], sizes = [1], strides = [1]} : vector<16xi32> to vector<1xi32>
      %squeeze3A_1766 = vector.extract %slice3A_1765[0] : i32 from vector<1xi32>
      %jit3A_1767 = arith.constant 128 : i32
      %div3A_1768 = arith.divsi %squeeze3A_1764, %jit3A_1767 : i32
      %sign3A_1769 = arith.constant 0 : i32
      %sign3A_1770 = arith.cmpi sgt, %squeeze3A_1764, %sign3A_1769 : i32
      %sign3A_1771 = arith.extui %sign3A_1770 : i1 to i32
      %sign3A_1772 = arith.constant 0 : i32
      %sign3A_1773 = arith.cmpi slt, %squeeze3A_1764, %sign3A_1772 : i32
      %sign3A_1774 = arith.extui %sign3A_1773 : i1 to i32
      %sign3A_1775 = arith.subi %sign3A_1771, %sign3A_1774 : i32
      %sign3A_1776 = arith.constant 0 : i32
      %sign3A_1777 = arith.cmpi sgt, %jit3A_1767, %sign3A_1776 : i32
      %sign3A_1778 = arith.extui %sign3A_1777 : i1 to i32
      %sign3A_1779 = arith.constant 0 : i32
      %sign3A_1780 = arith.cmpi slt, %jit3A_1767, %sign3A_1779 : i32
      %sign3A_1781 = arith.extui %sign3A_1780 : i1 to i32
      %sign3A_1782 = arith.subi %sign3A_1778, %sign3A_1781 : i32
      %ne3A_1783 = arith.cmpi ne, %sign3A_1775, %sign3A_1782 : i32
      %rem3A_1784 = arith.remsi %squeeze3A_1764, %jit3A_1767 : i32
      %ne3A_1785 = arith.constant 0 : i32
      %ne3A_1786 = arith.cmpi ne, %rem3A_1784, %ne3A_1785 : i32
      %and3A_1787 = arith.andi %ne3A_1783, %ne3A_1786 : i1
      %sub3A_1788 = arith.constant 1 : i32
      %sub3A_1789 = arith.subi %div3A_1768, %sub3A_1788 : i32
      %select_n3A_1790 = arith.select %and3A_1787, %sub3A_1789, %div3A_1768 : i32
      %mul3A_1791 = arith.constant 128 : i32
      %mul3A_1792 = arith.muli %select_n3A_1790, %mul3A_1791 : i32
      %multiple_of3A_1793 = tpu.assume_multiple %mul3A_1792, 128 : i32
      %dma_start3A_1794 = arith.constant 5 : i32
      %dma_start3A_1795 = arith.constant 0 : i32
      %dma_start3A_1796 = arith.constant 0 : i32
      %dma_start3A_1797 = tpu.memref_slice %arg10[%dma_start3A_1794, %dma_start3A_1795, %dma_start3A_1796] : memref<8x32x128xf32, #tpu.memory_space<vmem>> -> memref<1x32x128xf32, #tpu.memory_space<vmem>>
      %dma_start3A_1798 = tpu.memref_squeeze %dma_start3A_1797 : memref<1x32x128xf32, #tpu.memory_space<vmem>> -> memref<32x128xf32, #tpu.memory_space<vmem>>
      %dma_start3A_1799 = arith.constant 0 : i32
      %dma_start3A_1800 = tpu.memref_slice %arg4[%dma_start3A_1799, %multiple_of3A_1793] : memref<32x1000001xf32, #tpu.memory_space<hbm>> -> memref<32x128xf32, #tpu.memory_space<hbm>>
      %dma_start3A_1801 = arith.constant 0 : i32
      %dma_start3A_1802 = arith.constant 0 : i32
      %dma_start3A_1803 = tpu.memref_slice %arg10[%dma_start3A_1794, %dma_start3A_1801, %dma_start3A_1802] : memref<8x32x128xf32, #tpu.memory_space<vmem>> -> memref<1x32x128xf32, #tpu.memory_space<vmem>>
      %dma_start3A_1804 = tpu.memref_squeeze %dma_start3A_1803 : memref<1x32x128xf32, #tpu.memory_space<vmem>> -> memref<32x128xf32, #tpu.memory_space<vmem>>
      %dma_start3A_1805 = arith.constant 0 : i32
      %dma_start3A_1806 = tpu.memref_slice %arg4[%dma_start3A_1805, %multiple_of3A_1793] : memref<32x1000001xf32, #tpu.memory_space<hbm>> -> memref<32x128xf32, #tpu.memory_space<hbm>>
      tpu.enqueue_dma source(%dma_start3A_1806 : memref<32x128xf32, #tpu.memory_space<hbm>>) target(%dma_start3A_1804 : memref<32x128xf32, #tpu.memory_space<vmem>>) target_semaphore(%arg19 : memref<!tpu.dma_semaphore, #tpu.memory_space<semaphore_mem>>)
      %jit3A_1807 = arith.constant 128 : i32
      %div3A_1808 = arith.divsi %squeeze3A_1766, %jit3A_1807 : i32
      %sign3A_1809 = arith.constant 0 : i32
      %sign3A_1810 = arith.cmpi sgt, %squeeze3A_1766, %sign3A_1809 : i32
      %sign3A_1811 = arith.extui %sign3A_1810 : i1 to i32
      %sign3A_1812 = arith.constant 0 : i32
      %sign3A_1813 = arith.cmpi slt, %squeeze3A_1766, %sign3A_1812 : i32
      %sign3A_1814 = arith.extui %sign3A_1813 : i1 to i32
      %sign3A_1815 = arith.subi %sign3A_1811, %sign3A_1814 : i32
      %sign3A_1816 = arith.constant 0 : i32
      %sign3A_1817 = arith.cmpi sgt, %jit3A_1807, %sign3A_1816 : i32
      %sign3A_1818 = arith.extui %sign3A_1817 : i1 to i32
      %sign3A_1819 = arith.constant 0 : i32
      %sign3A_1820 = arith.cmpi slt, %jit3A_1807, %sign3A_1819 : i32
      %sign3A_1821 = arith.extui %sign3A_1820 : i1 to i32
      %sign3A_1822 = arith.subi %sign3A_1818, %sign3A_1821 : i32
      %ne3A_1823 = arith.cmpi ne, %sign3A_1815, %sign3A_1822 : i32
      %rem3A_1824 = arith.remsi %squeeze3A_1766, %jit3A_1807 : i32
      %ne3A_1825 = arith.constant 0 : i32
      %ne3A_1826 = arith.cmpi ne, %rem3A_1824, %ne3A_1825 : i32
      %and3A_1827 = arith.andi %ne3A_1823, %ne3A_1826 : i1
      %sub3A_1828 = arith.constant 1 : i32
      %sub3A_1829 = arith.subi %div3A_1808, %sub3A_1828 : i32
      %select_n3A_1830 = arith.select %and3A_1827, %sub3A_1829, %div3A_1808 : i32
      %mul3A_1831 = arith.constant 128 : i32
      %mul3A_1832 = arith.muli %select_n3A_1830, %mul3A_1831 : i32
      %multiple_of3A_1833 = tpu.assume_multiple %mul3A_1832, 128 : i32
      %dma_start3A_1834 = arith.constant 5 : i32
      %dma_start3A_1835 = arith.constant 0 : i32
      %dma_start3A_1836 = arith.constant 0 : i32
      %dma_start3A_1837 = tpu.memref_slice %arg11[%dma_start3A_1834, %dma_start3A_1835, %dma_start3A_1836] : memref<8x32x128xf32, #tpu.memory_space<vmem>> -> memref<1x32x128xf32, #tpu.memory_space<vmem>>
      %dma_start3A_1838 = tpu.memref_squeeze %dma_start3A_1837 : memref<1x32x128xf32, #tpu.memory_space<vmem>> -> memref<32x128xf32, #tpu.memory_space<vmem>>
      %dma_start3A_1839 = arith.constant 0 : i32
      %dma_start3A_1840 = tpu.memref_slice %arg5[%dma_start3A_1839, %multiple_of3A_1833] : memref<32x1000001xf32, #tpu.memory_space<hbm>> -> memref<32x128xf32, #tpu.memory_space<hbm>>
      %dma_start3A_1841 = arith.constant 0 : i32
      %dma_start3A_1842 = arith.constant 0 : i32
      %dma_start3A_1843 = tpu.memref_slice %arg11[%dma_start3A_1834, %dma_start3A_1841, %dma_start3A_1842] : memref<8x32x128xf32, #tpu.memory_space<vmem>> -> memref<1x32x128xf32, #tpu.memory_space<vmem>>
      %dma_start3A_1844 = tpu.memref_squeeze %dma_start3A_1843 : memref<1x32x128xf32, #tpu.memory_space<vmem>> -> memref<32x128xf32, #tpu.memory_space<vmem>>
      %dma_start3A_1845 = arith.constant 0 : i32
      %dma_start3A_1846 = tpu.memref_slice %arg5[%dma_start3A_1845, %multiple_of3A_1833] : memref<32x1000001xf32, #tpu.memory_space<hbm>> -> memref<32x128xf32, #tpu.memory_space<hbm>>
      tpu.enqueue_dma source(%dma_start3A_1846 : memref<32x128xf32, #tpu.memory_space<hbm>>) target(%dma_start3A_1844 : memref<32x128xf32, #tpu.memory_space<vmem>>) target_semaphore(%arg19 : memref<!tpu.dma_semaphore, #tpu.memory_space<semaphore_mem>>)
      %mul3A_1847 = arith.constant 16 : i32
      %mul3A_1848 = arith.muli %scan3A_671, %mul3A_1847 : i32
      %add3A_1849 = arith.constant 6 : i32
      %add3A_1850 = arith.addi %mul3A_1848, %add3A_1849 : i32
      %dma_wait3A_1851 = arith.constant 6 : i32
      %dma_wait3A_1852 = arith.constant 0 : i32
      %dma_wait3A_1853 = arith.constant 0 : i32
      %dma_wait3A_1854 = tpu.memref_slice %arg10[%dma_wait3A_1851, %dma_wait3A_1852, %dma_wait3A_1853] : memref<8x32x128xf32, #tpu.memory_space<vmem>> -> memref<1x32x128xf32, #tpu.memory_space<vmem>>
      %dma_wait3A_1855 = tpu.memref_squeeze %dma_wait3A_1854 : memref<1x32x128xf32, #tpu.memory_space<vmem>> -> memref<32x128xf32, #tpu.memory_space<vmem>>
      %dma_wait3A_1856 = arith.constant 0 : i32
      %dma_wait3A_1857 = arith.constant 0 : i32
      %dma_wait3A_1858 = tpu.memref_slice %arg4[%dma_wait3A_1856, %dma_wait3A_1857] : memref<32x1000001xf32, #tpu.memory_space<hbm>> -> memref<32x128xf32, #tpu.memory_space<hbm>>
      %dma_wait3A_1859 = arith.constant 0 : i32
      %dma_wait3A_1860 = arith.constant 0 : i32
      %dma_wait3A_1861 = tpu.memref_slice %arg10[%dma_wait3A_1851, %dma_wait3A_1859, %dma_wait3A_1860] : memref<8x32x128xf32, #tpu.memory_space<vmem>> -> memref<1x32x128xf32, #tpu.memory_space<vmem>>
      %dma_wait3A_1862 = tpu.memref_squeeze %dma_wait3A_1861 : memref<1x32x128xf32, #tpu.memory_space<vmem>> -> memref<32x128xf32, #tpu.memory_space<vmem>>
      %dma_wait3A_1863 = arith.constant 0 : i32
      %dma_wait3A_1864 = arith.constant 0 : i32
      %dma_wait3A_1865 = tpu.memref_slice %arg4[%dma_wait3A_1863, %dma_wait3A_1864] : memref<32x1000001xf32, #tpu.memory_space<hbm>> -> memref<32x128xf32, #tpu.memory_space<hbm>>
      tpu.wait_dma2 semaphore(%arg20 : memref<!tpu.dma_semaphore, #tpu.memory_space<semaphore_mem>>) src(%dma_wait3A_1865 : memref<32x128xf32, #tpu.memory_space<hbm>>) dst(%dma_wait3A_1862 : memref<32x128xf32, #tpu.memory_space<vmem>>)
      %dma_wait3A_1866 = arith.constant 6 : i32
      %dma_wait3A_1867 = arith.constant 0 : i32
      %dma_wait3A_1868 = arith.constant 0 : i32
      %dma_wait3A_1869 = tpu.memref_slice %arg11[%dma_wait3A_1866, %dma_wait3A_1867, %dma_wait3A_1868] : memref<8x32x128xf32, #tpu.memory_space<vmem>> -> memref<1x32x128xf32, #tpu.memory_space<vmem>>
      %dma_wait3A_1870 = tpu.memref_squeeze %dma_wait3A_1869 : memref<1x32x128xf32, #tpu.memory_space<vmem>> -> memref<32x128xf32, #tpu.memory_space<vmem>>
      %dma_wait3A_1871 = arith.constant 0 : i32
      %dma_wait3A_1872 = arith.constant 0 : i32
      %dma_wait3A_1873 = tpu.memref_slice %arg5[%dma_wait3A_1871, %dma_wait3A_1872] : memref<32x1000001xf32, #tpu.memory_space<hbm>> -> memref<32x128xf32, #tpu.memory_space<hbm>>
      %dma_wait3A_1874 = arith.constant 0 : i32
      %dma_wait3A_1875 = arith.constant 0 : i32
      %dma_wait3A_1876 = tpu.memref_slice %arg11[%dma_wait3A_1866, %dma_wait3A_1874, %dma_wait3A_1875] : memref<8x32x128xf32, #tpu.memory_space<vmem>> -> memref<1x32x128xf32, #tpu.memory_space<vmem>>
      %dma_wait3A_1877 = tpu.memref_squeeze %dma_wait3A_1876 : memref<1x32x128xf32, #tpu.memory_space<vmem>> -> memref<32x128xf32, #tpu.memory_space<vmem>>
      %dma_wait3A_1878 = arith.constant 0 : i32
      %dma_wait3A_1879 = arith.constant 0 : i32
      %dma_wait3A_1880 = tpu.memref_slice %arg5[%dma_wait3A_1878, %dma_wait3A_1879] : memref<32x1000001xf32, #tpu.memory_space<hbm>> -> memref<32x128xf32, #tpu.memory_space<hbm>>
      tpu.wait_dma2 semaphore(%arg20 : memref<!tpu.dma_semaphore, #tpu.memory_space<semaphore_mem>>) src(%dma_wait3A_1880 : memref<32x128xf32, #tpu.memory_space<hbm>>) dst(%dma_wait3A_1877 : memref<32x128xf32, #tpu.memory_space<vmem>>)
      %slice3A_1881 = vector.extract_strided_slice %get3A_676 {offsets = [6], sizes = [1], strides = [1]} : vector<16xi32> to vector<1xi32>
      %squeeze3A_1882 = vector.extract %slice3A_1881[0] : i32 from vector<1xi32>
      %jit3A_1883 = arith.constant 128 : i32
      %eq3A_1884 = arith.constant 0 : i32
      %eq3A_1885 = arith.cmpi eq, %jit3A_1883, %eq3A_1884 : i32
      %jit3A_1886 = arith.constant 1 : i32
      %select_n3A_1887 = arith.select %eq3A_1885, %jit3A_1886, %jit3A_1883 : i32
      %rem3A_1888 = arith.remsi %squeeze3A_1882, %select_n3A_1887 : i32
      %ne3A_1889 = arith.constant 0 : i32
      %ne3A_1890 = arith.cmpi ne, %rem3A_1888, %ne3A_1889 : i32
      %lt3A_1891 = arith.constant 0 : i32
      %lt3A_1892 = arith.cmpi slt, %rem3A_1888, %lt3A_1891 : i32
      %lt3A_1893 = arith.constant 0 : i32
      %lt3A_1894 = arith.cmpi slt, %select_n3A_1887, %lt3A_1893 : i32
      %ne3A_1895 = arith.xori %lt3A_1892, %lt3A_1894 : i1
      %and3A_1896 = arith.andi %ne3A_1895, %ne3A_1890 : i1
      %add3A_1897 = arith.addi %rem3A_1888, %select_n3A_1887 : i32
      %select_n3A_1898 = arith.select %and3A_1896, %add3A_1897, %rem3A_1888 : i32
      %broadcast_in_dim3A_1899 = vector.broadcast %select_n3A_1898 : i32 to vector<16xi32>
      %broadcast_in_dim3A_1900 = vector.broadcast %add3A_1850 : i32 to vector<16xi32>
      %add3A_1901 = arith.constant 0 : i32
      %add3A_1902 = vector.broadcast %add3A_1901 : i32 to vector<16xi32>
      %add3A_1903 = arith.addi %iota3A, %add3A_1902 : vector<16xi32>
      %gather3A_1904 = arith.constant 6 : i32
      %gather3A_1905 = arith.constant 0 : i32
      %gather3A_1906 = arith.constant 0 : i32
      %gather3A_1907 = tpu.memref_slice %arg10[%gather3A_1904, %gather3A_1905, %gather3A_1906] : memref<8x32x128xf32, #tpu.memory_space<vmem>> -> memref<1x32x128xf32, #tpu.memory_space<vmem>>
      %gather3A_1908 = tpu.memref_squeeze %gather3A_1907 : memref<1x32x128xf32, #tpu.memory_space<vmem>> -> memref<32x128xf32, #tpu.memory_space<vmem>>
      %gather3A_1909 = tpu.vector_load_idx %gather3A_1908[%add3A_1903, %broadcast_in_dim3A_1899] : memref<32x128xf32, #tpu.memory_space<vmem>>[vector<16xi32>, vector<16xi32>], vector<16xf32>,
      tpu.vector_store_idx %arg12[%add3A_1903, %broadcast_in_dim3A_1900], %gather3A_1909 : memref<32x512xf32, #tpu.memory_space<vmem>>[vector<16xi32>, vector<16xi32>], vector<16xf32>,
      %add3A_1910 = arith.constant 16 : i32
      %add3A_1911 = vector.broadcast %add3A_1910 : i32 to vector<16xi32>
      %add3A_1912 = arith.addi %iota3A, %add3A_1911 : vector<16xi32>
      %gather3A_1913 = arith.constant 6 : i32
      %gather3A_1914 = arith.constant 0 : i32
      %gather3A_1915 = arith.constant 0 : i32
      %gather3A_1916 = tpu.memref_slice %arg10[%gather3A_1913, %gather3A_1914, %gather3A_1915] : memref<8x32x128xf32, #tpu.memory_space<vmem>> -> memref<1x32x128xf32, #tpu.memory_space<vmem>>
      %gather3A_1917 = tpu.memref_squeeze %gather3A_1916 : memref<1x32x128xf32, #tpu.memory_space<vmem>> -> memref<32x128xf32, #tpu.memory_space<vmem>>
      %gather3A_1918 = tpu.vector_load_idx %gather3A_1917[%add3A_1912, %broadcast_in_dim3A_1899] : memref<32x128xf32, #tpu.memory_space<vmem>>[vector<16xi32>, vector<16xi32>], vector<16xf32>,
      tpu.vector_store_idx %arg12[%add3A_1912, %broadcast_in_dim3A_1900], %gather3A_1918 : memref<32x512xf32, #tpu.memory_space<vmem>>[vector<16xi32>, vector<16xi32>], vector<16xf32>,
      %slice3A_1919 = vector.extract_strided_slice %get3A_678 {offsets = [6], sizes = [1], strides = [1]} : vector<16xi32> to vector<1xi32>
      %squeeze3A_1920 = vector.extract %slice3A_1919[0] : i32 from vector<1xi32>
      %jit3A_1921 = arith.constant 128 : i32
      %eq3A_1922 = arith.constant 0 : i32
      %eq3A_1923 = arith.cmpi eq, %jit3A_1921, %eq3A_1922 : i32
      %jit3A_1924 = arith.constant 1 : i32
      %select_n3A_1925 = arith.select %eq3A_1923, %jit3A_1924, %jit3A_1921 : i32
      %rem3A_1926 = arith.remsi %squeeze3A_1920, %select_n3A_1925 : i32
      %ne3A_1927 = arith.constant 0 : i32
      %ne3A_1928 = arith.cmpi ne, %rem3A_1926, %ne3A_1927 : i32
      %lt3A_1929 = arith.constant 0 : i32
      %lt3A_1930 = arith.cmpi slt, %rem3A_1926, %lt3A_1929 : i32
      %lt3A_1931 = arith.constant 0 : i32
      %lt3A_1932 = arith.cmpi slt, %select_n3A_1925, %lt3A_1931 : i32
      %ne3A_1933 = arith.xori %lt3A_1930, %lt3A_1932 : i1
      %and3A_1934 = arith.andi %ne3A_1933, %ne3A_1928 : i1
      %add3A_1935 = arith.addi %rem3A_1926, %select_n3A_1925 : i32
      %select_n3A_1936 = arith.select %and3A_1934, %add3A_1935, %rem3A_1926 : i32
      %broadcast_in_dim3A_1937 = vector.broadcast %select_n3A_1936 : i32 to vector<16xi32>
      %broadcast_in_dim3A_1938 = vector.broadcast %add3A_1850 : i32 to vector<16xi32>
      %add3A_1939 = arith.constant 0 : i32
      %add3A_1940 = vector.broadcast %add3A_1939 : i32 to vector<16xi32>
      %add3A_1941 = arith.addi %iota3A, %add3A_1940 : vector<16xi32>
      %gather3A_1942 = arith.constant 6 : i32
      %gather3A_1943 = arith.constant 0 : i32
      %gather3A_1944 = arith.constant 0 : i32
      %gather3A_1945 = tpu.memref_slice %arg11[%gather3A_1942, %gather3A_1943, %gather3A_1944] : memref<8x32x128xf32, #tpu.memory_space<vmem>> -> memref<1x32x128xf32, #tpu.memory_space<vmem>>
      %gather3A_1946 = tpu.memref_squeeze %gather3A_1945 : memref<1x32x128xf32, #tpu.memory_space<vmem>> -> memref<32x128xf32, #tpu.memory_space<vmem>>
      %gather3A_1947 = tpu.vector_load_idx %gather3A_1946[%add3A_1941, %broadcast_in_dim3A_1937] : memref<32x128xf32, #tpu.memory_space<vmem>>[vector<16xi32>, vector<16xi32>], vector<16xf32>,
      tpu.vector_store_idx %arg13[%add3A_1941, %broadcast_in_dim3A_1938], %gather3A_1947 : memref<32x512xf32, #tpu.memory_space<vmem>>[vector<16xi32>, vector<16xi32>], vector<16xf32>,
      %add3A_1948 = arith.constant 16 : i32
      %add3A_1949 = vector.broadcast %add3A_1948 : i32 to vector<16xi32>
      %add3A_1950 = arith.addi %iota3A, %add3A_1949 : vector<16xi32>
      %gather3A_1951 = arith.constant 6 : i32
      %gather3A_1952 = arith.constant 0 : i32
      %gather3A_1953 = arith.constant 0 : i32
      %gather3A_1954 = tpu.memref_slice %arg11[%gather3A_1951, %gather3A_1952, %gather3A_1953] : memref<8x32x128xf32, #tpu.memory_space<vmem>> -> memref<1x32x128xf32, #tpu.memory_space<vmem>>
      %gather3A_1955 = tpu.memref_squeeze %gather3A_1954 : memref<1x32x128xf32, #tpu.memory_space<vmem>> -> memref<32x128xf32, #tpu.memory_space<vmem>>
      %gather3A_1956 = tpu.vector_load_idx %gather3A_1955[%add3A_1950, %broadcast_in_dim3A_1937] : memref<32x128xf32, #tpu.memory_space<vmem>>[vector<16xi32>, vector<16xi32>], vector<16xf32>,
      tpu.vector_store_idx %arg13[%add3A_1950, %broadcast_in_dim3A_1938], %gather3A_1956 : memref<32x512xf32, #tpu.memory_space<vmem>>[vector<16xi32>, vector<16xi32>], vector<16xf32>,
      %slice3A_1957 = vector.extract_strided_slice %get3A_676 {offsets = [14], sizes = [1], strides = [1]} : vector<16xi32> to vector<1xi32>
      %squeeze3A_1958 = vector.extract %slice3A_1957[0] : i32 from vector<1xi32>
      %slice3A_1959 = vector.extract_strided_slice %get3A_678 {offsets = [14], sizes = [1], strides = [1]} : vector<16xi32> to vector<1xi32>
      %squeeze3A_1960 = vector.extract %slice3A_1959[0] : i32 from vector<1xi32>
      %jit3A_1961 = arith.constant 128 : i32
      %div3A_1962 = arith.divsi %squeeze3A_1958, %jit3A_1961 : i32
      %sign3A_1963 = arith.constant 0 : i32
      %sign3A_1964 = arith.cmpi sgt, %squeeze3A_1958, %sign3A_1963 : i32
      %sign3A_1965 = arith.extui %sign3A_1964 : i1 to i32
      %sign3A_1966 = arith.constant 0 : i32
      %sign3A_1967 = arith.cmpi slt, %squeeze3A_1958, %sign3A_1966 : i32
      %sign3A_1968 = arith.extui %sign3A_1967 : i1 to i32
      %sign3A_1969 = arith.subi %sign3A_1965, %sign3A_1968 : i32
      %sign3A_1970 = arith.constant 0 : i32
      %sign3A_1971 = arith.cmpi sgt, %jit3A_1961, %sign3A_1970 : i32
      %sign3A_1972 = arith.extui %sign3A_1971 : i1 to i32
      %sign3A_1973 = arith.constant 0 : i32
      %sign3A_1974 = arith.cmpi slt, %jit3A_1961, %sign3A_1973 : i32
      %sign3A_1975 = arith.extui %sign3A_1974 : i1 to i32
      %sign3A_1976 = arith.subi %sign3A_1972, %sign3A_1975 : i32
      %ne3A_1977 = arith.cmpi ne, %sign3A_1969, %sign3A_1976 : i32
      %rem3A_1978 = arith.remsi %squeeze3A_1958, %jit3A_1961 : i32
      %ne3A_1979 = arith.constant 0 : i32
      %ne3A_1980 = arith.cmpi ne, %rem3A_1978, %ne3A_1979 : i32
      %and3A_1981 = arith.andi %ne3A_1977, %ne3A_1980 : i1
      %sub3A_1982 = arith.constant 1 : i32
      %sub3A_1983 = arith.subi %div3A_1962, %sub3A_1982 : i32
      %select_n3A_1984 = arith.select %and3A_1981, %sub3A_1983, %div3A_1962 : i32
      %mul3A_1985 = arith.constant 128 : i32
      %mul3A_1986 = arith.muli %select_n3A_1984, %mul3A_1985 : i32
      %multiple_of3A_1987 = tpu.assume_multiple %mul3A_1986, 128 : i32
      %dma_start3A_1988 = arith.constant 6 : i32
      %dma_start3A_1989 = arith.constant 0 : i32
      %dma_start3A_1990 = arith.constant 0 : i32
      %dma_start3A_1991 = tpu.memref_slice %arg10[%dma_start3A_1988, %dma_start3A_1989, %dma_start3A_1990] : memref<8x32x128xf32, #tpu.memory_space<vmem>> -> memref<1x32x128xf32, #tpu.memory_space<vmem>>
      %dma_start3A_1992 = tpu.memref_squeeze %dma_start3A_1991 : memref<1x32x128xf32, #tpu.memory_space<vmem>> -> memref<32x128xf32, #tpu.memory_space<vmem>>
      %dma_start3A_1993 = arith.constant 0 : i32
      %dma_start3A_1994 = tpu.memref_slice %arg4[%dma_start3A_1993, %multiple_of3A_1987] : memref<32x1000001xf32, #tpu.memory_space<hbm>> -> memref<32x128xf32, #tpu.memory_space<hbm>>
      %dma_start3A_1995 = arith.constant 0 : i32
      %dma_start3A_1996 = arith.constant 0 : i32
      %dma_start3A_1997 = tpu.memref_slice %arg10[%dma_start3A_1988, %dma_start3A_1995, %dma_start3A_1996] : memref<8x32x128xf32, #tpu.memory_space<vmem>> -> memref<1x32x128xf32, #tpu.memory_space<vmem>>
      %dma_start3A_1998 = tpu.memref_squeeze %dma_start3A_1997 : memref<1x32x128xf32, #tpu.memory_space<vmem>> -> memref<32x128xf32, #tpu.memory_space<vmem>>
      %dma_start3A_1999 = arith.constant 0 : i32
      %dma_start3A_2000 = tpu.memref_slice %arg4[%dma_start3A_1999, %multiple_of3A_1987] : memref<32x1000001xf32, #tpu.memory_space<hbm>> -> memref<32x128xf32, #tpu.memory_space<hbm>>
      tpu.enqueue_dma source(%dma_start3A_2000 : memref<32x128xf32, #tpu.memory_space<hbm>>) target(%dma_start3A_1998 : memref<32x128xf32, #tpu.memory_space<vmem>>) target_semaphore(%arg20 : memref<!tpu.dma_semaphore, #tpu.memory_space<semaphore_mem>>)
      %jit3A_2001 = arith.constant 128 : i32
      %div3A_2002 = arith.divsi %squeeze3A_1960, %jit3A_2001 : i32
      %sign3A_2003 = arith.constant 0 : i32
      %sign3A_2004 = arith.cmpi sgt, %squeeze3A_1960, %sign3A_2003 : i32
      %sign3A_2005 = arith.extui %sign3A_2004 : i1 to i32
      %sign3A_2006 = arith.constant 0 : i32
      %sign3A_2007 = arith.cmpi slt, %squeeze3A_1960, %sign3A_2006 : i32
      %sign3A_2008 = arith.extui %sign3A_2007 : i1 to i32
      %sign3A_2009 = arith.subi %sign3A_2005, %sign3A_2008 : i32
      %sign3A_2010 = arith.constant 0 : i32
      %sign3A_2011 = arith.cmpi sgt, %jit3A_2001, %sign3A_2010 : i32
      %sign3A_2012 = arith.extui %sign3A_2011 : i1 to i32
      %sign3A_2013 = arith.constant 0 : i32
      %sign3A_2014 = arith.cmpi slt, %jit3A_2001, %sign3A_2013 : i32
      %sign3A_2015 = arith.extui %sign3A_2014 : i1 to i32
      %sign3A_2016 = arith.subi %sign3A_2012, %sign3A_2015 : i32
      %ne3A_2017 = arith.cmpi ne, %sign3A_2009, %sign3A_2016 : i32
      %rem3A_2018 = arith.remsi %squeeze3A_1960, %jit3A_2001 : i32
      %ne3A_2019 = arith.constant 0 : i32
      %ne3A_2020 = arith.cmpi ne, %rem3A_2018, %ne3A_2019 : i32
      %and3A_2021 = arith.andi %ne3A_2017, %ne3A_2020 : i1
      %sub3A_2022 = arith.constant 1 : i32
      %sub3A_2023 = arith.subi %div3A_2002, %sub3A_2022 : i32
      %select_n3A_2024 = arith.select %and3A_2021, %sub3A_2023, %div3A_2002 : i32
      %mul3A_2025 = arith.constant 128 : i32
      %mul3A_2026 = arith.muli %select_n3A_2024, %mul3A_2025 : i32
      %multiple_of3A_2027 = tpu.assume_multiple %mul3A_2026, 128 : i32
      %dma_start3A_2028 = arith.constant 6 : i32
      %dma_start3A_2029 = arith.constant 0 : i32
      %dma_start3A_2030 = arith.constant 0 : i32
      %dma_start3A_2031 = tpu.memref_slice %arg11[%dma_start3A_2028, %dma_start3A_2029, %dma_start3A_2030] : memref<8x32x128xf32, #tpu.memory_space<vmem>> -> memref<1x32x128xf32, #tpu.memory_space<vmem>>
      %dma_start3A_2032 = tpu.memref_squeeze %dma_start3A_2031 : memref<1x32x128xf32, #tpu.memory_space<vmem>> -> memref<32x128xf32, #tpu.memory_space<vmem>>
      %dma_start3A_2033 = arith.constant 0 : i32
      %dma_start3A_2034 = tpu.memref_slice %arg5[%dma_start3A_2033, %multiple_of3A_2027] : memref<32x1000001xf32, #tpu.memory_space<hbm>> -> memref<32x128xf32, #tpu.memory_space<hbm>>
      %dma_start3A_2035 = arith.constant 0 : i32
      %dma_start3A_2036 = arith.constant 0 : i32
      %dma_start3A_2037 = tpu.memref_slice %arg11[%dma_start3A_2028, %dma_start3A_2035, %dma_start3A_2036] : memref<8x32x128xf32, #tpu.memory_space<vmem>> -> memref<1x32x128xf32, #tpu.memory_space<vmem>>
      %dma_start3A_2038 = tpu.memref_squeeze %dma_start3A_2037 : memref<1x32x128xf32, #tpu.memory_space<vmem>> -> memref<32x128xf32, #tpu.memory_space<vmem>>
      %dma_start3A_2039 = arith.constant 0 : i32
      %dma_start3A_2040 = tpu.memref_slice %arg5[%dma_start3A_2039, %multiple_of3A_2027] : memref<32x1000001xf32, #tpu.memory_space<hbm>> -> memref<32x128xf32, #tpu.memory_space<hbm>>
      tpu.enqueue_dma source(%dma_start3A_2040 : memref<32x128xf32, #tpu.memory_space<hbm>>) target(%dma_start3A_2038 : memref<32x128xf32, #tpu.memory_space<vmem>>) target_semaphore(%arg20 : memref<!tpu.dma_semaphore, #tpu.memory_space<semaphore_mem>>)
      %mul3A_2041 = arith.constant 16 : i32
      %mul3A_2042 = arith.muli %scan3A_671, %mul3A_2041 : i32
      %add3A_2043 = arith.constant 7 : i32
      %add3A_2044 = arith.addi %mul3A_2042, %add3A_2043 : i32
      %dma_wait3A_2045 = arith.constant 7 : i32
      %dma_wait3A_2046 = arith.constant 0 : i32
      %dma_wait3A_2047 = arith.constant 0 : i32
      %dma_wait3A_2048 = tpu.memref_slice %arg10[%dma_wait3A_2045, %dma_wait3A_2046, %dma_wait3A_2047] : memref<8x32x128xf32, #tpu.memory_space<vmem>> -> memref<1x32x128xf32, #tpu.memory_space<vmem>>
      %dma_wait3A_2049 = tpu.memref_squeeze %dma_wait3A_2048 : memref<1x32x128xf32, #tpu.memory_space<vmem>> -> memref<32x128xf32, #tpu.memory_space<vmem>>
      %dma_wait3A_2050 = arith.constant 0 : i32
      %dma_wait3A_2051 = arith.constant 0 : i32
      %dma_wait3A_2052 = tpu.memref_slice %arg4[%dma_wait3A_2050, %dma_wait3A_2051] : memref<32x1000001xf32, #tpu.memory_space<hbm>> -> memref<32x128xf32, #tpu.memory_space<hbm>>
      %dma_wait3A_2053 = arith.constant 0 : i32
      %dma_wait3A_2054 = arith.constant 0 : i32
      %dma_wait3A_2055 = tpu.memref_slice %arg10[%dma_wait3A_2045, %dma_wait3A_2053, %dma_wait3A_2054] : memref<8x32x128xf32, #tpu.memory_space<vmem>> -> memref<1x32x128xf32, #tpu.memory_space<vmem>>
      %dma_wait3A_2056 = tpu.memref_squeeze %dma_wait3A_2055 : memref<1x32x128xf32, #tpu.memory_space<vmem>> -> memref<32x128xf32, #tpu.memory_space<vmem>>
      %dma_wait3A_2057 = arith.constant 0 : i32
      %dma_wait3A_2058 = arith.constant 0 : i32
      %dma_wait3A_2059 = tpu.memref_slice %arg4[%dma_wait3A_2057, %dma_wait3A_2058] : memref<32x1000001xf32, #tpu.memory_space<hbm>> -> memref<32x128xf32, #tpu.memory_space<hbm>>
      tpu.wait_dma2 semaphore(%arg21 : memref<!tpu.dma_semaphore, #tpu.memory_space<semaphore_mem>>) src(%dma_wait3A_2059 : memref<32x128xf32, #tpu.memory_space<hbm>>) dst(%dma_wait3A_2056 : memref<32x128xf32, #tpu.memory_space<vmem>>)
      %dma_wait3A_2060 = arith.constant 7 : i32
      %dma_wait3A_2061 = arith.constant 0 : i32
      %dma_wait3A_2062 = arith.constant 0 : i32
      %dma_wait3A_2063 = tpu.memref_slice %arg11[%dma_wait3A_2060, %dma_wait3A_2061, %dma_wait3A_2062] : memref<8x32x128xf32, #tpu.memory_space<vmem>> -> memref<1x32x128xf32, #tpu.memory_space<vmem>>
      %dma_wait3A_2064 = tpu.memref_squeeze %dma_wait3A_2063 : memref<1x32x128xf32, #tpu.memory_space<vmem>> -> memref<32x128xf32, #tpu.memory_space<vmem>>
      %dma_wait3A_2065 = arith.constant 0 : i32
      %dma_wait3A_2066 = arith.constant 0 : i32
      %dma_wait3A_2067 = tpu.memref_slice %arg5[%dma_wait3A_2065, %dma_wait3A_2066] : memref<32x1000001xf32, #tpu.memory_space<hbm>> -> memref<32x128xf32, #tpu.memory_space<hbm>>
      %dma_wait3A_2068 = arith.constant 0 : i32
      %dma_wait3A_2069 = arith.constant 0 : i32
      %dma_wait3A_2070 = tpu.memref_slice %arg11[%dma_wait3A_2060, %dma_wait3A_2068, %dma_wait3A_2069] : memref<8x32x128xf32, #tpu.memory_space<vmem>> -> memref<1x32x128xf32, #tpu.memory_space<vmem>>
      %dma_wait3A_2071 = tpu.memref_squeeze %dma_wait3A_2070 : memref<1x32x128xf32, #tpu.memory_space<vmem>> -> memref<32x128xf32, #tpu.memory_space<vmem>>
      %dma_wait3A_2072 = arith.constant 0 : i32
      %dma_wait3A_2073 = arith.constant 0 : i32
      %dma_wait3A_2074 = tpu.memref_slice %arg5[%dma_wait3A_2072, %dma_wait3A_2073] : memref<32x1000001xf32, #tpu.memory_space<hbm>> -> memref<32x128xf32, #tpu.memory_space<hbm>>
      tpu.wait_dma2 semaphore(%arg21 : memref<!tpu.dma_semaphore, #tpu.memory_space<semaphore_mem>>) src(%dma_wait3A_2074 : memref<32x128xf32, #tpu.memory_space<hbm>>) dst(%dma_wait3A_2071 : memref<32x128xf32, #tpu.memory_space<vmem>>)
      %slice3A_2075 = vector.extract_strided_slice %get3A_676 {offsets = [7], sizes = [1], strides = [1]} : vector<16xi32> to vector<1xi32>
      %squeeze3A_2076 = vector.extract %slice3A_2075[0] : i32 from vector<1xi32>
      %jit3A_2077 = arith.constant 128 : i32
      %eq3A_2078 = arith.constant 0 : i32
      %eq3A_2079 = arith.cmpi eq, %jit3A_2077, %eq3A_2078 : i32
      %jit3A_2080 = arith.constant 1 : i32
      %select_n3A_2081 = arith.select %eq3A_2079, %jit3A_2080, %jit3A_2077 : i32
      %rem3A_2082 = arith.remsi %squeeze3A_2076, %select_n3A_2081 : i32
      %ne3A_2083 = arith.constant 0 : i32
      %ne3A_2084 = arith.cmpi ne, %rem3A_2082, %ne3A_2083 : i32
      %lt3A_2085 = arith.constant 0 : i32
      %lt3A_2086 = arith.cmpi slt, %rem3A_2082, %lt3A_2085 : i32
      %lt3A_2087 = arith.constant 0 : i32
      %lt3A_2088 = arith.cmpi slt, %select_n3A_2081, %lt3A_2087 : i32
      %ne3A_2089 = arith.xori %lt3A_2086, %lt3A_2088 : i1
      %and3A_2090 = arith.andi %ne3A_2089, %ne3A_2084 : i1
      %add3A_2091 = arith.addi %rem3A_2082, %select_n3A_2081 : i32
      %select_n3A_2092 = arith.select %and3A_2090, %add3A_2091, %rem3A_2082 : i32
      %broadcast_in_dim3A_2093 = vector.broadcast %select_n3A_2092 : i32 to vector<16xi32>
      %broadcast_in_dim3A_2094 = vector.broadcast %add3A_2044 : i32 to vector<16xi32>
      %add3A_2095 = arith.constant 0 : i32
      %add3A_2096 = vector.broadcast %add3A_2095 : i32 to vector<16xi32>
      %add3A_2097 = arith.addi %iota3A, %add3A_2096 : vector<16xi32>
      %gather3A_2098 = arith.constant 7 : i32
      %gather3A_2099 = arith.constant 0 : i32
      %gather3A_2100 = arith.constant 0 : i32
      %gather3A_2101 = tpu.memref_slice %arg10[%gather3A_2098, %gather3A_2099, %gather3A_2100] : memref<8x32x128xf32, #tpu.memory_space<vmem>> -> memref<1x32x128xf32, #tpu.memory_space<vmem>>
      %gather3A_2102 = tpu.memref_squeeze %gather3A_2101 : memref<1x32x128xf32, #tpu.memory_space<vmem>> -> memref<32x128xf32, #tpu.memory_space<vmem>>
      %gather3A_2103 = tpu.vector_load_idx %gather3A_2102[%add3A_2097, %broadcast_in_dim3A_2093] : memref<32x128xf32, #tpu.memory_space<vmem>>[vector<16xi32>, vector<16xi32>], vector<16xf32>,
      tpu.vector_store_idx %arg12[%add3A_2097, %broadcast_in_dim3A_2094], %gather3A_2103 : memref<32x512xf32, #tpu.memory_space<vmem>>[vector<16xi32>, vector<16xi32>], vector<16xf32>,
      %add3A_2104 = arith.constant 16 : i32
      %add3A_2105 = vector.broadcast %add3A_2104 : i32 to vector<16xi32>
      %add3A_2106 = arith.addi %iota3A, %add3A_2105 : vector<16xi32>
      %gather3A_2107 = arith.constant 7 : i32
      %gather3A_2108 = arith.constant 0 : i32
      %gather3A_2109 = arith.constant 0 : i32
      %gather3A_2110 = tpu.memref_slice %arg10[%gather3A_2107, %gather3A_2108, %gather3A_2109] : memref<8x32x128xf32, #tpu.memory_space<vmem>> -> memref<1x32x128xf32, #tpu.memory_space<vmem>>
      %gather3A_2111 = tpu.memref_squeeze %gather3A_2110 : memref<1x32x128xf32, #tpu.memory_space<vmem>> -> memref<32x128xf32, #tpu.memory_space<vmem>>
      %gather3A_2112 = tpu.vector_load_idx %gather3A_2111[%add3A_2106, %broadcast_in_dim3A_2093] : memref<32x128xf32, #tpu.memory_space<vmem>>[vector<16xi32>, vector<16xi32>], vector<16xf32>,
      tpu.vector_store_idx %arg12[%add3A_2106, %broadcast_in_dim3A_2094], %gather3A_2112 : memref<32x512xf32, #tpu.memory_space<vmem>>[vector<16xi32>, vector<16xi32>], vector<16xf32>,
      %slice3A_2113 = vector.extract_strided_slice %get3A_678 {offsets = [7], sizes = [1], strides = [1]} : vector<16xi32> to vector<1xi32>
      %squeeze3A_2114 = vector.extract %slice3A_2113[0] : i32 from vector<1xi32>
      %jit3A_2115 = arith.constant 128 : i32
      %eq3A_2116 = arith.constant 0 : i32
      %eq3A_2117 = arith.cmpi eq, %jit3A_2115, %eq3A_2116 : i32
      %jit3A_2118 = arith.constant 1 : i32
      %select_n3A_2119 = arith.select %eq3A_2117, %jit3A_2118, %jit3A_2115 : i32
      %rem3A_2120 = arith.remsi %squeeze3A_2114, %select_n3A_2119 : i32
      %ne3A_2121 = arith.constant 0 : i32
      %ne3A_2122 = arith.cmpi ne, %rem3A_2120, %ne3A_2121 : i32
      %lt3A_2123 = arith.constant 0 : i32
      %lt3A_2124 = arith.cmpi slt, %rem3A_2120, %lt3A_2123 : i32
      %lt3A_2125 = arith.constant 0 : i32
      %lt3A_2126 = arith.cmpi slt, %select_n3A_2119, %lt3A_2125 : i32
      %ne3A_2127 = arith.xori %lt3A_2124, %lt3A_2126 : i1
      %and3A_2128 = arith.andi %ne3A_2127, %ne3A_2122 : i1
      %add3A_2129 = arith.addi %rem3A_2120, %select_n3A_2119 : i32
      %select_n3A_2130 = arith.select %and3A_2128, %add3A_2129, %rem3A_2120 : i32
      %broadcast_in_dim3A_2131 = vector.broadcast %select_n3A_2130 : i32 to vector<16xi32>
      %broadcast_in_dim3A_2132 = vector.broadcast %add3A_2044 : i32 to vector<16xi32>
      %add3A_2133 = arith.constant 0 : i32
      %add3A_2134 = vector.broadcast %add3A_2133 : i32 to vector<16xi32>
      %add3A_2135 = arith.addi %iota3A, %add3A_2134 : vector<16xi32>
      %gather3A_2136 = arith.constant 7 : i32
      %gather3A_2137 = arith.constant 0 : i32
      %gather3A_2138 = arith.constant 0 : i32
      %gather3A_2139 = tpu.memref_slice %arg11[%gather3A_2136, %gather3A_2137, %gather3A_2138] : memref<8x32x128xf32, #tpu.memory_space<vmem>> -> memref<1x32x128xf32, #tpu.memory_space<vmem>>
      %gather3A_2140 = tpu.memref_squeeze %gather3A_2139 : memref<1x32x128xf32, #tpu.memory_space<vmem>> -> memref<32x128xf32, #tpu.memory_space<vmem>>
      %gather3A_2141 = tpu.vector_load_idx %gather3A_2140[%add3A_2135, %broadcast_in_dim3A_2131] : memref<32x128xf32, #tpu.memory_space<vmem>>[vector<16xi32>, vector<16xi32>], vector<16xf32>,
      tpu.vector_store_idx %arg13[%add3A_2135, %broadcast_in_dim3A_2132], %gather3A_2141 : memref<32x512xf32, #tpu.memory_space<vmem>>[vector<16xi32>, vector<16xi32>], vector<16xf32>,
      %add3A_2142 = arith.constant 16 : i32
      %add3A_2143 = vector.broadcast %add3A_2142 : i32 to vector<16xi32>
      %add3A_2144 = arith.addi %iota3A, %add3A_2143 : vector<16xi32>
      %gather3A_2145 = arith.constant 7 : i32
      %gather3A_2146 = arith.constant 0 : i32
      %gather3A_2147 = arith.constant 0 : i32
      %gather3A_2148 = tpu.memref_slice %arg11[%gather3A_2145, %gather3A_2146, %gather3A_2147] : memref<8x32x128xf32, #tpu.memory_space<vmem>> -> memref<1x32x128xf32, #tpu.memory_space<vmem>>
      %gather3A_2149 = tpu.memref_squeeze %gather3A_2148 : memref<1x32x128xf32, #tpu.memory_space<vmem>> -> memref<32x128xf32, #tpu.memory_space<vmem>>
      %gather3A_2150 = tpu.vector_load_idx %gather3A_2149[%add3A_2144, %broadcast_in_dim3A_2131] : memref<32x128xf32, #tpu.memory_space<vmem>>[vector<16xi32>, vector<16xi32>], vector<16xf32>,
      tpu.vector_store_idx %arg13[%add3A_2144, %broadcast_in_dim3A_2132], %gather3A_2150 : memref<32x512xf32, #tpu.memory_space<vmem>>[vector<16xi32>, vector<16xi32>], vector<16xf32>,
      %slice3A_2151 = vector.extract_strided_slice %get3A_676 {offsets = [15], sizes = [1], strides = [1]} : vector<16xi32> to vector<1xi32>
      %squeeze3A_2152 = vector.extract %slice3A_2151[0] : i32 from vector<1xi32>
      %slice3A_2153 = vector.extract_strided_slice %get3A_678 {offsets = [15], sizes = [1], strides = [1]} : vector<16xi32> to vector<1xi32>
      %squeeze3A_2154 = vector.extract %slice3A_2153[0] : i32 from vector<1xi32>
      %jit3A_2155 = arith.constant 128 : i32
      %div3A_2156 = arith.divsi %squeeze3A_2152, %jit3A_2155 : i32
      %sign3A_2157 = arith.constant 0 : i32
      %sign3A_2158 = arith.cmpi sgt, %squeeze3A_2152, %sign3A_2157 : i32
      %sign3A_2159 = arith.extui %sign3A_2158 : i1 to i32
      %sign3A_2160 = arith.constant 0 : i32
      %sign3A_2161 = arith.cmpi slt, %squeeze3A_2152, %sign3A_2160 : i32
      %sign3A_2162 = arith.extui %sign3A_2161 : i1 to i32
      %sign3A_2163 = arith.subi %sign3A_2159, %sign3A_2162 : i32
      %sign3A_2164 = arith.constant 0 : i32
      %sign3A_2165 = arith.cmpi sgt, %jit3A_2155, %sign3A_2164 : i32
      %sign3A_2166 = arith.extui %sign3A_2165 : i1 to i32
      %sign3A_2167 = arith.constant 0 : i32
      %sign3A_2168 = arith.cmpi slt, %jit3A_2155, %sign3A_2167 : i32
      %sign3A_2169 = arith.extui %sign3A_2168 : i1 to i32
      %sign3A_2170 = arith.subi %sign3A_2166, %sign3A_2169 : i32
      %ne3A_2171 = arith.cmpi ne, %sign3A_2163, %sign3A_2170 : i32
      %rem3A_2172 = arith.remsi %squeeze3A_2152, %jit3A_2155 : i32
      %ne3A_2173 = arith.constant 0 : i32
      %ne3A_2174 = arith.cmpi ne, %rem3A_2172, %ne3A_2173 : i32
      %and3A_2175 = arith.andi %ne3A_2171, %ne3A_2174 : i1
      %sub3A_2176 = arith.constant 1 : i32
      %sub3A_2177 = arith.subi %div3A_2156, %sub3A_2176 : i32
      %select_n3A_2178 = arith.select %and3A_2175, %sub3A_2177, %div3A_2156 : i32
      %mul3A_2179 = arith.constant 128 : i32
      %mul3A_2180 = arith.muli %select_n3A_2178, %mul3A_2179 : i32
      %multiple_of3A_2181 = tpu.assume_multiple %mul3A_2180, 128 : i32
      %dma_start3A_2182 = arith.constant 7 : i32
      %dma_start3A_2183 = arith.constant 0 : i32
      %dma_start3A_2184 = arith.constant 0 : i32
      %dma_start3A_2185 = tpu.memref_slice %arg10[%dma_start3A_2182, %dma_start3A_2183, %dma_start3A_2184] : memref<8x32x128xf32, #tpu.memory_space<vmem>> -> memref<1x32x128xf32, #tpu.memory_space<vmem>>
      %dma_start3A_2186 = tpu.memref_squeeze %dma_start3A_2185 : memref<1x32x128xf32, #tpu.memory_space<vmem>> -> memref<32x128xf32, #tpu.memory_space<vmem>>
      %dma_start3A_2187 = arith.constant 0 : i32
      %dma_start3A_2188 = tpu.memref_slice %arg4[%dma_start3A_2187, %multiple_of3A_2181] : memref<32x1000001xf32, #tpu.memory_space<hbm>> -> memref<32x128xf32, #tpu.memory_space<hbm>>
      %dma_start3A_2189 = arith.constant 0 : i32
      %dma_start3A_2190 = arith.constant 0 : i32
      %dma_start3A_2191 = tpu.memref_slice %arg10[%dma_start3A_2182, %dma_start3A_2189, %dma_start3A_2190] : memref<8x32x128xf32, #tpu.memory_space<vmem>> -> memref<1x32x128xf32, #tpu.memory_space<vmem>>
      %dma_start3A_2192 = tpu.memref_squeeze %dma_start3A_2191 : memref<1x32x128xf32, #tpu.memory_space<vmem>> -> memref<32x128xf32, #tpu.memory_space<vmem>>
      %dma_start3A_2193 = arith.constant 0 : i32
      %dma_start3A_2194 = tpu.memref_slice %arg4[%dma_start3A_2193, %multiple_of3A_2181] : memref<32x1000001xf32, #tpu.memory_space<hbm>> -> memref<32x128xf32, #tpu.memory_space<hbm>>
      tpu.enqueue_dma source(%dma_start3A_2194 : memref<32x128xf32, #tpu.memory_space<hbm>>) target(%dma_start3A_2192 : memref<32x128xf32, #tpu.memory_space<vmem>>) target_semaphore(%arg21 : memref<!tpu.dma_semaphore, #tpu.memory_space<semaphore_mem>>)
      %jit3A_2195 = arith.constant 128 : i32
      %div3A_2196 = arith.divsi %squeeze3A_2154, %jit3A_2195 : i32
      %sign3A_2197 = arith.constant 0 : i32
      %sign3A_2198 = arith.cmpi sgt, %squeeze3A_2154, %sign3A_2197 : i32
      %sign3A_2199 = arith.extui %sign3A_2198 : i1 to i32
      %sign3A_2200 = arith.constant 0 : i32
      %sign3A_2201 = arith.cmpi slt, %squeeze3A_2154, %sign3A_2200 : i32
      %sign3A_2202 = arith.extui %sign3A_2201 : i1 to i32
      %sign3A_2203 = arith.subi %sign3A_2199, %sign3A_2202 : i32
      %sign3A_2204 = arith.constant 0 : i32
      %sign3A_2205 = arith.cmpi sgt, %jit3A_2195, %sign3A_2204 : i32
      %sign3A_2206 = arith.extui %sign3A_2205 : i1 to i32
      %sign3A_2207 = arith.constant 0 : i32
      %sign3A_2208 = arith.cmpi slt, %jit3A_2195, %sign3A_2207 : i32
      %sign3A_2209 = arith.extui %sign3A_2208 : i1 to i32
      %sign3A_2210 = arith.subi %sign3A_2206, %sign3A_2209 : i32
      %ne3A_2211 = arith.cmpi ne, %sign3A_2203, %sign3A_2210 : i32
      %rem3A_2212 = arith.remsi %squeeze3A_2154, %jit3A_2195 : i32
      %ne3A_2213 = arith.constant 0 : i32
      %ne3A_2214 = arith.cmpi ne, %rem3A_2212, %ne3A_2213 : i32
      %and3A_2215 = arith.andi %ne3A_2211, %ne3A_2214 : i1
      %sub3A_2216 = arith.constant 1 : i32
      %sub3A_2217 = arith.subi %div3A_2196, %sub3A_2216 : i32
      %select_n3A_2218 = arith.select %and3A_2215, %sub3A_2217, %div3A_2196 : i32
      %mul3A_2219 = arith.constant 128 : i32
      %mul3A_2220 = arith.muli %select_n3A_2218, %mul3A_2219 : i32
      %multiple_of3A_2221 = tpu.assume_multiple %mul3A_2220, 128 : i32
      %dma_start3A_2222 = arith.constant 7 : i32
      %dma_start3A_2223 = arith.constant 0 : i32
      %dma_start3A_2224 = arith.constant 0 : i32
      %dma_start3A_2225 = tpu.memref_slice %arg11[%dma_start3A_2222, %dma_start3A_2223, %dma_start3A_2224] : memref<8x32x128xf32, #tpu.memory_space<vmem>> -> memref<1x32x128xf32, #tpu.memory_space<vmem>>
      %dma_start3A_2226 = tpu.memref_squeeze %dma_start3A_2225 : memref<1x32x128xf32, #tpu.memory_space<vmem>> -> memref<32x128xf32, #tpu.memory_space<vmem>>
      %dma_start3A_2227 = arith.constant 0 : i32
      %dma_start3A_2228 = tpu.memref_slice %arg5[%dma_start3A_2227, %multiple_of3A_2221] : memref<32x1000001xf32, #tpu.memory_space<hbm>> -> memref<32x128xf32, #tpu.memory_space<hbm>>
      %dma_start3A_2229 = arith.constant 0 : i32
      %dma_start3A_2230 = arith.constant 0 : i32
      %dma_start3A_2231 = tpu.memref_slice %arg11[%dma_start3A_2222, %dma_start3A_2229, %dma_start3A_2230] : memref<8x32x128xf32, #tpu.memory_space<vmem>> -> memref<1x32x128xf32, #tpu.memory_space<vmem>>
      %dma_start3A_2232 = tpu.memref_squeeze %dma_start3A_2231 : memref<1x32x128xf32, #tpu.memory_space<vmem>> -> memref<32x128xf32, #tpu.memory_space<vmem>>
      %dma_start3A_2233 = arith.constant 0 : i32
      %dma_start3A_2234 = tpu.memref_slice %arg5[%dma_start3A_2233, %multiple_of3A_2221] : memref<32x1000001xf32, #tpu.memory_space<hbm>> -> memref<32x128xf32, #tpu.memory_space<hbm>>
      tpu.enqueue_dma source(%dma_start3A_2234 : memref<32x128xf32, #tpu.memory_space<hbm>>) target(%dma_start3A_2232 : memref<32x128xf32, #tpu.memory_space<vmem>>) target_semaphore(%arg21 : memref<!tpu.dma_semaphore, #tpu.memory_space<semaphore_mem>>)
      %mul3A_2235 = arith.constant 16 : i32
      %mul3A_2236 = arith.muli %scan3A_671, %mul3A_2235 : i32
      %add3A_2237 = arith.constant 8 : i32
      %add3A_2238 = arith.addi %mul3A_2236, %add3A_2237 : i32
      %add3A_2239 = arith.constant 0 : i32
      %add3A_2240 = arith.addi %add3A_2238, %add3A_2239 : i32
      %dma_wait3A_2241 = arith.constant 0 : i32
      %dma_wait3A_2242 = arith.constant 0 : i32
      %dma_wait3A_2243 = arith.constant 0 : i32
      %dma_wait3A_2244 = tpu.memref_slice %arg10[%dma_wait3A_2241, %dma_wait3A_2242, %dma_wait3A_2243] : memref<8x32x128xf32, #tpu.memory_space<vmem>> -> memref<1x32x128xf32, #tpu.memory_space<vmem>>
      %dma_wait3A_2245 = tpu.memref_squeeze %dma_wait3A_2244 : memref<1x32x128xf32, #tpu.memory_space<vmem>> -> memref<32x128xf32, #tpu.memory_space<vmem>>
      %dma_wait3A_2246 = arith.constant 0 : i32
      %dma_wait3A_2247 = arith.constant 0 : i32
      %dma_wait3A_2248 = tpu.memref_slice %arg4[%dma_wait3A_2246, %dma_wait3A_2247] : memref<32x1000001xf32, #tpu.memory_space<hbm>> -> memref<32x128xf32, #tpu.memory_space<hbm>>
      %dma_wait3A_2249 = arith.constant 0 : i32
      %dma_wait3A_2250 = arith.constant 0 : i32
      %dma_wait3A_2251 = tpu.memref_slice %arg10[%dma_wait3A_2241, %dma_wait3A_2249, %dma_wait3A_2250] : memref<8x32x128xf32, #tpu.memory_space<vmem>> -> memref<1x32x128xf32, #tpu.memory_space<vmem>>
      %dma_wait3A_2252 = tpu.memref_squeeze %dma_wait3A_2251 : memref<1x32x128xf32, #tpu.memory_space<vmem>> -> memref<32x128xf32, #tpu.memory_space<vmem>>
      %dma_wait3A_2253 = arith.constant 0 : i32
      %dma_wait3A_2254 = arith.constant 0 : i32
      %dma_wait3A_2255 = tpu.memref_slice %arg4[%dma_wait3A_2253, %dma_wait3A_2254] : memref<32x1000001xf32, #tpu.memory_space<hbm>> -> memref<32x128xf32, #tpu.memory_space<hbm>>
      tpu.wait_dma2 semaphore(%arg14 : memref<!tpu.dma_semaphore, #tpu.memory_space<semaphore_mem>>) src(%dma_wait3A_2255 : memref<32x128xf32, #tpu.memory_space<hbm>>) dst(%dma_wait3A_2252 : memref<32x128xf32, #tpu.memory_space<vmem>>)
      %dma_wait3A_2256 = arith.constant 0 : i32
      %dma_wait3A_2257 = arith.constant 0 : i32
      %dma_wait3A_2258 = arith.constant 0 : i32
      %dma_wait3A_2259 = tpu.memref_slice %arg11[%dma_wait3A_2256, %dma_wait3A_2257, %dma_wait3A_2258] : memref<8x32x128xf32, #tpu.memory_space<vmem>> -> memref<1x32x128xf32, #tpu.memory_space<vmem>>
      %dma_wait3A_2260 = tpu.memref_squeeze %dma_wait3A_2259 : memref<1x32x128xf32, #tpu.memory_space<vmem>> -> memref<32x128xf32, #tpu.memory_space<vmem>>
      %dma_wait3A_2261 = arith.constant 0 : i32
      %dma_wait3A_2262 = arith.constant 0 : i32
      %dma_wait3A_2263 = tpu.memref_slice %arg5[%dma_wait3A_2261, %dma_wait3A_2262] : memref<32x1000001xf32, #tpu.memory_space<hbm>> -> memref<32x128xf32, #tpu.memory_space<hbm>>
      %dma_wait3A_2264 = arith.constant 0 : i32
      %dma_wait3A_2265 = arith.constant 0 : i32
      %dma_wait3A_2266 = tpu.memref_slice %arg11[%dma_wait3A_2256, %dma_wait3A_2264, %dma_wait3A_2265] : memref<8x32x128xf32, #tpu.memory_space<vmem>> -> memref<1x32x128xf32, #tpu.memory_space<vmem>>
      %dma_wait3A_2267 = tpu.memref_squeeze %dma_wait3A_2266 : memref<1x32x128xf32, #tpu.memory_space<vmem>> -> memref<32x128xf32, #tpu.memory_space<vmem>>
      %dma_wait3A_2268 = arith.constant 0 : i32
      %dma_wait3A_2269 = arith.constant 0 : i32
      %dma_wait3A_2270 = tpu.memref_slice %arg5[%dma_wait3A_2268, %dma_wait3A_2269] : memref<32x1000001xf32, #tpu.memory_space<hbm>> -> memref<32x128xf32, #tpu.memory_space<hbm>>
      tpu.wait_dma2 semaphore(%arg14 : memref<!tpu.dma_semaphore, #tpu.memory_space<semaphore_mem>>) src(%dma_wait3A_2270 : memref<32x128xf32, #tpu.memory_space<hbm>>) dst(%dma_wait3A_2267 : memref<32x128xf32, #tpu.memory_space<vmem>>)
      %slice3A_2271 = vector.extract_strided_slice %get3A_676 {offsets = [8], sizes = [1], strides = [1]} : vector<16xi32> to vector<1xi32>
      %squeeze3A_2272 = vector.extract %slice3A_2271[0] : i32 from vector<1xi32>
      %jit3A_2273 = arith.constant 128 : i32
      %eq3A_2274 = arith.constant 0 : i32
      %eq3A_2275 = arith.cmpi eq, %jit3A_2273, %eq3A_2274 : i32
      %jit3A_2276 = arith.constant 1 : i32
      %select_n3A_2277 = arith.select %eq3A_2275, %jit3A_2276, %jit3A_2273 : i32
      %rem3A_2278 = arith.remsi %squeeze3A_2272, %select_n3A_2277 : i32
      %ne3A_2279 = arith.constant 0 : i32
      %ne3A_2280 = arith.cmpi ne, %rem3A_2278, %ne3A_2279 : i32
      %lt3A_2281 = arith.constant 0 : i32
      %lt3A_2282 = arith.cmpi slt, %rem3A_2278, %lt3A_2281 : i32
      %lt3A_2283 = arith.constant 0 : i32
      %lt3A_2284 = arith.cmpi slt, %select_n3A_2277, %lt3A_2283 : i32
      %ne3A_2285 = arith.xori %lt3A_2282, %lt3A_2284 : i1
      %and3A_2286 = arith.andi %ne3A_2285, %ne3A_2280 : i1
      %add3A_2287 = arith.addi %rem3A_2278, %select_n3A_2277 : i32
      %select_n3A_2288 = arith.select %and3A_2286, %add3A_2287, %rem3A_2278 : i32
      %broadcast_in_dim3A_2289 = vector.broadcast %select_n3A_2288 : i32 to vector<16xi32>
      %broadcast_in_dim3A_2290 = vector.broadcast %add3A_2240 : i32 to vector<16xi32>
      %add3A_2291 = arith.constant 0 : i32
      %add3A_2292 = vector.broadcast %add3A_2291 : i32 to vector<16xi32>
      %add3A_2293 = arith.addi %iota3A, %add3A_2292 : vector<16xi32>
      %gather3A_2294 = arith.constant 0 : i32
      %gather3A_2295 = arith.constant 0 : i32
      %gather3A_2296 = arith.constant 0 : i32
      %gather3A_2297 = tpu.memref_slice %arg10[%gather3A_2294, %gather3A_2295, %gather3A_2296] : memref<8x32x128xf32, #tpu.memory_space<vmem>> -> memref<1x32x128xf32, #tpu.memory_space<vmem>>
      %gather3A_2298 = tpu.memref_squeeze %gather3A_2297 : memref<1x32x128xf32, #tpu.memory_space<vmem>> -> memref<32x128xf32, #tpu.memory_space<vmem>>
      %gather3A_2299 = tpu.vector_load_idx %gather3A_2298[%add3A_2293, %broadcast_in_dim3A_2289] : memref<32x128xf32, #tpu.memory_space<vmem>>[vector<16xi32>, vector<16xi32>], vector<16xf32>,
      tpu.vector_store_idx %arg12[%add3A_2293, %broadcast_in_dim3A_2290], %gather3A_2299 : memref<32x512xf32, #tpu.memory_space<vmem>>[vector<16xi32>, vector<16xi32>], vector<16xf32>,
      %add3A_2300 = arith.constant 16 : i32
      %add3A_2301 = vector.broadcast %add3A_2300 : i32 to vector<16xi32>
      %add3A_2302 = arith.addi %iota3A, %add3A_2301 : vector<16xi32>
      %gather3A_2303 = arith.constant 0 : i32
      %gather3A_2304 = arith.constant 0 : i32
      %gather3A_2305 = arith.constant 0 : i32
      %gather3A_2306 = tpu.memref_slice %arg10[%gather3A_2303, %gather3A_2304, %gather3A_2305] : memref<8x32x128xf32, #tpu.memory_space<vmem>> -> memref<1x32x128xf32, #tpu.memory_space<vmem>>
      %gather3A_2307 = tpu.memref_squeeze %gather3A_2306 : memref<1x32x128xf32, #tpu.memory_space<vmem>> -> memref<32x128xf32, #tpu.memory_space<vmem>>
      %gather3A_2308 = tpu.vector_load_idx %gather3A_2307[%add3A_2302, %broadcast_in_dim3A_2289] : memref<32x128xf32, #tpu.memory_space<vmem>>[vector<16xi32>, vector<16xi32>], vector<16xf32>,
      tpu.vector_store_idx %arg12[%add3A_2302, %broadcast_in_dim3A_2290], %gather3A_2308 : memref<32x512xf32, #tpu.memory_space<vmem>>[vector<16xi32>, vector<16xi32>], vector<16xf32>,
      %slice3A_2309 = vector.extract_strided_slice %get3A_678 {offsets = [8], sizes = [1], strides = [1]} : vector<16xi32> to vector<1xi32>
      %squeeze3A_2310 = vector.extract %slice3A_2309[0] : i32 from vector<1xi32>
      %jit3A_2311 = arith.constant 128 : i32
      %eq3A_2312 = arith.constant 0 : i32
      %eq3A_2313 = arith.cmpi eq, %jit3A_2311, %eq3A_2312 : i32
      %jit3A_2314 = arith.constant 1 : i32
      %select_n3A_2315 = arith.select %eq3A_2313, %jit3A_2314, %jit3A_2311 : i32
      %rem3A_2316 = arith.remsi %squeeze3A_2310, %select_n3A_2315 : i32
      %ne3A_2317 = arith.constant 0 : i32
      %ne3A_2318 = arith.cmpi ne, %rem3A_2316, %ne3A_2317 : i32
      %lt3A_2319 = arith.constant 0 : i32
      %lt3A_2320 = arith.cmpi slt, %rem3A_2316, %lt3A_2319 : i32
      %lt3A_2321 = arith.constant 0 : i32
      %lt3A_2322 = arith.cmpi slt, %select_n3A_2315, %lt3A_2321 : i32
      %ne3A_2323 = arith.xori %lt3A_2320, %lt3A_2322 : i1
      %and3A_2324 = arith.andi %ne3A_2323, %ne3A_2318 : i1
      %add3A_2325 = arith.addi %rem3A_2316, %select_n3A_2315 : i32
      %select_n3A_2326 = arith.select %and3A_2324, %add3A_2325, %rem3A_2316 : i32
      %broadcast_in_dim3A_2327 = vector.broadcast %select_n3A_2326 : i32 to vector<16xi32>
      %broadcast_in_dim3A_2328 = vector.broadcast %add3A_2240 : i32 to vector<16xi32>
      %add3A_2329 = arith.constant 0 : i32
      %add3A_2330 = vector.broadcast %add3A_2329 : i32 to vector<16xi32>
      %add3A_2331 = arith.addi %iota3A, %add3A_2330 : vector<16xi32>
      %gather3A_2332 = arith.constant 0 : i32
      %gather3A_2333 = arith.constant 0 : i32
      %gather3A_2334 = arith.constant 0 : i32
      %gather3A_2335 = tpu.memref_slice %arg11[%gather3A_2332, %gather3A_2333, %gather3A_2334] : memref<8x32x128xf32, #tpu.memory_space<vmem>> -> memref<1x32x128xf32, #tpu.memory_space<vmem>>
      %gather3A_2336 = tpu.memref_squeeze %gather3A_2335 : memref<1x32x128xf32, #tpu.memory_space<vmem>> -> memref<32x128xf32, #tpu.memory_space<vmem>>
      %gather3A_2337 = tpu.vector_load_idx %gather3A_2336[%add3A_2331, %broadcast_in_dim3A_2327] : memref<32x128xf32, #tpu.memory_space<vmem>>[vector<16xi32>, vector<16xi32>], vector<16xf32>,
      tpu.vector_store_idx %arg13[%add3A_2331, %broadcast_in_dim3A_2328], %gather3A_2337 : memref<32x512xf32, #tpu.memory_space<vmem>>[vector<16xi32>, vector<16xi32>], vector<16xf32>,
      %add3A_2338 = arith.constant 16 : i32
      %add3A_2339 = vector.broadcast %add3A_2338 : i32 to vector<16xi32>
      %add3A_2340 = arith.addi %iota3A, %add3A_2339 : vector<16xi32>
      %gather3A_2341 = arith.constant 0 : i32
      %gather3A_2342 = arith.constant 0 : i32
      %gather3A_2343 = arith.constant 0 : i32
      %gather3A_2344 = tpu.memref_slice %arg11[%gather3A_2341, %gather3A_2342, %gather3A_2343] : memref<8x32x128xf32, #tpu.memory_space<vmem>> -> memref<1x32x128xf32, #tpu.memory_space<vmem>>
      %gather3A_2345 = tpu.memref_squeeze %gather3A_2344 : memref<1x32x128xf32, #tpu.memory_space<vmem>> -> memref<32x128xf32, #tpu.memory_space<vmem>>
      %gather3A_2346 = tpu.vector_load_idx %gather3A_2345[%add3A_2340, %broadcast_in_dim3A_2327] : memref<32x128xf32, #tpu.memory_space<vmem>>[vector<16xi32>, vector<16xi32>], vector<16xf32>,
      tpu.vector_store_idx %arg13[%add3A_2340, %broadcast_in_dim3A_2328], %gather3A_2346 : memref<32x512xf32, #tpu.memory_space<vmem>>[vector<16xi32>, vector<16xi32>], vector<16xf32>,
      %add3A_2347 = arith.constant 8 : i32
      %add3A_2348 = arith.addi %add3A_2240, %add3A_2347 : i32
      %lt3A_2349 = arith.constant 512 : i32
      %lt3A_2350 = arith.cmpi slt, %add3A_2348, %lt3A_2349 : i32
      %convert_element_type3A = arith.extui %lt3A_2350 : i1 to i32
      %cond3A = arith.constant 0 : i32
      %cond3A_2351 = arith.cmpi ne, %convert_element_type3A, %cond3A : i32
      scf.if %cond3A_2351 {
        %slice3A_3185 = vector.extract_strided_slice %get3A_685 {offsets = [0], sizes = [1], strides = [1]} : vector<16xi32> to vector<1xi32>
        %squeeze3A_3186 = vector.extract %slice3A_3185[0] : i32 from vector<1xi32>
        %slice3A_3187 = vector.extract_strided_slice %get3A_687 {offsets = [0], sizes = [1], strides = [1]} : vector<16xi32> to vector<1xi32>
        %squeeze3A_3188 = vector.extract %slice3A_3187[0] : i32 from vector<1xi32>
        %jit3A_3189 = arith.constant 128 : i32
        %div3A_3190 = arith.divsi %squeeze3A_3186, %jit3A_3189 : i32
        %sign3A_3191 = arith.constant 0 : i32
        %sign3A_3192 = arith.cmpi sgt, %squeeze3A_3186, %sign3A_3191 : i32
        %sign3A_3193 = arith.extui %sign3A_3192 : i1 to i32
        %sign3A_3194 = arith.constant 0 : i32
        %sign3A_3195 = arith.cmpi slt, %squeeze3A_3186, %sign3A_3194 : i32
        %sign3A_3196 = arith.extui %sign3A_3195 : i1 to i32
        %sign3A_3197 = arith.subi %sign3A_3193, %sign3A_3196 : i32
        %sign3A_3198 = arith.constant 0 : i32
        %sign3A_3199 = arith.cmpi sgt, %jit3A_3189, %sign3A_3198 : i32
        %sign3A_3200 = arith.extui %sign3A_3199 : i1 to i32
        %sign3A_3201 = arith.constant 0 : i32
        %sign3A_3202 = arith.cmpi slt, %jit3A_3189, %sign3A_3201 : i32
        %sign3A_3203 = arith.extui %sign3A_3202 : i1 to i32
        %sign3A_3204 = arith.subi %sign3A_3200, %sign3A_3203 : i32
        %ne3A_3205 = arith.cmpi ne, %sign3A_3197, %sign3A_3204 : i32
        %rem3A_3206 = arith.remsi %squeeze3A_3186, %jit3A_3189 : i32
        %ne3A_3207 = arith.constant 0 : i32
        %ne3A_3208 = arith.cmpi ne, %rem3A_3206, %ne3A_3207 : i32
        %and3A_3209 = arith.andi %ne3A_3205, %ne3A_3208 : i1
        %sub3A_3210 = arith.constant 1 : i32
        %sub3A_3211 = arith.subi %div3A_3190, %sub3A_3210 : i32
        %select_n3A_3212 = arith.select %and3A_3209, %sub3A_3211, %div3A_3190 : i32
        %mul3A_3213 = arith.constant 128 : i32
        %mul3A_3214 = arith.muli %select_n3A_3212, %mul3A_3213 : i32
        %multiple_of3A_3215 = tpu.assume_multiple %mul3A_3214, 128 : i32
        %dma_start3A_3216 = arith.constant 0 : i32
        %dma_start3A_3217 = arith.constant 0 : i32
        %dma_start3A_3218 = arith.constant 0 : i32
        %dma_start3A_3219 = tpu.memref_slice %arg10[%dma_start3A_3216, %dma_start3A_3217, %dma_start3A_3218] : memref<8x32x128xf32, #tpu.memory_space<vmem>> -> memref<1x32x128xf32, #tpu.memory_space<vmem>>
        %dma_start3A_3220 = tpu.memref_squeeze %dma_start3A_3219 : memref<1x32x128xf32, #tpu.memory_space<vmem>> -> memref<32x128xf32, #tpu.memory_space<vmem>>
        %dma_start3A_3221 = arith.constant 0 : i32
        %dma_start3A_3222 = tpu.memref_slice %arg4[%dma_start3A_3221, %multiple_of3A_3215] : memref<32x1000001xf32, #tpu.memory_space<hbm>> -> memref<32x128xf32, #tpu.memory_space<hbm>>
        %dma_start3A_3223 = arith.constant 0 : i32
        %dma_start3A_3224 = arith.constant 0 : i32
        %dma_start3A_3225 = tpu.memref_slice %arg10[%dma_start3A_3216, %dma_start3A_3223, %dma_start3A_3224] : memref<8x32x128xf32, #tpu.memory_space<vmem>> -> memref<1x32x128xf32, #tpu.memory_space<vmem>>
        %dma_start3A_3226 = tpu.memref_squeeze %dma_start3A_3225 : memref<1x32x128xf32, #tpu.memory_space<vmem>> -> memref<32x128xf32, #tpu.memory_space<vmem>>
        %dma_start3A_3227 = arith.constant 0 : i32
        %dma_start3A_3228 = tpu.memref_slice %arg4[%dma_start3A_3227, %multiple_of3A_3215] : memref<32x1000001xf32, #tpu.memory_space<hbm>> -> memref<32x128xf32, #tpu.memory_space<hbm>>
        tpu.enqueue_dma source(%dma_start3A_3228 : memref<32x128xf32, #tpu.memory_space<hbm>>) target(%dma_start3A_3226 : memref<32x128xf32, #tpu.memory_space<vmem>>) target_semaphore(%arg14 : memref<!tpu.dma_semaphore, #tpu.memory_space<semaphore_mem>>)
        %jit3A_3229 = arith.constant 128 : i32
        %div3A_3230 = arith.divsi %squeeze3A_3188, %jit3A_3229 : i32
        %sign3A_3231 = arith.constant 0 : i32
        %sign3A_3232 = arith.cmpi sgt, %squeeze3A_3188, %sign3A_3231 : i32
        %sign3A_3233 = arith.extui %sign3A_3232 : i1 to i32
        %sign3A_3234 = arith.constant 0 : i32
        %sign3A_3235 = arith.cmpi slt, %squeeze3A_3188, %sign3A_3234 : i32
        %sign3A_3236 = arith.extui %sign3A_3235 : i1 to i32
        %sign3A_3237 = arith.subi %sign3A_3233, %sign3A_3236 : i32
        %sign3A_3238 = arith.constant 0 : i32
        %sign3A_3239 = arith.cmpi sgt, %jit3A_3229, %sign3A_3238 : i32
        %sign3A_3240 = arith.extui %sign3A_3239 : i1 to i32
        %sign3A_3241 = arith.constant 0 : i32
        %sign3A_3242 = arith.cmpi slt, %jit3A_3229, %sign3A_3241 : i32
        %sign3A_3243 = arith.extui %sign3A_3242 : i1 to i32
        %sign3A_3244 = arith.subi %sign3A_3240, %sign3A_3243 : i32
        %ne3A_3245 = arith.cmpi ne, %sign3A_3237, %sign3A_3244 : i32
        %rem3A_3246 = arith.remsi %squeeze3A_3188, %jit3A_3229 : i32
        %ne3A_3247 = arith.constant 0 : i32
        %ne3A_3248 = arith.cmpi ne, %rem3A_3246, %ne3A_3247 : i32
        %and3A_3249 = arith.andi %ne3A_3245, %ne3A_3248 : i1
        %sub3A_3250 = arith.constant 1 : i32
        %sub3A_3251 = arith.subi %div3A_3230, %sub3A_3250 : i32
        %select_n3A_3252 = arith.select %and3A_3249, %sub3A_3251, %div3A_3230 : i32
        %mul3A_3253 = arith.constant 128 : i32
        %mul3A_3254 = arith.muli %select_n3A_3252, %mul3A_3253 : i32
        %multiple_of3A_3255 = tpu.assume_multiple %mul3A_3254, 128 : i32
        %dma_start3A_3256 = arith.constant 0 : i32
        %dma_start3A_3257 = arith.constant 0 : i32
        %dma_start3A_3258 = arith.constant 0 : i32
        %dma_start3A_3259 = tpu.memref_slice %arg11[%dma_start3A_3256, %dma_start3A_3257, %dma_start3A_3258] : memref<8x32x128xf32, #tpu.memory_space<vmem>> -> memref<1x32x128xf32, #tpu.memory_space<vmem>>
        %dma_start3A_3260 = tpu.memref_squeeze %dma_start3A_3259 : memref<1x32x128xf32, #tpu.memory_space<vmem>> -> memref<32x128xf32, #tpu.memory_space<vmem>>
        %dma_start3A_3261 = arith.constant 0 : i32
        %dma_start3A_3262 = tpu.memref_slice %arg5[%dma_start3A_3261, %multiple_of3A_3255] : memref<32x1000001xf32, #tpu.memory_space<hbm>> -> memref<32x128xf32, #tpu.memory_space<hbm>>
        %dma_start3A_3263 = arith.constant 0 : i32
        %dma_start3A_3264 = arith.constant 0 : i32
        %dma_start3A_3265 = tpu.memref_slice %arg11[%dma_start3A_3256, %dma_start3A_3263, %dma_start3A_3264] : memref<8x32x128xf32, #tpu.memory_space<vmem>> -> memref<1x32x128xf32, #tpu.memory_space<vmem>>
        %dma_start3A_3266 = tpu.memref_squeeze %dma_start3A_3265 : memref<1x32x128xf32, #tpu.memory_space<vmem>> -> memref<32x128xf32, #tpu.memory_space<vmem>>
        %dma_start3A_3267 = arith.constant 0 : i32
        %dma_start3A_3268 = tpu.memref_slice %arg5[%dma_start3A_3267, %multiple_of3A_3255] : memref<32x1000001xf32, #tpu.memory_space<hbm>> -> memref<32x128xf32, #tpu.memory_space<hbm>>
        tpu.enqueue_dma source(%dma_start3A_3268 : memref<32x128xf32, #tpu.memory_space<hbm>>) target(%dma_start3A_3266 : memref<32x128xf32, #tpu.memory_space<vmem>>) target_semaphore(%arg14 : memref<!tpu.dma_semaphore, #tpu.memory_space<semaphore_mem>>)
      } else {
      }
      %mul3A_2352 = arith.constant 16 : i32
      %mul3A_2353 = arith.muli %scan3A_671, %mul3A_2352 : i32
      %add3A_2354 = arith.constant 8 : i32
      %add3A_2355 = arith.addi %mul3A_2353, %add3A_2354 : i32
      %add3A_2356 = arith.constant 1 : i32
      %add3A_2357 = arith.addi %add3A_2355, %add3A_2356 : i32
      %dma_wait3A_2358 = arith.constant 1 : i32
      %dma_wait3A_2359 = arith.constant 0 : i32
      %dma_wait3A_2360 = arith.constant 0 : i32
      %dma_wait3A_2361 = tpu.memref_slice %arg10[%dma_wait3A_2358, %dma_wait3A_2359, %dma_wait3A_2360] : memref<8x32x128xf32, #tpu.memory_space<vmem>> -> memref<1x32x128xf32, #tpu.memory_space<vmem>>
      %dma_wait3A_2362 = tpu.memref_squeeze %dma_wait3A_2361 : memref<1x32x128xf32, #tpu.memory_space<vmem>> -> memref<32x128xf32, #tpu.memory_space<vmem>>
      %dma_wait3A_2363 = arith.constant 0 : i32
      %dma_wait3A_2364 = arith.constant 0 : i32
      %dma_wait3A_2365 = tpu.memref_slice %arg4[%dma_wait3A_2363, %dma_wait3A_2364] : memref<32x1000001xf32, #tpu.memory_space<hbm>> -> memref<32x128xf32, #tpu.memory_space<hbm>>
      %dma_wait3A_2366 = arith.constant 0 : i32
      %dma_wait3A_2367 = arith.constant 0 : i32
      %dma_wait3A_2368 = tpu.memref_slice %arg10[%dma_wait3A_2358, %dma_wait3A_2366, %dma_wait3A_2367] : memref<8x32x128xf32, #tpu.memory_space<vmem>> -> memref<1x32x128xf32, #tpu.memory_space<vmem>>
      %dma_wait3A_2369 = tpu.memref_squeeze %dma_wait3A_2368 : memref<1x32x128xf32, #tpu.memory_space<vmem>> -> memref<32x128xf32, #tpu.memory_space<vmem>>
      %dma_wait3A_2370 = arith.constant 0 : i32
      %dma_wait3A_2371 = arith.constant 0 : i32
      %dma_wait3A_2372 = tpu.memref_slice %arg4[%dma_wait3A_2370, %dma_wait3A_2371] : memref<32x1000001xf32, #tpu.memory_space<hbm>> -> memref<32x128xf32, #tpu.memory_space<hbm>>
      tpu.wait_dma2 semaphore(%arg15 : memref<!tpu.dma_semaphore, #tpu.memory_space<semaphore_mem>>) src(%dma_wait3A_2372 : memref<32x128xf32, #tpu.memory_space<hbm>>) dst(%dma_wait3A_2369 : memref<32x128xf32, #tpu.memory_space<vmem>>)
      %dma_wait3A_2373 = arith.constant 1 : i32
      %dma_wait3A_2374 = arith.constant 0 : i32
      %dma_wait3A_2375 = arith.constant 0 : i32
      %dma_wait3A_2376 = tpu.memref_slice %arg11[%dma_wait3A_2373, %dma_wait3A_2374, %dma_wait3A_2375] : memref<8x32x128xf32, #tpu.memory_space<vmem>> -> memref<1x32x128xf32, #tpu.memory_space<vmem>>
      %dma_wait3A_2377 = tpu.memref_squeeze %dma_wait3A_2376 : memref<1x32x128xf32, #tpu.memory_space<vmem>> -> memref<32x128xf32, #tpu.memory_space<vmem>>
      %dma_wait3A_2378 = arith.constant 0 : i32
      %dma_wait3A_2379 = arith.constant 0 : i32
      %dma_wait3A_2380 = tpu.memref_slice %arg5[%dma_wait3A_2378, %dma_wait3A_2379] : memref<32x1000001xf32, #tpu.memory_space<hbm>> -> memref<32x128xf32, #tpu.memory_space<hbm>>
      %dma_wait3A_2381 = arith.constant 0 : i32
      %dma_wait3A_2382 = arith.constant 0 : i32
      %dma_wait3A_2383 = tpu.memref_slice %arg11[%dma_wait3A_2373, %dma_wait3A_2381, %dma_wait3A_2382] : memref<8x32x128xf32, #tpu.memory_space<vmem>> -> memref<1x32x128xf32, #tpu.memory_space<vmem>>
      %dma_wait3A_2384 = tpu.memref_squeeze %dma_wait3A_2383 : memref<1x32x128xf32, #tpu.memory_space<vmem>> -> memref<32x128xf32, #tpu.memory_space<vmem>>
      %dma_wait3A_2385 = arith.constant 0 : i32
      %dma_wait3A_2386 = arith.constant 0 : i32
      %dma_wait3A_2387 = tpu.memref_slice %arg5[%dma_wait3A_2385, %dma_wait3A_2386] : memref<32x1000001xf32, #tpu.memory_space<hbm>> -> memref<32x128xf32, #tpu.memory_space<hbm>>
      tpu.wait_dma2 semaphore(%arg15 : memref<!tpu.dma_semaphore, #tpu.memory_space<semaphore_mem>>) src(%dma_wait3A_2387 : memref<32x128xf32, #tpu.memory_space<hbm>>) dst(%dma_wait3A_2384 : memref<32x128xf32, #tpu.memory_space<vmem>>)
      %slice3A_2388 = vector.extract_strided_slice %get3A_676 {offsets = [9], sizes = [1], strides = [1]} : vector<16xi32> to vector<1xi32>
      %squeeze3A_2389 = vector.extract %slice3A_2388[0] : i32 from vector<1xi32>
      %jit3A_2390 = arith.constant 128 : i32
      %eq3A_2391 = arith.constant 0 : i32
      %eq3A_2392 = arith.cmpi eq, %jit3A_2390, %eq3A_2391 : i32
      %jit3A_2393 = arith.constant 1 : i32
      %select_n3A_2394 = arith.select %eq3A_2392, %jit3A_2393, %jit3A_2390 : i32
      %rem3A_2395 = arith.remsi %squeeze3A_2389, %select_n3A_2394 : i32
      %ne3A_2396 = arith.constant 0 : i32
      %ne3A_2397 = arith.cmpi ne, %rem3A_2395, %ne3A_2396 : i32
      %lt3A_2398 = arith.constant 0 : i32
      %lt3A_2399 = arith.cmpi slt, %rem3A_2395, %lt3A_2398 : i32
      %lt3A_2400 = arith.constant 0 : i32
      %lt3A_2401 = arith.cmpi slt, %select_n3A_2394, %lt3A_2400 : i32
      %ne3A_2402 = arith.xori %lt3A_2399, %lt3A_2401 : i1
      %and3A_2403 = arith.andi %ne3A_2402, %ne3A_2397 : i1
      %add3A_2404 = arith.addi %rem3A_2395, %select_n3A_2394 : i32
      %select_n3A_2405 = arith.select %and3A_2403, %add3A_2404, %rem3A_2395 : i32
      %broadcast_in_dim3A_2406 = vector.broadcast %select_n3A_2405 : i32 to vector<16xi32>
      %broadcast_in_dim3A_2407 = vector.broadcast %add3A_2357 : i32 to vector<16xi32>
      %add3A_2408 = arith.constant 0 : i32
      %add3A_2409 = vector.broadcast %add3A_2408 : i32 to vector<16xi32>
      %add3A_2410 = arith.addi %iota3A, %add3A_2409 : vector<16xi32>
      %gather3A_2411 = arith.constant 1 : i32
      %gather3A_2412 = arith.constant 0 : i32
      %gather3A_2413 = arith.constant 0 : i32
      %gather3A_2414 = tpu.memref_slice %arg10[%gather3A_2411, %gather3A_2412, %gather3A_2413] : memref<8x32x128xf32, #tpu.memory_space<vmem>> -> memref<1x32x128xf32, #tpu.memory_space<vmem>>
      %gather3A_2415 = tpu.memref_squeeze %gather3A_2414 : memref<1x32x128xf32, #tpu.memory_space<vmem>> -> memref<32x128xf32, #tpu.memory_space<vmem>>
      %gather3A_2416 = tpu.vector_load_idx %gather3A_2415[%add3A_2410, %broadcast_in_dim3A_2406] : memref<32x128xf32, #tpu.memory_space<vmem>>[vector<16xi32>, vector<16xi32>], vector<16xf32>,
      tpu.vector_store_idx %arg12[%add3A_2410, %broadcast_in_dim3A_2407], %gather3A_2416 : memref<32x512xf32, #tpu.memory_space<vmem>>[vector<16xi32>, vector<16xi32>], vector<16xf32>,
      %add3A_2417 = arith.constant 16 : i32
      %add3A_2418 = vector.broadcast %add3A_2417 : i32 to vector<16xi32>
      %add3A_2419 = arith.addi %iota3A, %add3A_2418 : vector<16xi32>
      %gather3A_2420 = arith.constant 1 : i32
      %gather3A_2421 = arith.constant 0 : i32
      %gather3A_2422 = arith.constant 0 : i32
      %gather3A_2423 = tpu.memref_slice %arg10[%gather3A_2420, %gather3A_2421, %gather3A_2422] : memref<8x32x128xf32, #tpu.memory_space<vmem>> -> memref<1x32x128xf32, #tpu.memory_space<vmem>>
      %gather3A_2424 = tpu.memref_squeeze %gather3A_2423 : memref<1x32x128xf32, #tpu.memory_space<vmem>> -> memref<32x128xf32, #tpu.memory_space<vmem>>
      %gather3A_2425 = tpu.vector_load_idx %gather3A_2424[%add3A_2419, %broadcast_in_dim3A_2406] : memref<32x128xf32, #tpu.memory_space<vmem>>[vector<16xi32>, vector<16xi32>], vector<16xf32>,
      tpu.vector_store_idx %arg12[%add3A_2419, %broadcast_in_dim3A_2407], %gather3A_2425 : memref<32x512xf32, #tpu.memory_space<vmem>>[vector<16xi32>, vector<16xi32>], vector<16xf32>,
      %slice3A_2426 = vector.extract_strided_slice %get3A_678 {offsets = [9], sizes = [1], strides = [1]} : vector<16xi32> to vector<1xi32>
      %squeeze3A_2427 = vector.extract %slice3A_2426[0] : i32 from vector<1xi32>
      %jit3A_2428 = arith.constant 128 : i32
      %eq3A_2429 = arith.constant 0 : i32
      %eq3A_2430 = arith.cmpi eq, %jit3A_2428, %eq3A_2429 : i32
      %jit3A_2431 = arith.constant 1 : i32
      %select_n3A_2432 = arith.select %eq3A_2430, %jit3A_2431, %jit3A_2428 : i32
      %rem3A_2433 = arith.remsi %squeeze3A_2427, %select_n3A_2432 : i32
      %ne3A_2434 = arith.constant 0 : i32
      %ne3A_2435 = arith.cmpi ne, %rem3A_2433, %ne3A_2434 : i32
      %lt3A_2436 = arith.constant 0 : i32
      %lt3A_2437 = arith.cmpi slt, %rem3A_2433, %lt3A_2436 : i32
      %lt3A_2438 = arith.constant 0 : i32
      %lt3A_2439 = arith.cmpi slt, %select_n3A_2432, %lt3A_2438 : i32
      %ne3A_2440 = arith.xori %lt3A_2437, %lt3A_2439 : i1
      %and3A_2441 = arith.andi %ne3A_2440, %ne3A_2435 : i1
      %add3A_2442 = arith.addi %rem3A_2433, %select_n3A_2432 : i32
      %select_n3A_2443 = arith.select %and3A_2441, %add3A_2442, %rem3A_2433 : i32
      %broadcast_in_dim3A_2444 = vector.broadcast %select_n3A_2443 : i32 to vector<16xi32>
      %broadcast_in_dim3A_2445 = vector.broadcast %add3A_2357 : i32 to vector<16xi32>
      %add3A_2446 = arith.constant 0 : i32
      %add3A_2447 = vector.broadcast %add3A_2446 : i32 to vector<16xi32>
      %add3A_2448 = arith.addi %iota3A, %add3A_2447 : vector<16xi32>
      %gather3A_2449 = arith.constant 1 : i32
      %gather3A_2450 = arith.constant 0 : i32
      %gather3A_2451 = arith.constant 0 : i32
      %gather3A_2452 = tpu.memref_slice %arg11[%gather3A_2449, %gather3A_2450, %gather3A_2451] : memref<8x32x128xf32, #tpu.memory_space<vmem>> -> memref<1x32x128xf32, #tpu.memory_space<vmem>>
      %gather3A_2453 = tpu.memref_squeeze %gather3A_2452 : memref<1x32x128xf32, #tpu.memory_space<vmem>> -> memref<32x128xf32, #tpu.memory_space<vmem>>
      %gather3A_2454 = tpu.vector_load_idx %gather3A_2453[%add3A_2448, %broadcast_in_dim3A_2444] : memref<32x128xf32, #tpu.memory_space<vmem>>[vector<16xi32>, vector<16xi32>], vector<16xf32>,
      tpu.vector_store_idx %arg13[%add3A_2448, %broadcast_in_dim3A_2445], %gather3A_2454 : memref<32x512xf32, #tpu.memory_space<vmem>>[vector<16xi32>, vector<16xi32>], vector<16xf32>,
      %add3A_2455 = arith.constant 16 : i32
      %add3A_2456 = vector.broadcast %add3A_2455 : i32 to vector<16xi32>
      %add3A_2457 = arith.addi %iota3A, %add3A_2456 : vector<16xi32>
      %gather3A_2458 = arith.constant 1 : i32
      %gather3A_2459 = arith.constant 0 : i32
      %gather3A_2460 = arith.constant 0 : i32
      %gather3A_2461 = tpu.memref_slice %arg11[%gather3A_2458, %gather3A_2459, %gather3A_2460] : memref<8x32x128xf32, #tpu.memory_space<vmem>> -> memref<1x32x128xf32, #tpu.memory_space<vmem>>
      %gather3A_2462 = tpu.memref_squeeze %gather3A_2461 : memref<1x32x128xf32, #tpu.memory_space<vmem>> -> memref<32x128xf32, #tpu.memory_space<vmem>>
      %gather3A_2463 = tpu.vector_load_idx %gather3A_2462[%add3A_2457, %broadcast_in_dim3A_2444] : memref<32x128xf32, #tpu.memory_space<vmem>>[vector<16xi32>, vector<16xi32>], vector<16xf32>,
      tpu.vector_store_idx %arg13[%add3A_2457, %broadcast_in_dim3A_2445], %gather3A_2463 : memref<32x512xf32, #tpu.memory_space<vmem>>[vector<16xi32>, vector<16xi32>], vector<16xf32>,
      %add3A_2464 = arith.constant 8 : i32
      %add3A_2465 = arith.addi %add3A_2357, %add3A_2464 : i32
      %lt3A_2466 = arith.constant 512 : i32
      %lt3A_2467 = arith.cmpi slt, %add3A_2465, %lt3A_2466 : i32
      %convert_element_type3A_2468 = arith.extui %lt3A_2467 : i1 to i32
      %cond3A_2469 = arith.constant 0 : i32
      %cond3A_2470 = arith.cmpi ne, %convert_element_type3A_2468, %cond3A_2469 : i32
      scf.if %cond3A_2470 {
        %slice3A_3185 = vector.extract_strided_slice %get3A_685 {offsets = [1], sizes = [1], strides = [1]} : vector<16xi32> to vector<1xi32>
        %squeeze3A_3186 = vector.extract %slice3A_3185[0] : i32 from vector<1xi32>
        %slice3A_3187 = vector.extract_strided_slice %get3A_687 {offsets = [1], sizes = [1], strides = [1]} : vector<16xi32> to vector<1xi32>
        %squeeze3A_3188 = vector.extract %slice3A_3187[0] : i32 from vector<1xi32>
        %jit3A_3189 = arith.constant 128 : i32
        %div3A_3190 = arith.divsi %squeeze3A_3186, %jit3A_3189 : i32
        %sign3A_3191 = arith.constant 0 : i32
        %sign3A_3192 = arith.cmpi sgt, %squeeze3A_3186, %sign3A_3191 : i32
        %sign3A_3193 = arith.extui %sign3A_3192 : i1 to i32
        %sign3A_3194 = arith.constant 0 : i32
        %sign3A_3195 = arith.cmpi slt, %squeeze3A_3186, %sign3A_3194 : i32
        %sign3A_3196 = arith.extui %sign3A_3195 : i1 to i32
        %sign3A_3197 = arith.subi %sign3A_3193, %sign3A_3196 : i32
        %sign3A_3198 = arith.constant 0 : i32
        %sign3A_3199 = arith.cmpi sgt, %jit3A_3189, %sign3A_3198 : i32
        %sign3A_3200 = arith.extui %sign3A_3199 : i1 to i32
        %sign3A_3201 = arith.constant 0 : i32
        %sign3A_3202 = arith.cmpi slt, %jit3A_3189, %sign3A_3201 : i32
        %sign3A_3203 = arith.extui %sign3A_3202 : i1 to i32
        %sign3A_3204 = arith.subi %sign3A_3200, %sign3A_3203 : i32
        %ne3A_3205 = arith.cmpi ne, %sign3A_3197, %sign3A_3204 : i32
        %rem3A_3206 = arith.remsi %squeeze3A_3186, %jit3A_3189 : i32
        %ne3A_3207 = arith.constant 0 : i32
        %ne3A_3208 = arith.cmpi ne, %rem3A_3206, %ne3A_3207 : i32
        %and3A_3209 = arith.andi %ne3A_3205, %ne3A_3208 : i1
        %sub3A_3210 = arith.constant 1 : i32
        %sub3A_3211 = arith.subi %div3A_3190, %sub3A_3210 : i32
        %select_n3A_3212 = arith.select %and3A_3209, %sub3A_3211, %div3A_3190 : i32
        %mul3A_3213 = arith.constant 128 : i32
        %mul3A_3214 = arith.muli %select_n3A_3212, %mul3A_3213 : i32
        %multiple_of3A_3215 = tpu.assume_multiple %mul3A_3214, 128 : i32
        %dma_start3A_3216 = arith.constant 1 : i32
        %dma_start3A_3217 = arith.constant 0 : i32
        %dma_start3A_3218 = arith.constant 0 : i32
        %dma_start3A_3219 = tpu.memref_slice %arg10[%dma_start3A_3216, %dma_start3A_3217, %dma_start3A_3218] : memref<8x32x128xf32, #tpu.memory_space<vmem>> -> memref<1x32x128xf32, #tpu.memory_space<vmem>>
        %dma_start3A_3220 = tpu.memref_squeeze %dma_start3A_3219 : memref<1x32x128xf32, #tpu.memory_space<vmem>> -> memref<32x128xf32, #tpu.memory_space<vmem>>
        %dma_start3A_3221 = arith.constant 0 : i32
        %dma_start3A_3222 = tpu.memref_slice %arg4[%dma_start3A_3221, %multiple_of3A_3215] : memref<32x1000001xf32, #tpu.memory_space<hbm>> -> memref<32x128xf32, #tpu.memory_space<hbm>>
        %dma_start3A_3223 = arith.constant 0 : i32
        %dma_start3A_3224 = arith.constant 0 : i32
        %dma_start3A_3225 = tpu.memref_slice %arg10[%dma_start3A_3216, %dma_start3A_3223, %dma_start3A_3224] : memref<8x32x128xf32, #tpu.memory_space<vmem>> -> memref<1x32x128xf32, #tpu.memory_space<vmem>>
        %dma_start3A_3226 = tpu.memref_squeeze %dma_start3A_3225 : memref<1x32x128xf32, #tpu.memory_space<vmem>> -> memref<32x128xf32, #tpu.memory_space<vmem>>
        %dma_start3A_3227 = arith.constant 0 : i32
        %dma_start3A_3228 = tpu.memref_slice %arg4[%dma_start3A_3227, %multiple_of3A_3215] : memref<32x1000001xf32, #tpu.memory_space<hbm>> -> memref<32x128xf32, #tpu.memory_space<hbm>>
        tpu.enqueue_dma source(%dma_start3A_3228 : memref<32x128xf32, #tpu.memory_space<hbm>>) target(%dma_start3A_3226 : memref<32x128xf32, #tpu.memory_space<vmem>>) target_semaphore(%arg15 : memref<!tpu.dma_semaphore, #tpu.memory_space<semaphore_mem>>)
        %jit3A_3229 = arith.constant 128 : i32
        %div3A_3230 = arith.divsi %squeeze3A_3188, %jit3A_3229 : i32
        %sign3A_3231 = arith.constant 0 : i32
        %sign3A_3232 = arith.cmpi sgt, %squeeze3A_3188, %sign3A_3231 : i32
        %sign3A_3233 = arith.extui %sign3A_3232 : i1 to i32
        %sign3A_3234 = arith.constant 0 : i32
        %sign3A_3235 = arith.cmpi slt, %squeeze3A_3188, %sign3A_3234 : i32
        %sign3A_3236 = arith.extui %sign3A_3235 : i1 to i32
        %sign3A_3237 = arith.subi %sign3A_3233, %sign3A_3236 : i32
        %sign3A_3238 = arith.constant 0 : i32
        %sign3A_3239 = arith.cmpi sgt, %jit3A_3229, %sign3A_3238 : i32
        %sign3A_3240 = arith.extui %sign3A_3239 : i1 to i32
        %sign3A_3241 = arith.constant 0 : i32
        %sign3A_3242 = arith.cmpi slt, %jit3A_3229, %sign3A_3241 : i32
        %sign3A_3243 = arith.extui %sign3A_3242 : i1 to i32
        %sign3A_3244 = arith.subi %sign3A_3240, %sign3A_3243 : i32
        %ne3A_3245 = arith.cmpi ne, %sign3A_3237, %sign3A_3244 : i32
        %rem3A_3246 = arith.remsi %squeeze3A_3188, %jit3A_3229 : i32
        %ne3A_3247 = arith.constant 0 : i32
        %ne3A_3248 = arith.cmpi ne, %rem3A_3246, %ne3A_3247 : i32
        %and3A_3249 = arith.andi %ne3A_3245, %ne3A_3248 : i1
        %sub3A_3250 = arith.constant 1 : i32
        %sub3A_3251 = arith.subi %div3A_3230, %sub3A_3250 : i32
        %select_n3A_3252 = arith.select %and3A_3249, %sub3A_3251, %div3A_3230 : i32
        %mul3A_3253 = arith.constant 128 : i32
        %mul3A_3254 = arith.muli %select_n3A_3252, %mul3A_3253 : i32
        %multiple_of3A_3255 = tpu.assume_multiple %mul3A_3254, 128 : i32
        %dma_start3A_3256 = arith.constant 1 : i32
        %dma_start3A_3257 = arith.constant 0 : i32
        %dma_start3A_3258 = arith.constant 0 : i32
        %dma_start3A_3259 = tpu.memref_slice %arg11[%dma_start3A_3256, %dma_start3A_3257, %dma_start3A_3258] : memref<8x32x128xf32, #tpu.memory_space<vmem>> -> memref<1x32x128xf32, #tpu.memory_space<vmem>>
        %dma_start3A_3260 = tpu.memref_squeeze %dma_start3A_3259 : memref<1x32x128xf32, #tpu.memory_space<vmem>> -> memref<32x128xf32, #tpu.memory_space<vmem>>
        %dma_start3A_3261 = arith.constant 0 : i32
        %dma_start3A_3262 = tpu.memref_slice %arg5[%dma_start3A_3261, %multiple_of3A_3255] : memref<32x1000001xf32, #tpu.memory_space<hbm>> -> memref<32x128xf32, #tpu.memory_space<hbm>>
        %dma_start3A_3263 = arith.constant 0 : i32
        %dma_start3A_3264 = arith.constant 0 : i32
        %dma_start3A_3265 = tpu.memref_slice %arg11[%dma_start3A_3256, %dma_start3A_3263, %dma_start3A_3264] : memref<8x32x128xf32, #tpu.memory_space<vmem>> -> memref<1x32x128xf32, #tpu.memory_space<vmem>>
        %dma_start3A_3266 = tpu.memref_squeeze %dma_start3A_3265 : memref<1x32x128xf32, #tpu.memory_space<vmem>> -> memref<32x128xf32, #tpu.memory_space<vmem>>
        %dma_start3A_3267 = arith.constant 0 : i32
        %dma_start3A_3268 = tpu.memref_slice %arg5[%dma_start3A_3267, %multiple_of3A_3255] : memref<32x1000001xf32, #tpu.memory_space<hbm>> -> memref<32x128xf32, #tpu.memory_space<hbm>>
        tpu.enqueue_dma source(%dma_start3A_3268 : memref<32x128xf32, #tpu.memory_space<hbm>>) target(%dma_start3A_3266 : memref<32x128xf32, #tpu.memory_space<vmem>>) target_semaphore(%arg15 : memref<!tpu.dma_semaphore, #tpu.memory_space<semaphore_mem>>)
      } else {
      }
      %mul3A_2471 = arith.constant 16 : i32
      %mul3A_2472 = arith.muli %scan3A_671, %mul3A_2471 : i32
      %add3A_2473 = arith.constant 8 : i32
      %add3A_2474 = arith.addi %mul3A_2472, %add3A_2473 : i32
      %add3A_2475 = arith.constant 2 : i32
      %add3A_2476 = arith.addi %add3A_2474, %add3A_2475 : i32
      %dma_wait3A_2477 = arith.constant 2 : i32
      %dma_wait3A_2478 = arith.constant 0 : i32
      %dma_wait3A_2479 = arith.constant 0 : i32
      %dma_wait3A_2480 = tpu.memref_slice %arg10[%dma_wait3A_2477, %dma_wait3A_2478, %dma_wait3A_2479] : memref<8x32x128xf32, #tpu.memory_space<vmem>> -> memref<1x32x128xf32, #tpu.memory_space<vmem>>
      %dma_wait3A_2481 = tpu.memref_squeeze %dma_wait3A_2480 : memref<1x32x128xf32, #tpu.memory_space<vmem>> -> memref<32x128xf32, #tpu.memory_space<vmem>>
      %dma_wait3A_2482 = arith.constant 0 : i32
      %dma_wait3A_2483 = arith.constant 0 : i32
      %dma_wait3A_2484 = tpu.memref_slice %arg4[%dma_wait3A_2482, %dma_wait3A_2483] : memref<32x1000001xf32, #tpu.memory_space<hbm>> -> memref<32x128xf32, #tpu.memory_space<hbm>>
      %dma_wait3A_2485 = arith.constant 0 : i32
      %dma_wait3A_2486 = arith.constant 0 : i32
      %dma_wait3A_2487 = tpu.memref_slice %arg10[%dma_wait3A_2477, %dma_wait3A_2485, %dma_wait3A_2486] : memref<8x32x128xf32, #tpu.memory_space<vmem>> -> memref<1x32x128xf32, #tpu.memory_space<vmem>>
      %dma_wait3A_2488 = tpu.memref_squeeze %dma_wait3A_2487 : memref<1x32x128xf32, #tpu.memory_space<vmem>> -> memref<32x128xf32, #tpu.memory_space<vmem>>
      %dma_wait3A_2489 = arith.constant 0 : i32
      %dma_wait3A_2490 = arith.constant 0 : i32
      %dma_wait3A_2491 = tpu.memref_slice %arg4[%dma_wait3A_2489, %dma_wait3A_2490] : memref<32x1000001xf32, #tpu.memory_space<hbm>> -> memref<32x128xf32, #tpu.memory_space<hbm>>
      tpu.wait_dma2 semaphore(%arg16 : memref<!tpu.dma_semaphore, #tpu.memory_space<semaphore_mem>>) src(%dma_wait3A_2491 : memref<32x128xf32, #tpu.memory_space<hbm>>) dst(%dma_wait3A_2488 : memref<32x128xf32, #tpu.memory_space<vmem>>)
      %dma_wait3A_2492 = arith.constant 2 : i32
      %dma_wait3A_2493 = arith.constant 0 : i32
      %dma_wait3A_2494 = arith.constant 0 : i32
      %dma_wait3A_2495 = tpu.memref_slice %arg11[%dma_wait3A_2492, %dma_wait3A_2493, %dma_wait3A_2494] : memref<8x32x128xf32, #tpu.memory_space<vmem>> -> memref<1x32x128xf32, #tpu.memory_space<vmem>>
      %dma_wait3A_2496 = tpu.memref_squeeze %dma_wait3A_2495 : memref<1x32x128xf32, #tpu.memory_space<vmem>> -> memref<32x128xf32, #tpu.memory_space<vmem>>
      %dma_wait3A_2497 = arith.constant 0 : i32
      %dma_wait3A_2498 = arith.constant 0 : i32
      %dma_wait3A_2499 = tpu.memref_slice %arg5[%dma_wait3A_2497, %dma_wait3A_2498] : memref<32x1000001xf32, #tpu.memory_space<hbm>> -> memref<32x128xf32, #tpu.memory_space<hbm>>
      %dma_wait3A_2500 = arith.constant 0 : i32
      %dma_wait3A_2501 = arith.constant 0 : i32
      %dma_wait3A_2502 = tpu.memref_slice %arg11[%dma_wait3A_2492, %dma_wait3A_2500, %dma_wait3A_2501] : memref<8x32x128xf32, #tpu.memory_space<vmem>> -> memref<1x32x128xf32, #tpu.memory_space<vmem>>
      %dma_wait3A_2503 = tpu.memref_squeeze %dma_wait3A_2502 : memref<1x32x128xf32, #tpu.memory_space<vmem>> -> memref<32x128xf32, #tpu.memory_space<vmem>>
      %dma_wait3A_2504 = arith.constant 0 : i32
      %dma_wait3A_2505 = arith.constant 0 : i32
      %dma_wait3A_2506 = tpu.memref_slice %arg5[%dma_wait3A_2504, %dma_wait3A_2505] : memref<32x1000001xf32, #tpu.memory_space<hbm>> -> memref<32x128xf32, #tpu.memory_space<hbm>>
      tpu.wait_dma2 semaphore(%arg16 : memref<!tpu.dma_semaphore, #tpu.memory_space<semaphore_mem>>) src(%dma_wait3A_2506 : memref<32x128xf32, #tpu.memory_space<hbm>>) dst(%dma_wait3A_2503 : memref<32x128xf32, #tpu.memory_space<vmem>>)
      %slice3A_2507 = vector.extract_strided_slice %get3A_676 {offsets = [10], sizes = [1], strides = [1]} : vector<16xi32> to vector<1xi32>
      %squeeze3A_2508 = vector.extract %slice3A_2507[0] : i32 from vector<1xi32>
      %jit3A_2509 = arith.constant 128 : i32
      %eq3A_2510 = arith.constant 0 : i32
      %eq3A_2511 = arith.cmpi eq, %jit3A_2509, %eq3A_2510 : i32
      %jit3A_2512 = arith.constant 1 : i32
      %select_n3A_2513 = arith.select %eq3A_2511, %jit3A_2512, %jit3A_2509 : i32
      %rem3A_2514 = arith.remsi %squeeze3A_2508, %select_n3A_2513 : i32
      %ne3A_2515 = arith.constant 0 : i32
      %ne3A_2516 = arith.cmpi ne, %rem3A_2514, %ne3A_2515 : i32
      %lt3A_2517 = arith.constant 0 : i32
      %lt3A_2518 = arith.cmpi slt, %rem3A_2514, %lt3A_2517 : i32
      %lt3A_2519 = arith.constant 0 : i32
      %lt3A_2520 = arith.cmpi slt, %select_n3A_2513, %lt3A_2519 : i32
      %ne3A_2521 = arith.xori %lt3A_2518, %lt3A_2520 : i1
      %and3A_2522 = arith.andi %ne3A_2521, %ne3A_2516 : i1
      %add3A_2523 = arith.addi %rem3A_2514, %select_n3A_2513 : i32
      %select_n3A_2524 = arith.select %and3A_2522, %add3A_2523, %rem3A_2514 : i32
      %broadcast_in_dim3A_2525 = vector.broadcast %select_n3A_2524 : i32 to vector<16xi32>
      %broadcast_in_dim3A_2526 = vector.broadcast %add3A_2476 : i32 to vector<16xi32>
      %add3A_2527 = arith.constant 0 : i32
      %add3A_2528 = vector.broadcast %add3A_2527 : i32 to vector<16xi32>
      %add3A_2529 = arith.addi %iota3A, %add3A_2528 : vector<16xi32>
      %gather3A_2530 = arith.constant 2 : i32
      %gather3A_2531 = arith.constant 0 : i32
      %gather3A_2532 = arith.constant 0 : i32
      %gather3A_2533 = tpu.memref_slice %arg10[%gather3A_2530, %gather3A_2531, %gather3A_2532] : memref<8x32x128xf32, #tpu.memory_space<vmem>> -> memref<1x32x128xf32, #tpu.memory_space<vmem>>
      %gather3A_2534 = tpu.memref_squeeze %gather3A_2533 : memref<1x32x128xf32, #tpu.memory_space<vmem>> -> memref<32x128xf32, #tpu.memory_space<vmem>>
      %gather3A_2535 = tpu.vector_load_idx %gather3A_2534[%add3A_2529, %broadcast_in_dim3A_2525] : memref<32x128xf32, #tpu.memory_space<vmem>>[vector<16xi32>, vector<16xi32>], vector<16xf32>,
      tpu.vector_store_idx %arg12[%add3A_2529, %broadcast_in_dim3A_2526], %gather3A_2535 : memref<32x512xf32, #tpu.memory_space<vmem>>[vector<16xi32>, vector<16xi32>], vector<16xf32>,
      %add3A_2536 = arith.constant 16 : i32
      %add3A_2537 = vector.broadcast %add3A_2536 : i32 to vector<16xi32>
      %add3A_2538 = arith.addi %iota3A, %add3A_2537 : vector<16xi32>
      %gather3A_2539 = arith.constant 2 : i32
      %gather3A_2540 = arith.constant 0 : i32
      %gather3A_2541 = arith.constant 0 : i32
      %gather3A_2542 = tpu.memref_slice %arg10[%gather3A_2539, %gather3A_2540, %gather3A_2541] : memref<8x32x128xf32, #tpu.memory_space<vmem>> -> memref<1x32x128xf32, #tpu.memory_space<vmem>>
      %gather3A_2543 = tpu.memref_squeeze %gather3A_2542 : memref<1x32x128xf32, #tpu.memory_space<vmem>> -> memref<32x128xf32, #tpu.memory_space<vmem>>
      %gather3A_2544 = tpu.vector_load_idx %gather3A_2543[%add3A_2538, %broadcast_in_dim3A_2525] : memref<32x128xf32, #tpu.memory_space<vmem>>[vector<16xi32>, vector<16xi32>], vector<16xf32>,
      tpu.vector_store_idx %arg12[%add3A_2538, %broadcast_in_dim3A_2526], %gather3A_2544 : memref<32x512xf32, #tpu.memory_space<vmem>>[vector<16xi32>, vector<16xi32>], vector<16xf32>,
      %slice3A_2545 = vector.extract_strided_slice %get3A_678 {offsets = [10], sizes = [1], strides = [1]} : vector<16xi32> to vector<1xi32>
      %squeeze3A_2546 = vector.extract %slice3A_2545[0] : i32 from vector<1xi32>
      %jit3A_2547 = arith.constant 128 : i32
      %eq3A_2548 = arith.constant 0 : i32
      %eq3A_2549 = arith.cmpi eq, %jit3A_2547, %eq3A_2548 : i32
      %jit3A_2550 = arith.constant 1 : i32
      %select_n3A_2551 = arith.select %eq3A_2549, %jit3A_2550, %jit3A_2547 : i32
      %rem3A_2552 = arith.remsi %squeeze3A_2546, %select_n3A_2551 : i32
      %ne3A_2553 = arith.constant 0 : i32
      %ne3A_2554 = arith.cmpi ne, %rem3A_2552, %ne3A_2553 : i32
      %lt3A_2555 = arith.constant 0 : i32
      %lt3A_2556 = arith.cmpi slt, %rem3A_2552, %lt3A_2555 : i32
      %lt3A_2557 = arith.constant 0 : i32
      %lt3A_2558 = arith.cmpi slt, %select_n3A_2551, %lt3A_2557 : i32
      %ne3A_2559 = arith.xori %lt3A_2556, %lt3A_2558 : i1
      %and3A_2560 = arith.andi %ne3A_2559, %ne3A_2554 : i1
      %add3A_2561 = arith.addi %rem3A_2552, %select_n3A_2551 : i32
      %select_n3A_2562 = arith.select %and3A_2560, %add3A_2561, %rem3A_2552 : i32
      %broadcast_in_dim3A_2563 = vector.broadcast %select_n3A_2562 : i32 to vector<16xi32>
      %broadcast_in_dim3A_2564 = vector.broadcast %add3A_2476 : i32 to vector<16xi32>
      %add3A_2565 = arith.constant 0 : i32
      %add3A_2566 = vector.broadcast %add3A_2565 : i32 to vector<16xi32>
      %add3A_2567 = arith.addi %iota3A, %add3A_2566 : vector<16xi32>
      %gather3A_2568 = arith.constant 2 : i32
      %gather3A_2569 = arith.constant 0 : i32
      %gather3A_2570 = arith.constant 0 : i32
      %gather3A_2571 = tpu.memref_slice %arg11[%gather3A_2568, %gather3A_2569, %gather3A_2570] : memref<8x32x128xf32, #tpu.memory_space<vmem>> -> memref<1x32x128xf32, #tpu.memory_space<vmem>>
      %gather3A_2572 = tpu.memref_squeeze %gather3A_2571 : memref<1x32x128xf32, #tpu.memory_space<vmem>> -> memref<32x128xf32, #tpu.memory_space<vmem>>
      %gather3A_2573 = tpu.vector_load_idx %gather3A_2572[%add3A_2567, %broadcast_in_dim3A_2563] : memref<32x128xf32, #tpu.memory_space<vmem>>[vector<16xi32>, vector<16xi32>], vector<16xf32>,
      tpu.vector_store_idx %arg13[%add3A_2567, %broadcast_in_dim3A_2564], %gather3A_2573 : memref<32x512xf32, #tpu.memory_space<vmem>>[vector<16xi32>, vector<16xi32>], vector<16xf32>,
      %add3A_2574 = arith.constant 16 : i32
      %add3A_2575 = vector.broadcast %add3A_2574 : i32 to vector<16xi32>
      %add3A_2576 = arith.addi %iota3A, %add3A_2575 : vector<16xi32>
      %gather3A_2577 = arith.constant 2 : i32
      %gather3A_2578 = arith.constant 0 : i32
      %gather3A_2579 = arith.constant 0 : i32
      %gather3A_2580 = tpu.memref_slice %arg11[%gather3A_2577, %gather3A_2578, %gather3A_2579] : memref<8x32x128xf32, #tpu.memory_space<vmem>> -> memref<1x32x128xf32, #tpu.memory_space<vmem>>
      %gather3A_2581 = tpu.memref_squeeze %gather3A_2580 : memref<1x32x128xf32, #tpu.memory_space<vmem>> -> memref<32x128xf32, #tpu.memory_space<vmem>>
      %gather3A_2582 = tpu.vector_load_idx %gather3A_2581[%add3A_2576, %broadcast_in_dim3A_2563] : memref<32x128xf32, #tpu.memory_space<vmem>>[vector<16xi32>, vector<16xi32>], vector<16xf32>,
      tpu.vector_store_idx %arg13[%add3A_2576, %broadcast_in_dim3A_2564], %gather3A_2582 : memref<32x512xf32, #tpu.memory_space<vmem>>[vector<16xi32>, vector<16xi32>], vector<16xf32>,
      %add3A_2583 = arith.constant 8 : i32
      %add3A_2584 = arith.addi %add3A_2476, %add3A_2583 : i32
      %lt3A_2585 = arith.constant 512 : i32
      %lt3A_2586 = arith.cmpi slt, %add3A_2584, %lt3A_2585 : i32
      %convert_element_type3A_2587 = arith.extui %lt3A_2586 : i1 to i32
      %cond3A_2588 = arith.constant 0 : i32
      %cond3A_2589 = arith.cmpi ne, %convert_element_type3A_2587, %cond3A_2588 : i32
      scf.if %cond3A_2589 {
        %slice3A_3185 = vector.extract_strided_slice %get3A_685 {offsets = [2], sizes = [1], strides = [1]} : vector<16xi32> to vector<1xi32>
        %squeeze3A_3186 = vector.extract %slice3A_3185[0] : i32 from vector<1xi32>
        %slice3A_3187 = vector.extract_strided_slice %get3A_687 {offsets = [2], sizes = [1], strides = [1]} : vector<16xi32> to vector<1xi32>
        %squeeze3A_3188 = vector.extract %slice3A_3187[0] : i32 from vector<1xi32>
        %jit3A_3189 = arith.constant 128 : i32
        %div3A_3190 = arith.divsi %squeeze3A_3186, %jit3A_3189 : i32
        %sign3A_3191 = arith.constant 0 : i32
        %sign3A_3192 = arith.cmpi sgt, %squeeze3A_3186, %sign3A_3191 : i32
        %sign3A_3193 = arith.extui %sign3A_3192 : i1 to i32
        %sign3A_3194 = arith.constant 0 : i32
        %sign3A_3195 = arith.cmpi slt, %squeeze3A_3186, %sign3A_3194 : i32
        %sign3A_3196 = arith.extui %sign3A_3195 : i1 to i32
        %sign3A_3197 = arith.subi %sign3A_3193, %sign3A_3196 : i32
        %sign3A_3198 = arith.constant 0 : i32
        %sign3A_3199 = arith.cmpi sgt, %jit3A_3189, %sign3A_3198 : i32
        %sign3A_3200 = arith.extui %sign3A_3199 : i1 to i32
        %sign3A_3201 = arith.constant 0 : i32
        %sign3A_3202 = arith.cmpi slt, %jit3A_3189, %sign3A_3201 : i32
        %sign3A_3203 = arith.extui %sign3A_3202 : i1 to i32
        %sign3A_3204 = arith.subi %sign3A_3200, %sign3A_3203 : i32
        %ne3A_3205 = arith.cmpi ne, %sign3A_3197, %sign3A_3204 : i32
        %rem3A_3206 = arith.remsi %squeeze3A_3186, %jit3A_3189 : i32
        %ne3A_3207 = arith.constant 0 : i32
        %ne3A_3208 = arith.cmpi ne, %rem3A_3206, %ne3A_3207 : i32
        %and3A_3209 = arith.andi %ne3A_3205, %ne3A_3208 : i1
        %sub3A_3210 = arith.constant 1 : i32
        %sub3A_3211 = arith.subi %div3A_3190, %sub3A_3210 : i32
        %select_n3A_3212 = arith.select %and3A_3209, %sub3A_3211, %div3A_3190 : i32
        %mul3A_3213 = arith.constant 128 : i32
        %mul3A_3214 = arith.muli %select_n3A_3212, %mul3A_3213 : i32
        %multiple_of3A_3215 = tpu.assume_multiple %mul3A_3214, 128 : i32
        %dma_start3A_3216 = arith.constant 2 : i32
        %dma_start3A_3217 = arith.constant 0 : i32
        %dma_start3A_3218 = arith.constant 0 : i32
        %dma_start3A_3219 = tpu.memref_slice %arg10[%dma_start3A_3216, %dma_start3A_3217, %dma_start3A_3218] : memref<8x32x128xf32, #tpu.memory_space<vmem>> -> memref<1x32x128xf32, #tpu.memory_space<vmem>>
        %dma_start3A_3220 = tpu.memref_squeeze %dma_start3A_3219 : memref<1x32x128xf32, #tpu.memory_space<vmem>> -> memref<32x128xf32, #tpu.memory_space<vmem>>
        %dma_start3A_3221 = arith.constant 0 : i32
        %dma_start3A_3222 = tpu.memref_slice %arg4[%dma_start3A_3221, %multiple_of3A_3215] : memref<32x1000001xf32, #tpu.memory_space<hbm>> -> memref<32x128xf32, #tpu.memory_space<hbm>>
        %dma_start3A_3223 = arith.constant 0 : i32
        %dma_start3A_3224 = arith.constant 0 : i32
        %dma_start3A_3225 = tpu.memref_slice %arg10[%dma_start3A_3216, %dma_start3A_3223, %dma_start3A_3224] : memref<8x32x128xf32, #tpu.memory_space<vmem>> -> memref<1x32x128xf32, #tpu.memory_space<vmem>>
        %dma_start3A_3226 = tpu.memref_squeeze %dma_start3A_3225 : memref<1x32x128xf32, #tpu.memory_space<vmem>> -> memref<32x128xf32, #tpu.memory_space<vmem>>
        %dma_start3A_3227 = arith.constant 0 : i32
        %dma_start3A_3228 = tpu.memref_slice %arg4[%dma_start3A_3227, %multiple_of3A_3215] : memref<32x1000001xf32, #tpu.memory_space<hbm>> -> memref<32x128xf32, #tpu.memory_space<hbm>>
        tpu.enqueue_dma source(%dma_start3A_3228 : memref<32x128xf32, #tpu.memory_space<hbm>>) target(%dma_start3A_3226 : memref<32x128xf32, #tpu.memory_space<vmem>>) target_semaphore(%arg16 : memref<!tpu.dma_semaphore, #tpu.memory_space<semaphore_mem>>)
        %jit3A_3229 = arith.constant 128 : i32
        %div3A_3230 = arith.divsi %squeeze3A_3188, %jit3A_3229 : i32
        %sign3A_3231 = arith.constant 0 : i32
        %sign3A_3232 = arith.cmpi sgt, %squeeze3A_3188, %sign3A_3231 : i32
        %sign3A_3233 = arith.extui %sign3A_3232 : i1 to i32
        %sign3A_3234 = arith.constant 0 : i32
        %sign3A_3235 = arith.cmpi slt, %squeeze3A_3188, %sign3A_3234 : i32
        %sign3A_3236 = arith.extui %sign3A_3235 : i1 to i32
        %sign3A_3237 = arith.subi %sign3A_3233, %sign3A_3236 : i32
        %sign3A_3238 = arith.constant 0 : i32
        %sign3A_3239 = arith.cmpi sgt, %jit3A_3229, %sign3A_3238 : i32
        %sign3A_3240 = arith.extui %sign3A_3239 : i1 to i32
        %sign3A_3241 = arith.constant 0 : i32
        %sign3A_3242 = arith.cmpi slt, %jit3A_3229, %sign3A_3241 : i32
        %sign3A_3243 = arith.extui %sign3A_3242 : i1 to i32
        %sign3A_3244 = arith.subi %sign3A_3240, %sign3A_3243 : i32
        %ne3A_3245 = arith.cmpi ne, %sign3A_3237, %sign3A_3244 : i32
        %rem3A_3246 = arith.remsi %squeeze3A_3188, %jit3A_3229 : i32
        %ne3A_3247 = arith.constant 0 : i32
        %ne3A_3248 = arith.cmpi ne, %rem3A_3246, %ne3A_3247 : i32
        %and3A_3249 = arith.andi %ne3A_3245, %ne3A_3248 : i1
        %sub3A_3250 = arith.constant 1 : i32
        %sub3A_3251 = arith.subi %div3A_3230, %sub3A_3250 : i32
        %select_n3A_3252 = arith.select %and3A_3249, %sub3A_3251, %div3A_3230 : i32
        %mul3A_3253 = arith.constant 128 : i32
        %mul3A_3254 = arith.muli %select_n3A_3252, %mul3A_3253 : i32
        %multiple_of3A_3255 = tpu.assume_multiple %mul3A_3254, 128 : i32
        %dma_start3A_3256 = arith.constant 2 : i32
        %dma_start3A_3257 = arith.constant 0 : i32
        %dma_start3A_3258 = arith.constant 0 : i32
        %dma_start3A_3259 = tpu.memref_slice %arg11[%dma_start3A_3256, %dma_start3A_3257, %dma_start3A_3258] : memref<8x32x128xf32, #tpu.memory_space<vmem>> -> memref<1x32x128xf32, #tpu.memory_space<vmem>>
        %dma_start3A_3260 = tpu.memref_squeeze %dma_start3A_3259 : memref<1x32x128xf32, #tpu.memory_space<vmem>> -> memref<32x128xf32, #tpu.memory_space<vmem>>
        %dma_start3A_3261 = arith.constant 0 : i32
        %dma_start3A_3262 = tpu.memref_slice %arg5[%dma_start3A_3261, %multiple_of3A_3255] : memref<32x1000001xf32, #tpu.memory_space<hbm>> -> memref<32x128xf32, #tpu.memory_space<hbm>>
        %dma_start3A_3263 = arith.constant 0 : i32
        %dma_start3A_3264 = arith.constant 0 : i32
        %dma_start3A_3265 = tpu.memref_slice %arg11[%dma_start3A_3256, %dma_start3A_3263, %dma_start3A_3264] : memref<8x32x128xf32, #tpu.memory_space<vmem>> -> memref<1x32x128xf32, #tpu.memory_space<vmem>>
        %dma_start3A_3266 = tpu.memref_squeeze %dma_start3A_3265 : memref<1x32x128xf32, #tpu.memory_space<vmem>> -> memref<32x128xf32, #tpu.memory_space<vmem>>
        %dma_start3A_3267 = arith.constant 0 : i32
        %dma_start3A_3268 = tpu.memref_slice %arg5[%dma_start3A_3267, %multiple_of3A_3255] : memref<32x1000001xf32, #tpu.memory_space<hbm>> -> memref<32x128xf32, #tpu.memory_space<hbm>>
        tpu.enqueue_dma source(%dma_start3A_3268 : memref<32x128xf32, #tpu.memory_space<hbm>>) target(%dma_start3A_3266 : memref<32x128xf32, #tpu.memory_space<vmem>>) target_semaphore(%arg16 : memref<!tpu.dma_semaphore, #tpu.memory_space<semaphore_mem>>)
      } else {
      }
      %mul3A_2590 = arith.constant 16 : i32
      %mul3A_2591 = arith.muli %scan3A_671, %mul3A_2590 : i32
      %add3A_2592 = arith.constant 8 : i32
      %add3A_2593 = arith.addi %mul3A_2591, %add3A_2592 : i32
      %add3A_2594 = arith.constant 3 : i32
      %add3A_2595 = arith.addi %add3A_2593, %add3A_2594 : i32
      %dma_wait3A_2596 = arith.constant 3 : i32
      %dma_wait3A_2597 = arith.constant 0 : i32
      %dma_wait3A_2598 = arith.constant 0 : i32
      %dma_wait3A_2599 = tpu.memref_slice %arg10[%dma_wait3A_2596, %dma_wait3A_2597, %dma_wait3A_2598] : memref<8x32x128xf32, #tpu.memory_space<vmem>> -> memref<1x32x128xf32, #tpu.memory_space<vmem>>
      %dma_wait3A_2600 = tpu.memref_squeeze %dma_wait3A_2599 : memref<1x32x128xf32, #tpu.memory_space<vmem>> -> memref<32x128xf32, #tpu.memory_space<vmem>>
      %dma_wait3A_2601 = arith.constant 0 : i32
      %dma_wait3A_2602 = arith.constant 0 : i32
      %dma_wait3A_2603 = tpu.memref_slice %arg4[%dma_wait3A_2601, %dma_wait3A_2602] : memref<32x1000001xf32, #tpu.memory_space<hbm>> -> memref<32x128xf32, #tpu.memory_space<hbm>>
      %dma_wait3A_2604 = arith.constant 0 : i32
      %dma_wait3A_2605 = arith.constant 0 : i32
      %dma_wait3A_2606 = tpu.memref_slice %arg10[%dma_wait3A_2596, %dma_wait3A_2604, %dma_wait3A_2605] : memref<8x32x128xf32, #tpu.memory_space<vmem>> -> memref<1x32x128xf32, #tpu.memory_space<vmem>>
      %dma_wait3A_2607 = tpu.memref_squeeze %dma_wait3A_2606 : memref<1x32x128xf32, #tpu.memory_space<vmem>> -> memref<32x128xf32, #tpu.memory_space<vmem>>
      %dma_wait3A_2608 = arith.constant 0 : i32
      %dma_wait3A_2609 = arith.constant 0 : i32
      %dma_wait3A_2610 = tpu.memref_slice %arg4[%dma_wait3A_2608, %dma_wait3A_2609] : memref<32x1000001xf32, #tpu.memory_space<hbm>> -> memref<32x128xf32, #tpu.memory_space<hbm>>
      tpu.wait_dma2 semaphore(%arg17 : memref<!tpu.dma_semaphore, #tpu.memory_space<semaphore_mem>>) src(%dma_wait3A_2610 : memref<32x128xf32, #tpu.memory_space<hbm>>) dst(%dma_wait3A_2607 : memref<32x128xf32, #tpu.memory_space<vmem>>)
      %dma_wait3A_2611 = arith.constant 3 : i32
      %dma_wait3A_2612 = arith.constant 0 : i32
      %dma_wait3A_2613 = arith.constant 0 : i32
      %dma_wait3A_2614 = tpu.memref_slice %arg11[%dma_wait3A_2611, %dma_wait3A_2612, %dma_wait3A_2613] : memref<8x32x128xf32, #tpu.memory_space<vmem>> -> memref<1x32x128xf32, #tpu.memory_space<vmem>>
      %dma_wait3A_2615 = tpu.memref_squeeze %dma_wait3A_2614 : memref<1x32x128xf32, #tpu.memory_space<vmem>> -> memref<32x128xf32, #tpu.memory_space<vmem>>
      %dma_wait3A_2616 = arith.constant 0 : i32
      %dma_wait3A_2617 = arith.constant 0 : i32
      %dma_wait3A_2618 = tpu.memref_slice %arg5[%dma_wait3A_2616, %dma_wait3A_2617] : memref<32x1000001xf32, #tpu.memory_space<hbm>> -> memref<32x128xf32, #tpu.memory_space<hbm>>
      %dma_wait3A_2619 = arith.constant 0 : i32
      %dma_wait3A_2620 = arith.constant 0 : i32
      %dma_wait3A_2621 = tpu.memref_slice %arg11[%dma_wait3A_2611, %dma_wait3A_2619, %dma_wait3A_2620] : memref<8x32x128xf32, #tpu.memory_space<vmem>> -> memref<1x32x128xf32, #tpu.memory_space<vmem>>
      %dma_wait3A_2622 = tpu.memref_squeeze %dma_wait3A_2621 : memref<1x32x128xf32, #tpu.memory_space<vmem>> -> memref<32x128xf32, #tpu.memory_space<vmem>>
      %dma_wait3A_2623 = arith.constant 0 : i32
      %dma_wait3A_2624 = arith.constant 0 : i32
      %dma_wait3A_2625 = tpu.memref_slice %arg5[%dma_wait3A_2623, %dma_wait3A_2624] : memref<32x1000001xf32, #tpu.memory_space<hbm>> -> memref<32x128xf32, #tpu.memory_space<hbm>>
      tpu.wait_dma2 semaphore(%arg17 : memref<!tpu.dma_semaphore, #tpu.memory_space<semaphore_mem>>) src(%dma_wait3A_2625 : memref<32x128xf32, #tpu.memory_space<hbm>>) dst(%dma_wait3A_2622 : memref<32x128xf32, #tpu.memory_space<vmem>>)
      %slice3A_2626 = vector.extract_strided_slice %get3A_676 {offsets = [11], sizes = [1], strides = [1]} : vector<16xi32> to vector<1xi32>
      %squeeze3A_2627 = vector.extract %slice3A_2626[0] : i32 from vector<1xi32>
      %jit3A_2628 = arith.constant 128 : i32
      %eq3A_2629 = arith.constant 0 : i32
      %eq3A_2630 = arith.cmpi eq, %jit3A_2628, %eq3A_2629 : i32
      %jit3A_2631 = arith.constant 1 : i32
      %select_n3A_2632 = arith.select %eq3A_2630, %jit3A_2631, %jit3A_2628 : i32
      %rem3A_2633 = arith.remsi %squeeze3A_2627, %select_n3A_2632 : i32
      %ne3A_2634 = arith.constant 0 : i32
      %ne3A_2635 = arith.cmpi ne, %rem3A_2633, %ne3A_2634 : i32
      %lt3A_2636 = arith.constant 0 : i32
      %lt3A_2637 = arith.cmpi slt, %rem3A_2633, %lt3A_2636 : i32
      %lt3A_2638 = arith.constant 0 : i32
      %lt3A_2639 = arith.cmpi slt, %select_n3A_2632, %lt3A_2638 : i32
      %ne3A_2640 = arith.xori %lt3A_2637, %lt3A_2639 : i1
      %and3A_2641 = arith.andi %ne3A_2640, %ne3A_2635 : i1
      %add3A_2642 = arith.addi %rem3A_2633, %select_n3A_2632 : i32
      %select_n3A_2643 = arith.select %and3A_2641, %add3A_2642, %rem3A_2633 : i32
      %broadcast_in_dim3A_2644 = vector.broadcast %select_n3A_2643 : i32 to vector<16xi32>
      %broadcast_in_dim3A_2645 = vector.broadcast %add3A_2595 : i32 to vector<16xi32>
      %add3A_2646 = arith.constant 0 : i32
      %add3A_2647 = vector.broadcast %add3A_2646 : i32 to vector<16xi32>
      %add3A_2648 = arith.addi %iota3A, %add3A_2647 : vector<16xi32>
      %gather3A_2649 = arith.constant 3 : i32
      %gather3A_2650 = arith.constant 0 : i32
      %gather3A_2651 = arith.constant 0 : i32
      %gather3A_2652 = tpu.memref_slice %arg10[%gather3A_2649, %gather3A_2650, %gather3A_2651] : memref<8x32x128xf32, #tpu.memory_space<vmem>> -> memref<1x32x128xf32, #tpu.memory_space<vmem>>
      %gather3A_2653 = tpu.memref_squeeze %gather3A_2652 : memref<1x32x128xf32, #tpu.memory_space<vmem>> -> memref<32x128xf32, #tpu.memory_space<vmem>>
      %gather3A_2654 = tpu.vector_load_idx %gather3A_2653[%add3A_2648, %broadcast_in_dim3A_2644] : memref<32x128xf32, #tpu.memory_space<vmem>>[vector<16xi32>, vector<16xi32>], vector<16xf32>,
      tpu.vector_store_idx %arg12[%add3A_2648, %broadcast_in_dim3A_2645], %gather3A_2654 : memref<32x512xf32, #tpu.memory_space<vmem>>[vector<16xi32>, vector<16xi32>], vector<16xf32>,
      %add3A_2655 = arith.constant 16 : i32
      %add3A_2656 = vector.broadcast %add3A_2655 : i32 to vector<16xi32>
      %add3A_2657 = arith.addi %iota3A, %add3A_2656 : vector<16xi32>
      %gather3A_2658 = arith.constant 3 : i32
      %gather3A_2659 = arith.constant 0 : i32
      %gather3A_2660 = arith.constant 0 : i32
      %gather3A_2661 = tpu.memref_slice %arg10[%gather3A_2658, %gather3A_2659, %gather3A_2660] : memref<8x32x128xf32, #tpu.memory_space<vmem>> -> memref<1x32x128xf32, #tpu.memory_space<vmem>>
      %gather3A_2662 = tpu.memref_squeeze %gather3A_2661 : memref<1x32x128xf32, #tpu.memory_space<vmem>> -> memref<32x128xf32, #tpu.memory_space<vmem>>
      %gather3A_2663 = tpu.vector_load_idx %gather3A_2662[%add3A_2657, %broadcast_in_dim3A_2644] : memref<32x128xf32, #tpu.memory_space<vmem>>[vector<16xi32>, vector<16xi32>], vector<16xf32>,
      tpu.vector_store_idx %arg12[%add3A_2657, %broadcast_in_dim3A_2645], %gather3A_2663 : memref<32x512xf32, #tpu.memory_space<vmem>>[vector<16xi32>, vector<16xi32>], vector<16xf32>,
      %slice3A_2664 = vector.extract_strided_slice %get3A_678 {offsets = [11], sizes = [1], strides = [1]} : vector<16xi32> to vector<1xi32>
      %squeeze3A_2665 = vector.extract %slice3A_2664[0] : i32 from vector<1xi32>
      %jit3A_2666 = arith.constant 128 : i32
      %eq3A_2667 = arith.constant 0 : i32
      %eq3A_2668 = arith.cmpi eq, %jit3A_2666, %eq3A_2667 : i32
      %jit3A_2669 = arith.constant 1 : i32
      %select_n3A_2670 = arith.select %eq3A_2668, %jit3A_2669, %jit3A_2666 : i32
      %rem3A_2671 = arith.remsi %squeeze3A_2665, %select_n3A_2670 : i32
      %ne3A_2672 = arith.constant 0 : i32
      %ne3A_2673 = arith.cmpi ne, %rem3A_2671, %ne3A_2672 : i32
      %lt3A_2674 = arith.constant 0 : i32
      %lt3A_2675 = arith.cmpi slt, %rem3A_2671, %lt3A_2674 : i32
      %lt3A_2676 = arith.constant 0 : i32
      %lt3A_2677 = arith.cmpi slt, %select_n3A_2670, %lt3A_2676 : i32
      %ne3A_2678 = arith.xori %lt3A_2675, %lt3A_2677 : i1
      %and3A_2679 = arith.andi %ne3A_2678, %ne3A_2673 : i1
      %add3A_2680 = arith.addi %rem3A_2671, %select_n3A_2670 : i32
      %select_n3A_2681 = arith.select %and3A_2679, %add3A_2680, %rem3A_2671 : i32
      %broadcast_in_dim3A_2682 = vector.broadcast %select_n3A_2681 : i32 to vector<16xi32>
      %broadcast_in_dim3A_2683 = vector.broadcast %add3A_2595 : i32 to vector<16xi32>
      %add3A_2684 = arith.constant 0 : i32
      %add3A_2685 = vector.broadcast %add3A_2684 : i32 to vector<16xi32>
      %add3A_2686 = arith.addi %iota3A, %add3A_2685 : vector<16xi32>
      %gather3A_2687 = arith.constant 3 : i32
      %gather3A_2688 = arith.constant 0 : i32
      %gather3A_2689 = arith.constant 0 : i32
      %gather3A_2690 = tpu.memref_slice %arg11[%gather3A_2687, %gather3A_2688, %gather3A_2689] : memref<8x32x128xf32, #tpu.memory_space<vmem>> -> memref<1x32x128xf32, #tpu.memory_space<vmem>>
      %gather3A_2691 = tpu.memref_squeeze %gather3A_2690 : memref<1x32x128xf32, #tpu.memory_space<vmem>> -> memref<32x128xf32, #tpu.memory_space<vmem>>
      %gather3A_2692 = tpu.vector_load_idx %gather3A_2691[%add3A_2686, %broadcast_in_dim3A_2682] : memref<32x128xf32, #tpu.memory_space<vmem>>[vector<16xi32>, vector<16xi32>], vector<16xf32>,
      tpu.vector_store_idx %arg13[%add3A_2686, %broadcast_in_dim3A_2683], %gather3A_2692 : memref<32x512xf32, #tpu.memory_space<vmem>>[vector<16xi32>, vector<16xi32>], vector<16xf32>,
      %add3A_2693 = arith.constant 16 : i32
      %add3A_2694 = vector.broadcast %add3A_2693 : i32 to vector<16xi32>
      %add3A_2695 = arith.addi %iota3A, %add3A_2694 : vector<16xi32>
      %gather3A_2696 = arith.constant 3 : i32
      %gather3A_2697 = arith.constant 0 : i32
      %gather3A_2698 = arith.constant 0 : i32
      %gather3A_2699 = tpu.memref_slice %arg11[%gather3A_2696, %gather3A_2697, %gather3A_2698] : memref<8x32x128xf32, #tpu.memory_space<vmem>> -> memref<1x32x128xf32, #tpu.memory_space<vmem>>
      %gather3A_2700 = tpu.memref_squeeze %gather3A_2699 : memref<1x32x128xf32, #tpu.memory_space<vmem>> -> memref<32x128xf32, #tpu.memory_space<vmem>>
      %gather3A_2701 = tpu.vector_load_idx %gather3A_2700[%add3A_2695, %broadcast_in_dim3A_2682] : memref<32x128xf32, #tpu.memory_space<vmem>>[vector<16xi32>, vector<16xi32>], vector<16xf32>,
      tpu.vector_store_idx %arg13[%add3A_2695, %broadcast_in_dim3A_2683], %gather3A_2701 : memref<32x512xf32, #tpu.memory_space<vmem>>[vector<16xi32>, vector<16xi32>], vector<16xf32>,
      %add3A_2702 = arith.constant 8 : i32
      %add3A_2703 = arith.addi %add3A_2595, %add3A_2702 : i32
      %lt3A_2704 = arith.constant 512 : i32
      %lt3A_2705 = arith.cmpi slt, %add3A_2703, %lt3A_2704 : i32
      %convert_element_type3A_2706 = arith.extui %lt3A_2705 : i1 to i32
      %cond3A_2707 = arith.constant 0 : i32
      %cond3A_2708 = arith.cmpi ne, %convert_element_type3A_2706, %cond3A_2707 : i32
      scf.if %cond3A_2708 {
        %slice3A_3185 = vector.extract_strided_slice %get3A_685 {offsets = [3], sizes = [1], strides = [1]} : vector<16xi32> to vector<1xi32>
        %squeeze3A_3186 = vector.extract %slice3A_3185[0] : i32 from vector<1xi32>
        %slice3A_3187 = vector.extract_strided_slice %get3A_687 {offsets = [3], sizes = [1], strides = [1]} : vector<16xi32> to vector<1xi32>
        %squeeze3A_3188 = vector.extract %slice3A_3187[0] : i32 from vector<1xi32>
        %jit3A_3189 = arith.constant 128 : i32
        %div3A_3190 = arith.divsi %squeeze3A_3186, %jit3A_3189 : i32
        %sign3A_3191 = arith.constant 0 : i32
        %sign3A_3192 = arith.cmpi sgt, %squeeze3A_3186, %sign3A_3191 : i32
        %sign3A_3193 = arith.extui %sign3A_3192 : i1 to i32
        %sign3A_3194 = arith.constant 0 : i32
        %sign3A_3195 = arith.cmpi slt, %squeeze3A_3186, %sign3A_3194 : i32
        %sign3A_3196 = arith.extui %sign3A_3195 : i1 to i32
        %sign3A_3197 = arith.subi %sign3A_3193, %sign3A_3196 : i32
        %sign3A_3198 = arith.constant 0 : i32
        %sign3A_3199 = arith.cmpi sgt, %jit3A_3189, %sign3A_3198 : i32
        %sign3A_3200 = arith.extui %sign3A_3199 : i1 to i32
        %sign3A_3201 = arith.constant 0 : i32
        %sign3A_3202 = arith.cmpi slt, %jit3A_3189, %sign3A_3201 : i32
        %sign3A_3203 = arith.extui %sign3A_3202 : i1 to i32
        %sign3A_3204 = arith.subi %sign3A_3200, %sign3A_3203 : i32
        %ne3A_3205 = arith.cmpi ne, %sign3A_3197, %sign3A_3204 : i32
        %rem3A_3206 = arith.remsi %squeeze3A_3186, %jit3A_3189 : i32
        %ne3A_3207 = arith.constant 0 : i32
        %ne3A_3208 = arith.cmpi ne, %rem3A_3206, %ne3A_3207 : i32
        %and3A_3209 = arith.andi %ne3A_3205, %ne3A_3208 : i1
        %sub3A_3210 = arith.constant 1 : i32
        %sub3A_3211 = arith.subi %div3A_3190, %sub3A_3210 : i32
        %select_n3A_3212 = arith.select %and3A_3209, %sub3A_3211, %div3A_3190 : i32
        %mul3A_3213 = arith.constant 128 : i32
        %mul3A_3214 = arith.muli %select_n3A_3212, %mul3A_3213 : i32
        %multiple_of3A_3215 = tpu.assume_multiple %mul3A_3214, 128 : i32
        %dma_start3A_3216 = arith.constant 3 : i32
        %dma_start3A_3217 = arith.constant 0 : i32
        %dma_start3A_3218 = arith.constant 0 : i32
        %dma_start3A_3219 = tpu.memref_slice %arg10[%dma_start3A_3216, %dma_start3A_3217, %dma_start3A_3218] : memref<8x32x128xf32, #tpu.memory_space<vmem>> -> memref<1x32x128xf32, #tpu.memory_space<vmem>>
        %dma_start3A_3220 = tpu.memref_squeeze %dma_start3A_3219 : memref<1x32x128xf32, #tpu.memory_space<vmem>> -> memref<32x128xf32, #tpu.memory_space<vmem>>
        %dma_start3A_3221 = arith.constant 0 : i32
        %dma_start3A_3222 = tpu.memref_slice %arg4[%dma_start3A_3221, %multiple_of3A_3215] : memref<32x1000001xf32, #tpu.memory_space<hbm>> -> memref<32x128xf32, #tpu.memory_space<hbm>>
        %dma_start3A_3223 = arith.constant 0 : i32
        %dma_start3A_3224 = arith.constant 0 : i32
        %dma_start3A_3225 = tpu.memref_slice %arg10[%dma_start3A_3216, %dma_start3A_3223, %dma_start3A_3224] : memref<8x32x128xf32, #tpu.memory_space<vmem>> -> memref<1x32x128xf32, #tpu.memory_space<vmem>>
        %dma_start3A_3226 = tpu.memref_squeeze %dma_start3A_3225 : memref<1x32x128xf32, #tpu.memory_space<vmem>> -> memref<32x128xf32, #tpu.memory_space<vmem>>
        %dma_start3A_3227 = arith.constant 0 : i32
        %dma_start3A_3228 = tpu.memref_slice %arg4[%dma_start3A_3227, %multiple_of3A_3215] : memref<32x1000001xf32, #tpu.memory_space<hbm>> -> memref<32x128xf32, #tpu.memory_space<hbm>>
        tpu.enqueue_dma source(%dma_start3A_3228 : memref<32x128xf32, #tpu.memory_space<hbm>>) target(%dma_start3A_3226 : memref<32x128xf32, #tpu.memory_space<vmem>>) target_semaphore(%arg17 : memref<!tpu.dma_semaphore, #tpu.memory_space<semaphore_mem>>)
        %jit3A_3229 = arith.constant 128 : i32
        %div3A_3230 = arith.divsi %squeeze3A_3188, %jit3A_3229 : i32
        %sign3A_3231 = arith.constant 0 : i32
        %sign3A_3232 = arith.cmpi sgt, %squeeze3A_3188, %sign3A_3231 : i32
        %sign3A_3233 = arith.extui %sign3A_3232 : i1 to i32
        %sign3A_3234 = arith.constant 0 : i32
        %sign3A_3235 = arith.cmpi slt, %squeeze3A_3188, %sign3A_3234 : i32
        %sign3A_3236 = arith.extui %sign3A_3235 : i1 to i32
        %sign3A_3237 = arith.subi %sign3A_3233, %sign3A_3236 : i32
        %sign3A_3238 = arith.constant 0 : i32
        %sign3A_3239 = arith.cmpi sgt, %jit3A_3229, %sign3A_3238 : i32
        %sign3A_3240 = arith.extui %sign3A_3239 : i1 to i32
        %sign3A_3241 = arith.constant 0 : i32
        %sign3A_3242 = arith.cmpi slt, %jit3A_3229, %sign3A_3241 : i32
        %sign3A_3243 = arith.extui %sign3A_3242 : i1 to i32
        %sign3A_3244 = arith.subi %sign3A_3240, %sign3A_3243 : i32
        %ne3A_3245 = arith.cmpi ne, %sign3A_3237, %sign3A_3244 : i32
        %rem3A_3246 = arith.remsi %squeeze3A_3188, %jit3A_3229 : i32
        %ne3A_3247 = arith.constant 0 : i32
        %ne3A_3248 = arith.cmpi ne, %rem3A_3246, %ne3A_3247 : i32
        %and3A_3249 = arith.andi %ne3A_3245, %ne3A_3248 : i1
        %sub3A_3250 = arith.constant 1 : i32
        %sub3A_3251 = arith.subi %div3A_3230, %sub3A_3250 : i32
        %select_n3A_3252 = arith.select %and3A_3249, %sub3A_3251, %div3A_3230 : i32
        %mul3A_3253 = arith.constant 128 : i32
        %mul3A_3254 = arith.muli %select_n3A_3252, %mul3A_3253 : i32
        %multiple_of3A_3255 = tpu.assume_multiple %mul3A_3254, 128 : i32
        %dma_start3A_3256 = arith.constant 3 : i32
        %dma_start3A_3257 = arith.constant 0 : i32
        %dma_start3A_3258 = arith.constant 0 : i32
        %dma_start3A_3259 = tpu.memref_slice %arg11[%dma_start3A_3256, %dma_start3A_3257, %dma_start3A_3258] : memref<8x32x128xf32, #tpu.memory_space<vmem>> -> memref<1x32x128xf32, #tpu.memory_space<vmem>>
        %dma_start3A_3260 = tpu.memref_squeeze %dma_start3A_3259 : memref<1x32x128xf32, #tpu.memory_space<vmem>> -> memref<32x128xf32, #tpu.memory_space<vmem>>
        %dma_start3A_3261 = arith.constant 0 : i32
        %dma_start3A_3262 = tpu.memref_slice %arg5[%dma_start3A_3261, %multiple_of3A_3255] : memref<32x1000001xf32, #tpu.memory_space<hbm>> -> memref<32x128xf32, #tpu.memory_space<hbm>>
        %dma_start3A_3263 = arith.constant 0 : i32
        %dma_start3A_3264 = arith.constant 0 : i32
        %dma_start3A_3265 = tpu.memref_slice %arg11[%dma_start3A_3256, %dma_start3A_3263, %dma_start3A_3264] : memref<8x32x128xf32, #tpu.memory_space<vmem>> -> memref<1x32x128xf32, #tpu.memory_space<vmem>>
        %dma_start3A_3266 = tpu.memref_squeeze %dma_start3A_3265 : memref<1x32x128xf32, #tpu.memory_space<vmem>> -> memref<32x128xf32, #tpu.memory_space<vmem>>
        %dma_start3A_3267 = arith.constant 0 : i32
        %dma_start3A_3268 = tpu.memref_slice %arg5[%dma_start3A_3267, %multiple_of3A_3255] : memref<32x1000001xf32, #tpu.memory_space<hbm>> -> memref<32x128xf32, #tpu.memory_space<hbm>>
        tpu.enqueue_dma source(%dma_start3A_3268 : memref<32x128xf32, #tpu.memory_space<hbm>>) target(%dma_start3A_3266 : memref<32x128xf32, #tpu.memory_space<vmem>>) target_semaphore(%arg17 : memref<!tpu.dma_semaphore, #tpu.memory_space<semaphore_mem>>)
      } else {
      }
      %mul3A_2709 = arith.constant 16 : i32
      %mul3A_2710 = arith.muli %scan3A_671, %mul3A_2709 : i32
      %add3A_2711 = arith.constant 8 : i32
      %add3A_2712 = arith.addi %mul3A_2710, %add3A_2711 : i32
      %add3A_2713 = arith.constant 4 : i32
      %add3A_2714 = arith.addi %add3A_2712, %add3A_2713 : i32
      %dma_wait3A_2715 = arith.constant 4 : i32
      %dma_wait3A_2716 = arith.constant 0 : i32
      %dma_wait3A_2717 = arith.constant 0 : i32
      %dma_wait3A_2718 = tpu.memref_slice %arg10[%dma_wait3A_2715, %dma_wait3A_2716, %dma_wait3A_2717] : memref<8x32x128xf32, #tpu.memory_space<vmem>> -> memref<1x32x128xf32, #tpu.memory_space<vmem>>
      %dma_wait3A_2719 = tpu.memref_squeeze %dma_wait3A_2718 : memref<1x32x128xf32, #tpu.memory_space<vmem>> -> memref<32x128xf32, #tpu.memory_space<vmem>>
      %dma_wait3A_2720 = arith.constant 0 : i32
      %dma_wait3A_2721 = arith.constant 0 : i32
      %dma_wait3A_2722 = tpu.memref_slice %arg4[%dma_wait3A_2720, %dma_wait3A_2721] : memref<32x1000001xf32, #tpu.memory_space<hbm>> -> memref<32x128xf32, #tpu.memory_space<hbm>>
      %dma_wait3A_2723 = arith.constant 0 : i32
      %dma_wait3A_2724 = arith.constant 0 : i32
      %dma_wait3A_2725 = tpu.memref_slice %arg10[%dma_wait3A_2715, %dma_wait3A_2723, %dma_wait3A_2724] : memref<8x32x128xf32, #tpu.memory_space<vmem>> -> memref<1x32x128xf32, #tpu.memory_space<vmem>>
      %dma_wait3A_2726 = tpu.memref_squeeze %dma_wait3A_2725 : memref<1x32x128xf32, #tpu.memory_space<vmem>> -> memref<32x128xf32, #tpu.memory_space<vmem>>
      %dma_wait3A_2727 = arith.constant 0 : i32
      %dma_wait3A_2728 = arith.constant 0 : i32
      %dma_wait3A_2729 = tpu.memref_slice %arg4[%dma_wait3A_2727, %dma_wait3A_2728] : memref<32x1000001xf32, #tpu.memory_space<hbm>> -> memref<32x128xf32, #tpu.memory_space<hbm>>
      tpu.wait_dma2 semaphore(%arg18 : memref<!tpu.dma_semaphore, #tpu.memory_space<semaphore_mem>>) src(%dma_wait3A_2729 : memref<32x128xf32, #tpu.memory_space<hbm>>) dst(%dma_wait3A_2726 : memref<32x128xf32, #tpu.memory_space<vmem>>)
      %dma_wait3A_2730 = arith.constant 4 : i32
      %dma_wait3A_2731 = arith.constant 0 : i32
      %dma_wait3A_2732 = arith.constant 0 : i32
      %dma_wait3A_2733 = tpu.memref_slice %arg11[%dma_wait3A_2730, %dma_wait3A_2731, %dma_wait3A_2732] : memref<8x32x128xf32, #tpu.memory_space<vmem>> -> memref<1x32x128xf32, #tpu.memory_space<vmem>>
      %dma_wait3A_2734 = tpu.memref_squeeze %dma_wait3A_2733 : memref<1x32x128xf32, #tpu.memory_space<vmem>> -> memref<32x128xf32, #tpu.memory_space<vmem>>
      %dma_wait3A_2735 = arith.constant 0 : i32
      %dma_wait3A_2736 = arith.constant 0 : i32
      %dma_wait3A_2737 = tpu.memref_slice %arg5[%dma_wait3A_2735, %dma_wait3A_2736] : memref<32x1000001xf32, #tpu.memory_space<hbm>> -> memref<32x128xf32, #tpu.memory_space<hbm>>
      %dma_wait3A_2738 = arith.constant 0 : i32
      %dma_wait3A_2739 = arith.constant 0 : i32
      %dma_wait3A_2740 = tpu.memref_slice %arg11[%dma_wait3A_2730, %dma_wait3A_2738, %dma_wait3A_2739] : memref<8x32x128xf32, #tpu.memory_space<vmem>> -> memref<1x32x128xf32, #tpu.memory_space<vmem>>
      %dma_wait3A_2741 = tpu.memref_squeeze %dma_wait3A_2740 : memref<1x32x128xf32, #tpu.memory_space<vmem>> -> memref<32x128xf32, #tpu.memory_space<vmem>>
      %dma_wait3A_2742 = arith.constant 0 : i32
      %dma_wait3A_2743 = arith.constant 0 : i32
      %dma_wait3A_2744 = tpu.memref_slice %arg5[%dma_wait3A_2742, %dma_wait3A_2743] : memref<32x1000001xf32, #tpu.memory_space<hbm>> -> memref<32x128xf32, #tpu.memory_space<hbm>>
      tpu.wait_dma2 semaphore(%arg18 : memref<!tpu.dma_semaphore, #tpu.memory_space<semaphore_mem>>) src(%dma_wait3A_2744 : memref<32x128xf32, #tpu.memory_space<hbm>>) dst(%dma_wait3A_2741 : memref<32x128xf32, #tpu.memory_space<vmem>>)
      %slice3A_2745 = vector.extract_strided_slice %get3A_676 {offsets = [12], sizes = [1], strides = [1]} : vector<16xi32> to vector<1xi32>
      %squeeze3A_2746 = vector.extract %slice3A_2745[0] : i32 from vector<1xi32>
      %jit3A_2747 = arith.constant 128 : i32
      %eq3A_2748 = arith.constant 0 : i32
      %eq3A_2749 = arith.cmpi eq, %jit3A_2747, %eq3A_2748 : i32
      %jit3A_2750 = arith.constant 1 : i32
      %select_n3A_2751 = arith.select %eq3A_2749, %jit3A_2750, %jit3A_2747 : i32
      %rem3A_2752 = arith.remsi %squeeze3A_2746, %select_n3A_2751 : i32
      %ne3A_2753 = arith.constant 0 : i32
      %ne3A_2754 = arith.cmpi ne, %rem3A_2752, %ne3A_2753 : i32
      %lt3A_2755 = arith.constant 0 : i32
      %lt3A_2756 = arith.cmpi slt, %rem3A_2752, %lt3A_2755 : i32
      %lt3A_2757 = arith.constant 0 : i32
      %lt3A_2758 = arith.cmpi slt, %select_n3A_2751, %lt3A_2757 : i32
      %ne3A_2759 = arith.xori %lt3A_2756, %lt3A_2758 : i1
      %and3A_2760 = arith.andi %ne3A_2759, %ne3A_2754 : i1
      %add3A_2761 = arith.addi %rem3A_2752, %select_n3A_2751 : i32
      %select_n3A_2762 = arith.select %and3A_2760, %add3A_2761, %rem3A_2752 : i32
      %broadcast_in_dim3A_2763 = vector.broadcast %select_n3A_2762 : i32 to vector<16xi32>
      %broadcast_in_dim3A_2764 = vector.broadcast %add3A_2714 : i32 to vector<16xi32>
      %add3A_2765 = arith.constant 0 : i32
      %add3A_2766 = vector.broadcast %add3A_2765 : i32 to vector<16xi32>
      %add3A_2767 = arith.addi %iota3A, %add3A_2766 : vector<16xi32>
      %gather3A_2768 = arith.constant 4 : i32
      %gather3A_2769 = arith.constant 0 : i32
      %gather3A_2770 = arith.constant 0 : i32
      %gather3A_2771 = tpu.memref_slice %arg10[%gather3A_2768, %gather3A_2769, %gather3A_2770] : memref<8x32x128xf32, #tpu.memory_space<vmem>> -> memref<1x32x128xf32, #tpu.memory_space<vmem>>
      %gather3A_2772 = tpu.memref_squeeze %gather3A_2771 : memref<1x32x128xf32, #tpu.memory_space<vmem>> -> memref<32x128xf32, #tpu.memory_space<vmem>>
      %gather3A_2773 = tpu.vector_load_idx %gather3A_2772[%add3A_2767, %broadcast_in_dim3A_2763] : memref<32x128xf32, #tpu.memory_space<vmem>>[vector<16xi32>, vector<16xi32>], vector<16xf32>,
      tpu.vector_store_idx %arg12[%add3A_2767, %broadcast_in_dim3A_2764], %gather3A_2773 : memref<32x512xf32, #tpu.memory_space<vmem>>[vector<16xi32>, vector<16xi32>], vector<16xf32>,
      %add3A_2774 = arith.constant 16 : i32
      %add3A_2775 = vector.broadcast %add3A_2774 : i32 to vector<16xi32>
      %add3A_2776 = arith.addi %iota3A, %add3A_2775 : vector<16xi32>
      %gather3A_2777 = arith.constant 4 : i32
      %gather3A_2778 = arith.constant 0 : i32
      %gather3A_2779 = arith.constant 0 : i32
      %gather3A_2780 = tpu.memref_slice %arg10[%gather3A_2777, %gather3A_2778, %gather3A_2779] : memref<8x32x128xf32, #tpu.memory_space<vmem>> -> memref<1x32x128xf32, #tpu.memory_space<vmem>>
      %gather3A_2781 = tpu.memref_squeeze %gather3A_2780 : memref<1x32x128xf32, #tpu.memory_space<vmem>> -> memref<32x128xf32, #tpu.memory_space<vmem>>
      %gather3A_2782 = tpu.vector_load_idx %gather3A_2781[%add3A_2776, %broadcast_in_dim3A_2763] : memref<32x128xf32, #tpu.memory_space<vmem>>[vector<16xi32>, vector<16xi32>], vector<16xf32>,
      tpu.vector_store_idx %arg12[%add3A_2776, %broadcast_in_dim3A_2764], %gather3A_2782 : memref<32x512xf32, #tpu.memory_space<vmem>>[vector<16xi32>, vector<16xi32>], vector<16xf32>,
      %slice3A_2783 = vector.extract_strided_slice %get3A_678 {offsets = [12], sizes = [1], strides = [1]} : vector<16xi32> to vector<1xi32>
      %squeeze3A_2784 = vector.extract %slice3A_2783[0] : i32 from vector<1xi32>
      %jit3A_2785 = arith.constant 128 : i32
      %eq3A_2786 = arith.constant 0 : i32
      %eq3A_2787 = arith.cmpi eq, %jit3A_2785, %eq3A_2786 : i32
      %jit3A_2788 = arith.constant 1 : i32
      %select_n3A_2789 = arith.select %eq3A_2787, %jit3A_2788, %jit3A_2785 : i32
      %rem3A_2790 = arith.remsi %squeeze3A_2784, %select_n3A_2789 : i32
      %ne3A_2791 = arith.constant 0 : i32
      %ne3A_2792 = arith.cmpi ne, %rem3A_2790, %ne3A_2791 : i32
      %lt3A_2793 = arith.constant 0 : i32
      %lt3A_2794 = arith.cmpi slt, %rem3A_2790, %lt3A_2793 : i32
      %lt3A_2795 = arith.constant 0 : i32
      %lt3A_2796 = arith.cmpi slt, %select_n3A_2789, %lt3A_2795 : i32
      %ne3A_2797 = arith.xori %lt3A_2794, %lt3A_2796 : i1
      %and3A_2798 = arith.andi %ne3A_2797, %ne3A_2792 : i1
      %add3A_2799 = arith.addi %rem3A_2790, %select_n3A_2789 : i32
      %select_n3A_2800 = arith.select %and3A_2798, %add3A_2799, %rem3A_2790 : i32
      %broadcast_in_dim3A_2801 = vector.broadcast %select_n3A_2800 : i32 to vector<16xi32>
      %broadcast_in_dim3A_2802 = vector.broadcast %add3A_2714 : i32 to vector<16xi32>
      %add3A_2803 = arith.constant 0 : i32
      %add3A_2804 = vector.broadcast %add3A_2803 : i32 to vector<16xi32>
      %add3A_2805 = arith.addi %iota3A, %add3A_2804 : vector<16xi32>
      %gather3A_2806 = arith.constant 4 : i32
      %gather3A_2807 = arith.constant 0 : i32
      %gather3A_2808 = arith.constant 0 : i32
      %gather3A_2809 = tpu.memref_slice %arg11[%gather3A_2806, %gather3A_2807, %gather3A_2808] : memref<8x32x128xf32, #tpu.memory_space<vmem>> -> memref<1x32x128xf32, #tpu.memory_space<vmem>>
      %gather3A_2810 = tpu.memref_squeeze %gather3A_2809 : memref<1x32x128xf32, #tpu.memory_space<vmem>> -> memref<32x128xf32, #tpu.memory_space<vmem>>
      %gather3A_2811 = tpu.vector_load_idx %gather3A_2810[%add3A_2805, %broadcast_in_dim3A_2801] : memref<32x128xf32, #tpu.memory_space<vmem>>[vector<16xi32>, vector<16xi32>], vector<16xf32>,
      tpu.vector_store_idx %arg13[%add3A_2805, %broadcast_in_dim3A_2802], %gather3A_2811 : memref<32x512xf32, #tpu.memory_space<vmem>>[vector<16xi32>, vector<16xi32>], vector<16xf32>,
      %add3A_2812 = arith.constant 16 : i32
      %add3A_2813 = vector.broadcast %add3A_2812 : i32 to vector<16xi32>
      %add3A_2814 = arith.addi %iota3A, %add3A_2813 : vector<16xi32>
      %gather3A_2815 = arith.constant 4 : i32
      %gather3A_2816 = arith.constant 0 : i32
      %gather3A_2817 = arith.constant 0 : i32
      %gather3A_2818 = tpu.memref_slice %arg11[%gather3A_2815, %gather3A_2816, %gather3A_2817] : memref<8x32x128xf32, #tpu.memory_space<vmem>> -> memref<1x32x128xf32, #tpu.memory_space<vmem>>
      %gather3A_2819 = tpu.memref_squeeze %gather3A_2818 : memref<1x32x128xf32, #tpu.memory_space<vmem>> -> memref<32x128xf32, #tpu.memory_space<vmem>>
      %gather3A_2820 = tpu.vector_load_idx %gather3A_2819[%add3A_2814, %broadcast_in_dim3A_2801] : memref<32x128xf32, #tpu.memory_space<vmem>>[vector<16xi32>, vector<16xi32>], vector<16xf32>,
      tpu.vector_store_idx %arg13[%add3A_2814, %broadcast_in_dim3A_2802], %gather3A_2820 : memref<32x512xf32, #tpu.memory_space<vmem>>[vector<16xi32>, vector<16xi32>], vector<16xf32>,
      %add3A_2821 = arith.constant 8 : i32
      %add3A_2822 = arith.addi %add3A_2714, %add3A_2821 : i32
      %lt3A_2823 = arith.constant 512 : i32
      %lt3A_2824 = arith.cmpi slt, %add3A_2822, %lt3A_2823 : i32
      %convert_element_type3A_2825 = arith.extui %lt3A_2824 : i1 to i32
      %cond3A_2826 = arith.constant 0 : i32
      %cond3A_2827 = arith.cmpi ne, %convert_element_type3A_2825, %cond3A_2826 : i32
      scf.if %cond3A_2827 {
        %slice3A_3185 = vector.extract_strided_slice %get3A_685 {offsets = [4], sizes = [1], strides = [1]} : vector<16xi32> to vector<1xi32>
        %squeeze3A_3186 = vector.extract %slice3A_3185[0] : i32 from vector<1xi32>
        %slice3A_3187 = vector.extract_strided_slice %get3A_687 {offsets = [4], sizes = [1], strides = [1]} : vector<16xi32> to vector<1xi32>
        %squeeze3A_3188 = vector.extract %slice3A_3187[0] : i32 from vector<1xi32>
        %jit3A_3189 = arith.constant 128 : i32
        %div3A_3190 = arith.divsi %squeeze3A_3186, %jit3A_3189 : i32
        %sign3A_3191 = arith.constant 0 : i32
        %sign3A_3192 = arith.cmpi sgt, %squeeze3A_3186, %sign3A_3191 : i32
        %sign3A_3193 = arith.extui %sign3A_3192 : i1 to i32
        %sign3A_3194 = arith.constant 0 : i32
        %sign3A_3195 = arith.cmpi slt, %squeeze3A_3186, %sign3A_3194 : i32
        %sign3A_3196 = arith.extui %sign3A_3195 : i1 to i32
        %sign3A_3197 = arith.subi %sign3A_3193, %sign3A_3196 : i32
        %sign3A_3198 = arith.constant 0 : i32
        %sign3A_3199 = arith.cmpi sgt, %jit3A_3189, %sign3A_3198 : i32
        %sign3A_3200 = arith.extui %sign3A_3199 : i1 to i32
        %sign3A_3201 = arith.constant 0 : i32
        %sign3A_3202 = arith.cmpi slt, %jit3A_3189, %sign3A_3201 : i32
        %sign3A_3203 = arith.extui %sign3A_3202 : i1 to i32
        %sign3A_3204 = arith.subi %sign3A_3200, %sign3A_3203 : i32
        %ne3A_3205 = arith.cmpi ne, %sign3A_3197, %sign3A_3204 : i32
        %rem3A_3206 = arith.remsi %squeeze3A_3186, %jit3A_3189 : i32
        %ne3A_3207 = arith.constant 0 : i32
        %ne3A_3208 = arith.cmpi ne, %rem3A_3206, %ne3A_3207 : i32
        %and3A_3209 = arith.andi %ne3A_3205, %ne3A_3208 : i1
        %sub3A_3210 = arith.constant 1 : i32
        %sub3A_3211 = arith.subi %div3A_3190, %sub3A_3210 : i32
        %select_n3A_3212 = arith.select %and3A_3209, %sub3A_3211, %div3A_3190 : i32
        %mul3A_3213 = arith.constant 128 : i32
        %mul3A_3214 = arith.muli %select_n3A_3212, %mul3A_3213 : i32
        %multiple_of3A_3215 = tpu.assume_multiple %mul3A_3214, 128 : i32
        %dma_start3A_3216 = arith.constant 4 : i32
        %dma_start3A_3217 = arith.constant 0 : i32
        %dma_start3A_3218 = arith.constant 0 : i32
        %dma_start3A_3219 = tpu.memref_slice %arg10[%dma_start3A_3216, %dma_start3A_3217, %dma_start3A_3218] : memref<8x32x128xf32, #tpu.memory_space<vmem>> -> memref<1x32x128xf32, #tpu.memory_space<vmem>>
        %dma_start3A_3220 = tpu.memref_squeeze %dma_start3A_3219 : memref<1x32x128xf32, #tpu.memory_space<vmem>> -> memref<32x128xf32, #tpu.memory_space<vmem>>
        %dma_start3A_3221 = arith.constant 0 : i32
        %dma_start3A_3222 = tpu.memref_slice %arg4[%dma_start3A_3221, %multiple_of3A_3215] : memref<32x1000001xf32, #tpu.memory_space<hbm>> -> memref<32x128xf32, #tpu.memory_space<hbm>>
        %dma_start3A_3223 = arith.constant 0 : i32
        %dma_start3A_3224 = arith.constant 0 : i32
        %dma_start3A_3225 = tpu.memref_slice %arg10[%dma_start3A_3216, %dma_start3A_3223, %dma_start3A_3224] : memref<8x32x128xf32, #tpu.memory_space<vmem>> -> memref<1x32x128xf32, #tpu.memory_space<vmem>>
        %dma_start3A_3226 = tpu.memref_squeeze %dma_start3A_3225 : memref<1x32x128xf32, #tpu.memory_space<vmem>> -> memref<32x128xf32, #tpu.memory_space<vmem>>
        %dma_start3A_3227 = arith.constant 0 : i32
        %dma_start3A_3228 = tpu.memref_slice %arg4[%dma_start3A_3227, %multiple_of3A_3215] : memref<32x1000001xf32, #tpu.memory_space<hbm>> -> memref<32x128xf32, #tpu.memory_space<hbm>>
        tpu.enqueue_dma source(%dma_start3A_3228 : memref<32x128xf32, #tpu.memory_space<hbm>>) target(%dma_start3A_3226 : memref<32x128xf32, #tpu.memory_space<vmem>>) target_semaphore(%arg18 : memref<!tpu.dma_semaphore, #tpu.memory_space<semaphore_mem>>)
        %jit3A_3229 = arith.constant 128 : i32
        %div3A_3230 = arith.divsi %squeeze3A_3188, %jit3A_3229 : i32
        %sign3A_3231 = arith.constant 0 : i32
        %sign3A_3232 = arith.cmpi sgt, %squeeze3A_3188, %sign3A_3231 : i32
        %sign3A_3233 = arith.extui %sign3A_3232 : i1 to i32
        %sign3A_3234 = arith.constant 0 : i32
        %sign3A_3235 = arith.cmpi slt, %squeeze3A_3188, %sign3A_3234 : i32
        %sign3A_3236 = arith.extui %sign3A_3235 : i1 to i32
        %sign3A_3237 = arith.subi %sign3A_3233, %sign3A_3236 : i32
        %sign3A_3238 = arith.constant 0 : i32
        %sign3A_3239 = arith.cmpi sgt, %jit3A_3229, %sign3A_3238 : i32
        %sign3A_3240 = arith.extui %sign3A_3239 : i1 to i32
        %sign3A_3241 = arith.constant 0 : i32
        %sign3A_3242 = arith.cmpi slt, %jit3A_3229, %sign3A_3241 : i32
        %sign3A_3243 = arith.extui %sign3A_3242 : i1 to i32
        %sign3A_3244 = arith.subi %sign3A_3240, %sign3A_3243 : i32
        %ne3A_3245 = arith.cmpi ne, %sign3A_3237, %sign3A_3244 : i32
        %rem3A_3246 = arith.remsi %squeeze3A_3188, %jit3A_3229 : i32
        %ne3A_3247 = arith.constant 0 : i32
        %ne3A_3248 = arith.cmpi ne, %rem3A_3246, %ne3A_3247 : i32
        %and3A_3249 = arith.andi %ne3A_3245, %ne3A_3248 : i1
        %sub3A_3250 = arith.constant 1 : i32
        %sub3A_3251 = arith.subi %div3A_3230, %sub3A_3250 : i32
        %select_n3A_3252 = arith.select %and3A_3249, %sub3A_3251, %div3A_3230 : i32
        %mul3A_3253 = arith.constant 128 : i32
        %mul3A_3254 = arith.muli %select_n3A_3252, %mul3A_3253 : i32
        %multiple_of3A_3255 = tpu.assume_multiple %mul3A_3254, 128 : i32
        %dma_start3A_3256 = arith.constant 4 : i32
        %dma_start3A_3257 = arith.constant 0 : i32
        %dma_start3A_3258 = arith.constant 0 : i32
        %dma_start3A_3259 = tpu.memref_slice %arg11[%dma_start3A_3256, %dma_start3A_3257, %dma_start3A_3258] : memref<8x32x128xf32, #tpu.memory_space<vmem>> -> memref<1x32x128xf32, #tpu.memory_space<vmem>>
        %dma_start3A_3260 = tpu.memref_squeeze %dma_start3A_3259 : memref<1x32x128xf32, #tpu.memory_space<vmem>> -> memref<32x128xf32, #tpu.memory_space<vmem>>
        %dma_start3A_3261 = arith.constant 0 : i32
        %dma_start3A_3262 = tpu.memref_slice %arg5[%dma_start3A_3261, %multiple_of3A_3255] : memref<32x1000001xf32, #tpu.memory_space<hbm>> -> memref<32x128xf32, #tpu.memory_space<hbm>>
        %dma_start3A_3263 = arith.constant 0 : i32
        %dma_start3A_3264 = arith.constant 0 : i32
        %dma_start3A_3265 = tpu.memref_slice %arg11[%dma_start3A_3256, %dma_start3A_3263, %dma_start3A_3264] : memref<8x32x128xf32, #tpu.memory_space<vmem>> -> memref<1x32x128xf32, #tpu.memory_space<vmem>>
        %dma_start3A_3266 = tpu.memref_squeeze %dma_start3A_3265 : memref<1x32x128xf32, #tpu.memory_space<vmem>> -> memref<32x128xf32, #tpu.memory_space<vmem>>
        %dma_start3A_3267 = arith.constant 0 : i32
        %dma_start3A_3268 = tpu.memref_slice %arg5[%dma_start3A_3267, %multiple_of3A_3255] : memref<32x1000001xf32, #tpu.memory_space<hbm>> -> memref<32x128xf32, #tpu.memory_space<hbm>>
        tpu.enqueue_dma source(%dma_start3A_3268 : memref<32x128xf32, #tpu.memory_space<hbm>>) target(%dma_start3A_3266 : memref<32x128xf32, #tpu.memory_space<vmem>>) target_semaphore(%arg18 : memref<!tpu.dma_semaphore, #tpu.memory_space<semaphore_mem>>)
      } else {
      }
      %mul3A_2828 = arith.constant 16 : i32
      %mul3A_2829 = arith.muli %scan3A_671, %mul3A_2828 : i32
      %add3A_2830 = arith.constant 8 : i32
      %add3A_2831 = arith.addi %mul3A_2829, %add3A_2830 : i32
      %add3A_2832 = arith.constant 5 : i32
      %add3A_2833 = arith.addi %add3A_2831, %add3A_2832 : i32
      %dma_wait3A_2834 = arith.constant 5 : i32
      %dma_wait3A_2835 = arith.constant 0 : i32
      %dma_wait3A_2836 = arith.constant 0 : i32
      %dma_wait3A_2837 = tpu.memref_slice %arg10[%dma_wait3A_2834, %dma_wait3A_2835, %dma_wait3A_2836] : memref<8x32x128xf32, #tpu.memory_space<vmem>> -> memref<1x32x128xf32, #tpu.memory_space<vmem>>
      %dma_wait3A_2838 = tpu.memref_squeeze %dma_wait3A_2837 : memref<1x32x128xf32, #tpu.memory_space<vmem>> -> memref<32x128xf32, #tpu.memory_space<vmem>>
      %dma_wait3A_2839 = arith.constant 0 : i32
      %dma_wait3A_2840 = arith.constant 0 : i32
      %dma_wait3A_2841 = tpu.memref_slice %arg4[%dma_wait3A_2839, %dma_wait3A_2840] : memref<32x1000001xf32, #tpu.memory_space<hbm>> -> memref<32x128xf32, #tpu.memory_space<hbm>>
      %dma_wait3A_2842 = arith.constant 0 : i32
      %dma_wait3A_2843 = arith.constant 0 : i32
      %dma_wait3A_2844 = tpu.memref_slice %arg10[%dma_wait3A_2834, %dma_wait3A_2842, %dma_wait3A_2843] : memref<8x32x128xf32, #tpu.memory_space<vmem>> -> memref<1x32x128xf32, #tpu.memory_space<vmem>>
      %dma_wait3A_2845 = tpu.memref_squeeze %dma_wait3A_2844 : memref<1x32x128xf32, #tpu.memory_space<vmem>> -> memref<32x128xf32, #tpu.memory_space<vmem>>
      %dma_wait3A_2846 = arith.constant 0 : i32
      %dma_wait3A_2847 = arith.constant 0 : i32
      %dma_wait3A_2848 = tpu.memref_slice %arg4[%dma_wait3A_2846, %dma_wait3A_2847] : memref<32x1000001xf32, #tpu.memory_space<hbm>> -> memref<32x128xf32, #tpu.memory_space<hbm>>
      tpu.wait_dma2 semaphore(%arg19 : memref<!tpu.dma_semaphore, #tpu.memory_space<semaphore_mem>>) src(%dma_wait3A_2848 : memref<32x128xf32, #tpu.memory_space<hbm>>) dst(%dma_wait3A_2845 : memref<32x128xf32, #tpu.memory_space<vmem>>)
      %dma_wait3A_2849 = arith.constant 5 : i32
      %dma_wait3A_2850 = arith.constant 0 : i32
      %dma_wait3A_2851 = arith.constant 0 : i32
      %dma_wait3A_2852 = tpu.memref_slice %arg11[%dma_wait3A_2849, %dma_wait3A_2850, %dma_wait3A_2851] : memref<8x32x128xf32, #tpu.memory_space<vmem>> -> memref<1x32x128xf32, #tpu.memory_space<vmem>>
      %dma_wait3A_2853 = tpu.memref_squeeze %dma_wait3A_2852 : memref<1x32x128xf32, #tpu.memory_space<vmem>> -> memref<32x128xf32, #tpu.memory_space<vmem>>
      %dma_wait3A_2854 = arith.constant 0 : i32
      %dma_wait3A_2855 = arith.constant 0 : i32
      %dma_wait3A_2856 = tpu.memref_slice %arg5[%dma_wait3A_2854, %dma_wait3A_2855] : memref<32x1000001xf32, #tpu.memory_space<hbm>> -> memref<32x128xf32, #tpu.memory_space<hbm>>
      %dma_wait3A_2857 = arith.constant 0 : i32
      %dma_wait3A_2858 = arith.constant 0 : i32
      %dma_wait3A_2859 = tpu.memref_slice %arg11[%dma_wait3A_2849, %dma_wait3A_2857, %dma_wait3A_2858] : memref<8x32x128xf32, #tpu.memory_space<vmem>> -> memref<1x32x128xf32, #tpu.memory_space<vmem>>
      %dma_wait3A_2860 = tpu.memref_squeeze %dma_wait3A_2859 : memref<1x32x128xf32, #tpu.memory_space<vmem>> -> memref<32x128xf32, #tpu.memory_space<vmem>>
      %dma_wait3A_2861 = arith.constant 0 : i32
      %dma_wait3A_2862 = arith.constant 0 : i32
      %dma_wait3A_2863 = tpu.memref_slice %arg5[%dma_wait3A_2861, %dma_wait3A_2862] : memref<32x1000001xf32, #tpu.memory_space<hbm>> -> memref<32x128xf32, #tpu.memory_space<hbm>>
      tpu.wait_dma2 semaphore(%arg19 : memref<!tpu.dma_semaphore, #tpu.memory_space<semaphore_mem>>) src(%dma_wait3A_2863 : memref<32x128xf32, #tpu.memory_space<hbm>>) dst(%dma_wait3A_2860 : memref<32x128xf32, #tpu.memory_space<vmem>>)
      %slice3A_2864 = vector.extract_strided_slice %get3A_676 {offsets = [13], sizes = [1], strides = [1]} : vector<16xi32> to vector<1xi32>
      %squeeze3A_2865 = vector.extract %slice3A_2864[0] : i32 from vector<1xi32>
      %jit3A_2866 = arith.constant 128 : i32
      %eq3A_2867 = arith.constant 0 : i32
      %eq3A_2868 = arith.cmpi eq, %jit3A_2866, %eq3A_2867 : i32
      %jit3A_2869 = arith.constant 1 : i32
      %select_n3A_2870 = arith.select %eq3A_2868, %jit3A_2869, %jit3A_2866 : i32
      %rem3A_2871 = arith.remsi %squeeze3A_2865, %select_n3A_2870 : i32
      %ne3A_2872 = arith.constant 0 : i32
      %ne3A_2873 = arith.cmpi ne, %rem3A_2871, %ne3A_2872 : i32
      %lt3A_2874 = arith.constant 0 : i32
      %lt3A_2875 = arith.cmpi slt, %rem3A_2871, %lt3A_2874 : i32
      %lt3A_2876 = arith.constant 0 : i32
      %lt3A_2877 = arith.cmpi slt, %select_n3A_2870, %lt3A_2876 : i32
      %ne3A_2878 = arith.xori %lt3A_2875, %lt3A_2877 : i1
      %and3A_2879 = arith.andi %ne3A_2878, %ne3A_2873 : i1
      %add3A_2880 = arith.addi %rem3A_2871, %select_n3A_2870 : i32
      %select_n3A_2881 = arith.select %and3A_2879, %add3A_2880, %rem3A_2871 : i32
      %broadcast_in_dim3A_2882 = vector.broadcast %select_n3A_2881 : i32 to vector<16xi32>
      %broadcast_in_dim3A_2883 = vector.broadcast %add3A_2833 : i32 to vector<16xi32>
      %add3A_2884 = arith.constant 0 : i32
      %add3A_2885 = vector.broadcast %add3A_2884 : i32 to vector<16xi32>
      %add3A_2886 = arith.addi %iota3A, %add3A_2885 : vector<16xi32>
      %gather3A_2887 = arith.constant 5 : i32
      %gather3A_2888 = arith.constant 0 : i32
      %gather3A_2889 = arith.constant 0 : i32
      %gather3A_2890 = tpu.memref_slice %arg10[%gather3A_2887, %gather3A_2888, %gather3A_2889] : memref<8x32x128xf32, #tpu.memory_space<vmem>> -> memref<1x32x128xf32, #tpu.memory_space<vmem>>
      %gather3A_2891 = tpu.memref_squeeze %gather3A_2890 : memref<1x32x128xf32, #tpu.memory_space<vmem>> -> memref<32x128xf32, #tpu.memory_space<vmem>>
      %gather3A_2892 = tpu.vector_load_idx %gather3A_2891[%add3A_2886, %broadcast_in_dim3A_2882] : memref<32x128xf32, #tpu.memory_space<vmem>>[vector<16xi32>, vector<16xi32>], vector<16xf32>,
      tpu.vector_store_idx %arg12[%add3A_2886, %broadcast_in_dim3A_2883], %gather3A_2892 : memref<32x512xf32, #tpu.memory_space<vmem>>[vector<16xi32>, vector<16xi32>], vector<16xf32>,
      %add3A_2893 = arith.constant 16 : i32
      %add3A_2894 = vector.broadcast %add3A_2893 : i32 to vector<16xi32>
      %add3A_2895 = arith.addi %iota3A, %add3A_2894 : vector<16xi32>
      %gather3A_2896 = arith.constant 5 : i32
      %gather3A_2897 = arith.constant 0 : i32
      %gather3A_2898 = arith.constant 0 : i32
      %gather3A_2899 = tpu.memref_slice %arg10[%gather3A_2896, %gather3A_2897, %gather3A_2898] : memref<8x32x128xf32, #tpu.memory_space<vmem>> -> memref<1x32x128xf32, #tpu.memory_space<vmem>>
      %gather3A_2900 = tpu.memref_squeeze %gather3A_2899 : memref<1x32x128xf32, #tpu.memory_space<vmem>> -> memref<32x128xf32, #tpu.memory_space<vmem>>
      %gather3A_2901 = tpu.vector_load_idx %gather3A_2900[%add3A_2895, %broadcast_in_dim3A_2882] : memref<32x128xf32, #tpu.memory_space<vmem>>[vector<16xi32>, vector<16xi32>], vector<16xf32>,
      tpu.vector_store_idx %arg12[%add3A_2895, %broadcast_in_dim3A_2883], %gather3A_2901 : memref<32x512xf32, #tpu.memory_space<vmem>>[vector<16xi32>, vector<16xi32>], vector<16xf32>,
      %slice3A_2902 = vector.extract_strided_slice %get3A_678 {offsets = [13], sizes = [1], strides = [1]} : vector<16xi32> to vector<1xi32>
      %squeeze3A_2903 = vector.extract %slice3A_2902[0] : i32 from vector<1xi32>
      %jit3A_2904 = arith.constant 128 : i32
      %eq3A_2905 = arith.constant 0 : i32
      %eq3A_2906 = arith.cmpi eq, %jit3A_2904, %eq3A_2905 : i32
      %jit3A_2907 = arith.constant 1 : i32
      %select_n3A_2908 = arith.select %eq3A_2906, %jit3A_2907, %jit3A_2904 : i32
      %rem3A_2909 = arith.remsi %squeeze3A_2903, %select_n3A_2908 : i32
      %ne3A_2910 = arith.constant 0 : i32
      %ne3A_2911 = arith.cmpi ne, %rem3A_2909, %ne3A_2910 : i32
      %lt3A_2912 = arith.constant 0 : i32
      %lt3A_2913 = arith.cmpi slt, %rem3A_2909, %lt3A_2912 : i32
      %lt3A_2914 = arith.constant 0 : i32
      %lt3A_2915 = arith.cmpi slt, %select_n3A_2908, %lt3A_2914 : i32
      %ne3A_2916 = arith.xori %lt3A_2913, %lt3A_2915 : i1
      %and3A_2917 = arith.andi %ne3A_2916, %ne3A_2911 : i1
      %add3A_2918 = arith.addi %rem3A_2909, %select_n3A_2908 : i32
      %select_n3A_2919 = arith.select %and3A_2917, %add3A_2918, %rem3A_2909 : i32
      %broadcast_in_dim3A_2920 = vector.broadcast %select_n3A_2919 : i32 to vector<16xi32>
      %broadcast_in_dim3A_2921 = vector.broadcast %add3A_2833 : i32 to vector<16xi32>
      %add3A_2922 = arith.constant 0 : i32
      %add3A_2923 = vector.broadcast %add3A_2922 : i32 to vector<16xi32>
      %add3A_2924 = arith.addi %iota3A, %add3A_2923 : vector<16xi32>
      %gather3A_2925 = arith.constant 5 : i32
      %gather3A_2926 = arith.constant 0 : i32
      %gather3A_2927 = arith.constant 0 : i32
      %gather3A_2928 = tpu.memref_slice %arg11[%gather3A_2925, %gather3A_2926, %gather3A_2927] : memref<8x32x128xf32, #tpu.memory_space<vmem>> -> memref<1x32x128xf32, #tpu.memory_space<vmem>>
      %gather3A_2929 = tpu.memref_squeeze %gather3A_2928 : memref<1x32x128xf32, #tpu.memory_space<vmem>> -> memref<32x128xf32, #tpu.memory_space<vmem>>
      %gather3A_2930 = tpu.vector_load_idx %gather3A_2929[%add3A_2924, %broadcast_in_dim3A_2920] : memref<32x128xf32, #tpu.memory_space<vmem>>[vector<16xi32>, vector<16xi32>], vector<16xf32>,
      tpu.vector_store_idx %arg13[%add3A_2924, %broadcast_in_dim3A_2921], %gather3A_2930 : memref<32x512xf32, #tpu.memory_space<vmem>>[vector<16xi32>, vector<16xi32>], vector<16xf32>,
      %add3A_2931 = arith.constant 16 : i32
      %add3A_2932 = vector.broadcast %add3A_2931 : i32 to vector<16xi32>
      %add3A_2933 = arith.addi %iota3A, %add3A_2932 : vector<16xi32>
      %gather3A_2934 = arith.constant 5 : i32
      %gather3A_2935 = arith.constant 0 : i32
      %gather3A_2936 = arith.constant 0 : i32
      %gather3A_2937 = tpu.memref_slice %arg11[%gather3A_2934, %gather3A_2935, %gather3A_2936] : memref<8x32x128xf32, #tpu.memory_space<vmem>> -> memref<1x32x128xf32, #tpu.memory_space<vmem>>
      %gather3A_2938 = tpu.memref_squeeze %gather3A_2937 : memref<1x32x128xf32, #tpu.memory_space<vmem>> -> memref<32x128xf32, #tpu.memory_space<vmem>>
      %gather3A_2939 = tpu.vector_load_idx %gather3A_2938[%add3A_2933, %broadcast_in_dim3A_2920] : memref<32x128xf32, #tpu.memory_space<vmem>>[vector<16xi32>, vector<16xi32>], vector<16xf32>,
      tpu.vector_store_idx %arg13[%add3A_2933, %broadcast_in_dim3A_2921], %gather3A_2939 : memref<32x512xf32, #tpu.memory_space<vmem>>[vector<16xi32>, vector<16xi32>], vector<16xf32>,
      %add3A_2940 = arith.constant 8 : i32
      %add3A_2941 = arith.addi %add3A_2833, %add3A_2940 : i32
      %lt3A_2942 = arith.constant 512 : i32
      %lt3A_2943 = arith.cmpi slt, %add3A_2941, %lt3A_2942 : i32
      %convert_element_type3A_2944 = arith.extui %lt3A_2943 : i1 to i32
      %cond3A_2945 = arith.constant 0 : i32
      %cond3A_2946 = arith.cmpi ne, %convert_element_type3A_2944, %cond3A_2945 : i32
      scf.if %cond3A_2946 {
        %slice3A_3185 = vector.extract_strided_slice %get3A_685 {offsets = [5], sizes = [1], strides = [1]} : vector<16xi32> to vector<1xi32>
        %squeeze3A_3186 = vector.extract %slice3A_3185[0] : i32 from vector<1xi32>
        %slice3A_3187 = vector.extract_strided_slice %get3A_687 {offsets = [5], sizes = [1], strides = [1]} : vector<16xi32> to vector<1xi32>
        %squeeze3A_3188 = vector.extract %slice3A_3187[0] : i32 from vector<1xi32>
        %jit3A_3189 = arith.constant 128 : i32
        %div3A_3190 = arith.divsi %squeeze3A_3186, %jit3A_3189 : i32
        %sign3A_3191 = arith.constant 0 : i32
        %sign3A_3192 = arith.cmpi sgt, %squeeze3A_3186, %sign3A_3191 : i32
        %sign3A_3193 = arith.extui %sign3A_3192 : i1 to i32
        %sign3A_3194 = arith.constant 0 : i32
        %sign3A_3195 = arith.cmpi slt, %squeeze3A_3186, %sign3A_3194 : i32
        %sign3A_3196 = arith.extui %sign3A_3195 : i1 to i32
        %sign3A_3197 = arith.subi %sign3A_3193, %sign3A_3196 : i32
        %sign3A_3198 = arith.constant 0 : i32
        %sign3A_3199 = arith.cmpi sgt, %jit3A_3189, %sign3A_3198 : i32
        %sign3A_3200 = arith.extui %sign3A_3199 : i1 to i32
        %sign3A_3201 = arith.constant 0 : i32
        %sign3A_3202 = arith.cmpi slt, %jit3A_3189, %sign3A_3201 : i32
        %sign3A_3203 = arith.extui %sign3A_3202 : i1 to i32
        %sign3A_3204 = arith.subi %sign3A_3200, %sign3A_3203 : i32
        %ne3A_3205 = arith.cmpi ne, %sign3A_3197, %sign3A_3204 : i32
        %rem3A_3206 = arith.remsi %squeeze3A_3186, %jit3A_3189 : i32
        %ne3A_3207 = arith.constant 0 : i32
        %ne3A_3208 = arith.cmpi ne, %rem3A_3206, %ne3A_3207 : i32
        %and3A_3209 = arith.andi %ne3A_3205, %ne3A_3208 : i1
        %sub3A_3210 = arith.constant 1 : i32
        %sub3A_3211 = arith.subi %div3A_3190, %sub3A_3210 : i32
        %select_n3A_3212 = arith.select %and3A_3209, %sub3A_3211, %div3A_3190 : i32
        %mul3A_3213 = arith.constant 128 : i32
        %mul3A_3214 = arith.muli %select_n3A_3212, %mul3A_3213 : i32
        %multiple_of3A_3215 = tpu.assume_multiple %mul3A_3214, 128 : i32
        %dma_start3A_3216 = arith.constant 5 : i32
        %dma_start3A_3217 = arith.constant 0 : i32
        %dma_start3A_3218 = arith.constant 0 : i32
        %dma_start3A_3219 = tpu.memref_slice %arg10[%dma_start3A_3216, %dma_start3A_3217, %dma_start3A_3218] : memref<8x32x128xf32, #tpu.memory_space<vmem>> -> memref<1x32x128xf32, #tpu.memory_space<vmem>>
        %dma_start3A_3220 = tpu.memref_squeeze %dma_start3A_3219 : memref<1x32x128xf32, #tpu.memory_space<vmem>> -> memref<32x128xf32, #tpu.memory_space<vmem>>
        %dma_start3A_3221 = arith.constant 0 : i32
        %dma_start3A_3222 = tpu.memref_slice %arg4[%dma_start3A_3221, %multiple_of3A_3215] : memref<32x1000001xf32, #tpu.memory_space<hbm>> -> memref<32x128xf32, #tpu.memory_space<hbm>>
        %dma_start3A_3223 = arith.constant 0 : i32
        %dma_start3A_3224 = arith.constant 0 : i32
        %dma_start3A_3225 = tpu.memref_slice %arg10[%dma_start3A_3216, %dma_start3A_3223, %dma_start3A_3224] : memref<8x32x128xf32, #tpu.memory_space<vmem>> -> memref<1x32x128xf32, #tpu.memory_space<vmem>>
        %dma_start3A_3226 = tpu.memref_squeeze %dma_start3A_3225 : memref<1x32x128xf32, #tpu.memory_space<vmem>> -> memref<32x128xf32, #tpu.memory_space<vmem>>
        %dma_start3A_3227 = arith.constant 0 : i32
        %dma_start3A_3228 = tpu.memref_slice %arg4[%dma_start3A_3227, %multiple_of3A_3215] : memref<32x1000001xf32, #tpu.memory_space<hbm>> -> memref<32x128xf32, #tpu.memory_space<hbm>>
        tpu.enqueue_dma source(%dma_start3A_3228 : memref<32x128xf32, #tpu.memory_space<hbm>>) target(%dma_start3A_3226 : memref<32x128xf32, #tpu.memory_space<vmem>>) target_semaphore(%arg19 : memref<!tpu.dma_semaphore, #tpu.memory_space<semaphore_mem>>)
        %jit3A_3229 = arith.constant 128 : i32
        %div3A_3230 = arith.divsi %squeeze3A_3188, %jit3A_3229 : i32
        %sign3A_3231 = arith.constant 0 : i32
        %sign3A_3232 = arith.cmpi sgt, %squeeze3A_3188, %sign3A_3231 : i32
        %sign3A_3233 = arith.extui %sign3A_3232 : i1 to i32
        %sign3A_3234 = arith.constant 0 : i32
        %sign3A_3235 = arith.cmpi slt, %squeeze3A_3188, %sign3A_3234 : i32
        %sign3A_3236 = arith.extui %sign3A_3235 : i1 to i32
        %sign3A_3237 = arith.subi %sign3A_3233, %sign3A_3236 : i32
        %sign3A_3238 = arith.constant 0 : i32
        %sign3A_3239 = arith.cmpi sgt, %jit3A_3229, %sign3A_3238 : i32
        %sign3A_3240 = arith.extui %sign3A_3239 : i1 to i32
        %sign3A_3241 = arith.constant 0 : i32
        %sign3A_3242 = arith.cmpi slt, %jit3A_3229, %sign3A_3241 : i32
        %sign3A_3243 = arith.extui %sign3A_3242 : i1 to i32
        %sign3A_3244 = arith.subi %sign3A_3240, %sign3A_3243 : i32
        %ne3A_3245 = arith.cmpi ne, %sign3A_3237, %sign3A_3244 : i32
        %rem3A_3246 = arith.remsi %squeeze3A_3188, %jit3A_3229 : i32
        %ne3A_3247 = arith.constant 0 : i32
        %ne3A_3248 = arith.cmpi ne, %rem3A_3246, %ne3A_3247 : i32
        %and3A_3249 = arith.andi %ne3A_3245, %ne3A_3248 : i1
        %sub3A_3250 = arith.constant 1 : i32
        %sub3A_3251 = arith.subi %div3A_3230, %sub3A_3250 : i32
        %select_n3A_3252 = arith.select %and3A_3249, %sub3A_3251, %div3A_3230 : i32
        %mul3A_3253 = arith.constant 128 : i32
        %mul3A_3254 = arith.muli %select_n3A_3252, %mul3A_3253 : i32
        %multiple_of3A_3255 = tpu.assume_multiple %mul3A_3254, 128 : i32
        %dma_start3A_3256 = arith.constant 5 : i32
        %dma_start3A_3257 = arith.constant 0 : i32
        %dma_start3A_3258 = arith.constant 0 : i32
        %dma_start3A_3259 = tpu.memref_slice %arg11[%dma_start3A_3256, %dma_start3A_3257, %dma_start3A_3258] : memref<8x32x128xf32, #tpu.memory_space<vmem>> -> memref<1x32x128xf32, #tpu.memory_space<vmem>>
        %dma_start3A_3260 = tpu.memref_squeeze %dma_start3A_3259 : memref<1x32x128xf32, #tpu.memory_space<vmem>> -> memref<32x128xf32, #tpu.memory_space<vmem>>
        %dma_start3A_3261 = arith.constant 0 : i32
        %dma_start3A_3262 = tpu.memref_slice %arg5[%dma_start3A_3261, %multiple_of3A_3255] : memref<32x1000001xf32, #tpu.memory_space<hbm>> -> memref<32x128xf32, #tpu.memory_space<hbm>>
        %dma_start3A_3263 = arith.constant 0 : i32
        %dma_start3A_3264 = arith.constant 0 : i32
        %dma_start3A_3265 = tpu.memref_slice %arg11[%dma_start3A_3256, %dma_start3A_3263, %dma_start3A_3264] : memref<8x32x128xf32, #tpu.memory_space<vmem>> -> memref<1x32x128xf32, #tpu.memory_space<vmem>>
        %dma_start3A_3266 = tpu.memref_squeeze %dma_start3A_3265 : memref<1x32x128xf32, #tpu.memory_space<vmem>> -> memref<32x128xf32, #tpu.memory_space<vmem>>
        %dma_start3A_3267 = arith.constant 0 : i32
        %dma_start3A_3268 = tpu.memref_slice %arg5[%dma_start3A_3267, %multiple_of3A_3255] : memref<32x1000001xf32, #tpu.memory_space<hbm>> -> memref<32x128xf32, #tpu.memory_space<hbm>>
        tpu.enqueue_dma source(%dma_start3A_3268 : memref<32x128xf32, #tpu.memory_space<hbm>>) target(%dma_start3A_3266 : memref<32x128xf32, #tpu.memory_space<vmem>>) target_semaphore(%arg19 : memref<!tpu.dma_semaphore, #tpu.memory_space<semaphore_mem>>)
      } else {
      }
      %mul3A_2947 = arith.constant 16 : i32
      %mul3A_2948 = arith.muli %scan3A_671, %mul3A_2947 : i32
      %add3A_2949 = arith.constant 8 : i32
      %add3A_2950 = arith.addi %mul3A_2948, %add3A_2949 : i32
      %add3A_2951 = arith.constant 6 : i32
      %add3A_2952 = arith.addi %add3A_2950, %add3A_2951 : i32
      %dma_wait3A_2953 = arith.constant 6 : i32
      %dma_wait3A_2954 = arith.constant 0 : i32
      %dma_wait3A_2955 = arith.constant 0 : i32
      %dma_wait3A_2956 = tpu.memref_slice %arg10[%dma_wait3A_2953, %dma_wait3A_2954, %dma_wait3A_2955] : memref<8x32x128xf32, #tpu.memory_space<vmem>> -> memref<1x32x128xf32, #tpu.memory_space<vmem>>
      %dma_wait3A_2957 = tpu.memref_squeeze %dma_wait3A_2956 : memref<1x32x128xf32, #tpu.memory_space<vmem>> -> memref<32x128xf32, #tpu.memory_space<vmem>>
      %dma_wait3A_2958 = arith.constant 0 : i32
      %dma_wait3A_2959 = arith.constant 0 : i32
      %dma_wait3A_2960 = tpu.memref_slice %arg4[%dma_wait3A_2958, %dma_wait3A_2959] : memref<32x1000001xf32, #tpu.memory_space<hbm>> -> memref<32x128xf32, #tpu.memory_space<hbm>>
      %dma_wait3A_2961 = arith.constant 0 : i32
      %dma_wait3A_2962 = arith.constant 0 : i32
      %dma_wait3A_2963 = tpu.memref_slice %arg10[%dma_wait3A_2953, %dma_wait3A_2961, %dma_wait3A_2962] : memref<8x32x128xf32, #tpu.memory_space<vmem>> -> memref<1x32x128xf32, #tpu.memory_space<vmem>>
      %dma_wait3A_2964 = tpu.memref_squeeze %dma_wait3A_2963 : memref<1x32x128xf32, #tpu.memory_space<vmem>> -> memref<32x128xf32, #tpu.memory_space<vmem>>
      %dma_wait3A_2965 = arith.constant 0 : i32
      %dma_wait3A_2966 = arith.constant 0 : i32
      %dma_wait3A_2967 = tpu.memref_slice %arg4[%dma_wait3A_2965, %dma_wait3A_2966] : memref<32x1000001xf32, #tpu.memory_space<hbm>> -> memref<32x128xf32, #tpu.memory_space<hbm>>
      tpu.wait_dma2 semaphore(%arg20 : memref<!tpu.dma_semaphore, #tpu.memory_space<semaphore_mem>>) src(%dma_wait3A_2967 : memref<32x128xf32, #tpu.memory_space<hbm>>) dst(%dma_wait3A_2964 : memref<32x128xf32, #tpu.memory_space<vmem>>)
      %dma_wait3A_2968 = arith.constant 6 : i32
      %dma_wait3A_2969 = arith.constant 0 : i32
      %dma_wait3A_2970 = arith.constant 0 : i32
      %dma_wait3A_2971 = tpu.memref_slice %arg11[%dma_wait3A_2968, %dma_wait3A_2969, %dma_wait3A_2970] : memref<8x32x128xf32, #tpu.memory_space<vmem>> -> memref<1x32x128xf32, #tpu.memory_space<vmem>>
      %dma_wait3A_2972 = tpu.memref_squeeze %dma_wait3A_2971 : memref<1x32x128xf32, #tpu.memory_space<vmem>> -> memref<32x128xf32, #tpu.memory_space<vmem>>
      %dma_wait3A_2973 = arith.constant 0 : i32
      %dma_wait3A_2974 = arith.constant 0 : i32
      %dma_wait3A_2975 = tpu.memref_slice %arg5[%dma_wait3A_2973, %dma_wait3A_2974] : memref<32x1000001xf32, #tpu.memory_space<hbm>> -> memref<32x128xf32, #tpu.memory_space<hbm>>
      %dma_wait3A_2976 = arith.constant 0 : i32
      %dma_wait3A_2977 = arith.constant 0 : i32
      %dma_wait3A_2978 = tpu.memref_slice %arg11[%dma_wait3A_2968, %dma_wait3A_2976, %dma_wait3A_2977] : memref<8x32x128xf32, #tpu.memory_space<vmem>> -> memref<1x32x128xf32, #tpu.memory_space<vmem>>
      %dma_wait3A_2979 = tpu.memref_squeeze %dma_wait3A_2978 : memref<1x32x128xf32, #tpu.memory_space<vmem>> -> memref<32x128xf32, #tpu.memory_space<vmem>>
      %dma_wait3A_2980 = arith.constant 0 : i32
      %dma_wait3A_2981 = arith.constant 0 : i32
      %dma_wait3A_2982 = tpu.memref_slice %arg5[%dma_wait3A_2980, %dma_wait3A_2981] : memref<32x1000001xf32, #tpu.memory_space<hbm>> -> memref<32x128xf32, #tpu.memory_space<hbm>>
      tpu.wait_dma2 semaphore(%arg20 : memref<!tpu.dma_semaphore, #tpu.memory_space<semaphore_mem>>) src(%dma_wait3A_2982 : memref<32x128xf32, #tpu.memory_space<hbm>>) dst(%dma_wait3A_2979 : memref<32x128xf32, #tpu.memory_space<vmem>>)
      %slice3A_2983 = vector.extract_strided_slice %get3A_676 {offsets = [14], sizes = [1], strides = [1]} : vector<16xi32> to vector<1xi32>
      %squeeze3A_2984 = vector.extract %slice3A_2983[0] : i32 from vector<1xi32>
      %jit3A_2985 = arith.constant 128 : i32
      %eq3A_2986 = arith.constant 0 : i32
      %eq3A_2987 = arith.cmpi eq, %jit3A_2985, %eq3A_2986 : i32
      %jit3A_2988 = arith.constant 1 : i32
      %select_n3A_2989 = arith.select %eq3A_2987, %jit3A_2988, %jit3A_2985 : i32
      %rem3A_2990 = arith.remsi %squeeze3A_2984, %select_n3A_2989 : i32
      %ne3A_2991 = arith.constant 0 : i32
      %ne3A_2992 = arith.cmpi ne, %rem3A_2990, %ne3A_2991 : i32
      %lt3A_2993 = arith.constant 0 : i32
      %lt3A_2994 = arith.cmpi slt, %rem3A_2990, %lt3A_2993 : i32
      %lt3A_2995 = arith.constant 0 : i32
      %lt3A_2996 = arith.cmpi slt, %select_n3A_2989, %lt3A_2995 : i32
      %ne3A_2997 = arith.xori %lt3A_2994, %lt3A_2996 : i1
      %and3A_2998 = arith.andi %ne3A_2997, %ne3A_2992 : i1
      %add3A_2999 = arith.addi %rem3A_2990, %select_n3A_2989 : i32
      %select_n3A_3000 = arith.select %and3A_2998, %add3A_2999, %rem3A_2990 : i32
      %broadcast_in_dim3A_3001 = vector.broadcast %select_n3A_3000 : i32 to vector<16xi32>
      %broadcast_in_dim3A_3002 = vector.broadcast %add3A_2952 : i32 to vector<16xi32>
      %add3A_3003 = arith.constant 0 : i32
      %add3A_3004 = vector.broadcast %add3A_3003 : i32 to vector<16xi32>
      %add3A_3005 = arith.addi %iota3A, %add3A_3004 : vector<16xi32>
      %gather3A_3006 = arith.constant 6 : i32
      %gather3A_3007 = arith.constant 0 : i32
      %gather3A_3008 = arith.constant 0 : i32
      %gather3A_3009 = tpu.memref_slice %arg10[%gather3A_3006, %gather3A_3007, %gather3A_3008] : memref<8x32x128xf32, #tpu.memory_space<vmem>> -> memref<1x32x128xf32, #tpu.memory_space<vmem>>
      %gather3A_3010 = tpu.memref_squeeze %gather3A_3009 : memref<1x32x128xf32, #tpu.memory_space<vmem>> -> memref<32x128xf32, #tpu.memory_space<vmem>>
      %gather3A_3011 = tpu.vector_load_idx %gather3A_3010[%add3A_3005, %broadcast_in_dim3A_3001] : memref<32x128xf32, #tpu.memory_space<vmem>>[vector<16xi32>, vector<16xi32>], vector<16xf32>,
      tpu.vector_store_idx %arg12[%add3A_3005, %broadcast_in_dim3A_3002], %gather3A_3011 : memref<32x512xf32, #tpu.memory_space<vmem>>[vector<16xi32>, vector<16xi32>], vector<16xf32>,
      %add3A_3012 = arith.constant 16 : i32
      %add3A_3013 = vector.broadcast %add3A_3012 : i32 to vector<16xi32>
      %add3A_3014 = arith.addi %iota3A, %add3A_3013 : vector<16xi32>
      %gather3A_3015 = arith.constant 6 : i32
      %gather3A_3016 = arith.constant 0 : i32
      %gather3A_3017 = arith.constant 0 : i32
      %gather3A_3018 = tpu.memref_slice %arg10[%gather3A_3015, %gather3A_3016, %gather3A_3017] : memref<8x32x128xf32, #tpu.memory_space<vmem>> -> memref<1x32x128xf32, #tpu.memory_space<vmem>>
      %gather3A_3019 = tpu.memref_squeeze %gather3A_3018 : memref<1x32x128xf32, #tpu.memory_space<vmem>> -> memref<32x128xf32, #tpu.memory_space<vmem>>
      %gather3A_3020 = tpu.vector_load_idx %gather3A_3019[%add3A_3014, %broadcast_in_dim3A_3001] : memref<32x128xf32, #tpu.memory_space<vmem>>[vector<16xi32>, vector<16xi32>], vector<16xf32>,
      tpu.vector_store_idx %arg12[%add3A_3014, %broadcast_in_dim3A_3002], %gather3A_3020 : memref<32x512xf32, #tpu.memory_space<vmem>>[vector<16xi32>, vector<16xi32>], vector<16xf32>,
      %slice3A_3021 = vector.extract_strided_slice %get3A_678 {offsets = [14], sizes = [1], strides = [1]} : vector<16xi32> to vector<1xi32>
      %squeeze3A_3022 = vector.extract %slice3A_3021[0] : i32 from vector<1xi32>
      %jit3A_3023 = arith.constant 128 : i32
      %eq3A_3024 = arith.constant 0 : i32
      %eq3A_3025 = arith.cmpi eq, %jit3A_3023, %eq3A_3024 : i32
      %jit3A_3026 = arith.constant 1 : i32
      %select_n3A_3027 = arith.select %eq3A_3025, %jit3A_3026, %jit3A_3023 : i32
      %rem3A_3028 = arith.remsi %squeeze3A_3022, %select_n3A_3027 : i32
      %ne3A_3029 = arith.constant 0 : i32
      %ne3A_3030 = arith.cmpi ne, %rem3A_3028, %ne3A_3029 : i32
      %lt3A_3031 = arith.constant 0 : i32
      %lt3A_3032 = arith.cmpi slt, %rem3A_3028, %lt3A_3031 : i32
      %lt3A_3033 = arith.constant 0 : i32
      %lt3A_3034 = arith.cmpi slt, %select_n3A_3027, %lt3A_3033 : i32
      %ne3A_3035 = arith.xori %lt3A_3032, %lt3A_3034 : i1
      %and3A_3036 = arith.andi %ne3A_3035, %ne3A_3030 : i1
      %add3A_3037 = arith.addi %rem3A_3028, %select_n3A_3027 : i32
      %select_n3A_3038 = arith.select %and3A_3036, %add3A_3037, %rem3A_3028 : i32
      %broadcast_in_dim3A_3039 = vector.broadcast %select_n3A_3038 : i32 to vector<16xi32>
      %broadcast_in_dim3A_3040 = vector.broadcast %add3A_2952 : i32 to vector<16xi32>
      %add3A_3041 = arith.constant 0 : i32
      %add3A_3042 = vector.broadcast %add3A_3041 : i32 to vector<16xi32>
      %add3A_3043 = arith.addi %iota3A, %add3A_3042 : vector<16xi32>
      %gather3A_3044 = arith.constant 6 : i32
      %gather3A_3045 = arith.constant 0 : i32
      %gather3A_3046 = arith.constant 0 : i32
      %gather3A_3047 = tpu.memref_slice %arg11[%gather3A_3044, %gather3A_3045, %gather3A_3046] : memref<8x32x128xf32, #tpu.memory_space<vmem>> -> memref<1x32x128xf32, #tpu.memory_space<vmem>>
      %gather3A_3048 = tpu.memref_squeeze %gather3A_3047 : memref<1x32x128xf32, #tpu.memory_space<vmem>> -> memref<32x128xf32, #tpu.memory_space<vmem>>
      %gather3A_3049 = tpu.vector_load_idx %gather3A_3048[%add3A_3043, %broadcast_in_dim3A_3039] : memref<32x128xf32, #tpu.memory_space<vmem>>[vector<16xi32>, vector<16xi32>], vector<16xf32>,
      tpu.vector_store_idx %arg13[%add3A_3043, %broadcast_in_dim3A_3040], %gather3A_3049 : memref<32x512xf32, #tpu.memory_space<vmem>>[vector<16xi32>, vector<16xi32>], vector<16xf32>,
      %add3A_3050 = arith.constant 16 : i32
      %add3A_3051 = vector.broadcast %add3A_3050 : i32 to vector<16xi32>
      %add3A_3052 = arith.addi %iota3A, %add3A_3051 : vector<16xi32>
      %gather3A_3053 = arith.constant 6 : i32
      %gather3A_3054 = arith.constant 0 : i32
      %gather3A_3055 = arith.constant 0 : i32
      %gather3A_3056 = tpu.memref_slice %arg11[%gather3A_3053, %gather3A_3054, %gather3A_3055] : memref<8x32x128xf32, #tpu.memory_space<vmem>> -> memref<1x32x128xf32, #tpu.memory_space<vmem>>
      %gather3A_3057 = tpu.memref_squeeze %gather3A_3056 : memref<1x32x128xf32, #tpu.memory_space<vmem>> -> memref<32x128xf32, #tpu.memory_space<vmem>>
      %gather3A_3058 = tpu.vector_load_idx %gather3A_3057[%add3A_3052, %broadcast_in_dim3A_3039] : memref<32x128xf32, #tpu.memory_space<vmem>>[vector<16xi32>, vector<16xi32>], vector<16xf32>,
      tpu.vector_store_idx %arg13[%add3A_3052, %broadcast_in_dim3A_3040], %gather3A_3058 : memref<32x512xf32, #tpu.memory_space<vmem>>[vector<16xi32>, vector<16xi32>], vector<16xf32>,
      %add3A_3059 = arith.constant 8 : i32
      %add3A_3060 = arith.addi %add3A_2952, %add3A_3059 : i32
      %lt3A_3061 = arith.constant 512 : i32
      %lt3A_3062 = arith.cmpi slt, %add3A_3060, %lt3A_3061 : i32
      %convert_element_type3A_3063 = arith.extui %lt3A_3062 : i1 to i32
      %cond3A_3064 = arith.constant 0 : i32
      %cond3A_3065 = arith.cmpi ne, %convert_element_type3A_3063, %cond3A_3064 : i32
      scf.if %cond3A_3065 {
        %slice3A_3185 = vector.extract_strided_slice %get3A_685 {offsets = [6], sizes = [1], strides = [1]} : vector<16xi32> to vector<1xi32>
        %squeeze3A_3186 = vector.extract %slice3A_3185[0] : i32 from vector<1xi32>
        %slice3A_3187 = vector.extract_strided_slice %get3A_687 {offsets = [6], sizes = [1], strides = [1]} : vector<16xi32> to vector<1xi32>
        %squeeze3A_3188 = vector.extract %slice3A_3187[0] : i32 from vector<1xi32>
        %jit3A_3189 = arith.constant 128 : i32
        %div3A_3190 = arith.divsi %squeeze3A_3186, %jit3A_3189 : i32
        %sign3A_3191 = arith.constant 0 : i32
        %sign3A_3192 = arith.cmpi sgt, %squeeze3A_3186, %sign3A_3191 : i32
        %sign3A_3193 = arith.extui %sign3A_3192 : i1 to i32
        %sign3A_3194 = arith.constant 0 : i32
        %sign3A_3195 = arith.cmpi slt, %squeeze3A_3186, %sign3A_3194 : i32
        %sign3A_3196 = arith.extui %sign3A_3195 : i1 to i32
        %sign3A_3197 = arith.subi %sign3A_3193, %sign3A_3196 : i32
        %sign3A_3198 = arith.constant 0 : i32
        %sign3A_3199 = arith.cmpi sgt, %jit3A_3189, %sign3A_3198 : i32
        %sign3A_3200 = arith.extui %sign3A_3199 : i1 to i32
        %sign3A_3201 = arith.constant 0 : i32
        %sign3A_3202 = arith.cmpi slt, %jit3A_3189, %sign3A_3201 : i32
        %sign3A_3203 = arith.extui %sign3A_3202 : i1 to i32
        %sign3A_3204 = arith.subi %sign3A_3200, %sign3A_3203 : i32
        %ne3A_3205 = arith.cmpi ne, %sign3A_3197, %sign3A_3204 : i32
        %rem3A_3206 = arith.remsi %squeeze3A_3186, %jit3A_3189 : i32
        %ne3A_3207 = arith.constant 0 : i32
        %ne3A_3208 = arith.cmpi ne, %rem3A_3206, %ne3A_3207 : i32
        %and3A_3209 = arith.andi %ne3A_3205, %ne3A_3208 : i1
        %sub3A_3210 = arith.constant 1 : i32
        %sub3A_3211 = arith.subi %div3A_3190, %sub3A_3210 : i32
        %select_n3A_3212 = arith.select %and3A_3209, %sub3A_3211, %div3A_3190 : i32
        %mul3A_3213 = arith.constant 128 : i32
        %mul3A_3214 = arith.muli %select_n3A_3212, %mul3A_3213 : i32
        %multiple_of3A_3215 = tpu.assume_multiple %mul3A_3214, 128 : i32
        %dma_start3A_3216 = arith.constant 6 : i32
        %dma_start3A_3217 = arith.constant 0 : i32
        %dma_start3A_3218 = arith.constant 0 : i32
        %dma_start3A_3219 = tpu.memref_slice %arg10[%dma_start3A_3216, %dma_start3A_3217, %dma_start3A_3218] : memref<8x32x128xf32, #tpu.memory_space<vmem>> -> memref<1x32x128xf32, #tpu.memory_space<vmem>>
        %dma_start3A_3220 = tpu.memref_squeeze %dma_start3A_3219 : memref<1x32x128xf32, #tpu.memory_space<vmem>> -> memref<32x128xf32, #tpu.memory_space<vmem>>
        %dma_start3A_3221 = arith.constant 0 : i32
        %dma_start3A_3222 = tpu.memref_slice %arg4[%dma_start3A_3221, %multiple_of3A_3215] : memref<32x1000001xf32, #tpu.memory_space<hbm>> -> memref<32x128xf32, #tpu.memory_space<hbm>>
        %dma_start3A_3223 = arith.constant 0 : i32
        %dma_start3A_3224 = arith.constant 0 : i32
        %dma_start3A_3225 = tpu.memref_slice %arg10[%dma_start3A_3216, %dma_start3A_3223, %dma_start3A_3224] : memref<8x32x128xf32, #tpu.memory_space<vmem>> -> memref<1x32x128xf32, #tpu.memory_space<vmem>>
        %dma_start3A_3226 = tpu.memref_squeeze %dma_start3A_3225 : memref<1x32x128xf32, #tpu.memory_space<vmem>> -> memref<32x128xf32, #tpu.memory_space<vmem>>
        %dma_start3A_3227 = arith.constant 0 : i32
        %dma_start3A_3228 = tpu.memref_slice %arg4[%dma_start3A_3227, %multiple_of3A_3215] : memref<32x1000001xf32, #tpu.memory_space<hbm>> -> memref<32x128xf32, #tpu.memory_space<hbm>>
        tpu.enqueue_dma source(%dma_start3A_3228 : memref<32x128xf32, #tpu.memory_space<hbm>>) target(%dma_start3A_3226 : memref<32x128xf32, #tpu.memory_space<vmem>>) target_semaphore(%arg20 : memref<!tpu.dma_semaphore, #tpu.memory_space<semaphore_mem>>)
        %jit3A_3229 = arith.constant 128 : i32
        %div3A_3230 = arith.divsi %squeeze3A_3188, %jit3A_3229 : i32
        %sign3A_3231 = arith.constant 0 : i32
        %sign3A_3232 = arith.cmpi sgt, %squeeze3A_3188, %sign3A_3231 : i32
        %sign3A_3233 = arith.extui %sign3A_3232 : i1 to i32
        %sign3A_3234 = arith.constant 0 : i32
        %sign3A_3235 = arith.cmpi slt, %squeeze3A_3188, %sign3A_3234 : i32
        %sign3A_3236 = arith.extui %sign3A_3235 : i1 to i32
        %sign3A_3237 = arith.subi %sign3A_3233, %sign3A_3236 : i32
        %sign3A_3238 = arith.constant 0 : i32
        %sign3A_3239 = arith.cmpi sgt, %jit3A_3229, %sign3A_3238 : i32
        %sign3A_3240 = arith.extui %sign3A_3239 : i1 to i32
        %sign3A_3241 = arith.constant 0 : i32
        %sign3A_3242 = arith.cmpi slt, %jit3A_3229, %sign3A_3241 : i32
        %sign3A_3243 = arith.extui %sign3A_3242 : i1 to i32
        %sign3A_3244 = arith.subi %sign3A_3240, %sign3A_3243 : i32
        %ne3A_3245 = arith.cmpi ne, %sign3A_3237, %sign3A_3244 : i32
        %rem3A_3246 = arith.remsi %squeeze3A_3188, %jit3A_3229 : i32
        %ne3A_3247 = arith.constant 0 : i32
        %ne3A_3248 = arith.cmpi ne, %rem3A_3246, %ne3A_3247 : i32
        %and3A_3249 = arith.andi %ne3A_3245, %ne3A_3248 : i1
        %sub3A_3250 = arith.constant 1 : i32
        %sub3A_3251 = arith.subi %div3A_3230, %sub3A_3250 : i32
        %select_n3A_3252 = arith.select %and3A_3249, %sub3A_3251, %div3A_3230 : i32
        %mul3A_3253 = arith.constant 128 : i32
        %mul3A_3254 = arith.muli %select_n3A_3252, %mul3A_3253 : i32
        %multiple_of3A_3255 = tpu.assume_multiple %mul3A_3254, 128 : i32
        %dma_start3A_3256 = arith.constant 6 : i32
        %dma_start3A_3257 = arith.constant 0 : i32
        %dma_start3A_3258 = arith.constant 0 : i32
        %dma_start3A_3259 = tpu.memref_slice %arg11[%dma_start3A_3256, %dma_start3A_3257, %dma_start3A_3258] : memref<8x32x128xf32, #tpu.memory_space<vmem>> -> memref<1x32x128xf32, #tpu.memory_space<vmem>>
        %dma_start3A_3260 = tpu.memref_squeeze %dma_start3A_3259 : memref<1x32x128xf32, #tpu.memory_space<vmem>> -> memref<32x128xf32, #tpu.memory_space<vmem>>
        %dma_start3A_3261 = arith.constant 0 : i32
        %dma_start3A_3262 = tpu.memref_slice %arg5[%dma_start3A_3261, %multiple_of3A_3255] : memref<32x1000001xf32, #tpu.memory_space<hbm>> -> memref<32x128xf32, #tpu.memory_space<hbm>>
        %dma_start3A_3263 = arith.constant 0 : i32
        %dma_start3A_3264 = arith.constant 0 : i32
        %dma_start3A_3265 = tpu.memref_slice %arg11[%dma_start3A_3256, %dma_start3A_3263, %dma_start3A_3264] : memref<8x32x128xf32, #tpu.memory_space<vmem>> -> memref<1x32x128xf32, #tpu.memory_space<vmem>>
        %dma_start3A_3266 = tpu.memref_squeeze %dma_start3A_3265 : memref<1x32x128xf32, #tpu.memory_space<vmem>> -> memref<32x128xf32, #tpu.memory_space<vmem>>
        %dma_start3A_3267 = arith.constant 0 : i32
        %dma_start3A_3268 = tpu.memref_slice %arg5[%dma_start3A_3267, %multiple_of3A_3255] : memref<32x1000001xf32, #tpu.memory_space<hbm>> -> memref<32x128xf32, #tpu.memory_space<hbm>>
        tpu.enqueue_dma source(%dma_start3A_3268 : memref<32x128xf32, #tpu.memory_space<hbm>>) target(%dma_start3A_3266 : memref<32x128xf32, #tpu.memory_space<vmem>>) target_semaphore(%arg20 : memref<!tpu.dma_semaphore, #tpu.memory_space<semaphore_mem>>)
      } else {
      }
      %mul3A_3066 = arith.constant 16 : i32
      %mul3A_3067 = arith.muli %scan3A_671, %mul3A_3066 : i32
      %add3A_3068 = arith.constant 8 : i32
      %add3A_3069 = arith.addi %mul3A_3067, %add3A_3068 : i32
      %add3A_3070 = arith.constant 7 : i32
      %add3A_3071 = arith.addi %add3A_3069, %add3A_3070 : i32
      %dma_wait3A_3072 = arith.constant 7 : i32
      %dma_wait3A_3073 = arith.constant 0 : i32
      %dma_wait3A_3074 = arith.constant 0 : i32
      %dma_wait3A_3075 = tpu.memref_slice %arg10[%dma_wait3A_3072, %dma_wait3A_3073, %dma_wait3A_3074] : memref<8x32x128xf32, #tpu.memory_space<vmem>> -> memref<1x32x128xf32, #tpu.memory_space<vmem>>
      %dma_wait3A_3076 = tpu.memref_squeeze %dma_wait3A_3075 : memref<1x32x128xf32, #tpu.memory_space<vmem>> -> memref<32x128xf32, #tpu.memory_space<vmem>>
      %dma_wait3A_3077 = arith.constant 0 : i32
      %dma_wait3A_3078 = arith.constant 0 : i32
      %dma_wait3A_3079 = tpu.memref_slice %arg4[%dma_wait3A_3077, %dma_wait3A_3078] : memref<32x1000001xf32, #tpu.memory_space<hbm>> -> memref<32x128xf32, #tpu.memory_space<hbm>>
      %dma_wait3A_3080 = arith.constant 0 : i32
      %dma_wait3A_3081 = arith.constant 0 : i32
      %dma_wait3A_3082 = tpu.memref_slice %arg10[%dma_wait3A_3072, %dma_wait3A_3080, %dma_wait3A_3081] : memref<8x32x128xf32, #tpu.memory_space<vmem>> -> memref<1x32x128xf32, #tpu.memory_space<vmem>>
      %dma_wait3A_3083 = tpu.memref_squeeze %dma_wait3A_3082 : memref<1x32x128xf32, #tpu.memory_space<vmem>> -> memref<32x128xf32, #tpu.memory_space<vmem>>
      %dma_wait3A_3084 = arith.constant 0 : i32
      %dma_wait3A_3085 = arith.constant 0 : i32
      %dma_wait3A_3086 = tpu.memref_slice %arg4[%dma_wait3A_3084, %dma_wait3A_3085] : memref<32x1000001xf32, #tpu.memory_space<hbm>> -> memref<32x128xf32, #tpu.memory_space<hbm>>
      tpu.wait_dma2 semaphore(%arg21 : memref<!tpu.dma_semaphore, #tpu.memory_space<semaphore_mem>>) src(%dma_wait3A_3086 : memref<32x128xf32, #tpu.memory_space<hbm>>) dst(%dma_wait3A_3083 : memref<32x128xf32, #tpu.memory_space<vmem>>)
      %dma_wait3A_3087 = arith.constant 7 : i32
      %dma_wait3A_3088 = arith.constant 0 : i32
      %dma_wait3A_3089 = arith.constant 0 : i32
      %dma_wait3A_3090 = tpu.memref_slice %arg11[%dma_wait3A_3087, %dma_wait3A_3088, %dma_wait3A_3089] : memref<8x32x128xf32, #tpu.memory_space<vmem>> -> memref<1x32x128xf32, #tpu.memory_space<vmem>>
      %dma_wait3A_3091 = tpu.memref_squeeze %dma_wait3A_3090 : memref<1x32x128xf32, #tpu.memory_space<vmem>> -> memref<32x128xf32, #tpu.memory_space<vmem>>
      %dma_wait3A_3092 = arith.constant 0 : i32
      %dma_wait3A_3093 = arith.constant 0 : i32
      %dma_wait3A_3094 = tpu.memref_slice %arg5[%dma_wait3A_3092, %dma_wait3A_3093] : memref<32x1000001xf32, #tpu.memory_space<hbm>> -> memref<32x128xf32, #tpu.memory_space<hbm>>
      %dma_wait3A_3095 = arith.constant 0 : i32
      %dma_wait3A_3096 = arith.constant 0 : i32
      %dma_wait3A_3097 = tpu.memref_slice %arg11[%dma_wait3A_3087, %dma_wait3A_3095, %dma_wait3A_3096] : memref<8x32x128xf32, #tpu.memory_space<vmem>> -> memref<1x32x128xf32, #tpu.memory_space<vmem>>
      %dma_wait3A_3098 = tpu.memref_squeeze %dma_wait3A_3097 : memref<1x32x128xf32, #tpu.memory_space<vmem>> -> memref<32x128xf32, #tpu.memory_space<vmem>>
      %dma_wait3A_3099 = arith.constant 0 : i32
      %dma_wait3A_3100 = arith.constant 0 : i32
      %dma_wait3A_3101 = tpu.memref_slice %arg5[%dma_wait3A_3099, %dma_wait3A_3100] : memref<32x1000001xf32, #tpu.memory_space<hbm>> -> memref<32x128xf32, #tpu.memory_space<hbm>>
      tpu.wait_dma2 semaphore(%arg21 : memref<!tpu.dma_semaphore, #tpu.memory_space<semaphore_mem>>) src(%dma_wait3A_3101 : memref<32x128xf32, #tpu.memory_space<hbm>>) dst(%dma_wait3A_3098 : memref<32x128xf32, #tpu.memory_space<vmem>>)
      %slice3A_3102 = vector.extract_strided_slice %get3A_676 {offsets = [15], sizes = [1], strides = [1]} : vector<16xi32> to vector<1xi32>
      %squeeze3A_3103 = vector.extract %slice3A_3102[0] : i32 from vector<1xi32>
      %jit3A_3104 = arith.constant 128 : i32
      %eq3A_3105 = arith.constant 0 : i32
      %eq3A_3106 = arith.cmpi eq, %jit3A_3104, %eq3A_3105 : i32
      %jit3A_3107 = arith.constant 1 : i32
      %select_n3A_3108 = arith.select %eq3A_3106, %jit3A_3107, %jit3A_3104 : i32
      %rem3A_3109 = arith.remsi %squeeze3A_3103, %select_n3A_3108 : i32
      %ne3A_3110 = arith.constant 0 : i32
      %ne3A_3111 = arith.cmpi ne, %rem3A_3109, %ne3A_3110 : i32
      %lt3A_3112 = arith.constant 0 : i32
      %lt3A_3113 = arith.cmpi slt, %rem3A_3109, %lt3A_3112 : i32
      %lt3A_3114 = arith.constant 0 : i32
      %lt3A_3115 = arith.cmpi slt, %select_n3A_3108, %lt3A_3114 : i32
      %ne3A_3116 = arith.xori %lt3A_3113, %lt3A_3115 : i1
      %and3A_3117 = arith.andi %ne3A_3116, %ne3A_3111 : i1
      %add3A_3118 = arith.addi %rem3A_3109, %select_n3A_3108 : i32
      %select_n3A_3119 = arith.select %and3A_3117, %add3A_3118, %rem3A_3109 : i32
      %broadcast_in_dim3A_3120 = vector.broadcast %select_n3A_3119 : i32 to vector<16xi32>
      %broadcast_in_dim3A_3121 = vector.broadcast %add3A_3071 : i32 to vector<16xi32>
      %add3A_3122 = arith.constant 0 : i32
      %add3A_3123 = vector.broadcast %add3A_3122 : i32 to vector<16xi32>
      %add3A_3124 = arith.addi %iota3A, %add3A_3123 : vector<16xi32>
      %gather3A_3125 = arith.constant 7 : i32
      %gather3A_3126 = arith.constant 0 : i32
      %gather3A_3127 = arith.constant 0 : i32
      %gather3A_3128 = tpu.memref_slice %arg10[%gather3A_3125, %gather3A_3126, %gather3A_3127] : memref<8x32x128xf32, #tpu.memory_space<vmem>> -> memref<1x32x128xf32, #tpu.memory_space<vmem>>
      %gather3A_3129 = tpu.memref_squeeze %gather3A_3128 : memref<1x32x128xf32, #tpu.memory_space<vmem>> -> memref<32x128xf32, #tpu.memory_space<vmem>>
      %gather3A_3130 = tpu.vector_load_idx %gather3A_3129[%add3A_3124, %broadcast_in_dim3A_3120] : memref<32x128xf32, #tpu.memory_space<vmem>>[vector<16xi32>, vector<16xi32>], vector<16xf32>,
      tpu.vector_store_idx %arg12[%add3A_3124, %broadcast_in_dim3A_3121], %gather3A_3130 : memref<32x512xf32, #tpu.memory_space<vmem>>[vector<16xi32>, vector<16xi32>], vector<16xf32>,
      %add3A_3131 = arith.constant 16 : i32
      %add3A_3132 = vector.broadcast %add3A_3131 : i32 to vector<16xi32>
      %add3A_3133 = arith.addi %iota3A, %add3A_3132 : vector<16xi32>
      %gather3A_3134 = arith.constant 7 : i32
      %gather3A_3135 = arith.constant 0 : i32
      %gather3A_3136 = arith.constant 0 : i32
      %gather3A_3137 = tpu.memref_slice %arg10[%gather3A_3134, %gather3A_3135, %gather3A_3136] : memref<8x32x128xf32, #tpu.memory_space<vmem>> -> memref<1x32x128xf32, #tpu.memory_space<vmem>>
      %gather3A_3138 = tpu.memref_squeeze %gather3A_3137 : memref<1x32x128xf32, #tpu.memory_space<vmem>> -> memref<32x128xf32, #tpu.memory_space<vmem>>
      %gather3A_3139 = tpu.vector_load_idx %gather3A_3138[%add3A_3133, %broadcast_in_dim3A_3120] : memref<32x128xf32, #tpu.memory_space<vmem>>[vector<16xi32>, vector<16xi32>], vector<16xf32>,
      tpu.vector_store_idx %arg12[%add3A_3133, %broadcast_in_dim3A_3121], %gather3A_3139 : memref<32x512xf32, #tpu.memory_space<vmem>>[vector<16xi32>, vector<16xi32>], vector<16xf32>,
      %slice3A_3140 = vector.extract_strided_slice %get3A_678 {offsets = [15], sizes = [1], strides = [1]} : vector<16xi32> to vector<1xi32>
      %squeeze3A_3141 = vector.extract %slice3A_3140[0] : i32 from vector<1xi32>
      %jit3A_3142 = arith.constant 128 : i32
      %eq3A_3143 = arith.constant 0 : i32
      %eq3A_3144 = arith.cmpi eq, %jit3A_3142, %eq3A_3143 : i32
      %jit3A_3145 = arith.constant 1 : i32
      %select_n3A_3146 = arith.select %eq3A_3144, %jit3A_3145, %jit3A_3142 : i32
      %rem3A_3147 = arith.remsi %squeeze3A_3141, %select_n3A_3146 : i32
      %ne3A_3148 = arith.constant 0 : i32
      %ne3A_3149 = arith.cmpi ne, %rem3A_3147, %ne3A_3148 : i32
      %lt3A_3150 = arith.constant 0 : i32
      %lt3A_3151 = arith.cmpi slt, %rem3A_3147, %lt3A_3150 : i32
      %lt3A_3152 = arith.constant 0 : i32
      %lt3A_3153 = arith.cmpi slt, %select_n3A_3146, %lt3A_3152 : i32
      %ne3A_3154 = arith.xori %lt3A_3151, %lt3A_3153 : i1
      %and3A_3155 = arith.andi %ne3A_3154, %ne3A_3149 : i1
      %add3A_3156 = arith.addi %rem3A_3147, %select_n3A_3146 : i32
      %select_n3A_3157 = arith.select %and3A_3155, %add3A_3156, %rem3A_3147 : i32
      %broadcast_in_dim3A_3158 = vector.broadcast %select_n3A_3157 : i32 to vector<16xi32>
      %broadcast_in_dim3A_3159 = vector.broadcast %add3A_3071 : i32 to vector<16xi32>
      %add3A_3160 = arith.constant 0 : i32
      %add3A_3161 = vector.broadcast %add3A_3160 : i32 to vector<16xi32>
      %add3A_3162 = arith.addi %iota3A, %add3A_3161 : vector<16xi32>
      %gather3A_3163 = arith.constant 7 : i32
      %gather3A_3164 = arith.constant 0 : i32
      %gather3A_3165 = arith.constant 0 : i32
      %gather3A_3166 = tpu.memref_slice %arg11[%gather3A_3163, %gather3A_3164, %gather3A_3165] : memref<8x32x128xf32, #tpu.memory_space<vmem>> -> memref<1x32x128xf32, #tpu.memory_space<vmem>>
      %gather3A_3167 = tpu.memref_squeeze %gather3A_3166 : memref<1x32x128xf32, #tpu.memory_space<vmem>> -> memref<32x128xf32, #tpu.memory_space<vmem>>
      %gather3A_3168 = tpu.vector_load_idx %gather3A_3167[%add3A_3162, %broadcast_in_dim3A_3158] : memref<32x128xf32, #tpu.memory_space<vmem>>[vector<16xi32>, vector<16xi32>], vector<16xf32>,
      tpu.vector_store_idx %arg13[%add3A_3162, %broadcast_in_dim3A_3159], %gather3A_3168 : memref<32x512xf32, #tpu.memory_space<vmem>>[vector<16xi32>, vector<16xi32>], vector<16xf32>,
      %add3A_3169 = arith.constant 16 : i32
      %add3A_3170 = vector.broadcast %add3A_3169 : i32 to vector<16xi32>
      %add3A_3171 = arith.addi %iota3A, %add3A_3170 : vector<16xi32>
      %gather3A_3172 = arith.constant 7 : i32
      %gather3A_3173 = arith.constant 0 : i32
      %gather3A_3174 = arith.constant 0 : i32
      %gather3A_3175 = tpu.memref_slice %arg11[%gather3A_3172, %gather3A_3173, %gather3A_3174] : memref<8x32x128xf32, #tpu.memory_space<vmem>> -> memref<1x32x128xf32, #tpu.memory_space<vmem>>
      %gather3A_3176 = tpu.memref_squeeze %gather3A_3175 : memref<1x32x128xf32, #tpu.memory_space<vmem>> -> memref<32x128xf32, #tpu.memory_space<vmem>>
      %gather3A_3177 = tpu.vector_load_idx %gather3A_3176[%add3A_3171, %broadcast_in_dim3A_3158] : memref<32x128xf32, #tpu.memory_space<vmem>>[vector<16xi32>, vector<16xi32>], vector<16xf32>,
      tpu.vector_store_idx %arg13[%add3A_3171, %broadcast_in_dim3A_3159], %gather3A_3177 : memref<32x512xf32, #tpu.memory_space<vmem>>[vector<16xi32>, vector<16xi32>], vector<16xf32>,
      %add3A_3178 = arith.constant 8 : i32
      %add3A_3179 = arith.addi %add3A_3071, %add3A_3178 : i32
      %lt3A_3180 = arith.constant 512 : i32
      %lt3A_3181 = arith.cmpi slt, %add3A_3179, %lt3A_3180 : i32
      %convert_element_type3A_3182 = arith.extui %lt3A_3181 : i1 to i32
      %cond3A_3183 = arith.constant 0 : i32
      %cond3A_3184 = arith.cmpi ne, %convert_element_type3A_3182, %cond3A_3183 : i32
      scf.if %cond3A_3184 {
        %slice3A_3185 = vector.extract_strided_slice %get3A_685 {offsets = [7], sizes = [1], strides = [1]} : vector<16xi32> to vector<1xi32>
        %squeeze3A_3186 = vector.extract %slice3A_3185[0] : i32 from vector<1xi32>
        %slice3A_3187 = vector.extract_strided_slice %get3A_687 {offsets = [7], sizes = [1], strides = [1]} : vector<16xi32> to vector<1xi32>
        %squeeze3A_3188 = vector.extract %slice3A_3187[0] : i32 from vector<1xi32>
        %jit3A_3189 = arith.constant 128 : i32
        %div3A_3190 = arith.divsi %squeeze3A_3186, %jit3A_3189 : i32
        %sign3A_3191 = arith.constant 0 : i32
        %sign3A_3192 = arith.cmpi sgt, %squeeze3A_3186, %sign3A_3191 : i32
        %sign3A_3193 = arith.extui %sign3A_3192 : i1 to i32
        %sign3A_3194 = arith.constant 0 : i32
        %sign3A_3195 = arith.cmpi slt, %squeeze3A_3186, %sign3A_3194 : i32
        %sign3A_3196 = arith.extui %sign3A_3195 : i1 to i32
        %sign3A_3197 = arith.subi %sign3A_3193, %sign3A_3196 : i32
        %sign3A_3198 = arith.constant 0 : i32
        %sign3A_3199 = arith.cmpi sgt, %jit3A_3189, %sign3A_3198 : i32
        %sign3A_3200 = arith.extui %sign3A_3199 : i1 to i32
        %sign3A_3201 = arith.constant 0 : i32
        %sign3A_3202 = arith.cmpi slt, %jit3A_3189, %sign3A_3201 : i32
        %sign3A_3203 = arith.extui %sign3A_3202 : i1 to i32
        %sign3A_3204 = arith.subi %sign3A_3200, %sign3A_3203 : i32
        %ne3A_3205 = arith.cmpi ne, %sign3A_3197, %sign3A_3204 : i32
        %rem3A_3206 = arith.remsi %squeeze3A_3186, %jit3A_3189 : i32
        %ne3A_3207 = arith.constant 0 : i32
        %ne3A_3208 = arith.cmpi ne, %rem3A_3206, %ne3A_3207 : i32
        %and3A_3209 = arith.andi %ne3A_3205, %ne3A_3208 : i1
        %sub3A_3210 = arith.constant 1 : i32
        %sub3A_3211 = arith.subi %div3A_3190, %sub3A_3210 : i32
        %select_n3A_3212 = arith.select %and3A_3209, %sub3A_3211, %div3A_3190 : i32
        %mul3A_3213 = arith.constant 128 : i32
        %mul3A_3214 = arith.muli %select_n3A_3212, %mul3A_3213 : i32
        %multiple_of3A_3215 = tpu.assume_multiple %mul3A_3214, 128 : i32
        %dma_start3A_3216 = arith.constant 7 : i32
        %dma_start3A_3217 = arith.constant 0 : i32
        %dma_start3A_3218 = arith.constant 0 : i32
        %dma_start3A_3219 = tpu.memref_slice %arg10[%dma_start3A_3216, %dma_start3A_3217, %dma_start3A_3218] : memref<8x32x128xf32, #tpu.memory_space<vmem>> -> memref<1x32x128xf32, #tpu.memory_space<vmem>>
        %dma_start3A_3220 = tpu.memref_squeeze %dma_start3A_3219 : memref<1x32x128xf32, #tpu.memory_space<vmem>> -> memref<32x128xf32, #tpu.memory_space<vmem>>
        %dma_start3A_3221 = arith.constant 0 : i32
        %dma_start3A_3222 = tpu.memref_slice %arg4[%dma_start3A_3221, %multiple_of3A_3215] : memref<32x1000001xf32, #tpu.memory_space<hbm>> -> memref<32x128xf32, #tpu.memory_space<hbm>>
        %dma_start3A_3223 = arith.constant 0 : i32
        %dma_start3A_3224 = arith.constant 0 : i32
        %dma_start3A_3225 = tpu.memref_slice %arg10[%dma_start3A_3216, %dma_start3A_3223, %dma_start3A_3224] : memref<8x32x128xf32, #tpu.memory_space<vmem>> -> memref<1x32x128xf32, #tpu.memory_space<vmem>>
        %dma_start3A_3226 = tpu.memref_squeeze %dma_start3A_3225 : memref<1x32x128xf32, #tpu.memory_space<vmem>> -> memref<32x128xf32, #tpu.memory_space<vmem>>
        %dma_start3A_3227 = arith.constant 0 : i32
        %dma_start3A_3228 = tpu.memref_slice %arg4[%dma_start3A_3227, %multiple_of3A_3215] : memref<32x1000001xf32, #tpu.memory_space<hbm>> -> memref<32x128xf32, #tpu.memory_space<hbm>>
        tpu.enqueue_dma source(%dma_start3A_3228 : memref<32x128xf32, #tpu.memory_space<hbm>>) target(%dma_start3A_3226 : memref<32x128xf32, #tpu.memory_space<vmem>>) target_semaphore(%arg21 : memref<!tpu.dma_semaphore, #tpu.memory_space<semaphore_mem>>)
        %jit3A_3229 = arith.constant 128 : i32
        %div3A_3230 = arith.divsi %squeeze3A_3188, %jit3A_3229 : i32
        %sign3A_3231 = arith.constant 0 : i32
        %sign3A_3232 = arith.cmpi sgt, %squeeze3A_3188, %sign3A_3231 : i32
        %sign3A_3233 = arith.extui %sign3A_3232 : i1 to i32
        %sign3A_3234 = arith.constant 0 : i32
        %sign3A_3235 = arith.cmpi slt, %squeeze3A_3188, %sign3A_3234 : i32
        %sign3A_3236 = arith.extui %sign3A_3235 : i1 to i32
        %sign3A_3237 = arith.subi %sign3A_3233, %sign3A_3236 : i32
        %sign3A_3238 = arith.constant 0 : i32
        %sign3A_3239 = arith.cmpi sgt, %jit3A_3229, %sign3A_3238 : i32
        %sign3A_3240 = arith.extui %sign3A_3239 : i1 to i32
        %sign3A_3241 = arith.constant 0 : i32
        %sign3A_3242 = arith.cmpi slt, %jit3A_3229, %sign3A_3241 : i32
        %sign3A_3243 = arith.extui %sign3A_3242 : i1 to i32
        %sign3A_3244 = arith.subi %sign3A_3240, %sign3A_3243 : i32
        %ne3A_3245 = arith.cmpi ne, %sign3A_3237, %sign3A_3244 : i32
        %rem3A_3246 = arith.remsi %squeeze3A_3188, %jit3A_3229 : i32
        %ne3A_3247 = arith.constant 0 : i32
        %ne3A_3248 = arith.cmpi ne, %rem3A_3246, %ne3A_3247 : i32
        %and3A_3249 = arith.andi %ne3A_3245, %ne3A_3248 : i1
        %sub3A_3250 = arith.constant 1 : i32
        %sub3A_3251 = arith.subi %div3A_3230, %sub3A_3250 : i32
        %select_n3A_3252 = arith.select %and3A_3249, %sub3A_3251, %div3A_3230 : i32
        %mul3A_3253 = arith.constant 128 : i32
        %mul3A_3254 = arith.muli %select_n3A_3252, %mul3A_3253 : i32
        %multiple_of3A_3255 = tpu.assume_multiple %mul3A_3254, 128 : i32
        %dma_start3A_3256 = arith.constant 7 : i32
        %dma_start3A_3257 = arith.constant 0 : i32
        %dma_start3A_3258 = arith.constant 0 : i32
        %dma_start3A_3259 = tpu.memref_slice %arg11[%dma_start3A_3256, %dma_start3A_3257, %dma_start3A_3258] : memref<8x32x128xf32, #tpu.memory_space<vmem>> -> memref<1x32x128xf32, #tpu.memory_space<vmem>>
        %dma_start3A_3260 = tpu.memref_squeeze %dma_start3A_3259 : memref<1x32x128xf32, #tpu.memory_space<vmem>> -> memref<32x128xf32, #tpu.memory_space<vmem>>
        %dma_start3A_3261 = arith.constant 0 : i32
        %dma_start3A_3262 = tpu.memref_slice %arg5[%dma_start3A_3261, %multiple_of3A_3255] : memref<32x1000001xf32, #tpu.memory_space<hbm>> -> memref<32x128xf32, #tpu.memory_space<hbm>>
        %dma_start3A_3263 = arith.constant 0 : i32
        %dma_start3A_3264 = arith.constant 0 : i32
        %dma_start3A_3265 = tpu.memref_slice %arg11[%dma_start3A_3256, %dma_start3A_3263, %dma_start3A_3264] : memref<8x32x128xf32, #tpu.memory_space<vmem>> -> memref<1x32x128xf32, #tpu.memory_space<vmem>>
        %dma_start3A_3266 = tpu.memref_squeeze %dma_start3A_3265 : memref<1x32x128xf32, #tpu.memory_space<vmem>> -> memref<32x128xf32, #tpu.memory_space<vmem>>
        %dma_start3A_3267 = arith.constant 0 : i32
        %dma_start3A_3268 = tpu.memref_slice %arg5[%dma_start3A_3267, %multiple_of3A_3255] : memref<32x1000001xf32, #tpu.memory_space<hbm>> -> memref<32x128xf32, #tpu.memory_space<hbm>>
        tpu.enqueue_dma source(%dma_start3A_3268 : memref<32x128xf32, #tpu.memory_space<hbm>>) target(%dma_start3A_3266 : memref<32x128xf32, #tpu.memory_space<vmem>>) target_semaphore(%arg21 : memref<!tpu.dma_semaphore, #tpu.memory_space<semaphore_mem>>)
      } else {
      }
    }
    %scan3A_670 = arith.constant 32 : i32
    "tpu.region"() ({
      %run_scoped3A = tpu.sem_alloc : memref<!tpu.dma_semaphore, #tpu.memory_space<semaphore_mem>>
      %dma_start3A_671 = arith.constant 0 : i32
      %dma_start3A_672 = tpu.memref_slice %arg6[%dma_start3A_671, %mul3A_2] : memref<32x16384xf32, #tpu.memory_space<hbm>> -> memref<32x512xf32, #tpu.memory_space<hbm>>
      %dma_start3A_673 = arith.constant 0 : i32
      %dma_start3A_674 = tpu.memref_slice %arg6[%dma_start3A_673, %mul3A_2] : memref<32x16384xf32, #tpu.memory_space<hbm>> -> memref<32x512xf32, #tpu.memory_space<hbm>>
      tpu.enqueue_dma source(%arg12 : memref<32x512xf32, #tpu.memory_space<vmem>>) target(%dma_start3A_674 : memref<32x512xf32, #tpu.memory_space<hbm>>) target_semaphore(%run_scoped3A : memref<!tpu.dma_semaphore, #tpu.memory_space<semaphore_mem>>)
      %dma_wait3A = arith.constant 0 : i32
      %dma_wait3A_675 = tpu.memref_slice %arg6[%dma_wait3A, %mul3A_2] : memref<32x16384xf32, #tpu.memory_space<hbm>> -> memref<32x512xf32, #tpu.memory_space<hbm>>
      %dma_wait3A_676 = arith.constant 0 : i32
      %dma_wait3A_677 = tpu.memref_slice %arg6[%dma_wait3A_676, %mul3A_2] : memref<32x16384xf32, #tpu.memory_space<hbm>> -> memref<32x512xf32, #tpu.memory_space<hbm>>
      tpu.wait_dma2 semaphore(%run_scoped3A : memref<!tpu.dma_semaphore, #tpu.memory_space<semaphore_mem>>) src(%arg12 : memref<32x512xf32, #tpu.memory_space<vmem>>) dst(%dma_wait3A_677 : memref<32x512xf32, #tpu.memory_space<hbm>>)
      tpu.yield
    }) : () -> ()
    "tpu.region"() ({
      %run_scoped3A = tpu.sem_alloc : memref<!tpu.dma_semaphore, #tpu.memory_space<semaphore_mem>>
      %dma_start3A_671 = arith.constant 0 : i32
      %dma_start3A_672 = tpu.memref_slice %arg7[%dma_start3A_671, %mul3A_2] : memref<32x16384xf32, #tpu.memory_space<hbm>> -> memref<32x512xf32, #tpu.memory_space<hbm>>
      %dma_start3A_673 = arith.constant 0 : i32
      %dma_start3A_674 = tpu.memref_slice %arg7[%dma_start3A_673, %mul3A_2] : memref<32x16384xf32, #tpu.memory_space<hbm>> -> memref<32x512xf32, #tpu.memory_space<hbm>>
      tpu.enqueue_dma source(%arg13 : memref<32x512xf32, #tpu.memory_space<vmem>>) target(%dma_start3A_674 : memref<32x512xf32, #tpu.memory_space<hbm>>) target_semaphore(%run_scoped3A : memref<!tpu.dma_semaphore, #tpu.memory_space<semaphore_mem>>)
      %dma_wait3A = arith.constant 0 : i32
      %dma_wait3A_675 = tpu.memref_slice %arg7[%dma_wait3A, %mul3A_2] : memref<32x16384xf32, #tpu.memory_space<hbm>> -> memref<32x512xf32, #tpu.memory_space<hbm>>
      %dma_wait3A_676 = arith.constant 0 : i32
      %dma_wait3A_677 = tpu.memref_slice %arg7[%dma_wait3A_676, %mul3A_2] : memref<32x16384xf32, #tpu.memory_space<hbm>> -> memref<32x512xf32, #tpu.memory_space<hbm>>
      tpu.wait_dma2 semaphore(%run_scoped3A : memref<!tpu.dma_semaphore, #tpu.memory_space<semaphore_mem>>) src(%arg13 : memref<32x512xf32, #tpu.memory_space<vmem>>) dst(%dma_wait3A_677 : memref<32x512xf32, #tpu.memory_space<hbm>>)
      tpu.yield
    }) : () -> ()
    return
  }
}

module attributes {stable_mosaic.version = 14 : i64} {
  func.func @mlp_kernel(%arg0: i32, %arg1: memref<32x4096xf32, #tpu.memory_space<vmem>>, %arg2: memref<32x4096xf32, #tpu.memory_space<vmem>>, %arg3: memref<64x64xf32, #tpu.memory_space<vmem>>, %arg4: memref<64x1xf32, #tpu.memory_space<vmem>>, %arg5: memref<32x64xf32, #tpu.memory_space<vmem>>, %arg6: memref<32x1xf32, #tpu.memory_space<vmem>>, %arg7: memref<32x1xf32, #tpu.memory_space<vmem>>, %arg8: memref<1x1xf32, #tpu.memory_space<smem>>, %arg9: memref<4096xf32, #tpu.memory_space<vmem>>) attributes {dimension_semantics = [#tpu.dimension_semantics<arbitrary>], iteration_bounds = array<i64: 4>, scalar_prefetch = 0 : i64, scratch_operands = 0 : i64, tpu.core_type = #tpu.core_type<tc>, window_params = [{transform_indices = @transform_0, window_bounds = array<i64: 32, 4096>}, {transform_indices = @transform_1, window_bounds = array<i64: 32, 4096>}, {pipeline_mode = #tpu.pipeline_mode<synchronous>, transform_indices = @transform_2, window_bounds = array<i64: 64, 64>}, {pipeline_mode = #tpu.pipeline_mode<synchronous>, transform_indices = @transform_3, window_bounds = array<i64: 64, 1>}, {pipeline_mode = #tpu.pipeline_mode<synchronous>, transform_indices = @transform_4, window_bounds = array<i64: 32, 64>}, {pipeline_mode = #tpu.pipeline_mode<synchronous>, transform_indices = @transform_5, window_bounds = array<i64: 32, 1>}, {pipeline_mode = #tpu.pipeline_mode<synchronous>, transform_indices = @transform_6, window_bounds = array<i64: 32, 1>}, {transform_indices = @transform_7, window_bounds = array<i64: 1, 1>}, {transform_indices = @transform_8, window_bounds = array<i64: 4096>}]} {
    %get3A = arith.constant 0 : index
    %get3A_0 = arith.constant 0 : index
    %get3A_1 = vector.load %arg3[%get3A, %get3A_0] : memref<64x64xf32, #tpu.memory_space<vmem>>, vector<64x32xf32>
    %get3A_2 = arith.constant 0 : index
    %get3A_3 = arith.constant 0 : index
    %get3A_4 = vector.load %arg1[%get3A_2, %get3A_3] : memref<32x4096xf32, #tpu.memory_space<vmem>>, vector<32x4096xf32>
    %dot_general3A = arith.constant dense<0.000000e+00> : vector<64x4096xf32>
    %dot_general3A_5 = tpu.matmul %get3A_1, %get3A_4, %dot_general3A {dimension_numbers = #tpu.dot_dimension_numbers<[1], [0], [0], [1], [0, 0, 1, 1], [], []>, transpose_lhs_hint = false} : vector<64x32xf32>, vector<32x4096xf32>, vector<64x4096xf32> -> vector<64x4096xf32>
    %get3A_6 = arith.constant 0 : index
    %get3A_7 = arith.constant 32 : index
    %get3A_8 = vector.load %arg3[%get3A_6, %get3A_7] : memref<64x64xf32, #tpu.memory_space<vmem>>, vector<64x32xf32>
    %get3A_9 = arith.constant 0 : index
    %get3A_10 = arith.constant 0 : index
    %get3A_11 = vector.load %arg2[%get3A_9, %get3A_10] : memref<32x4096xf32, #tpu.memory_space<vmem>>, vector<32x4096xf32>
    %dot_general3A_12 = arith.constant dense<0.000000e+00> : vector<64x4096xf32>
    %dot_general3A_13 = tpu.matmul %get3A_8, %get3A_11, %dot_general3A_12 {dimension_numbers = #tpu.dot_dimension_numbers<[1], [0], [0], [1], [0, 0, 1, 1], [], []>, transpose_lhs_hint = false} : vector<64x32xf32>, vector<32x4096xf32>, vector<64x4096xf32> -> vector<64x4096xf32>
    %add3A = arith.addf %dot_general3A_5, %dot_general3A_13 : vector<64x4096xf32>
    %get3A_14 = arith.constant 0 : index
    %get3A_15 = arith.constant 0 : index
    %get3A_16 = vector.load %arg4[%get3A_14, %get3A_15] : memref<64x1xf32, #tpu.memory_space<vmem>>, vector<64x1xf32>
    %add3A_17 = vector.broadcast %get3A_16 : vector<64x1xf32> to vector<64x4096xf32>
    %add3A_18 = arith.addf %add3A, %add3A_17 : vector<64x4096xf32>
    %max3A = arith.constant 0.000000e+00 : f32
    %max3A_19 = vector.broadcast %max3A : f32 to vector<64x4096xf32>
    %max3A_20 = arith.maximumf %add3A_18, %max3A_19 : vector<64x4096xf32>
    %get3A_21 = arith.constant 0 : index
    %get3A_22 = arith.constant 0 : index
    %get3A_23 = vector.load %arg5[%get3A_21, %get3A_22] : memref<32x64xf32, #tpu.memory_space<vmem>>, vector<32x64xf32>
    %dot_general3A_24 = arith.constant dense<0.000000e+00> : vector<32x4096xf32>
    %dot_general3A_25 = tpu.matmul %get3A_23, %max3A_20, %dot_general3A_24 {dimension_numbers = #tpu.dot_dimension_numbers<[1], [0], [0], [1], [0, 0, 1, 1], [], []>, transpose_lhs_hint = false} : vector<32x64xf32>, vector<64x4096xf32>, vector<32x4096xf32> -> vector<32x4096xf32>
    %get3A_26 = arith.constant 0 : index
    %get3A_27 = arith.constant 0 : index
    %get3A_28 = vector.load %arg6[%get3A_26, %get3A_27] : memref<32x1xf32, #tpu.memory_space<vmem>>, vector<32x1xf32>
    %add3A_29 = vector.broadcast %get3A_28 : vector<32x1xf32> to vector<32x4096xf32>
    %add3A_30 = arith.addf %dot_general3A_25, %add3A_29 : vector<32x4096xf32>
    %max3A_31 = arith.constant 0.000000e+00 : f32
    %max3A_32 = vector.broadcast %max3A_31 : f32 to vector<32x4096xf32>
    %max3A_33 = arith.maximumf %add3A_30, %max3A_32 : vector<32x4096xf32>
    %get3A_34 = arith.constant 0 : index
    %get3A_35 = arith.constant 0 : index
    %get3A_36 = vector.load %arg7[%get3A_34, %get3A_35] : memref<32x1xf32, #tpu.memory_space<vmem>>, vector<32x1xf32>
    %mul3A = vector.broadcast %get3A_36 : vector<32x1xf32> to vector<32x4096xf32>
    %mul3A_37 = arith.mulf %max3A_33, %mul3A : vector<32x4096xf32>
    %reduce_sum3A = arith.constant dense<0.000000e+00> : vector<4096xf32>
    %reduce_sum3A_38 = vector.multi_reduction <add>, %mul3A_37, %reduce_sum3A [0] : vector<32x4096xf32> to vector<4096xf32>
    %get3A_39 = arith.constant 0 : index
    %get3A_40 = arith.constant 0 : index
    %get3A_41 = memref.load %arg8[%get3A_39, %get3A_40] : memref<1x1xf32, #tpu.memory_space<smem>>
    %add3A_42 = vector.broadcast %get3A_41 : f32 to vector<4096xf32>
    %add3A_43 = arith.addf %reduce_sum3A_38, %add3A_42 : vector<4096xf32>
    %logistic3A = arith.negf %add3A_43 : vector<4096xf32>
    %logistic3A_44 = math.exp %logistic3A : vector<4096xf32>
    %logistic3A_45 = arith.constant 1.000000e+00 : f32
    %logistic3A_46 = vector.broadcast %logistic3A_45 : f32 to vector<4096xf32>
    %logistic3A_47 = arith.addf %logistic3A_46, %logistic3A_44 : vector<4096xf32>
    %logistic3A_48 = arith.divf %logistic3A_46, %logistic3A_47 : vector<4096xf32>
    %swap3A = arith.constant 0 : index
    %swap3A_49 = vector.load %arg9[%swap3A] : memref<4096xf32, #tpu.memory_space<vmem>>, vector<4096xf32>
    tpu.vector_store %arg9[%swap3A], %logistic3A_48 {strides = array<i32>} : memref<4096xf32, #tpu.memory_space<vmem>>, vector<4096xf32>,
    return
  }
  func.func @transform_0(%arg0: i32) -> (i32, i32) {
    %c0_i32 = arith.constant 0 : i32
    %c0_i32_0 = arith.constant 0 : i32
    return %c0_i32, %arg0 : i32, i32
  }
  func.func @transform_1(%arg0: i32) -> (i32, i32) {
    %c0_i32 = arith.constant 0 : i32
    %c0_i32_0 = arith.constant 0 : i32
    return %c0_i32, %arg0 : i32, i32
  }
  func.func @transform_2(%arg0: i32) -> (i32, i32) {
    %c0_i32 = arith.constant 0 : i32
    %c0_i32_0 = arith.constant 0 : i32
    %c0_i32_1 = arith.constant 0 : i32
    return %c0_i32, %c0_i32_0 : i32, i32
  }
  func.func @transform_3(%arg0: i32) -> (i32, i32) {
    %c0_i32 = arith.constant 0 : i32
    %c0_i32_0 = arith.constant 0 : i32
    %c0_i32_1 = arith.constant 0 : i32
    return %c0_i32, %c0_i32_0 : i32, i32
  }
  func.func @transform_4(%arg0: i32) -> (i32, i32) {
    %c0_i32 = arith.constant 0 : i32
    %c0_i32_0 = arith.constant 0 : i32
    %c0_i32_1 = arith.constant 0 : i32
    return %c0_i32, %c0_i32_0 : i32, i32
  }
  func.func @transform_5(%arg0: i32) -> (i32, i32) {
    %c0_i32 = arith.constant 0 : i32
    %c0_i32_0 = arith.constant 0 : i32
    %c0_i32_1 = arith.constant 0 : i32
    return %c0_i32, %c0_i32_0 : i32, i32
  }
  func.func @transform_6(%arg0: i32) -> (i32, i32) {
    %c0_i32 = arith.constant 0 : i32
    %c0_i32_0 = arith.constant 0 : i32
    %c0_i32_1 = arith.constant 0 : i32
    return %c0_i32, %c0_i32_0 : i32, i32
  }
  func.func @transform_7(%arg0: i32) -> (i32, i32) {
    %c0_i32 = arith.constant 0 : i32
    %c0_i32_0 = arith.constant 0 : i32
    %c0_i32_1 = arith.constant 0 : i32
    return %c0_i32, %c0_i32_0 : i32, i32
  }
  func.func @transform_8(%arg0: i32) -> i32 {
    %c0_i32 = arith.constant 0 : i32
    return %arg0 : i32
  }
}

</mosaic_0001>

<sc_bundles>
// kernel: kernel.4.cloned.1.call-start
scs
__scs_entry_jumppad:
0x0: {  	(pc) =	sbr.rel $0x88, $3  }
0x1: {  	(tag) =	ssettag $0x0;
	lr =	simm.s32 $0x1  }
0x2: {  	[smem:$0x3F97] =	sst lr;
	_ =	strace $0xD0000000  }
0x3: {  	_ = 	snop  }
0x4: {  	_ = 	snop  }
0x5: {  	_ = 	snop  }
0x6: {  	_ = 	snop  }
0x7: {  	_ = 	snop  }
__scs_overlays_trampoline_lowered:
0x8: {  	[smem:$0x3FA6] =	sst s0  }
0x9: {  	[smem:$0x3FA7] =	sst s1  }
0xa: {  	[smem:$0x3FA8] =	sst s2  }
0xb: {  	[smem:$0x3FA9] =	sst s3  }
0xc: {  	[smem:$0x3FAA] =	sst s4  }
0xd: {  	[smem:$0x3FAB] =	sst s5  }
0xe: {  	[smem:$0x3FAC] =	sst s6  }
0xf: {  	[smem:$0x3FAD] =	sst s7  }
0x10: {  	[smem:$0x3FAE] =	sst s8  }
0x11: {  	[smem:$0x3FAF] =	sst s9;
	s0 =	simm.s32 @!p0 $0x0  }
0x12: {  	s1 =	sld [smem:$0x3F95];
	s0 =	simm.s32 @p0 $0x1  }
0x13: {  	[smem:$0x3FB0] =	sst s0;
	s0 =	simm.s32 @!p1 $0x0  }
0x14: {  	s2 =	sld [smem:$0x3F94];
	s0 =	simm.s32 @p1 $0x1  }
0x15: {  	[smem:$0x3FB1] =	sst s0;
	s0 =	simm.s32 @!p2 $0x0  }
0x16: {  	s3 =	sld [smem:$0x3FDB];
	s0 =	simm.s32 @p2 $0x1  }
0x17: {  	s4 =	simm.s32 $0x1BF5;
	[smem:$0x3FB3] =	sst s0  }
0x18: {  	s0 =	sld [smem:$0x3F96];
	_ =	swait.ge [sflag:s4], $0x0  }
0x19: {  	s7 =	sld [smem:$0x3F97]  }
0x1a: {  	s8 =	sadd.s32 $0xFFFFE003, lr  }
0x1b: {  	s9 =	sadd.s32 $0xFFFFFEF7, lr;
	s5 =	simm.s32 $0xFFFFFFFF;
	p2 =	slt.u32 s8, $0xFFFFF086  }
0x1c: {  	p1 =	slt.u32 s9, $0xF7A;
	s5 =	simm.s32 @!p2 $0x0  }
0x1d: {  	s5 =	simm.s32 @p1 $0x1;
	p0 =	seq.s32 s7, s2  }
0x1e: {  	s7 =	smul.u32 @!p0 $0xF7A, s2;
	p2 =	seq.s32 @!p0 s5, $0x0  }
0x1f: {  	s9 =	smul.u32 $0xF7A, s1;
	s8 =	simm.s32 @!p0 $0x1BF5;
	p2 =	por !p2, p0  }
0x20: {  	[sflag:s8] =	ssyncset.s32 @!p0 $0xFFFFF086;
	s6 =	sadd.s32 @!p0 s3, s7;
	s7 =	simm.s32 @!p0 $0x108  }
0x21: {  	s3 =	sadd.s32 s3, s9;
	s6 =	sadd.s32 @!p0 $0x88, s6;
	s7 =	simm.s32 @p2 $0x1082  }
0x22: {  	[simem:s7], [sflag:s8] =	dma.local @!p0 [hbm:s6], $0xF7A  }
0x23: {  	s9 =	sor.u32 $0xD0000000, s2;
	s6 =	simm.s32 $0x108;
	_ =	swait.ge @!p0 [sflag:s8], $0x0  }
0x24: {  	s3 =	sadd.s32 $0x88, s3;
	s6 =	simm.s32 @!p1 $0x1082;
	[sflag:s4] =	ssyncset.s32 $0xFFFFF086  }
0x25: {  	[simem:s6], [sflag:s4] =	dma.local [hbm:s3], $0xF7A  }
0x26: {  	[smem:$0x3F97] =	sst s1;
	(tag) =	ssettag s2;
	_ =	strace s9  }
0x27: {  	s1 =	sld [smem:$0x3FA7]  }
0x28: {  	s2 =	sld [smem:$0x3FA8]  }
0x29: {  	s4 =	sld [smem:$0x3FAA]  }
0x2a: {  	p0 =	seq.s32 s5, $0x0;
	s5 =	sld [smem:$0x3FAB]  }
0x2b: {  	s6 =	sld [smem:$0x3FAC]  }
0x2c: {  	s7 =	sld [smem:$0x3FAD]  }
0x2d: {  	s3 =	simm.s32 $0x108;
	s8 =	sld [smem:$0x3FAE]  }
0x2e: {  	s3 =	simm.s32 @!p0 $0x1082;
	s9 =	sld [smem:$0x3FAF]  }
0x2f: {  	lr =	sadd.s32 s0, s3;
	s0 =	sld [smem:$0x3FA6]  }
0x30: {  	s3 =	sld [smem:$0x3FA9]  }
0x31: {  	[smem:$0x3FB2] =	sst s10  }
0x32: {  	s10 =	sld [smem:$0x3FB0];
	_ =	sdelay $0x3  }
0x33: {  	p0 =	seq.s32 s10, $0x1;
	s10 =	sld [smem:$0x3FB2];
	_ =	sdelay $0x3  }
0x34: {  	[smem:$0x3FB2] =	sst s10  }
0x35: {  	s10 =	sld [smem:$0x3FB1];
	_ =	sdelay $0x3  }
0x36: {  	p1 =	seq.s32 s10, $0x1;
	s10 =	sld [smem:$0x3FB2];
	_ =	sdelay $0x3  }
0x37: {  	[smem:$0x3FB2] =	sst s10  }
0x38: {  	s10 =	sld [smem:$0x3FB3]  }
0x39: {  	_ = 	snop;
	(pc) =	sbr.ind lr, $3  }
0x3a: {  	_ = 	snop  }
0x3b: {  	_ = 	snop  }
0x3c: {  	p2 =	seq.s32 s10, $0x1;
	s10 =	sld [smem:$0x3FB2]  }
0x3d: {  	_ =	shalt  }
0x3e: {  	_ =	shalt  }
0x3f: {  	_ =	shalt  }
0x40: {  	_ =	shalt  }
0x41: {  	_ =	shalt  }
0x42: {  	_ =	shalt  }
0x43: {  	_ =	shalt  }
0x44: {  	_ =	shalt  }
0x45: {  	_ =	shalt  }
0x46: {  	_ =	shalt  }
0x47: {  	_ =	shalt  }
0x48: {  	_ =	shalt  }
0x49: {  	_ =	shalt  }
0x4a: {  	_ =	shalt  }
0x4b: {  	_ =	shalt  }
0x4c: {  	_ =	shalt  }
0x4d: {  	_ =	shalt  }
0x4e: {  	_ =	shalt  }
0x4f: {  	_ =	shalt  }
0x50: {  	_ =	shalt  }
0x51: {  	_ =	shalt  }
0x52: {  	_ =	shalt  }
0x53: {  	_ =	shalt  }
0x54: {  	_ =	shalt  }
0x55: {  	_ =	shalt  }
0x56: {  	_ =	shalt  }
0x57: {  	_ =	shalt  }
0x58: {  	_ =	shalt  }
0x59: {  	_ =	shalt  }
0x5a: {  	_ =	shalt  }
0x5b: {  	_ =	shalt  }
0x5c: {  	_ =	shalt  }
0x5d: {  	_ =	shalt  }
0x5e: {  	_ =	shalt  }
0x5f: {  	_ =	shalt  }
0x60: {  	_ =	shalt  }
0x61: {  	_ =	shalt  }
0x62: {  	_ =	shalt  }
0x63: {  	_ =	shalt  }
0x64: {  	_ =	shalt  }
0x65: {  	_ =	shalt  }
0x66: {  	_ =	shalt  }
0x67: {  	_ =	shalt  }
0x68: {  	_ =	shalt  }
0x69: {  	_ =	shalt  }
0x6a: {  	_ =	shalt  }
0x6b: {  	_ =	shalt  }
0x6c: {  	_ =	shalt  }
0x6d: {  	_ =	shalt  }
0x6e: {  	_ =	shalt  }
0x6f: {  	_ =	shalt  }
0x70: {  	_ =	shalt  }
0x71: {  	_ =	shalt  }
0x72: {  	_ =	shalt  }
0x73: {  	_ =	shalt  }
0x74: {  	_ =	shalt  }
0x75: {  	_ =	shalt  }
0x76: {  	_ =	shalt  }
0x77: {  	_ =	shalt  }
0x78: {  	_ =	shalt  }
0x79: {  	_ =	shalt  }
0x7a: {  	_ =	shalt  }
0x7b: {  	_ =	shalt  }
0x7c: {  	_ =	shalt  }
0x7d: {  	_ =	shalt  }
0x7e: {  	_ =	shalt  }
0x7f: {  	_ =	shalt  }
0x80: {  	_ =	shalt  }
0x81: {  	_ =	shalt  }
0x82: {  	_ =	shalt  }
0x83: {  	_ =	shalt  }
0x84: {  	_ =	shalt  }
0x85: {  	_ =	shalt  }
0x86: {  	_ =	shalt  }
0x87: {  	_ =	shalt  }
.Lfunc_end0:
.L_simem_size_0:
called_computation_lowered:
.L_overlay_start_0:
0x88: {  	s2 =	sld [smem:$0x3FD9]  }
0x89: {  	s3 =	sld [smem:$0x3FFE];
	_ =	sdelay $0x1  }
0x8a: {  	s1 =	srdreg.scid  }
0x8b: {  	s0 =	sand.u32 $0x1, s1  }
0x8c: {  	s17 =	sshll.u32 s0, $0xA;
	s2 =	sadd.s32 s3, s2  }
0x8d: {  	s2 =	sadd.s32 s2, s17  }
0x8e: {  	[smem:$0x3FBE] =	sst s2  }
0x8f: {  	_ = 	snop  }
0x90: {  	s2 =	sld [smem:$0x3FC9]  }
0x91: {  	s18 =	sld [smem:$0x3FC8]  }
0x92: {  	s4 =	sld [smem:$0x3FC7]  }
0x93: {  	s5 =	sld [smem:$0x3FC6];
	(tm) =	ssettm $0x1  }
0x94: {  	s6 =	sld [smem:$0x3FFB];
	_ =	sdelay $0x3  }
0x95: {  	_ =	strace s6  }
0x96: {  	s6 =	sld [smem:$0x3FFC];
	_ =	sdelay $0x3  }
0x97: {  	_ =	strace s6  }
0x98: {  	s6 =	sld [smem:$0x3FFD];
	_ =	sdelay $0x3  }
0x99: {  	_ =	strace s6  }
0x9a: {  	_ =	strace $0x8FFFFFFF  }
0x9b: {  	s19 =	sld [smem:$0x3FDB];
	_ =	sdelay $0x1  }
0x9c: {  	s7 =	simm.s32 $_scs_section_size  }
0x9d: {  	s8 =	simm.s32 $_size__tile_overlayer_lowered;
	s9 =	simm.s32 $_tile_overlayer_lowered  }
0x9e: {  	s22 =	simm.s32 $0x1BFF;
	s21 =	sshll.u32 s9, $0x1;
	s6 =	sadd.s32 s7, s19  }
0x9f: {  	s10 =	simm.s32 $0x0;
	s20 =	sshll.u32 s8, $0x1;
	s8 =	sadd.s32 s21, s6  }
0xa0: {  	[timem:s10], [sflag:s22] =	dma.local [hbm:s8], s20  }
0xa1: {  	_ =	swait.ge [sflag:s22], s20  }
0xa2: {  	s7 =	ssub.s32 $0x0, s20;
	[sflag:s22] =	ssyncset.done $0x0  }
0xa3: {  	[sflag:s22] =	ssyncadd.s32 s7;
	_ =	sdelay $0x1  }
0xa4: {  	s23 =	simm.s32 $0x1B8B  }
0xa5: {  	_ =	swait.ge [sflag:s23], $0x1  }
0xa6: {  	[sflag:s23] =	ssyncset.done $0x0  }
0xa7: {  	s25 =	simm.s32 $0x1B8E;
	s24 =	sld [smem:$0x3FFE];
	[sflag:s23] =	ssyncadd.s32 $0xFFFFFFFF  }
0xa8: {  	s26 =	simm.s32 $execute0_lowered;
	[smem:$0x3FD2] =	sst s25  }
0xa9: {  	s8 =	sshll.u32 s26, $0x1;
	_ =	strace $0x80000046;
	[dreg:$0x1] =	wrdreg $0xFFFFFFFF  }
0xaa: {  	s28 =	simm.s32 $_size_execute0_lowered;
	s6 =	sadd.s32 s6, s8;
	[dreg:$0x0] =	wrdreg $0x0  }
0xab: {  	s8 =	sshll.u32 s28, $0x1;
	[dreg:$0x2] =	wrdreg s6  }
0xac: {  	[dreg:$0x3] =	wrdreg s8  }
0xad: {  	[dreg:$0x4] =	wrdreg $0xC0  }
0xae: {  	_ =	task [dreg:s10], $0x5FFFF  }
0xaf: {  	[dreg:$0x1] =	wrdreg $0xFFFFFFFF  }
0xb0: {  	[dreg:$0x0] =	wrdreg $0x60  }
0xb1: {  	[dreg:$0x2] =	wrdreg s2  }
0xb2: {  	[dreg:$0x3] =	wrdreg s18  }
0xb3: {  	[dreg:$0x4] =	wrdreg s4  }
0xb4: {  	[dreg:$0x5] =	wrdreg s5  }
0xb5: {  	[dreg:$0x6] =	wrdreg s24  }
0xb6: {  	[dreg:$0x7] =	wrdreg $0x9  }
0xb7: {  	_ =	task.clear_ibuf [dreg:s10], $0x8FFFF;
	_ =	strace $0x90000046  }
0xb8: {  	s29 =	simm.s32 $0x9;
	_ =	strace $0x80000048  }
0xb9: {  	_ =	swait.ge [sflag:s29], $0x1  }
0xba: {  	[sflag:s29] =	ssyncadd.s32 $0xFFFFFFFF  }
0xbb: {  	_ =	strace $0x90000048  }
0xbc: {  	_ =	sfence  }
0xbd: {  	s30 =	sld [smem:$0x0];
	_ =	sdelay $0x2  }
0xbe: {  	s31 =	sshll.u32 s1, $0xD;
	s1 =	sshrl.u32 s1, $0x2  }
0xbf: {  	s3 =	sand.u32 $0x4000, s31;
	s1 =	sadd.s32 s1, s30  }
0xc0: {  	s0 =	sor.u32 s3, s0;
	s1 =	sshll.u32 s1, $0x11  }
0xc1: {  	s0 =	sor.u32 s1, s0  }
0xc2: {  	s0 =	sadd.s32 $0x8F2B, s0  }
0xc3: {  	[sflag:s0] =	ssyncadd.remote.s32 $0x1  }
0xc4: {  	_ =	sfence.sel $0xFFFF  }
0xc5: {  	[dreg:$0x0] =	wrdreg $0xFFFFFFFF;
	(pc) =	sbr.abs _section_cstart, $3  }
0xc6: {  	[dreg:$0x1] =	wrdreg $0xFFFFFFFF  }
0xc7: {  	_ =	task.clear_ibuf [dreg:s10], $0x2FFFF;
	_ =	strace $0x9FFFFFFF  }
0xc8: {  	(tm) =	ssettm $0x7FFFFFFF  }
0xc9: {  	_ =	shalt  }
tec
execute0_lowered:
.L_overlay_start_1:
0x0: {  	(tag) =	ssettag $0x1  }
0x1: {  	s0 =	rddreg [dreg:$0x0]  }
0x2: {  	s3 =	rddreg [dreg:$0x1];
	v1 =	vimm.s32 $0x1380;
	vm0 =	vcmask $0x300  }
0x3: {  	s25 =	rddreg [dreg:$0x2];
	v2 =	vimm.s32 $0x3380;
	vm1 =	vcmask $0x704;
	vm15 =	vcmask $0xB08  }
0x4: {  	s2 =	rddreg [dreg:$0x3];
	vm4 =	vcmask $0xF0C;
	v1 =	vsel vm0, $0x0, v1;
	v2 =	vsel vm0, $0x2000, v2  }
0x5: {  	s4 =	rddreg [dreg:$0x4];
	s5 =	srdreg.scid;
	s7 =	simm.s32 $0x0;
	vm5 =	vcmask $0x1310;
	v1 =	vsel vm1, $0x80, v1;
	v2 =	vsel vm1, $0x2080, v2  }
0x6: {  	s6 =	stileid.u32;
	s13 =	simm.s32 $0x9;
	s8 =	simm.s32 $0x400;
	vm6 =	vcmask $0x1714;
	v1 =	vsel vm15, $0x100, v1;
	v2 =	vsel vm15, $0x2100, v2  }
0x7: {  	v0 =	vlaneseq.u32;
	s9 =	simm.s32 $0x7A1400;
	s17 =	simm.s32 $0x3500;
	s18 =	simm.s32 $0xB500;
	v1 =	vsel vm4, $0x180, v1;
	v2 =	vsel vm4, $0x2180, v2  }
0x8: {  	vm7 =	vcmask $0x1B18;
	s19 =	simm.s32 $0x4500;
	s20 =	simm.s32 $0xC500;
	s21 =	simm.s32 $0x5500;
	v1 =	vsel vm5, $0x200, v1;
	v2 =	vsel vm5, $0x2200, v2  }
0x9: {  	vm8 =	vcmask $0x1F1C;
	s22 =	simm.s32 $0xD500;
	s23 =	simm.s32 $0x6500;
	s5 =	sand.u32 $0x1, s5;
	v1 =	vsel vm6, $0x280, v1;
	v2 =	vsel vm6, $0x2280, v2  }
0xa: {  	vm9 =	vcmask $0x2320;
	s1 =	simm.s32 $0xF500;
	s6 =	sshll.u32 s6, $0xA;
	s24 =	sshll.u32 s5, $0x9;
	v1 =	vsel vm7, $0x300, v1;
	v2 =	vsel vm7, $0x2300, v2  }
0xb: {  	vm10 =	vcmask $0x2724;
	s12 =	simm.s32 $0x5;
	[smem:$0x7FF] =	sst s7;
	s6 =	sor.u32 s24, s6;
	v1 =	vsel vm8, $0x380, v1;
	v2 =	vsel vm8, $0x2380, v2  }
0xc: {  	vm11 =	vcmask $0x2B28;
	s7 =	simm.s32 $0x2500;
	s4 =	sadd.s32 s6, s4;
	s6 =	sshrl.u32 s6, $0x3;
	v1 =	vsel vm9, $0x1000, v1;
	v2 =	vsel vm9, $0x3000, v2  }
0xd: {  	vm12 =	vcmask $0x2F2C;
	_ =	strace $0x80000047;
	s5 =	ssub.s32 $0x2, s5;
	s0 =	sadd.s32 s0, s6;
	v1 =	vsel vm10, $0x1080, v1;
	v2 =	vsel vm10, $0x3080, v2  }
.Ltmp0:
0xe: {  	vm13 =	vcmask $0x3330;
	s28 =	sadd.s32 s3, s6;
	[dreg:$0x6] =	wrdreg s0;
	v1 =	vsel vm11, $0x1100, v1;
	v2 =	vsel vm11, $0x3100, v2;
	(pc) =	sbr.rel .LBB2_1-.Ltmp0, $4  }
0xf: {  	vm14 =	vcmask $0x3734;
	s26 =	sshrl.u32 s5, $0x1;
	s29 =	sadd.s32 $0x1600, s4;
	[dreg:$0x7] =	wrdreg s28;
	v1 =	vsel vm12, $0x1180, v1;
	v2 =	vsel vm12, $0x3180, v2  }
0x10: {  	v0 =	vmul.u32 $0x80, v0;
	s5 =	ssub.s32 s5, s26;
	s30 =	sadd.s32 $0x11600, s4;
	[dreg:$0x8] =	wrdreg s29;
	v1 =	vsel vm13, $0x1200, v1;
	v2 =	vsel vm13, $0x3200, v2  }
0x11: {  	s24 =	simm.s32 $0xE500;
	vm15 =	vcmask $0x3B38;
	s31 =	smax.u32 s5, $0x1;
	[dreg:$0x9] =	wrdreg s30;
	v1 =	vsel vm14, $0x1280, v1;
	v3 =	vsel vm14, $0x3280, v2  }
0x12: {  	s5 =	simm.s32 $0x7500;
	s6 =	simm.s32 $0x0;
	[dreg:$0xa] =	wrdreg s31;
	v2 =	vor.u32 $0x800, v0;
	v1 =	vsel vm15, $0x1300, v1;
	v3 =	vsel vm15, $0x3300, v3  }
.LBB2_4:
0x13: {  	s10 =	rddreg [dreg:$0x8]  }
0x14: {  	s6 =	simm.s32 $0x1000;
	s8 =	simm.s32 $0x20000;
	s13 =	simm.s32 $0x9  }
0x15: {  	[hbm4b:s10+s6] =	stream.strided.scatter [tilespmem:s0], [sflag:$0x9], $0x4000, s8, s6, $0x38;
	[tilespmem:$0x18500] =	vst v63  }
0x16: {  	_ =	swait.ge [sflag:s13], $0x4000  }
0x17: {  	[sflag:s13] =	ssyncset.done $0x0  }
0x18: {  	s29 =	rddreg [dreg:$0x9];
	[sflag:s13] =	ssyncadd.s32 $0xFFFFC000  }
0x19: {  	[hbm4b:s29+s6] =	stream.strided.scatter [tilespmem:s4], [sflag:$0x9], $0x4000, s8, s6, $0x38;
	[tilespmem:$0x18500] =	vst v63  }
0x1a: {  	_ =	swait.ge [sflag:s13], $0x4000  }
0x1b: {  	s30 =	rddreg [dreg:$0xb]  }
0x1c: {  	s31 =	rddreg [dreg:$0xa];
	s6 =	sadd.s32 $0x1, s30  }
0x1d: {  	p0 =	sne.s32 s6, s31  }
.Ltmp1:
0x1e: {  	_ = 	snop;
	(pc) =	sbr.rel @!p0 .LBB2_5-.Ltmp1, $3  }
0x1f: {  	_ =	sdelay $0x1  }
0x20: {  	[sflag:s13] =	ssyncset.done $0x0  }
0x21: {  	s9 =	simm.s32 $0x7A1400;
	s8 =	simm.s32 $0x400;
	[sflag:s13] =	ssyncadd.s32 $0xFFFFC000  }
.LBB2_1:
0x22: {  	[dreg:$0xb] =	wrdreg s6  }
0x23: {  	s10 =	simm.s32 $0x0;
	s11 =	rddreg [dreg:$0x6]  }
0x24: {  	[tilespmem:s10], [sflag:$0x9] =	stream.linear.gather [hbm4b:s11+s10], $0x200, $0x38;
	[tilespmem:$0x18500] =	vst v63  }
0x25: {  	_ =	swait.ge [sflag:s13], $0x200  }
0x26: {  	[sflag:s13] =	ssyncset.done $0x0  }
0x27: {  	s15 =	simm.s32 $0x280;
	s6 =	rddreg [dreg:$0x7];
	[sflag:s13] =	ssyncadd.s32 $0xFFFFFE00  }
0x28: {  	[tilespmem:s15], [sflag:$0x9] =	stream.linear.gather [hbm4b:s6+s10], $0x200, $0x38;
	[tilespmem:$0x18500] =	vst v63  }
0x29: {  	_ =	swait.ge [sflag:s13], $0x200  }
0x2a: {  	[sflag:s13] =	ssyncset.done $0x0  }
0x2b: {  	[sflag:s13] =	ssyncadd.s32 $0xFFFFFE00  }
0x2c: {  	v5 =	vld [tilespmem:$0x0];
	_ =	sdelay $0x4  }
0x2d: {  	(v2sf) =	vpush v5, $0x0  }
0x2e: {  	v4 =	vld [tilespmem:$0x280];
	_ =	sdelay $0x4  }
0x2f: {  	(v2sf) =	vpush v4, $0x0;
	_ =	sdelay $0x8  }
0x30: {  	s14 =	spop (v2sf)  }
0x31: {  	(v2sf) =	vpush v5, $0x1;
	s26 =	sand.u32 $0x7F, s14  }
0x32: {  	s16 =	sshra.s32 s14, $0x1F;
	p0 =	slt.s32 s14, $0x1;
	p1 =	sne.s32 s26, $0x0  }
0x33: {  	s28 =	sshrl.u32 s16, $0x19;
	p0 =	por !p0, !p1  }
0x34: {  	s15 =	simm.s32 $0x1;
	s10 =	sadd.s32 s28, s14;
	p0 =	por !p0, !p0  }
0x35: {  	s10 =	sshrl.u32 s10, $0x7;
	s15 =	simm.s32 @!p0 $0x0  }
0x36: {  	s29 =	simm.s32 $0x500;
	s30 =	spop (v2sf);
	s10 =	ssub.s32 s10, s15  }
0x37: {  	s31 =	sand.u32 $0x7F, s30;
	s0 =	sshra.s32 s30, $0x1F;
	s10 =	sshll.u32 s10, $0x7  }
0x38: {  	(v2sf) =	vpush v4, $0x1;
	p1 =	slt.s32 s30, $0x1;
	p2 =	sne.s32 s31, $0x0;
	s10 =	sand.u32 $0x1FFFFF80, s10  }
0x39: {  	s3 =	sshrl.u32 s0, $0x19;
	p0 =	por !p1, !p2;
	s10 =	sadd.s32 s25, s10  }
0x3a: {  	[tilespmem:s29], [sflag:$0x1] =	stream.strided.gather [hbm4b:s10+s8], $0x1000, s9, s8, $0x38;
	[tilespmem:$0x18500] =	vst v63  }
0x3b: {  	p0 =	por !p0, !p0;
	s15 =	simm.s32 $0x1;
	s10 =	sadd.s32 s3, s30  }
0x3c: {  	s15 =	simm.s32 @!p0 $0x0;
	s10 =	sshrl.u32 s10, $0x7  }
0x3d: {  	s10 =	ssub.s32 s10, s15  }
0x3e: {  	s10 =	sshll.u32 s10, $0x7  }
0x3f: {  	s10 =	sand.u32 $0x1FFFFF80, s10  }
0x40: {  	s4 =	simm.s32 $0x8500;
	s10 =	sadd.s32 s2, s10;
	s11 =	spop (v2sf)  }
0x41: {  	[tilespmem:s4], [sflag:$0x1] =	stream.strided.gather [hbm4b:s10+s8], $0x1000, s9, s8, $0x38;
	[tilespmem:$0x18500] =	vst v63  }
0x42: {  	(v2sf) =	vpush v5, $0x2;
	s13 =	sand.u32 $0x7F, s11  }
0x43: {  	s14 =	sshra.s32 s11, $0x1F;
	p3 =	slt.s32 s11, $0x1;
	p4 =	sne.s32 s13, $0x0  }
0x44: {  	s26 =	sshrl.u32 s14, $0x19;
	p0 =	por !p3, !p4  }
0x45: {  	s15 =	simm.s32 $0x1;
	s10 =	sadd.s32 s26, s11;
	p0 =	por !p0, !p0  }
0x46: {  	s10 =	sshrl.u32 s10, $0x7;
	s15 =	simm.s32 @!p0 $0x0  }
0x47: {  	s0 =	simm.s32 $0x1500;
	s28 =	spop (v2sf);
	s10 =	ssub.s32 s10, s15  }
0x48: {  	s29 =	sand.u32 $0x7F, s28;
	s30 =	sshra.s32 s28, $0x1F;
	s10 =	sshll.u32 s10, $0x7  }
0x49: {  	(v2sf) =	vpush v4, $0x2;
	p5 =	slt.s32 s28, $0x1;
	p6 =	sne.s32 s29, $0x0;
	s10 =	sand.u32 $0x1FFFFF80, s10  }
0x4a: {  	s31 =	sshrl.u32 s30, $0x19;
	p0 =	por !p5, !p6;
	s10 =	sadd.s32 s25, s10  }
0x4b: {  	[tilespmem:s0], [sflag:$0x2] =	stream.strided.gather [hbm4b:s10+s8], $0x1000, s9, s8, $0x38;
	[tilespmem:$0x18500] =	vst v63  }
0x4c: {  	p0 =	por !p0, !p0;
	s15 =	simm.s32 $0x1;
	s10 =	sadd.s32 s31, s28  }
0x4d: {  	s15 =	simm.s32 @!p0 $0x0;
	s10 =	sshrl.u32 s10, $0x7  }
0x4e: {  	s10 =	ssub.s32 s10, s15  }
0x4f: {  	s10 =	sshll.u32 s10, $0x7  }
0x50: {  	s10 =	sand.u32 $0x1FFFFF80, s10  }
0x51: {  	s4 =	simm.s32 $0x9500;
	s10 =	sadd.s32 s2, s10;
	s0 =	spop (v2sf)  }
0x52: {  	[tilespmem:s4], [sflag:$0x2] =	stream.strided.gather [hbm4b:s10+s8], $0x1000, s9, s8, $0x38;
	[tilespmem:$0x18500] =	vst v63  }
0x53: {  	(v2sf) =	vpush v5, $0x3;
	s3 =	sand.u32 $0x7F, s0  }
0x54: {  	s4 =	sshra.s32 s0, $0x1F;
	p1 =	slt.s32 s0, $0x1;
	p2 =	sne.s32 s3, $0x0  }
0x55: {  	s6 =	sshrl.u32 s4, $0x19;
	p0 =	por !p1, !p2  }
0x56: {  	s15 =	simm.s32 $0x1;
	s10 =	sadd.s32 s6, s0;
	p0 =	por !p0, !p0  }
0x57: {  	s10 =	sshrl.u32 s10, $0x7;
	s15 =	simm.s32 @!p0 $0x0  }
0x58: {  	s11 =	spop (v2sf);
	s10 =	ssub.s32 s10, s15  }
0x59: {  	s13 =	sand.u32 $0x7F, s11;
	s14 =	sshra.s32 s11, $0x1F;
	s10 =	sshll.u32 s10, $0x7  }
0x5a: {  	(v2sf) =	vpush v4, $0x3;
	p3 =	slt.s32 s11, $0x1;
	p4 =	sne.s32 s13, $0x0;
	s10 =	sand.u32 $0x1FFFFF80, s10  }
0x5b: {  	s26 =	sshrl.u32 s14, $0x19;
	p0 =	por !p3, !p4;
	s10 =	sadd.s32 s25, s10  }
0x5c: {  	[tilespmem:s7], [sflag:$0x3] =	stream.strided.gather [hbm4b:s10+s8], $0x1000, s9, s8, $0x38;
	[tilespmem:$0x18500] =	vst v63  }
0x5d: {  	p0 =	por !p0, !p0;
	s15 =	simm.s32 $0x1;
	s10 =	sadd.s32 s26, s11  }
0x5e: {  	s15 =	simm.s32 @!p0 $0x0;
	s10 =	sshrl.u32 s10, $0x7  }
0x5f: {  	s10 =	ssub.s32 s10, s15  }
0x60: {  	s10 =	sshll.u32 s10, $0x7  }
0x61: {  	s10 =	sand.u32 $0x1FFFFF80, s10  }
0x62: {  	s28 =	simm.s32 $0xA500;
	s10 =	sadd.s32 s2, s10;
	s29 =	spop (v2sf)  }
0x63: {  	[tilespmem:s28], [sflag:$0x3] =	stream.strided.gather [hbm4b:s10+s8], $0x1000, s9, s8, $0x38;
	[tilespmem:$0x18500] =	vst v63  }
0x64: {  	(v2sf) =	vpush v5, $0x4;
	s30 =	sand.u32 $0x7F, s29  }
0x65: {  	s31 =	sshra.s32 s29, $0x1F;
	p5 =	slt.s32 s29, $0x1;
	p6 =	sne.s32 s30, $0x0  }
0x66: {  	s0 =	sshrl.u32 s31, $0x19;
	p0 =	por !p5, !p6  }
0x67: {  	s15 =	simm.s32 $0x1;
	s10 =	sadd.s32 s0, s29;
	p0 =	por !p0, !p0  }
0x68: {  	s10 =	sshrl.u32 s10, $0x7;
	s15 =	simm.s32 @!p0 $0x0  }
0x69: {  	s3 =	spop (v2sf);
	s10 =	ssub.s32 s10, s15  }
0x6a: {  	s4 =	sand.u32 $0x7F, s3;
	s6 =	sshra.s32 s3, $0x1F;
	s10 =	sshll.u32 s10, $0x7  }
0x6b: {  	p1 =	slt.s32 s3, $0x1;
	p2 =	sne.s32 s4, $0x0;
	s10 =	sand.u32 $0x1FFFFF80, s10  }
0x6c: {  	s7 =	sshrl.u32 s6, $0x19;
	p0 =	por !p1, !p2;
	s10 =	sadd.s32 s25, s10  }
0x6d: {  	(v2sf) =	vpush v4, $0x4;
	[tilespmem:s17], [sflag:$0x4] =	stream.strided.gather [hbm4b:s10+s8], $0x1000, s9, s8, $0x38;
	[tilespmem:$0x18500] =	vst v63  }
0x6e: {  	p0 =	por !p0, !p0;
	s15 =	simm.s32 $0x1;
	s10 =	sadd.s32 s7, s3  }
0x6f: {  	s15 =	simm.s32 @!p0 $0x0;
	s10 =	sshrl.u32 s10, $0x7  }
0x70: {  	s10 =	ssub.s32 s10, s15  }
0x71: {  	s10 =	sshll.u32 s10, $0x7  }
0x72: {  	s10 =	sand.u32 $0x1FFFFF80, s10  }
0x73: {  	s10 =	sadd.s32 s2, s10;
	s11 =	spop (v2sf)  }
0x74: {  	[tilespmem:s18], [sflag:$0x4] =	stream.strided.gather [hbm4b:s10+s8], $0x1000, s9, s8, $0x38;
	[tilespmem:$0x18500] =	vst v63  }
0x75: {  	(v2sf) =	vpush v5, $0x5;
	s13 =	sand.u32 $0x7F, s11  }
0x76: {  	s14 =	sshra.s32 s11, $0x1F;
	p3 =	slt.s32 s11, $0x1;
	p4 =	sne.s32 s13, $0x0  }
0x77: {  	s17 =	sshrl.u32 s14, $0x19;
	p0 =	por !p3, !p4  }
0x78: {  	s15 =	simm.s32 $0x1;
	s10 =	sadd.s32 s17, s11;
	p0 =	por !p0, !p0  }
0x79: {  	s10 =	sshrl.u32 s10, $0x7;
	s15 =	simm.s32 @!p0 $0x0  }
0x7a: {  	s10 =	ssub.s32 s10, s15  }
0x7b: {  	s10 =	sshll.u32 s10, $0x7  }
0x7c: {  	s18 =	spop (v2sf);
	(v2sf) =	vpush v4, $0x5;
	s10 =	sand.u32 $0x1FFFFF80, s10  }
0x7d: {  	s10 =	sadd.s32 s25, s10  }
0x7e: {  	[tilespmem:s19], [sflag:$0x5] =	stream.strided.gather [hbm4b:s10+s8], $0x1000, s9, s8, $0x38;
	[tilespmem:$0x18500] =	vst v63  }
0x7f: {  	s19 =	sand.u32 $0x7F, s18  }
0x80: {  	s26 =	sshra.s32 s18, $0x1F;
	p5 =	slt.s32 s18, $0x1;
	p6 =	sne.s32 s19, $0x0  }
0x81: {  	s28 =	sshrl.u32 s26, $0x19;
	p0 =	por !p5, !p6  }
0x82: {  	s15 =	simm.s32 $0x1;
	s10 =	sadd.s32 s28, s18;
	p0 =	por !p0, !p0  }
0x83: {  	s10 =	sshrl.u32 s10, $0x7;
	s15 =	simm.s32 @!p0 $0x0  }
0x84: {  	s10 =	ssub.s32 s10, s15;
	s29 =	spop (v2sf)  }
0x85: {  	s10 =	sshll.u32 s10, $0x7;
	s30 =	sand.u32 $0x7F, s29;
	s31 =	sshra.s32 s29, $0x1F  }
0x86: {  	(v2sf) =	vpush v5, $0x6;
	p1 =	slt.s32 s29, $0x1;
	s10 =	sand.u32 $0x1FFFFF80, s10;
	p2 =	sne.s32 s30, $0x0  }
0x87: {  	s0 =	sshrl.u32 s31, $0x19;
	s10 =	sadd.s32 s2, s10;
	p0 =	por !p1, !p2  }
0x88: {  	[tilespmem:s20], [sflag:$0x5] =	stream.strided.gather [hbm4b:s10+s8], $0x1000, s9, s8, $0x38;
	[tilespmem:$0x18500] =	vst v63  }
0x89: {  	s15 =	simm.s32 $0x1;
	s10 =	sadd.s32 s0, s29;
	p0 =	por !p0, !p0  }
0x8a: {  	s10 =	sshrl.u32 s10, $0x7;
	s15 =	simm.s32 @!p0 $0x0  }
0x8b: {  	s3 =	spop (v2sf);
	s10 =	ssub.s32 s10, s15  }
0x8c: {  	s4 =	sand.u32 $0x7F, s3;
	s6 =	sshra.s32 s3, $0x1F;
	s10 =	sshll.u32 s10, $0x7  }
0x8d: {  	(v2sf) =	vpush v4, $0x6;
	p3 =	slt.s32 s3, $0x1;
	p4 =	sne.s32 s4, $0x0;
	s10 =	sand.u32 $0x1FFFFF80, s10  }
0x8e: {  	s7 =	sshrl.u32 s6, $0x19;
	p0 =	por !p3, !p4;
	s10 =	sadd.s32 s25, s10  }
0x8f: {  	[tilespmem:s21], [sflag:$0x6] =	stream.strided.gather [hbm4b:s10+s8], $0x1000, s9, s8, $0x38;
	[tilespmem:$0x18500] =	vst v63  }
0x90: {  	p0 =	por !p0, !p0;
	s15 =	simm.s32 $0x1;
	s10 =	sadd.s32 s7, s3  }
0x91: {  	s15 =	simm.s32 @!p0 $0x0;
	s10 =	sshrl.u32 s10, $0x7  }
0x92: {  	s10 =	ssub.s32 s10, s15  }
0x93: {  	s10 =	sshll.u32 s10, $0x7  }
0x94: {  	s10 =	sand.u32 $0x1FFFFF80, s10  }
0x95: {  	s10 =	sadd.s32 s2, s10;
	s11 =	spop (v2sf)  }
0x96: {  	[tilespmem:s22], [sflag:$0x6] =	stream.strided.gather [hbm4b:s10+s8], $0x1000, s9, s8, $0x38;
	[tilespmem:$0x18500] =	vst v63  }
0x97: {  	(v2sf) =	vpush v5, $0x7;
	s13 =	sand.u32 $0x7F, s11  }
0x98: {  	s14 =	sshra.s32 s11, $0x1F;
	p5 =	slt.s32 s11, $0x1;
	p6 =	sne.s32 s13, $0x0  }
0x99: {  	s17 =	sshrl.u32 s14, $0x19;
	p0 =	por !p5, !p6  }
0x9a: {  	s15 =	simm.s32 $0x1;
	s10 =	sadd.s32 s17, s11;
	p0 =	por !p0, !p0  }
0x9b: {  	s10 =	sshrl.u32 s10, $0x7;
	s15 =	simm.s32 @!p0 $0x0  }
0x9c: {  	s18 =	spop (v2sf);
	s10 =	ssub.s32 s10, s15  }
0x9d: {  	s19 =	sand.u32 $0x7F, s18;
	s20 =	sshra.s32 s18, $0x1F;
	s10 =	sshll.u32 s10, $0x7  }
0x9e: {  	(v2sf) =	vpush v4, $0x7;
	p1 =	slt.s32 s18, $0x1;
	p2 =	sne.s32 s19, $0x0;
	s10 =	sand.u32 $0x1FFFFF80, s10  }
0x9f: {  	s21 =	sshrl.u32 s20, $0x19;
	p0 =	por !p1, !p2;
	s10 =	sadd.s32 s25, s10  }
0xa0: {  	[tilespmem:s23], [sflag:$0x7] =	stream.strided.gather [hbm4b:s10+s8], $0x1000, s9, s8, $0x38;
	[tilespmem:$0x18500] =	vst v63  }
0xa1: {  	p0 =	por !p0, !p0;
	s15 =	simm.s32 $0x1;
	s10 =	sadd.s32 s21, s18  }
0xa2: {  	s15 =	simm.s32 @!p0 $0x0;
	s10 =	sshrl.u32 s10, $0x7  }
0xa3: {  	s10 =	ssub.s32 s10, s15  }
0xa4: {  	s10 =	sshll.u32 s10, $0x7  }
0xa5: {  	s10 =	sand.u32 $0x1FFFFF80, s10  }
0xa6: {  	s22 =	spop (v2sf);
	s10 =	sadd.s32 s2, s10  }
0xa7: {  	[tilespmem:s24], [sflag:$0x7] =	stream.strided.gather [hbm4b:s10+s8], $0x1000, s9, s8, $0x38;
	[tilespmem:$0x18500] =	vst v63  }
0xa8: {  	s23 =	sand.u32 $0x7F, s22  }
0xa9: {  	s24 =	sshra.s32 s22, $0x1F;
	p3 =	slt.s32 s22, $0x1;
	p4 =	sne.s32 s23, $0x0  }
0xaa: {  	s26 =	sshrl.u32 s24, $0x19;
	p0 =	por !p3, !p4  }
0xab: {  	s15 =	simm.s32 $0x1;
	s10 =	sadd.s32 s26, s22;
	p0 =	por !p0, !p0  }
0xac: {  	s10 =	sshrl.u32 s10, $0x7;
	s15 =	simm.s32 @!p0 $0x0  }
0xad: {  	s28 =	spop (v2sf);
	s10 =	ssub.s32 s10, s15  }
0xae: {  	s29 =	sand.u32 $0x7F, s28;
	s30 =	sshra.s32 s28, $0x1F;
	s10 =	sshll.u32 s10, $0x7  }
0xaf: {  	p5 =	slt.s32 s28, $0x1;
	p6 =	sne.s32 s29, $0x0;
	s10 =	sand.u32 $0x1FFFFF80, s10  }
0xb0: {  	s31 =	sshrl.u32 s30, $0x19;
	p0 =	por !p5, !p6;
	s10 =	sadd.s32 s25, s10  }
0xb1: {  	[tilespmem:s5], [sflag:$0x8] =	stream.strided.gather [hbm4b:s10+s8], $0x1000, s9, s8, $0x38;
	[tilespmem:$0x18500] =	vst v63  }
0xb2: {  	p0 =	por !p0, !p0;
	s15 =	simm.s32 $0x1;
	s10 =	sadd.s32 s31, s28  }
0xb3: {  	s15 =	simm.s32 @!p0 $0x0;
	s10 =	sshrl.u32 s10, $0x7  }
0xb4: {  	s10 =	ssub.s32 s10, s15  }
0xb5: {  	s10 =	sshll.u32 s10, $0x7  }
0xb6: {  	s10 =	sand.u32 $0x1FFFFF80, s10  }
0xb7: {  	s4 =	simm.s32 $0x290;
	s10 =	sadd.s32 s2, s10  }
0xb8: {  	[tilespmem:s1], [sflag:$0x8] =	stream.strided.gather [hbm4b:s10+s8], $0x1000, s9, s8, $0x38;
	[tilespmem:$0x18500] =	vst v63  }
0xb9: {  	s13 =	simm.s32 $0x7500;
	s10 =	simm.s32 $0xF;
	s1 =	simm.s32 $0x10  }
.LBB2_2:
0xba: {  	v7 =	vld [tilespmem:s1+$0xFFFFFFF0]  }
0xbb: {  	v6 =	vld [tilespmem:s4+$0xFFFFFFF0];
	[dreg:$0xc] =	wrdreg s1  }
0xbc: {  	v4 =	vld [tilespmem:s1+$0x0];
	[dreg:$0xd] =	wrdreg s4;
	s7 =	simm.s32 $0x1  }
0xbd: {  	v5 =	vld [tilespmem:s4+$0x0];
	_ =	swait.ge [sflag:s7], $0x1000  }
0xbe: {  	[sflag:s7] =	ssyncset.done $0x0  }
0xbf: {  	[sflag:s7] =	ssyncadd.s32 $0xFFFFF000  }
0xc0: {  	_ =	swait.ge [sflag:s7], $0x1000  }
0xc1: {  	(v2sf) =	vpush v7, $0x0;
	_ =	sdelay $0xb  }
0xc2: {  	(v2sf) =	vpush v6, $0x0;
	_ =	sdelay $0x2  }
0xc3: {  	s15 =	spop (v2sf)  }
0xc4: {  	s15 =	sand.u32 $0x7F, s15  }
0xc5: {  	s16 =	sadd.s32 $0xFFFFFFF1, s10;
	v8 =	vor.u32 s15, v0  }
0xc6: {  	v9 =	vmov s16;
	(v2sf) =	vpush v7, $0x8  }
0xc7: {  	v10 =	vshll.u32 v9, $0x3  }
0xc8: {  	v9 =	vand.u32 $0x70, v9;
	v10 =	vand.u32 $0xC00, v10;
	[sflag:s7] =	ssyncset.done $0x0  }
0xc9: {  	s0 =	simm.s32 $0x500;
	v9 =	vor.u32 v9, v10;
	[sflag:s7] =	ssyncadd.s32 $0xFFFFF000  }
0xca: {  	v10 =	vor.u32 v1, v9;
	v8 =	vld.idx.msk [tilespmem:v8+s0+$0x0], $0xffff  }
0xcb: {  	v11 =	vor.u32 s15, v2;
	_ =	sdelay $0x2  }
0xcc: {  	s4 =	simm.s32 $0x10500  }
0xcd: {  	s21 =	spop (v2sf);
	[tilespmem:v10+s4+$0x0] =	vst.idx.msk $0xffff, v8  }
0xce: {  	v9 =	vor.u32 v3, v9;
	s23 =	sand.u32 $0x7F, s21;
	v8 =	vld.idx.msk [tilespmem:v11+s0+$0x0], $0xffff  }
0xcf: {  	(v2sf) =	vpush v6, $0x8;
	v41 =	vor.u32 s23, v0;
	_ =	sdelay $0x3  }
0xd0: {  	s24 =	simm.s32 $0x8500;
	s15 =	spop (v2sf);
	[tilespmem:v9+s4+$0x0] =	vst.idx.msk $0xffff, v8  }
0xd1: {  	s17 =	sshra.s32 s15, $0x1F;
	v8 =	vld.idx.msk [tilespmem:v41+s24+$0x0], $0xffff  }
0xd2: {  	v42 =	vor.u32 s23, v2;
	s28 =	sshrl.u32 s17, $0x19  }
0xd3: {  	s16 =	sadd.s32 s28, s15  }
0xd4: {  	s29 =	sand.u32 $0xFFFFFF80, s16  }
0xd5: {  	s3 =	simm.s32 $0x14500;
	p0 =	slt.s32 s15, $0x1;
	p1 =	sne.s32 s15, s29  }
0xd6: {  	s26 =	simm.s32 $0x8500;
	p0 =	por !p0, !p1;
	[tilespmem:v10+s3+$0x0] =	vst.idx.msk $0xffff, v8  }
0xd7: {  	s17 =	simm.s32 $0x1;
	p0 =	por !p0, !p0;
	v8 =	vld.idx.msk [tilespmem:v42+s26+$0x0], $0xffff  }
0xd8: {  	s16 =	sshrl.u32 s16, $0x7;
	s17 =	simm.s32 @!p0 $0x0  }
0xd9: {  	s16 =	ssub.s32 s16, s17  }
0xda: {  	s16 =	sshll.u32 s16, $0x7  }
0xdb: {  	s31 =	sand.u32 $0x1FFFFF80, s16;
	s16 =	spop (v2sf)  }
0xdc: {  	s22 =	simm.s32 $0x500;
	s17 =	sadd.s32 s25, s31;
	s1 =	sshra.s32 s16, $0x1F;
	[tilespmem:v9+s3+$0x0] =	vst.idx.msk $0xffff, v8  }
0xdd: {  	[tilespmem:s22], [sflag:$0x1] =	stream.strided.gather [hbm4b:s17+s8], $0x1000, s9, s8, $0x38;
	[tilespmem:$0x18500] =	vst v63  }
0xde: {  	s17 =	sshrl.u32 s1, $0x19  }
0xdf: {  	s17 =	sadd.s32 s17, s16  }
0xe0: {  	s18 =	sand.u32 $0xFFFFFF80, s17  }
0xe1: {  	p1 =	slt.s32 s16, $0x1;
	p2 =	sne.s32 s16, s18  }
0xe2: {  	p0 =	por !p1, !p2  }
0xe3: {  	s18 =	simm.s32 $0x1;
	p0 =	por !p0, !p0  }
0xe4: {  	s17 =	sshrl.u32 s17, $0x7;
	s18 =	simm.s32 @!p0 $0x0  }
0xe5: {  	s17 =	ssub.s32 s17, s18  }
0xe6: {  	s17 =	sshll.u32 s17, $0x7  }
0xe7: {  	s17 =	sand.u32 $0x1FFFFF80, s17  }
0xe8: {  	s30 =	simm.s32 $0x8500;
	s5 =	simm.s32 $0x2;
	s17 =	sadd.s32 s2, s17  }
0xe9: {  	[tilespmem:s30], [sflag:$0x1] =	stream.strided.gather [hbm4b:s17+s8], $0x1000, s9, s8, $0x38;
	[tilespmem:$0x18500] =	vst v63  }
0xea: {  	_ =	swait.ge [sflag:s5], $0x1000  }
0xeb: {  	[sflag:s5] =	ssyncset.done $0x0  }
0xec: {  	[sflag:s5] =	ssyncadd.s32 $0xFFFFF000  }
0xed: {  	_ =	swait.ge [sflag:s5], $0x1000  }
0xee: {  	(v2sf) =	vpush v7, $0x1;
	_ =	sdelay $0xb  }
0xef: {  	(v2sf) =	vpush v6, $0x1;
	_ =	sdelay $0x2  }
0xf0: {  	s11 =	spop (v2sf)  }
0xf1: {  	s17 =	sand.u32 $0x7F, s11  }
0xf2: {  	s14 =	sadd.s32 $0xFFFFFFF2, s10;
	v43 =	vor.u32 s17, v0  }
0xf3: {  	v44 =	vmov s14;
	(v2sf) =	vpush v7, $0x9  }
0xf4: {  	s6 =	simm.s32 $0x2;
	v45 =	vshll.u32 v44, $0x3  }
0xf5: {  	v10 =	vand.u32 $0xC00, v45;
	v9 =	vand.u32 $0x71, v44;
	[sflag:s6] =	ssyncset.done $0x0  }
0xf6: {  	s19 =	simm.s32 $0x1500;
	v9 =	vor.u32 v9, v10;
	[sflag:s6] =	ssyncadd.s32 $0xFFFFF000  }
0xf7: {  	v10 =	vor.u32 v1, v9;
	v8 =	vld.idx.msk [tilespmem:v43+s19+$0x0], $0xffff  }
0xf8: {  	v46 =	vor.u32 s17, v2;
	_ =	sdelay $0x3  }
0xf9: {  	s20 =	spop (v2sf);
	[tilespmem:v10+s4+$0x0] =	vst.idx.msk $0xffff, v8  }
0xfa: {  	v9 =	vor.u32 v3, v9;
	s22 =	sand.u32 $0x7F, s20;
	v8 =	vld.idx.msk [tilespmem:v46+s19+$0x0], $0xffff  }
0xfb: {  	(v2sf) =	vpush v6, $0x9;
	v47 =	vor.u32 s22, v0;
	_ =	sdelay $0x3  }
0xfc: {  	s23 =	simm.s32 $0x9500;
	s5 =	spop (v2sf);
	[tilespmem:v9+s4+$0x0] =	vst.idx.msk $0xffff, v8  }
0xfd: {  	s19 =	sshra.s32 s5, $0x1F;
	v8 =	vld.idx.msk [tilespmem:v47+s23+$0x0], $0xffff  }
0xfe: {  	v48 =	vor.u32 s22, v2;
	s26 =	sshrl.u32 s19, $0x19  }
0xff: {  	s18 =	sadd.s32 s26, s5  }
0x100: {  	s28 =	sand.u32 $0xFFFFFF80, s18  }
0x101: {  	p3 =	slt.s32 s5, $0x1;
	p4 =	sne.s32 s5, s28  }
0x102: {  	s24 =	simm.s32 $0x9500;
	p0 =	por !p3, !p4;
	[tilespmem:v10+s3+$0x0] =	vst.idx.msk $0xffff, v8  }
0x103: {  	s19 =	simm.s32 $0x1;
	p0 =	por !p0, !p0;
	v8 =	vld.idx.msk [tilespmem:v48+s24+$0x0], $0xffff  }
0x104: {  	s18 =	sshrl.u32 s18, $0x7;
	s19 =	simm.s32 @!p0 $0x0  }
0x105: {  	s18 =	ssub.s32 s18, s19  }
0x106: {  	s18 =	sshll.u32 s18, $0x7  }
0x107: {  	s31 =	spop (v2sf);
	s30 =	sand.u32 $0x1FFFFF80, s18  }
0x108: {  	s21 =	simm.s32 $0x1500;
	s1 =	sshra.s32 s31, $0x1F;
	s19 =	sadd.s32 s25, s30;
	[tilespmem:v9+s3+$0x0] =	vst.idx.msk $0xffff, v8  }
0x109: {  	[tilespmem:s21], [sflag:$0x2] =	stream.strided.gather [hbm4b:s19+s8], $0x1000, s9, s8, $0x38;
	[tilespmem:$0x18500] =	vst v63  }
0x10a: {  	s19 =	sshrl.u32 s1, $0x19  }
0x10b: {  	s19 =	sadd.s32 s19, s31  }
0x10c: {  	s20 =	sand.u32 $0xFFFFFF80, s19  }
0x10d: {  	p5 =	slt.s32 s31, $0x1;
	p6 =	sne.s32 s31, s20  }
0x10e: {  	p0 =	por !p5, !p6  }
0x10f: {  	s20 =	simm.s32 $0x1;
	p0 =	por !p0, !p0  }
0x110: {  	s19 =	sshrl.u32 s19, $0x7;
	s20 =	simm.s32 @!p0 $0x0  }
0x111: {  	s19 =	ssub.s32 s19, s20  }
0x112: {  	s19 =	sshll.u32 s19, $0x7  }
0x113: {  	s29 =	simm.s32 $0x9500;
	[dreg:$0xe] =	wrdreg s5;
	s19 =	sand.u32 $0x1FFFFF80, s19  }
0x114: {  	[dreg:$0xf] =	wrdreg s31;
	s18 =	simm.s32 $0x3;
	s19 =	sadd.s32 s2, s19  }
0x115: {  	[tilespmem:s29], [sflag:$0x2] =	stream.strided.gather [hbm4b:s19+s8], $0x1000, s9, s8, $0x38;
	[tilespmem:$0x18500] =	vst v63  }
0x116: {  	_ =	swait.ge [sflag:s18], $0x1000  }
0x117: {  	[sflag:s18] =	ssyncset.done $0x0  }
0x118: {  	[sflag:s18] =	ssyncadd.s32 $0xFFFFF000  }
0x119: {  	_ =	swait.ge [sflag:s18], $0x1000  }
0x11a: {  	(v2sf) =	vpush v7, $0x2;
	_ =	sdelay $0xb  }
0x11b: {  	(v2sf) =	vpush v6, $0x2;
	_ =	sdelay $0x2  }
0x11c: {  	s5 =	spop (v2sf)  }
0x11d: {  	s19 =	sand.u32 $0x7F, s5  }
0x11e: {  	s6 =	sadd.s32 $0xFFFFFFF3, s10;
	v49 =	vor.u32 s19, v0  }
0x11f: {  	v50 =	vmov s6;
	(v2sf) =	vpush v7, $0xA  }
0x120: {  	v51 =	vshll.u32 v50, $0x3  }
0x121: {  	v10 =	vand.u32 $0xC00, v51;
	v9 =	vand.u32 $0x72, v50;
	[sflag:s18] =	ssyncset.done $0x0  }
0x122: {  	s11 =	simm.s32 $0x2500;
	v9 =	vor.u32 v9, v10;
	[sflag:s18] =	ssyncadd.s32 $0xFFFFF000  }
0x123: {  	v10 =	vor.u32 v1, v9;
	v8 =	vld.idx.msk [tilespmem:v49+s11+$0x0], $0xffff  }
0x124: {  	v52 =	vor.u32 s19, v2;
	_ =	sdelay $0x3  }
0x125: {  	s14 =	spop (v2sf);
	[tilespmem:v10+s4+$0x0] =	vst.idx.msk $0xffff, v8  }
0x126: {  	v9 =	vor.u32 v3, v9;
	s22 =	sand.u32 $0x7F, s14;
	v8 =	vld.idx.msk [tilespmem:v52+s11+$0x0], $0xffff  }
0x127: {  	(v2sf) =	vpush v6, $0xA;
	v53 =	vor.u32 s22, v0;
	_ =	sdelay $0x3  }
0x128: {  	s23 =	simm.s32 $0xA500;
	s19 =	spop (v2sf);
	[tilespmem:v9+s4+$0x0] =	vst.idx.msk $0xffff, v8  }
0x129: {  	s21 =	sshra.s32 s19, $0x1F;
	v8 =	vld.idx.msk [tilespmem:v53+s23+$0x0], $0xffff  }
0x12a: {  	v54 =	vor.u32 s22, v2;
	s26 =	sshrl.u32 s21, $0x19  }
0x12b: {  	s20 =	sadd.s32 s26, s19  }
0x12c: {  	s28 =	sand.u32 $0xFFFFFF80, s20  }
0x12d: {  	p1 =	slt.s32 s19, $0x1;
	p2 =	sne.s32 s19, s28  }
0x12e: {  	s24 =	simm.s32 $0xA500;
	p0 =	por !p1, !p2;
	[tilespmem:v10+s3+$0x0] =	vst.idx.msk $0xffff, v8  }
0x12f: {  	s21 =	simm.s32 $0x1;
	p0 =	por !p0, !p0;
	v8 =	vld.idx.msk [tilespmem:v54+s24+$0x0], $0xffff  }
0x130: {  	s20 =	sshrl.u32 s20, $0x7;
	s21 =	simm.s32 @!p0 $0x0  }
0x131: {  	s20 =	ssub.s32 s20, s21  }
0x132: {  	s20 =	sshll.u32 s20, $0x7  }
0x133: {  	s30 =	sand.u32 $0x1FFFFF80, s20;
	s20 =	spop (v2sf)  }
0x134: {  	s17 =	simm.s32 $0x2500;
	s21 =	sadd.s32 s25, s30;
	s31 =	sshra.s32 s20, $0x1F;
	[tilespmem:v9+s3+$0x0] =	vst.idx.msk $0xffff, v8  }
0x135: {  	[tilespmem:s17], [sflag:$0x3] =	stream.strided.gather [hbm4b:s21+s8], $0x1000, s9, s8, $0x38;
	[tilespmem:$0x18500] =	vst v63  }
0x136: {  	s21 =	sshrl.u32 s31, $0x19  }
0x137: {  	s21 =	sadd.s32 s21, s20  }
0x138: {  	s22 =	sand.u32 $0xFFFFFF80, s21  }
0x139: {  	p3 =	slt.s32 s20, $0x1;
	p4 =	sne.s32 s20, s22  }
0x13a: {  	p0 =	por !p3, !p4  }
0x13b: {  	s22 =	simm.s32 $0x1;
	p0 =	por !p0, !p0  }
0x13c: {  	s21 =	sshrl.u32 s21, $0x7;
	s22 =	simm.s32 @!p0 $0x0  }
0x13d: {  	s21 =	ssub.s32 s21, s22  }
0x13e: {  	s21 =	sshll.u32 s21, $0x7  }
0x13f: {  	s21 =	sand.u32 $0x1FFFFF80, s21  }
0x140: {  	s29 =	simm.s32 $0xA500;
	s17 =	simm.s32 $0x4;
	s21 =	sadd.s32 s2, s21  }
0x141: {  	[tilespmem:s29], [sflag:$0x3] =	stream.strided.gather [hbm4b:s21+s8], $0x1000, s9, s8, $0x38;
	[tilespmem:$0x18500] =	vst v63  }
0x142: {  	_ =	swait.ge [sflag:s17], $0x1000  }
0x143: {  	[sflag:s17] =	ssyncset.done $0x0  }
0x144: {  	[sflag:s17] =	ssyncadd.s32 $0xFFFFF000  }
0x145: {  	_ =	swait.ge [sflag:s17], $0x1000  }
0x146: {  	(v2sf) =	vpush v7, $0x3;
	_ =	sdelay $0xb  }
0x147: {  	(v2sf) =	vpush v6, $0x3;
	_ =	sdelay $0x2  }
0x148: {  	s0 =	spop (v2sf)  }
0x149: {  	s21 =	sand.u32 $0x7F, s0  }
0x14a: {  	s1 =	sadd.s32 $0xFFFFFFF4, s10;
	v55 =	vor.u32 s21, v0  }
0x14b: {  	v56 =	vmov s1;
	(v2sf) =	vpush v7, $0xB  }
0x14c: {  	v57 =	vshll.u32 v56, $0x3  }
0x14d: {  	v10 =	vand.u32 $0xC00, v57;
	v9 =	vand.u32 $0x73, v56;
	[sflag:s17] =	ssyncset.done $0x0  }
0x14e: {  	s5 =	simm.s32 $0x3500;
	v9 =	vor.u32 v9, v10;
	[sflag:s17] =	ssyncadd.s32 $0xFFFFF000  }
0x14f: {  	v10 =	vor.u32 v1, v9;
	v8 =	vld.idx.msk [tilespmem:v55+s5+$0x0], $0xffff  }
0x150: {  	v58 =	vor.u32 s21, v2;
	_ =	sdelay $0x3  }
0x151: {  	s6 =	spop (v2sf);
	[tilespmem:v10+s4+$0x0] =	vst.idx.msk $0xffff, v8  }
0x152: {  	v9 =	vor.u32 v3, v9;
	s14 =	sand.u32 $0x7F, s6;
	v8 =	vld.idx.msk [tilespmem:v58+s5+$0x0], $0xffff  }
0x153: {  	(v2sf) =	vpush v6, $0xB;
	v59 =	vor.u32 s14, v0;
	_ =	sdelay $0x3  }
0x154: {  	s23 =	simm.s32 $0xB500;
	s21 =	spop (v2sf);
	[tilespmem:v9+s4+$0x0] =	vst.idx.msk $0xffff, v8  }
0x155: {  	v8 =	vld.idx.msk [tilespmem:v59+s23+$0x0], $0xffff;
	s23 =	sshra.s32 s21, $0x1F  }
0x156: {  	v60 =	vor.u32 s14, v2;
	s26 =	sshrl.u32 s23, $0x19  }
0x157: {  	s22 =	sadd.s32 s26, s21  }
0x158: {  	s28 =	sand.u32 $0xFFFFFF80, s22  }
0x159: {  	p5 =	slt.s32 s21, $0x1;
	p6 =	sne.s32 s21, s28  }
0x15a: {  	s24 =	simm.s32 $0xB500;
	[tilespmem:v10+s3+$0x0] =	vst.idx.msk $0xffff, v8;
	p0 =	por !p5, !p6  }
0x15b: {  	s23 =	simm.s32 $0x1;
	v8 =	vld.idx.msk [tilespmem:v60+s24+$0x0], $0xffff;
	p0 =	por !p0, !p0  }
0x15c: {  	s22 =	sshrl.u32 s22, $0x7;
	s23 =	simm.s32 @!p0 $0x0  }
0x15d: {  	s22 =	ssub.s32 s22, s23  }
0x15e: {  	s22 =	sshll.u32 s22, $0x7  }
0x15f: {  	s30 =	sand.u32 $0x1FFFFF80, s22;
	s22 =	spop (v2sf)  }
0x160: {  	s11 =	simm.s32 $0x3500;
	[tilespmem:v9+s3+$0x0] =	vst.idx.msk $0xffff, v8;
	s23 =	sadd.s32 s25, s30;
	s31 =	sshra.s32 s22, $0x1F  }
0x161: {  	[tilespmem:s11], [sflag:$0x4] =	stream.strided.gather [hbm4b:s23+s8], $0x1000, s9, s8, $0x38;
	[tilespmem:$0x18500] =	vst v63  }
0x162: {  	s23 =	sshrl.u32 s31, $0x19  }
0x163: {  	s23 =	sadd.s32 s23, s22  }
0x164: {  	s24 =	sand.u32 $0xFFFFFF80, s23  }
0x165: {  	p1 =	slt.s32 s22, $0x1;
	p2 =	sne.s32 s22, s24  }
0x166: {  	p0 =	por !p1, !p2  }
0x167: {  	s24 =	simm.s32 $0x1;
	p0 =	por !p0, !p0  }
0x168: {  	s23 =	sshrl.u32 s23, $0x7;
	s24 =	simm.s32 @!p0 $0x0  }
0x169: {  	s23 =	ssub.s32 s23, s24  }
0x16a: {  	s23 =	sshll.u32 s23, $0x7  }
0x16b: {  	s23 =	sand.u32 $0x1FFFFF80, s23  }
0x16c: {  	s29 =	simm.s32 $0xB500;
	s23 =	sadd.s32 s2, s23  }
0x16d: {  	[tilespmem:s29], [sflag:$0x4] =	stream.strided.gather [hbm4b:s23+s8], $0x1000, s9, s8, $0x38;
	[tilespmem:$0x18500] =	vst v63  }
0x16e: {  	_ =	swait.ge [sflag:s12], $0x1000  }
0x16f: {  	[sflag:s12] =	ssyncset.done $0x0  }
0x170: {  	[sflag:s12] =	ssyncadd.s32 $0xFFFFF000  }
0x171: {  	_ =	swait.ge [sflag:s12], $0x1000  }
0x172: {  	(v2sf) =	vpush v7, $0x4;
	_ =	sdelay $0xb  }
0x173: {  	(v2sf) =	vpush v6, $0x4;
	_ =	sdelay $0x2  }
0x174: {  	s1 =	spop (v2sf)  }
0x175: {  	s23 =	sand.u32 $0x7F, s1  }
0x176: {  	s5 =	sadd.s32 $0xFFFFFFF5, s10;
	v61 =	vor.u32 s23, v0  }
0x177: {  	v62 =	vmov s5;
	(v2sf) =	vpush v7, $0xC  }
0x178: {  	v63 =	vshll.u32 v62, $0x3  }
0x179: {  	v10 =	vand.u32 $0xC00, v63;
	v9 =	vand.u32 $0x74, v62;
	[sflag:s12] =	ssyncset.done $0x0  }
0x17a: {  	s6 =	simm.s32 $0x4500;
	v9 =	vor.u32 v9, v10;
	[sflag:s12] =	ssyncadd.s32 $0xFFFFF000  }
0x17b: {  	v10 =	vor.u32 v1, v9;
	v8 =	vld.idx.msk [tilespmem:v61+s6+$0x0], $0xffff  }
0x17c: {  	v12 =	vor.u32 s23, v2;
	_ =	sdelay $0x3  }
0x17d: {  	s11 =	spop (v2sf);
	[tilespmem:v10+s4+$0x0] =	vst.idx.msk $0xffff, v8  }
0x17e: {  	v9 =	vor.u32 v3, v9;
	s14 =	sand.u32 $0x7F, s11;
	v8 =	vld.idx.msk [tilespmem:v12+s6+$0x0], $0xffff  }
0x17f: {  	(v2sf) =	vpush v6, $0xC;
	v13 =	vor.u32 s14, v0;
	_ =	sdelay $0x3  }
0x180: {  	s26 =	simm.s32 $0xC500;
	s23 =	spop (v2sf);
	[tilespmem:v9+s4+$0x0] =	vst.idx.msk $0xffff, v8  }
0x181: {  	s29 =	sshra.s32 s23, $0x1F;
	v8 =	vld.idx.msk [tilespmem:v13+s26+$0x0], $0xffff  }
0x182: {  	v14 =	vor.u32 s14, v2;
	s30 =	sshrl.u32 s29, $0x19  }
0x183: {  	s24 =	sadd.s32 s30, s23  }
0x184: {  	s31 =	sand.u32 $0xFFFFFF80, s24  }
0x185: {  	p3 =	slt.s32 s23, $0x1;
	p4 =	sne.s32 s23, s31  }
0x186: {  	s28 =	simm.s32 $0xC500;
	s1 =	smov.u32 s2;
	p0 =	por !p3, !p4;
	[tilespmem:v10+s3+$0x0] =	vst.idx.msk $0xffff, v8  }
0x187: {  	s2 =	smov.u32 s25;
	s25 =	simm.s32 $0x1;
	p0 =	por !p0, !p0;
	v8 =	vld.idx.msk [tilespmem:v14+s28+$0x0], $0xffff  }
0x188: {  	s24 =	sshrl.u32 s24, $0x7;
	s25 =	simm.s32 @!p0 $0x0  }
0x189: {  	s24 =	ssub.s32 s24, s25  }
0x18a: {  	s24 =	sshll.u32 s24, $0x7  }
0x18b: {  	s11 =	sand.u32 $0x1FFFFF80, s24;
	s24 =	spop (v2sf)  }
0x18c: {  	s5 =	simm.s32 $0x4500;
	s25 =	sadd.s32 s2, s11;
	s14 =	sshra.s32 s24, $0x1F;
	[tilespmem:v9+s3+$0x0] =	vst.idx.msk $0xffff, v8  }
0x18d: {  	[tilespmem:s5], [sflag:$0x5] =	stream.strided.gather [hbm4b:s25+s8], $0x1000, s9, s8, $0x38;
	[tilespmem:$0x18500] =	vst v63  }
0x18e: {  	s25 =	sshrl.u32 s14, $0x19  }
0x18f: {  	s25 =	sadd.s32 s25, s24  }
0x190: {  	s26 =	sand.u32 $0xFFFFFF80, s25  }
0x191: {  	p5 =	slt.s32 s24, $0x1;
	p6 =	sne.s32 s24, s26  }
0x192: {  	p0 =	por !p5, !p6  }
0x193: {  	s26 =	simm.s32 $0x1;
	p0 =	por !p0, !p0  }
0x194: {  	s25 =	sshrl.u32 s25, $0x7;
	s26 =	simm.s32 @!p0 $0x0  }
0x195: {  	s25 =	ssub.s32 s25, s26  }
0x196: {  	s25 =	sshll.u32 s25, $0x7  }
0x197: {  	s25 =	sand.u32 $0x1FFFFF80, s25  }
0x198: {  	s6 =	simm.s32 $0xC500;
	s25 =	sadd.s32 s1, s25  }
0x199: {  	[tilespmem:s6], [sflag:$0x5] =	stream.strided.gather [hbm4b:s25+s8], $0x1000, s9, s8, $0x38;
	[tilespmem:$0x18500] =	vst v63  }
0x19a: {  	s8 =	simm.s32 $0x6  }
0x19b: {  	_ =	swait.ge [sflag:s8], $0x1000  }
0x19c: {  	[sflag:s8] =	ssyncset.done $0x0  }
0x19d: {  	[sflag:s8] =	ssyncadd.s32 $0xFFFFF000  }
0x19e: {  	_ =	swait.ge [sflag:s8], $0x1000  }
0x19f: {  	(v2sf) =	vpush v7, $0x5;
	_ =	sdelay $0xb  }
0x1a0: {  	(v2sf) =	vpush v6, $0x5;
	_ =	sdelay $0x2  }
0x1a1: {  	s26 =	spop (v2sf)  }
0x1a2: {  	s25 =	sand.u32 $0x7F, s26  }
0x1a3: {  	s28 =	sadd.s32 $0xFFFFFFF6, s10;
	v15 =	vor.u32 s25, v0  }
0x1a4: {  	v16 =	vmov s28;
	(v2sf) =	vpush v7, $0xD  }
0x1a5: {  	v17 =	vshll.u32 v16, $0x3  }
0x1a6: {  	v10 =	vand.u32 $0xC00, v17;
	v9 =	vand.u32 $0x75, v16;
	[sflag:s8] =	ssyncset.done $0x0  }
0x1a7: {  	s29 =	simm.s32 $0x5500;
	v9 =	vor.u32 v9, v10;
	[sflag:s8] =	ssyncadd.s32 $0xFFFFF000  }
0x1a8: {  	v10 =	vor.u32 v1, v9;
	v8 =	vld.idx.msk [tilespmem:v15+s29+$0x0], $0xffff  }
0x1a9: {  	v18 =	vor.u32 s25, v2;
	_ =	sdelay $0x3  }
0x1aa: {  	s30 =	spop (v2sf);
	[tilespmem:v10+s4+$0x0] =	vst.idx.msk $0xffff, v8  }
0x1ab: {  	v9 =	vor.u32 v3, v9;
	s31 =	sand.u32 $0x7F, s30;
	v8 =	vld.idx.msk [tilespmem:v18+s29+$0x0], $0xffff  }
0x1ac: {  	(v2sf) =	vpush v6, $0xD;
	v19 =	vor.u32 s31, v0;
	_ =	sdelay $0x3  }
0x1ad: {  	s5 =	simm.s32 $0xD500;
	s25 =	spop (v2sf);
	[tilespmem:v9+s4+$0x0] =	vst.idx.msk $0xffff, v8  }
0x1ae: {  	s28 =	sshra.s32 s25, $0x1F;
	v8 =	vld.idx.msk [tilespmem:v19+s5+$0x0], $0xffff  }
0x1af: {  	v20 =	vor.u32 s31, v2;
	s28 =	sshrl.u32 s28, $0x19  }
0x1b0: {  	s26 =	sadd.s32 s28, s25  }
0x1b1: {  	s29 =	sand.u32 $0xFFFFFF80, s26  }
0x1b2: {  	p1 =	slt.s32 s25, $0x1;
	p2 =	sne.s32 s25, s29  }
0x1b3: {  	s11 =	simm.s32 $0xD500;
	p0 =	por !p1, !p2;
	[tilespmem:v10+s3+$0x0] =	vst.idx.msk $0xffff, v8  }
0x1b4: {  	s28 =	simm.s32 $0x1;
	p0 =	por !p0, !p0;
	v8 =	vld.idx.msk [tilespmem:v20+s11+$0x0], $0xffff  }
0x1b5: {  	s26 =	sshrl.u32 s26, $0x7;
	s28 =	simm.s32 @!p0 $0x0  }
0x1b6: {  	s26 =	ssub.s32 s26, s28  }
0x1b7: {  	s26 =	sshll.u32 s26, $0x7  }
0x1b8: {  	s14 =	simm.s32 $0x5500;
	s31 =	sand.u32 $0x1FFFFF80, s26;
	s26 =	spop (v2sf)  }
0x1b9: {  	s6 =	simm.s32 $0x400;
	s28 =	sadd.s32 s2, s31;
	s5 =	sshra.s32 s26, $0x1F;
	[tilespmem:v9+s3+$0x0] =	vst.idx.msk $0xffff, v8  }
0x1ba: {  	[tilespmem:s14], [sflag:$0x6] =	stream.strided.gather [hbm4b:s28+s6], $0x1000, s9, s6, $0x38;
	[tilespmem:$0x18500] =	vst v63  }
0x1bb: {  	s28 =	sshrl.u32 s5, $0x19  }
0x1bc: {  	s28 =	sadd.s32 s28, s26  }
0x1bd: {  	s29 =	sand.u32 $0xFFFFFF80, s28  }
0x1be: {  	p3 =	slt.s32 s26, $0x1;
	p4 =	sne.s32 s26, s29  }
0x1bf: {  	p0 =	por !p3, !p4  }
0x1c0: {  	s29 =	simm.s32 $0x1;
	p0 =	por !p0, !p0  }
0x1c1: {  	s28 =	sshrl.u32 s28, $0x7;
	s29 =	simm.s32 @!p0 $0x0  }
0x1c2: {  	s28 =	ssub.s32 s28, s29  }
0x1c3: {  	s28 =	sshll.u32 s28, $0x7  }
0x1c4: {  	s28 =	sand.u32 $0x1FFFFF80, s28  }
0x1c5: {  	s30 =	simm.s32 $0xD500;
	s28 =	sadd.s32 s1, s28  }
0x1c6: {  	[tilespmem:s30], [sflag:$0x6] =	stream.strided.gather [hbm4b:s28+s6], $0x1000, s9, s6, $0x38;
	[tilespmem:$0x18500] =	vst v63  }
0x1c7: {  	s9 =	simm.s32 $0x7  }
0x1c8: {  	_ =	swait.ge [sflag:s9], $0x1000  }
0x1c9: {  	[sflag:s9] =	ssyncset.done $0x0  }
0x1ca: {  	[sflag:s9] =	ssyncadd.s32 $0xFFFFF000  }
0x1cb: {  	_ =	swait.ge [sflag:s9], $0x1000  }
0x1cc: {  	(v2sf) =	vpush v7, $0x6;
	_ =	sdelay $0xb  }
0x1cd: {  	(v2sf) =	vpush v6, $0x6;
	_ =	sdelay $0x2  }
0x1ce: {  	s11 =	spop (v2sf)  }
0x1cf: {  	s28 =	sand.u32 $0x7F, s11  }
0x1d0: {  	s14 =	sadd.s32 $0xFFFFFFF7, s10;
	v21 =	vor.u32 s28, v0  }
0x1d1: {  	v22 =	vmov s14;
	(v2sf) =	vpush v7, $0xE  }
0x1d2: {  	v23 =	vshll.u32 v22, $0x3  }
0x1d3: {  	v9 =	vand.u32 $0x76, v22;
	v10 =	vand.u32 $0xC00, v23;
	[sflag:s9] =	ssyncset.done $0x0  }
0x1d4: {  	v9 =	vor.u32 v9, v10;
	s29 =	simm.s32 $0x6500;
	[sflag:s9] =	ssyncadd.s32 $0xFFFFF000  }
0x1d5: {  	v10 =	vor.u32 v1, v9;
	v8 =	vld.idx.msk [tilespmem:v21+s29+$0x0], $0xffff  }
0x1d6: {  	v24 =	vor.u32 s28, v2;
	_ =	sdelay $0x3  }
0x1d7: {  	s30 =	spop (v2sf);
	[tilespmem:v10+s4+$0x0] =	vst.idx.msk $0xffff, v8  }
0x1d8: {  	v9 =	vor.u32 v3, v9;
	v8 =	vld.idx.msk [tilespmem:v24+s29+$0x0], $0xffff;
	s29 =	sand.u32 $0x7F, s30  }
0x1d9: {  	(v2sf) =	vpush v6, $0xE;
	v25 =	vor.u32 s29, v0;
	_ =	sdelay $0x3  }
0x1da: {  	s0 =	simm.s32 $0xE500;
	s28 =	spop (v2sf);
	[tilespmem:v9+s4+$0x0] =	vst.idx.msk $0xffff, v8  }
0x1db: {  	s30 =	sshra.s32 s28, $0x1F;
	v8 =	vld.idx.msk [tilespmem:v25+s0+$0x0], $0xffff  }
0x1dc: {  	v26 =	vor.u32 s29, v2;
	s30 =	sshrl.u32 s30, $0x19  }
0x1dd: {  	s29 =	sadd.s32 s30, s28  }
0x1de: {  	s0 =	sand.u32 $0xFFFFFF80, s29  }
0x1df: {  	p5 =	slt.s32 s28, $0x1;
	p6 =	sne.s32 s28, s0  }
0x1e0: {  	s11 =	simm.s32 $0xE500;
	p0 =	por !p5, !p6;
	[tilespmem:v10+s3+$0x0] =	vst.idx.msk $0xffff, v8  }
0x1e1: {  	s30 =	simm.s32 $0x1;
	p0 =	por !p0, !p0;
	v8 =	vld.idx.msk [tilespmem:v26+s11+$0x0], $0xffff  }
0x1e2: {  	s29 =	sshrl.u32 s29, $0x7;
	s30 =	simm.s32 @!p0 $0x0  }
0x1e3: {  	s29 =	ssub.s32 s29, s30  }
0x1e4: {  	s29 =	sshll.u32 s29, $0x7  }
0x1e5: {  	s31 =	simm.s32 $0x6500;
	s11 =	sand.u32 $0x1FFFFF80, s29;
	s29 =	spop (v2sf)  }
0x1e6: {  	s5 =	simm.s32 $0x7A1400;
	s30 =	sadd.s32 s2, s11;
	s0 =	sshra.s32 s29, $0x1F;
	[tilespmem:v9+s3+$0x0] =	vst.idx.msk $0xffff, v8  }
0x1e7: {  	[tilespmem:s31], [sflag:$0x7] =	stream.strided.gather [hbm4b:s30+s6], $0x1000, s5, s6, $0x38;
	[tilespmem:$0x18500] =	vst v63  }
0x1e8: {  	s30 =	sshrl.u32 s0, $0x19  }
0x1e9: {  	s30 =	sadd.s32 s30, s29  }
0x1ea: {  	s11 =	sand.u32 $0xFFFFFF80, s30  }
0x1eb: {  	p1 =	slt.s32 s29, $0x1;
	p2 =	sne.s32 s29, s11  }
0x1ec: {  	p0 =	por !p1, !p2  }
0x1ed: {  	s31 =	simm.s32 $0x1;
	p0 =	por !p0, !p0  }
0x1ee: {  	s30 =	sshrl.u32 s30, $0x7;
	s31 =	simm.s32 @!p0 $0x0  }
0x1ef: {  	s30 =	ssub.s32 s30, s31  }
0x1f0: {  	s30 =	sshll.u32 s30, $0x7  }
0x1f1: {  	s30 =	sand.u32 $0x1FFFFF80, s30  }
0x1f2: {  	s14 =	simm.s32 $0xE500;
	s30 =	sadd.s32 s1, s30  }
0x1f3: {  	[tilespmem:s14], [sflag:$0x7] =	stream.strided.gather [hbm4b:s30+s6], $0x1000, s5, s6, $0x38;
	[tilespmem:$0x18500] =	vst v63  }
0x1f4: {  	s14 =	simm.s32 $0x8  }
0x1f5: {  	_ =	swait.ge [sflag:s14], $0x1000  }
0x1f6: {  	[sflag:s14] =	ssyncset.done $0x0  }
0x1f7: {  	[sflag:s14] =	ssyncadd.s32 $0xFFFFF000  }
0x1f8: {  	_ =	swait.ge [sflag:s14], $0x1000  }
0x1f9: {  	(v2sf) =	vpush v7, $0x7;
	_ =	sdelay $0xb  }
0x1fa: {  	(v2sf) =	vpush v6, $0x7;
	_ =	sdelay $0x2  }
0x1fb: {  	s0 =	spop (v2sf)  }
0x1fc: {  	s30 =	sand.u32 $0x7F, s0  }
0x1fd: {  	s11 =	sadd.s32 $0xFFFFFFF8, s10;
	v27 =	vor.u32 s30, v0  }
0x1fe: {  	v28 =	vmov s11;
	(v2sf) =	vpush v7, $0xF  }
0x1ff: {  	v7 =	vshll.u32 v28, $0x3  }
0x200: {  	v9 =	vand.u32 $0x77, v28;
	[sflag:s14] =	ssyncset.done $0x0;
	v7 =	vand.u32 $0xC00, v7  }
0x201: {  	[sflag:s14] =	ssyncadd.s32 $0xFFFFF000;
	v7 =	vor.u32 v9, v7  }
0x202: {  	v9 =	vor.u32 v1, v7;
	v8 =	vld.idx.msk [tilespmem:v27+s13+$0x0], $0xffff  }
0x203: {  	v29 =	vor.u32 s30, v2;
	_ =	sdelay $0x3  }
0x204: {  	s31 =	spop (v2sf);
	[tilespmem:v9+s4+$0x0] =	vst.idx.msk $0xffff, v8  }
0x205: {  	s31 =	sand.u32 $0x7F, s31;
	v7 =	vor.u32 v3, v7;
	v8 =	vld.idx.msk [tilespmem:v29+s13+$0x0], $0xffff  }
0x206: {  	(v2sf) =	vpush v6, $0xF;
	v30 =	vor.u32 s31, v0;
	_ =	sdelay $0x3  }
0x207: {  	s0 =	simm.s32 $0xF500;
	s30 =	spop (v2sf);
	[tilespmem:v7+s4+$0x0] =	vst.idx.msk $0xffff, v8  }
0x208: {  	s13 =	sshra.s32 s30, $0x1F;
	v6 =	vld.idx.msk [tilespmem:v30+s0+$0x0], $0xffff  }
0x209: {  	v31 =	vor.u32 s31, v2;
	s13 =	sshrl.u32 s13, $0x19  }
0x20a: {  	s13 =	sadd.s32 s13, s30  }
0x20b: {  	s31 =	sand.u32 $0xFFFFFF80, s13  }
0x20c: {  	p3 =	slt.s32 s30, $0x1;
	p4 =	sne.s32 s30, s31  }
0x20d: {  	p0 =	por !p3, !p4;
	[tilespmem:v9+s3+$0x0] =	vst.idx.msk $0xffff, v6  }
0x20e: {  	s31 =	simm.s32 $0x1;
	p0 =	por !p0, !p0;
	v6 =	vld.idx.msk [tilespmem:v31+s0+$0x0], $0xffff  }
0x20f: {  	s13 =	sshrl.u32 s13, $0x7;
	s31 =	simm.s32 @!p0 $0x0  }
0x210: {  	s13 =	ssub.s32 s13, s31  }
0x211: {  	s13 =	sshll.u32 s13, $0x7  }
0x212: {  	s31 =	spop (v2sf);
	s13 =	sand.u32 $0x1FFFFF80, s13  }
0x213: {  	s11 =	simm.s32 $0x7500;
	s0 =	sshra.s32 s31, $0x1F;
	s13 =	sadd.s32 s2, s13;
	[tilespmem:v7+s3+$0x0] =	vst.idx.msk $0xffff, v6  }
0x214: {  	[tilespmem:s11], [sflag:$0x8] =	stream.strided.gather [hbm4b:s13+s6], $0x1000, s5, s6, $0x38;
	[tilespmem:$0x18500] =	vst v63  }
0x215: {  	s13 =	sshrl.u32 s0, $0x19  }
0x216: {  	s13 =	sadd.s32 s13, s31  }
0x217: {  	s11 =	sand.u32 $0xFFFFFF80, s13  }
0x218: {  	p5 =	slt.s32 s31, $0x1;
	p6 =	sne.s32 s31, s11  }
0x219: {  	p0 =	por !p5, !p6  }
0x21a: {  	s11 =	simm.s32 $0x1;
	p0 =	por !p0, !p0  }
0x21b: {  	s13 =	sshrl.u32 s13, $0x7;
	s11 =	simm.s32 @!p0 $0x0  }
0x21c: {  	s11 =	ssub.s32 s13, s11  }
0x21d: {  	s11 =	sshll.u32 s11, $0x7  }
0x21e: {  	s11 =	sand.u32 $0x1FFFFF80, s11  }
0x21f: {  	s0 =	simm.s32 $0xF500;
	s11 =	sadd.s32 s1, s11  }
0x220: {  	[tilespmem:s0], [sflag:$0x8] =	stream.strided.gather [hbm4b:s11+s6], $0x1000, s5, s6, $0x38;
	[tilespmem:$0x18500] =	vst v63  }
0x221: {  	s5 =	sand.u32 $0x7F, s15;
	_ =	swait.ge [sflag:s7], $0x1000  }
0x222: {  	s6 =	sadd.s32 $0xFFFFFFF9, s10;
	v6 =	vor.u32 s5, v0;
	[sflag:s7] =	ssyncset.done $0x0  }
0x223: {  	v7 =	vmov s6;
	[sflag:s7] =	ssyncadd.s32 $0xFFFFF000  }
0x224: {  	p0 =	seq.s32 s10, $0x1FF;
	v32 =	vshll.u32 v7, $0x3;
	_ =	swait.ge [sflag:s7], $0x1000  }
0x225: {  	v7 =	vand.u32 $0x78, v7;
	v8 =	vand.u32 $0xC00, v32;
	(v2sf) =	vpush @!p0 v4, $0x0;
	[sflag:s7] =	ssyncset.done $0x0  }
0x226: {  	s15 =	simm.s32 $0x500;
	v7 =	vor.u32 v7, v8;
	[sflag:s7] =	ssyncadd.s32 $0xFFFFF000  }
0x227: {  	v8 =	vor.u32 v1, v7;
	v6 =	vld.idx.msk [tilespmem:v6+s15+$0x0], $0xffff  }
0x228: {  	v33 =	vor.u32 s5, v2;
	_ =	sdelay $0x3  }
0x229: {  	[tilespmem:v8+s4+$0x0] =	vst.idx.msk $0xffff, v6  }
0x22a: {  	s5 =	sand.u32 $0x7F, s16;
	v7 =	vor.u32 v3, v7;
	v6 =	vld.idx.msk [tilespmem:v33+s15+$0x0], $0xffff  }
0x22b: {  	v34 =	vor.u32 s5, v0;
	_ =	sdelay $0x2  }
0x22c: {  	(v2sf) =	vpush @!p0 v5, $0x0  }
0x22d: {  	s6 =	simm.s32 $0x8500;
	[tilespmem:v7+s4+$0x0] =	vst.idx.msk $0xffff, v6  }
0x22e: {  	v6 =	vld.idx.msk [tilespmem:v34+s6+$0x0], $0xffff  }
0x22f: {  	v35 =	vor.u32 s5, v2;
	s13 =	spop @!p0 (v2sf)  }
0x230: {  	s11 =	sand.u32 @!p0 $0x7F, s13  }
0x231: {  	p1 =	slt.s32 @!p0 s13, $0x1;
	p2 =	sne.s32 @!p0 s11, $0x0  }
0x232: {  	s11 =	sshra.s32 @!p0 s13, $0x1F;
	p1 =	por @!p0 !p1, !p2  }
0x233: {  	s11 =	sshrl.u32 @!p0 s11, $0x19;
	p1 =	por @!p0 !p1, !p1;
	[tilespmem:v8+s3+$0x0] =	vst.idx.msk $0xffff, v6  }
0x234: {  	s11 =	sadd.s32 @!p0 s11, s13;
	s13 =	simm.s32 @!p0 $0x1;
	p1 =	por !p1, p0;
	v6 =	vld.idx.msk [tilespmem:v35+s6+$0x0], $0xffff  }
0x235: {  	s11 =	sshrl.u32 @!p0 s11, $0x7;
	s13 =	simm.s32 @p1 $0x0  }
0x236: {  	s11 =	ssub.s32 @!p0 s11, s13  }
0x237: {  	s11 =	sshll.u32 @!p0 s11, $0x7  }
0x238: {  	s16 =	simm.s32 @!p0 $0x7A1400;
	s11 =	sand.u32 @!p0 $0x1FFFFF80, s11  }
0x239: {  	s15 =	simm.s32 @!p0 $0x400;
	s13 =	simm.s32 @!p0 $0x500;
	s11 =	sadd.s32 @!p0 s2, s11;
	[tilespmem:v7+s3+$0x0] =	vst.idx.msk $0xffff, v6  }
0x23a: {  	[tilespmem:s13], [sflag:$0x1] =	stream.strided.gather @!p0 [hbm4b:s11+s15], $0x1000, s16, s15, $0x38;
	[tilespmem:$0x18500] =	vst v63  }
0x23b: {  	s11 =	spop @!p0 (v2sf)  }
0x23c: {  	s13 =	sand.u32 @!p0 $0x7F, s11  }
0x23d: {  	p1 =	slt.s32 @!p0 s11, $0x1;
	p2 =	sne.s32 @!p0 s13, $0x0  }
0x23e: {  	s13 =	sshra.s32 @!p0 s11, $0x1F;
	p1 =	por @!p0 !p1, !p2  }
0x23f: {  	s13 =	sshrl.u32 @!p0 s13, $0x19;
	p1 =	por @!p0 !p1, !p1  }
0x240: {  	s11 =	sadd.s32 @!p0 s13, s11;
	s13 =	simm.s32 @!p0 $0x1;
	p1 =	por !p1, p0  }
0x241: {  	s11 =	sshrl.u32 @!p0 s11, $0x7;
	s13 =	simm.s32 @p1 $0x0  }
0x242: {  	s11 =	ssub.s32 @!p0 s11, s13  }
0x243: {  	s11 =	sshll.u32 @!p0 s11, $0x7  }
0x244: {  	s11 =	sand.u32 @!p0 $0x1FFFFF80, s11  }
0x245: {  	s7 =	simm.s32 $0x2;
	s13 =	simm.s32 @!p0 $0x8500;
	s11 =	sadd.s32 @!p0 s1, s11  }
0x246: {  	[tilespmem:s13], [sflag:$0x1] =	stream.strided.gather @!p0 [hbm4b:s11+s15], $0x1000, s16, s15, $0x38;
	[tilespmem:$0x18500] =	vst v63  }
0x247: {  	_ =	swait.ge [sflag:s7], $0x1000  }
0x248: {  	s13 =	rddreg [dreg:$0xe]  }
0x249: {  	s11 =	sand.u32 $0x7F, s13  }
0x24a: {  	s5 =	sadd.s32 $0xFFFFFFFA, s10;
	[sflag:s7] =	ssyncset.done $0x0;
	v6 =	vor.u32 s11, v0  }
0x24b: {  	v7 =	vmov s5;
	[sflag:s7] =	ssyncadd.s32 $0xFFFFF000  }
0x24c: {  	v36 =	vshll.u32 v7, $0x3;
	_ =	swait.ge [sflag:s7], $0x1000  }
0x24d: {  	s6 =	simm.s32 $0x2;
	v7 =	vand.u32 $0x79, v7;
	v8 =	vand.u32 $0xC00, v36;
	[sflag:s7] =	ssyncset.done $0x0;
	(v2sf) =	vpush @!p0 v4, $0x1  }
0x24e: {  	v7 =	vor.u32 v7, v8;
	s7 =	simm.s32 $0x1500;
	[sflag:s6] =	ssyncadd.s32 $0xFFFFF000  }
0x24f: {  	v8 =	vor.u32 v1, v7;
	v6 =	vld.idx.msk [tilespmem:v6+s7+$0x0], $0xffff  }
0x250: {  	v37 =	vor.u32 s11, v2;
	_ =	sdelay $0x3  }
0x251: {  	s13 =	rddreg [dreg:$0xf];
	[tilespmem:v8+s4+$0x0] =	vst.idx.msk $0xffff, v6  }
0x252: {  	v7 =	vor.u32 v3, v7;
	s0 =	sand.u32 $0x7F, s13;
	v6 =	vld.idx.msk [tilespmem:v37+s7+$0x0], $0xffff  }
0x253: {  	v38 =	vor.u32 s0, v0;
	_ =	sdelay $0x2  }
0x254: {  	(v2sf) =	vpush @!p0 v5, $0x1  }
0x255: {  	s5 =	simm.s32 $0x9500;
	[tilespmem:v7+s4+$0x0] =	vst.idx.msk $0xffff, v6  }
0x256: {  	v6 =	vld.idx.msk [tilespmem:v38+s5+$0x0], $0xffff  }
0x257: {  	v39 =	vor.u32 s0, v2;
	s11 =	spop @!p0 (v2sf)  }
0x258: {  	s13 =	sand.u32 @!p0 $0x7F, s11  }
0x259: {  	p1 =	slt.s32 @!p0 s11, $0x1;
	p2 =	sne.s32 @!p0 s13, $0x0  }
0x25a: {  	s13 =	sshra.s32 @!p0 s11, $0x1F;
	p1 =	por @!p0 !p1, !p2  }
0x25b: {  	s13 =	sshrl.u32 @!p0 s13, $0x19;
	p1 =	por @!p0 !p1, !p1;
	[tilespmem:v8+s3+$0x0] =	vst.idx.msk $0xffff, v6  }
0x25c: {  	s11 =	sadd.s32 @!p0 s13, s11;
	s13 =	simm.s32 @!p0 $0x1;
	p1 =	por !p1, p0;
	v6 =	vld.idx.msk [tilespmem:v39+s5+$0x0], $0xffff  }
0x25d: {  	s11 =	sshrl.u32 @!p0 s11, $0x7;
	s13 =	simm.s32 @p1 $0x0  }
0x25e: {  	s11 =	ssub.s32 @!p0 s11, s13  }
0x25f: {  	s11 =	sshll.u32 @!p0 s11, $0x7  }
0x260: {  	s11 =	sand.u32 @!p0 $0x1FFFFF80, s11  }
0x261: {  	s13 =	simm.s32 @!p0 $0x1500;
	s11 =	sadd.s32 @!p0 s2, s11;
	[tilespmem:v7+s3+$0x0] =	vst.idx.msk $0xffff, v6  }
0x262: {  	[tilespmem:s13], [sflag:$0x2] =	stream.strided.gather @!p0 [hbm4b:s11+s15], $0x1000, s16, s15, $0x38;
	[tilespmem:$0x18500] =	vst v63  }
0x263: {  	s11 =	spop @!p0 (v2sf)  }
0x264: {  	s13 =	sand.u32 @!p0 $0x7F, s11  }
0x265: {  	p1 =	slt.s32 @!p0 s11, $0x1;
	p2 =	sne.s32 @!p0 s13, $0x0  }
0x266: {  	s13 =	sshra.s32 @!p0 s11, $0x1F;
	p1 =	por @!p0 !p1, !p2  }
0x267: {  	s13 =	sshrl.u32 @!p0 s13, $0x19;
	p1 =	por @!p0 !p1, !p1  }
0x268: {  	s11 =	sadd.s32 @!p0 s13, s11;
	s13 =	simm.s32 @!p0 $0x1;
	p1 =	por !p1, p0  }
0x269: {  	s11 =	sshrl.u32 @!p0 s11, $0x7;
	s13 =	simm.s32 @p1 $0x0  }
0x26a: {  	s11 =	ssub.s32 @!p0 s11, s13  }
0x26b: {  	s11 =	sshll.u32 @!p0 s11, $0x7  }
0x26c: {  	s11 =	sand.u32 @!p0 $0x1FFFFF80, s11  }
0x26d: {  	s13 =	simm.s32 @!p0 $0x9500;
	s11 =	sadd.s32 @!p0 s1, s11  }
0x26e: {  	[tilespmem:s13], [sflag:$0x2] =	stream.strided.gather @!p0 [hbm4b:s11+s15], $0x1000, s16, s15, $0x38;
	[tilespmem:$0x18500] =	vst v63  }
0x26f: {  	s6 =	sand.u32 $0x7F, s19;
	_ =	swait.ge [sflag:s18], $0x1000  }
0x270: {  	s7 =	sadd.s32 $0xFFFFFFFB, s10;
	v6 =	vor.u32 s6, v0;
	[sflag:s18] =	ssyncset.done $0x0  }
0x271: {  	v7 =	vmov s7;
	[sflag:s18] =	ssyncadd.s32 $0xFFFFF000  }
0x272: {  	v40 =	vshll.u32 v7, $0x3;
	_ =	swait.ge [sflag:s18], $0x1000  }
0x273: {  	v7 =	vand.u32 $0x7A, v7;
	v8 =	vand.u32 $0xC00, v40;
	[sflag:s18] =	ssyncset.done $0x0;
	(v2sf) =	vpush @!p0 v4, $0x2  }
0x274: {  	s19 =	simm.s32 $0x2500;
	v7 =	vor.u32 v7, v8;
	[sflag:s18] =	ssyncadd.s32 $0xFFFFF000  }
0x275: {  	v8 =	vor.u32 v1, v7;
	v6 =	vld.idx.msk [tilespmem:v6+s19+$0x0], $0xffff  }
0x276: {  	v41 =	vor.u32 s6, v2;
	_ =	sdelay $0x3  }
0x277: {  	[tilespmem:v8+s4+$0x0] =	vst.idx.msk $0xffff, v6  }
0x278: {  	s5 =	sand.u32 $0x7F, s20;
	v7 =	vor.u32 v3, v7;
	v6 =	vld.idx.msk [tilespmem:v41+s19+$0x0], $0xffff  }
0x279: {  	v42 =	vor.u32 s5, v0;
	_ =	sdelay $0x2  }
0x27a: {  	(v2sf) =	vpush @!p0 v5, $0x2  }
0x27b: {  	s6 =	simm.s32 $0xA500;
	[tilespmem:v7+s4+$0x0] =	vst.idx.msk $0xffff, v6  }
0x27c: {  	v6 =	vld.idx.msk [tilespmem:v42+s6+$0x0], $0xffff  }
0x27d: {  	v43 =	vor.u32 s5, v2;
	s11 =	spop @!p0 (v2sf)  }
0x27e: {  	s13 =	sand.u32 @!p0 $0x7F, s11  }
0x27f: {  	p1 =	slt.s32 @!p0 s11, $0x1;
	p2 =	sne.s32 @!p0 s13, $0x0  }
0x280: {  	s13 =	sshra.s32 @!p0 s11, $0x1F;
	p1 =	por @!p0 !p1, !p2  }
0x281: {  	s13 =	sshrl.u32 @!p0 s13, $0x19;
	[tilespmem:v8+s3+$0x0] =	vst.idx.msk $0xffff, v6;
	p1 =	por @!p0 !p1, !p1  }
0x282: {  	s11 =	sadd.s32 @!p0 s13, s11;
	s13 =	simm.s32 @!p0 $0x1;
	v6 =	vld.idx.msk [tilespmem:v43+s6+$0x0], $0xffff;
	p1 =	por !p1, p0  }
0x283: {  	s11 =	sshrl.u32 @!p0 s11, $0x7;
	s13 =	simm.s32 @p1 $0x0  }
0x284: {  	s11 =	ssub.s32 @!p0 s11, s13  }
0x285: {  	s11 =	sshll.u32 @!p0 s11, $0x7  }
0x286: {  	s11 =	sand.u32 @!p0 $0x1FFFFF80, s11  }
0x287: {  	s13 =	simm.s32 @!p0 $0x2500;
	[tilespmem:v7+s3+$0x0] =	vst.idx.msk $0xffff, v6;
	s11 =	sadd.s32 @!p0 s2, s11  }
0x288: {  	[tilespmem:s13], [sflag:$0x3] =	stream.strided.gather @!p0 [hbm4b:s11+s15], $0x1000, s16, s15, $0x38;
	[tilespmem:$0x18500] =	vst v63  }
0x289: {  	s11 =	spop @!p0 (v2sf)  }
0x28a: {  	s13 =	sand.u32 @!p0 $0x7F, s11  }
0x28b: {  	p1 =	slt.s32 @!p0 s11, $0x1;
	p2 =	sne.s32 @!p0 s13, $0x0  }
0x28c: {  	s13 =	sshra.s32 @!p0 s11, $0x1F;
	p1 =	por @!p0 !p1, !p2  }
0x28d: {  	s13 =	sshrl.u32 @!p0 s13, $0x19;
	p1 =	por @!p0 !p1, !p1  }
0x28e: {  	s11 =	sadd.s32 @!p0 s13, s11;
	s13 =	simm.s32 @!p0 $0x1;
	p1 =	por !p1, p0  }
0x28f: {  	s11 =	sshrl.u32 @!p0 s11, $0x7;
	s13 =	simm.s32 @p1 $0x0  }
0x290: {  	s11 =	ssub.s32 @!p0 s11, s13  }
0x291: {  	s11 =	sshll.u32 @!p0 s11, $0x7  }
0x292: {  	s11 =	sand.u32 @!p0 $0x1FFFFF80, s11  }
0x293: {  	s13 =	simm.s32 @!p0 $0xA500;
	s11 =	sadd.s32 @!p0 s1, s11  }
0x294: {  	[tilespmem:s13], [sflag:$0x3] =	stream.strided.gather @!p0 [hbm4b:s11+s15], $0x1000, s16, s15, $0x38;
	[tilespmem:$0x18500] =	vst v63  }
0x295: {  	s18 =	sand.u32 $0x7F, s21;
	_ =	swait.ge [sflag:s17], $0x1000  }
0x296: {  	s19 =	sadd.s32 $0xFFFFFFFC, s10;
	v6 =	vor.u32 s18, v0;
	[sflag:s17] =	ssyncset.done $0x0  }
0x297: {  	v7 =	vmov s19;
	[sflag:s17] =	ssyncadd.s32 $0xFFFFF000  }
0x298: {  	v44 =	vshll.u32 v7, $0x3;
	_ =	swait.ge [sflag:s17], $0x1000  }
0x299: {  	v7 =	vand.u32 $0x7B, v7;
	v8 =	vand.u32 $0xC00, v44;
	[sflag:s17] =	ssyncset.done $0x0;
	(v2sf) =	vpush @!p0 v4, $0x3  }
0x29a: {  	s20 =	simm.s32 $0x3500;
	v7 =	vor.u32 v7, v8;
	[sflag:s17] =	ssyncadd.s32 $0xFFFFF000  }
0x29b: {  	v8 =	vor.u32 v1, v7;
	v6 =	vld.idx.msk [tilespmem:v6+s20+$0x0], $0xffff  }
0x29c: {  	v45 =	vor.u32 s18, v2;
	_ =	sdelay $0x3  }
0x29d: {  	[tilespmem:v8+s4+$0x0] =	vst.idx.msk $0xffff, v6  }
0x29e: {  	s21 =	sand.u32 $0x7F, s22;
	v7 =	vor.u32 v3, v7;
	v6 =	vld.idx.msk [tilespmem:v45+s20+$0x0], $0xffff  }
0x29f: {  	v46 =	vor.u32 s21, v0;
	_ =	sdelay $0x2  }
0x2a0: {  	(v2sf) =	vpush @!p0 v5, $0x3  }
0x2a1: {  	s22 =	simm.s32 $0xB500;
	[tilespmem:v7+s4+$0x0] =	vst.idx.msk $0xffff, v6  }
0x2a2: {  	v6 =	vld.idx.msk [tilespmem:v46+s22+$0x0], $0xffff  }
0x2a3: {  	v47 =	vor.u32 s21, v2;
	s11 =	spop @!p0 (v2sf)  }
0x2a4: {  	s13 =	sand.u32 @!p0 $0x7F, s11  }
0x2a5: {  	p1 =	slt.s32 @!p0 s11, $0x1;
	p2 =	sne.s32 @!p0 s13, $0x0  }
0x2a6: {  	s13 =	sshra.s32 @!p0 s11, $0x1F;
	p1 =	por @!p0 !p1, !p2  }
0x2a7: {  	s13 =	sshrl.u32 @!p0 s13, $0x19;
	[tilespmem:v8+s3+$0x0] =	vst.idx.msk $0xffff, v6;
	p1 =	por @!p0 !p1, !p1  }
0x2a8: {  	s11 =	sadd.s32 @!p0 s13, s11;
	s13 =	simm.s32 @!p0 $0x1;
	v6 =	vld.idx.msk [tilespmem:v47+s22+$0x0], $0xffff;
	p1 =	por !p1, p0  }
0x2a9: {  	s11 =	sshrl.u32 @!p0 s11, $0x7;
	s13 =	simm.s32 @p1 $0x0  }
0x2aa: {  	s11 =	ssub.s32 @!p0 s11, s13  }
0x2ab: {  	s11 =	sshll.u32 @!p0 s11, $0x7  }
0x2ac: {  	s11 =	sand.u32 @!p0 $0x1FFFFF80, s11  }
0x2ad: {  	s13 =	simm.s32 @!p0 $0x3500;
	[tilespmem:v7+s3+$0x0] =	vst.idx.msk $0xffff, v6;
	s11 =	sadd.s32 @!p0 s2, s11  }
0x2ae: {  	[tilespmem:s13], [sflag:$0x4] =	stream.strided.gather @!p0 [hbm4b:s11+s15], $0x1000, s16, s15, $0x38;
	[tilespmem:$0x18500] =	vst v63  }
0x2af: {  	s11 =	spop @!p0 (v2sf)  }
0x2b0: {  	s13 =	sand.u32 @!p0 $0x7F, s11  }
0x2b1: {  	p1 =	slt.s32 @!p0 s11, $0x1;
	p2 =	sne.s32 @!p0 s13, $0x0  }
0x2b2: {  	s13 =	sshra.s32 @!p0 s11, $0x1F;
	p1 =	por @!p0 !p1, !p2  }
0x2b3: {  	s13 =	sshrl.u32 @!p0 s13, $0x19;
	p1 =	por @!p0 !p1, !p1  }
0x2b4: {  	s11 =	sadd.s32 @!p0 s13, s11;
	s13 =	simm.s32 @!p0 $0x1;
	p1 =	por !p1, p0  }
0x2b5: {  	s11 =	sshrl.u32 @!p0 s11, $0x7;
	s13 =	simm.s32 @p1 $0x0  }
0x2b6: {  	s11 =	ssub.s32 @!p0 s11, s13  }
0x2b7: {  	s11 =	sshll.u32 @!p0 s11, $0x7  }
0x2b8: {  	s11 =	sand.u32 @!p0 $0x1FFFFF80, s11  }
0x2b9: {  	s13 =	simm.s32 @!p0 $0xB500;
	s11 =	sadd.s32 @!p0 s1, s11  }
0x2ba: {  	[tilespmem:s13], [sflag:$0x4] =	stream.strided.gather @!p0 [hbm4b:s11+s15], $0x1000, s16, s15, $0x38;
	[tilespmem:$0x18500] =	vst v63  }
0x2bb: {  	s5 =	sand.u32 $0x7F, s23;
	_ =	swait.ge [sflag:s12], $0x1000  }
0x2bc: {  	s6 =	sadd.s32 $0xFFFFFFFD, s10;
	v6 =	vor.u32 s5, v0;
	[sflag:s12] =	ssyncset.done $0x0  }
0x2bd: {  	v7 =	vmov s6;
	[sflag:s12] =	ssyncadd.s32 $0xFFFFF000  }
0x2be: {  	v48 =	vshll.u32 v7, $0x3;
	_ =	swait.ge [sflag:s12], $0x1000  }
0x2bf: {  	v7 =	vand.u32 $0x7C, v7;
	v8 =	vand.u32 $0xC00, v48;
	[sflag:s12] =	ssyncset.done $0x0;
	(v2sf) =	vpush @!p0 v4, $0x4  }
0x2c0: {  	v7 =	vor.u32 v7, v8;
	s13 =	simm.s32 $0x4500;
	[sflag:s12] =	ssyncadd.s32 $0xFFFFF000  }
0x2c1: {  	v8 =	vor.u32 v1, v7;
	v6 =	vld.idx.msk [tilespmem:v6+s13+$0x0], $0xffff  }
0x2c2: {  	v49 =	vor.u32 s5, v2;
	_ =	sdelay $0x3  }
0x2c3: {  	[tilespmem:v8+s4+$0x0] =	vst.idx.msk $0xffff, v6  }
0x2c4: {  	s20 =	sand.u32 $0x7F, s24;
	v7 =	vor.u32 v3, v7;
	v6 =	vld.idx.msk [tilespmem:v49+s13+$0x0], $0xffff  }
0x2c5: {  	v50 =	vor.u32 s20, v0;
	_ =	sdelay $0x2  }
0x2c6: {  	(v2sf) =	vpush @!p0 v5, $0x4  }
0x2c7: {  	s21 =	simm.s32 $0xC500;
	[tilespmem:v7+s4+$0x0] =	vst.idx.msk $0xffff, v6  }
0x2c8: {  	v6 =	vld.idx.msk [tilespmem:v50+s21+$0x0], $0xffff  }
0x2c9: {  	v51 =	vor.u32 s20, v2;
	s11 =	spop @!p0 (v2sf)  }
0x2ca: {  	s13 =	sand.u32 @!p0 $0x7F, s11  }
0x2cb: {  	p1 =	slt.s32 @!p0 s11, $0x1;
	p2 =	sne.s32 @!p0 s13, $0x0  }
0x2cc: {  	s13 =	sshra.s32 @!p0 s11, $0x1F;
	p1 =	por @!p0 !p1, !p2  }
0x2cd: {  	s13 =	sshrl.u32 @!p0 s13, $0x19;
	[tilespmem:v8+s3+$0x0] =	vst.idx.msk $0xffff, v6;
	p1 =	por @!p0 !p1, !p1  }
0x2ce: {  	s11 =	sadd.s32 @!p0 s13, s11;
	s13 =	simm.s32 @!p0 $0x1;
	v6 =	vld.idx.msk [tilespmem:v51+s21+$0x0], $0xffff;
	p1 =	por !p1, p0  }
0x2cf: {  	s11 =	sshrl.u32 @!p0 s11, $0x7;
	s13 =	simm.s32 @p1 $0x0  }
0x2d0: {  	s11 =	ssub.s32 @!p0 s11, s13  }
0x2d1: {  	s11 =	sshll.u32 @!p0 s11, $0x7  }
0x2d2: {  	s11 =	sand.u32 @!p0 $0x1FFFFF80, s11  }
0x2d3: {  	s13 =	simm.s32 @!p0 $0x4500;
	[tilespmem:v7+s3+$0x0] =	vst.idx.msk $0xffff, v6;
	s11 =	sadd.s32 @!p0 s2, s11  }
0x2d4: {  	[tilespmem:s13], [sflag:$0x5] =	stream.strided.gather @!p0 [hbm4b:s11+s15], $0x1000, s16, s15, $0x38;
	[tilespmem:$0x18500] =	vst v63  }
0x2d5: {  	s11 =	spop @!p0 (v2sf)  }
0x2d6: {  	s13 =	sand.u32 @!p0 $0x7F, s11  }
0x2d7: {  	p1 =	slt.s32 @!p0 s11, $0x1;
	p2 =	sne.s32 @!p0 s13, $0x0  }
0x2d8: {  	s13 =	sshra.s32 @!p0 s11, $0x1F;
	p1 =	por @!p0 !p1, !p2  }
0x2d9: {  	s13 =	sshrl.u32 @!p0 s13, $0x19;
	p1 =	por @!p0 !p1, !p1  }
0x2da: {  	s11 =	sadd.s32 @!p0 s13, s11;
	s13 =	simm.s32 @!p0 $0x1;
	p1 =	por !p1, p0  }
0x2db: {  	s11 =	sshrl.u32 @!p0 s11, $0x7;
	s13 =	simm.s32 @p1 $0x0  }
0x2dc: {  	s11 =	ssub.s32 @!p0 s11, s13  }
0x2dd: {  	s11 =	sshll.u32 @!p0 s11, $0x7  }
0x2de: {  	s11 =	sand.u32 @!p0 $0x1FFFFF80, s11  }
0x2df: {  	s13 =	simm.s32 @!p0 $0xC500;
	s11 =	sadd.s32 @!p0 s1, s11  }
0x2e0: {  	[tilespmem:s13], [sflag:$0x5] =	stream.strided.gather @!p0 [hbm4b:s11+s15], $0x1000, s16, s15, $0x38;
	[tilespmem:$0x18500] =	vst v63  }
0x2e1: {  	s22 =	sand.u32 $0x7F, s25;
	_ =	swait.ge [sflag:s8], $0x1000  }
0x2e2: {  	s23 =	sadd.s32 $0xFFFFFFFE, s10;
	v6 =	vor.u32 s22, v0;
	[sflag:s8] =	ssyncset.done $0x0  }
0x2e3: {  	v7 =	vmov s23;
	[sflag:s8] =	ssyncadd.s32 $0xFFFFF000  }
0x2e4: {  	v52 =	vshll.u32 v7, $0x3;
	_ =	swait.ge [sflag:s8], $0x1000  }
0x2e5: {  	v7 =	vand.u32 $0x7D, v7;
	v8 =	vand.u32 $0xC00, v52;
	[sflag:s8] =	ssyncset.done $0x0;
	(v2sf) =	vpush @!p0 v4, $0x5  }
0x2e6: {  	s24 =	simm.s32 $0x5500;
	v7 =	vor.u32 v7, v8;
	[sflag:s8] =	ssyncadd.s32 $0xFFFFF000  }
0x2e7: {  	v8 =	vor.u32 v1, v7;
	v6 =	vld.idx.msk [tilespmem:v6+s24+$0x0], $0xffff  }
0x2e8: {  	v53 =	vor.u32 s22, v2;
	_ =	sdelay $0x3  }
0x2e9: {  	[tilespmem:v8+s4+$0x0] =	vst.idx.msk $0xffff, v6  }
0x2ea: {  	s0 =	sand.u32 $0x7F, s26;
	v7 =	vor.u32 v3, v7;
	v6 =	vld.idx.msk [tilespmem:v53+s24+$0x0], $0xffff  }
0x2eb: {  	v54 =	vor.u32 s0, v0;
	_ =	sdelay $0x2  }
0x2ec: {  	(v2sf) =	vpush @!p0 v5, $0x5  }
0x2ed: {  	s5 =	simm.s32 $0xD500;
	[tilespmem:v7+s4+$0x0] =	vst.idx.msk $0xffff, v6  }
0x2ee: {  	v6 =	vld.idx.msk [tilespmem:v54+s5+$0x0], $0xffff  }
0x2ef: {  	v55 =	vor.u32 s0, v2;
	s11 =	spop @!p0 (v2sf)  }
0x2f0: {  	s13 =	sand.u32 @!p0 $0x7F, s11  }
0x2f1: {  	p1 =	slt.s32 @!p0 s11, $0x1;
	p2 =	sne.s32 @!p0 s13, $0x0  }
0x2f2: {  	s13 =	sshra.s32 @!p0 s11, $0x1F;
	p1 =	por @!p0 !p1, !p2  }
0x2f3: {  	s13 =	sshrl.u32 @!p0 s13, $0x19;
	[tilespmem:v8+s3+$0x0] =	vst.idx.msk $0xffff, v6;
	p1 =	por @!p0 !p1, !p1  }
0x2f4: {  	s11 =	sadd.s32 @!p0 s13, s11;
	s13 =	simm.s32 @!p0 $0x1;
	v6 =	vld.idx.msk [tilespmem:v55+s5+$0x0], $0xffff;
	p1 =	por !p1, p0  }
0x2f5: {  	s11 =	sshrl.u32 @!p0 s11, $0x7;
	s13 =	simm.s32 @p1 $0x0  }
0x2f6: {  	s11 =	ssub.s32 @!p0 s11, s13  }
0x2f7: {  	s11 =	sshll.u32 @!p0 s11, $0x7  }
0x2f8: {  	s25 =	smov.u32 s2;
	s11 =	sand.u32 @!p0 $0x1FFFFF80, s11  }
0x2f9: {  	s13 =	simm.s32 @!p0 $0x5500;
	[tilespmem:v7+s3+$0x0] =	vst.idx.msk $0xffff, v6;
	s11 =	sadd.s32 @!p0 s25, s11  }
0x2fa: {  	[tilespmem:s13], [sflag:$0x6] =	stream.strided.gather @!p0 [hbm4b:s11+s15], $0x1000, s16, s15, $0x38;
	[tilespmem:$0x18500] =	vst v63  }
0x2fb: {  	s11 =	spop @!p0 (v2sf)  }
0x2fc: {  	s13 =	sand.u32 @!p0 $0x7F, s11  }
0x2fd: {  	p1 =	slt.s32 @!p0 s11, $0x1;
	p2 =	sne.s32 @!p0 s13, $0x0  }
0x2fe: {  	s13 =	sshra.s32 @!p0 s11, $0x1F;
	p1 =	por @!p0 !p1, !p2  }
0x2ff: {  	s13 =	sshrl.u32 @!p0 s13, $0x19;
	p1 =	por @!p0 !p1, !p1  }
0x300: {  	s11 =	sadd.s32 @!p0 s13, s11;
	s13 =	simm.s32 @!p0 $0x1;
	p1 =	por !p1, p0  }
0x301: {  	s11 =	sshrl.u32 @!p0 s11, $0x7;
	s13 =	simm.s32 @p1 $0x0  }
0x302: {  	s11 =	ssub.s32 @!p0 s11, s13  }
0x303: {  	s11 =	sshll.u32 @!p0 s11, $0x7  }
0x304: {  	s11 =	sand.u32 @!p0 $0x1FFFFF80, s11  }
0x305: {  	s13 =	simm.s32 @!p0 $0xD500;
	s11 =	sadd.s32 @!p0 s1, s11  }
0x306: {  	[tilespmem:s13], [sflag:$0x6] =	stream.strided.gather @!p0 [hbm4b:s11+s15], $0x1000, s16, s15, $0x38;
	[tilespmem:$0x18500] =	vst v63  }
0x307: {  	s6 =	sand.u32 $0x7F, s28;
	_ =	swait.ge [sflag:s9], $0x1000  }
0x308: {  	s8 =	sadd.s32 $0xFFFFFFFF, s10;
	v6 =	vor.u32 s6, v0;
	[sflag:s9] =	ssyncset.done $0x0  }
0x309: {  	v7 =	vmov s8;
	[sflag:s9] =	ssyncadd.s32 $0xFFFFF000  }
0x30a: {  	v56 =	vshll.u32 v7, $0x3;
	_ =	swait.ge [sflag:s9], $0x1000  }
0x30b: {  	v7 =	vand.u32 $0x7E, v7;
	v8 =	vand.u32 $0xC00, v56;
	[sflag:s9] =	ssyncset.done $0x0;
	(v2sf) =	vpush @!p0 v4, $0x6  }
0x30c: {  	v7 =	vor.u32 v7, v8;
	s13 =	simm.s32 $0x6500;
	[sflag:s9] =	ssyncadd.s32 $0xFFFFF000  }
0x30d: {  	v8 =	vor.u32 v1, v7;
	v6 =	vld.idx.msk [tilespmem:v6+s13+$0x0], $0xffff  }
0x30e: {  	v57 =	vor.u32 s6, v2;
	_ =	sdelay $0x3  }
0x30f: {  	[tilespmem:v8+s4+$0x0] =	vst.idx.msk $0xffff, v6  }
0x310: {  	s24 =	sand.u32 $0x7F, s29;
	v7 =	vor.u32 v3, v7;
	v6 =	vld.idx.msk [tilespmem:v57+s13+$0x0], $0xffff  }
0x311: {  	v58 =	vor.u32 s24, v0;
	_ =	sdelay $0x2  }
0x312: {  	(v2sf) =	vpush @!p0 v5, $0x6  }
0x313: {  	s26 =	simm.s32 $0xE500;
	[tilespmem:v7+s4+$0x0] =	vst.idx.msk $0xffff, v6  }
0x314: {  	v6 =	vld.idx.msk [tilespmem:v58+s26+$0x0], $0xffff  }
0x315: {  	v59 =	vor.u32 s24, v2;
	s13 =	spop @!p0 (v2sf)  }
0x316: {  	s11 =	sand.u32 @!p0 $0x7F, s13  }
0x317: {  	p1 =	slt.s32 @!p0 s13, $0x1;
	p2 =	sne.s32 @!p0 s11, $0x0  }
0x318: {  	s11 =	sshra.s32 @!p0 s13, $0x1F;
	p1 =	por @!p0 !p1, !p2  }
0x319: {  	s11 =	sshrl.u32 @!p0 s11, $0x19;
	[tilespmem:v8+s3+$0x0] =	vst.idx.msk $0xffff, v6;
	p1 =	por @!p0 !p1, !p1  }
0x31a: {  	s11 =	sadd.s32 @!p0 s11, s13;
	s13 =	simm.s32 @!p0 $0x1;
	v6 =	vld.idx.msk [tilespmem:v59+s26+$0x0], $0xffff;
	p1 =	por !p1, p0  }
0x31b: {  	s11 =	sshrl.u32 @!p0 s11, $0x7;
	s13 =	simm.s32 @p1 $0x0  }
0x31c: {  	s11 =	ssub.s32 @!p0 s11, s13  }
0x31d: {  	s11 =	sshll.u32 @!p0 s11, $0x7  }
0x31e: {  	s11 =	sand.u32 @!p0 $0x1FFFFF80, s11  }
0x31f: {  	s13 =	simm.s32 @!p0 $0x6500;
	[tilespmem:v7+s3+$0x0] =	vst.idx.msk $0xffff, v6;
	s11 =	sadd.s32 @!p0 s25, s11  }
0x320: {  	[tilespmem:s13], [sflag:$0x7] =	stream.strided.gather @!p0 [hbm4b:s11+s15], $0x1000, s16, s15, $0x38;
	[tilespmem:$0x18500] =	vst v63  }
0x321: {  	s11 =	spop @!p0 (v2sf)  }
0x322: {  	s13 =	sand.u32 @!p0 $0x7F, s11  }
0x323: {  	p1 =	slt.s32 @!p0 s11, $0x1;
	p2 =	sne.s32 @!p0 s13, $0x0  }
0x324: {  	s13 =	sshra.s32 @!p0 s11, $0x1F;
	p1 =	por @!p0 !p1, !p2  }
0x325: {  	s13 =	sshrl.u32 @!p0 s13, $0x19;
	p1 =	por @!p0 !p1, !p1  }
0x326: {  	s11 =	sadd.s32 @!p0 s13, s11;
	s13 =	simm.s32 @!p0 $0x1;
	p1 =	por !p1, p0  }
0x327: {  	s11 =	sshrl.u32 @!p0 s11, $0x7;
	s13 =	simm.s32 @p1 $0x0  }
0x328: {  	s11 =	ssub.s32 @!p0 s11, s13  }
0x329: {  	s11 =	sshll.u32 @!p0 s11, $0x7  }
0x32a: {  	s11 =	sand.u32 @!p0 $0x1FFFFF80, s11  }
0x32b: {  	s13 =	simm.s32 @!p0 $0xE500;
	s11 =	sadd.s32 @!p0 s1, s11  }
0x32c: {  	[tilespmem:s13], [sflag:$0x7] =	stream.strided.gather @!p0 [hbm4b:s11+s15], $0x1000, s16, s15, $0x38;
	[tilespmem:$0x18500] =	vst v63  }
0x32d: {  	s28 =	sand.u32 $0x7F, s30;
	_ =	swait.ge [sflag:s14], $0x1000  }
0x32e: {  	v6 =	vor.u32 s28, v0;
	[sflag:s14] =	ssyncset.done $0x0  }
0x32f: {  	v7 =	vmov s10;
	[sflag:s14] =	ssyncadd.s32 $0xFFFFF000  }
0x330: {  	v60 =	vshll.u32 v7, $0x3;
	_ =	swait.ge [sflag:s14], $0x1000  }
0x331: {  	v7 =	vand.u32 $0x7F, v7;
	v8 =	vand.u32 $0xC00, v60;
	[sflag:s14] =	ssyncset.done $0x0  }
0x332: {  	s29 =	simm.s32 $0x7500;
	v7 =	vor.u32 v7, v8;
	[sflag:s14] =	ssyncadd.s32 $0xFFFFF000  }
0x333: {  	v8 =	vor.u32 v1, v7;
	v6 =	vld.idx.msk [tilespmem:v6+s29+$0x0], $0xffff  }
0x334: {  	v61 =	vor.u32 s28, v2;
	_ =	sdelay $0x3  }
0x335: {  	[tilespmem:v8+s4+$0x0] =	vst.idx.msk $0xffff, v6  }
0x336: {  	s30 =	sand.u32 $0x7F, s31;
	v7 =	vor.u32 v3, v7;
	v6 =	vld.idx.msk [tilespmem:v61+s29+$0x0], $0xffff  }
0x337: {  	v62 =	vor.u32 s30, v0;
	_ =	sdelay $0x3  }
0x338: {  	s31 =	simm.s32 $0xF500;
	[tilespmem:v7+s4+$0x0] =	vst.idx.msk $0xffff, v6  }
0x339: {  	v6 =	vld.idx.msk [tilespmem:v62+s31+$0x0], $0xffff  }
0x33a: {  	v63 =	vor.u32 s30, v2;
	_ =	sdelay $0x3  }
0x33b: {  	[tilespmem:v8+s3+$0x0] =	vst.idx.msk $0xffff, v6  }
0x33c: {  	v6 =	vld.idx.msk [tilespmem:v63+s31+$0x0], $0xffff  }
.Ltmp2:
0x33d: {  	s0 =	simm.s32 $0x10500;
	s7 =	simm.s32 $0x2500;
	(pc) =	sbr.rel @p0 .LBB2_4-.Ltmp2, $4  }
0x33e: {  	s18 =	simm.s32 $0xB500;
	s19 =	simm.s32 $0x4500;
	s17 =	simm.s32 $0x3500  }
0x33f: {  	s20 =	simm.s32 $0xC500;
	s21 =	simm.s32 $0x5500;
	s2 =	smov.u32 s1  }
0x340: {  	s22 =	simm.s32 $0xD500;
	s23 =	simm.s32 $0x6500;
	s24 =	simm.s32 $0xE500  }
0x341: {  	s5 =	simm.s32 $0x7500;
	s1 =	simm.s32 $0xF500;
	s4 =	simm.s32 $0x14500;
	[tilespmem:v7+s3+$0x0] =	vst.idx.msk $0xffff, v6  }
0x342: {  	(v2sf) =	vpush v4, $0x7;
	_ =	sdelay $0x5  }
0x343: {  	(v2sf) =	vpush v5, $0x7;
	_ =	sdelay $0x8  }
0x344: {  	s11 =	spop (v2sf)  }
0x345: {  	s13 =	sand.u32 $0x7F, s11  }
0x346: {  	s26 =	sshra.s32 s11, $0x1F;
	p1 =	slt.s32 s11, $0x1;
	p0 =	sne.s32 s13, $0x0  }
0x347: {  	s13 =	sshrl.u32 s26, $0x19;
	p0 =	por !p1, !p0  }
0x348: {  	s11 =	sadd.s32 s13, s11;
	s13 =	simm.s32 $0x1;
	p0 =	por !p0, !p0  }
0x349: {  	s0 =	simm.s32 $0x400;
	s11 =	sshrl.u32 s11, $0x7;
	s13 =	simm.s32 @!p0 $0x0  }
0x34a: {  	s3 =	simm.s32 $0x7A1400;
	s28 =	spop (v2sf);
	s11 =	ssub.s32 s11, s13  }
0x34b: {  	s29 =	sand.u32 $0x7F, s28;
	s30 =	sshra.s32 s28, $0x1F;
	s11 =	sshll.u32 s11, $0x7  }
0x34c: {  	p6 =	slt.s32 s28, $0x1;
	p5 =	sne.s32 s29, $0x0;
	s11 =	sand.u32 $0x1FFFFF80, s11  }
0x34d: {  	p0 =	por !p6, !p5;
	s13 =	sshrl.u32 s30, $0x19;
	s11 =	sadd.s32 s25, s11  }
0x34e: {  	[tilespmem:s5], [sflag:$0x8] =	stream.strided.gather [hbm4b:s11+s0], $0x1000, s3, s0, $0x38;
	[tilespmem:$0x18500] =	vst v63  }
0x34f: {  	p0 =	por !p0, !p0;
	s11 =	sadd.s32 s13, s28;
	s13 =	simm.s32 $0x1  }
0x350: {  	s11 =	sshrl.u32 s11, $0x7;
	s13 =	simm.s32 @!p0 $0x0  }
0x351: {  	s11 =	ssub.s32 s11, s13  }
.Ltmp3:
0x352: {  	s31 =	rddreg [dreg:$0xc];
	s11 =	sshll.u32 s11, $0x7;
	(pc) =	sbr.rel .LBB2_2-.Ltmp3, $4  }
0x353: {  	s10 =	sadd.s32 $0x10, s10;
	s4 =	rddreg [dreg:$0xd];
	s11 =	sand.u32 $0x1FFFFF80, s11  }
0x354: {  	s8 =	simm.s32 $0x400;
	s9 =	simm.s32 $0x7A1400;
	s11 =	sadd.s32 s2, s11  }
0x355: {  	[tilespmem:s1], [sflag:$0x8] =	stream.strided.gather [hbm4b:s11+s0], $0x1000, s3, s0, $0x38;
	[tilespmem:$0x18500] =	vst v63  }
0x356: {  	s4 =	sadd.s32 $0x10, s4;
	s13 =	simm.s32 $0x7500;
	s1 =	sadd.s32 $0x10, s31  }
.LBB2_5:
0x357: {  	_ =	sfence.sel $0x180000  }
0x358: {  	[bflag:$0x0] =	sbarrier.arrive $0xFFFF  }
0x359: {  	_ =	strace $0x90000047  }
0x35a: {  	s0 =	stileid.u32;
	[bflag:$0x2] =	sbarrier.arrive $0xFFFF  }
0x35b: {  	p0 =	sne.s32 s0, $0x0;
	s0 =	rddreg [dreg:$0x5]  }
0x35c: {  	s0 =	sadd.s32 @!p0 $0x100000, s0  }
0x35d: {  	[sflag:s0] =	ssyncadd.tile.s32 @!p0 $0x1;
	_ =	shalt  }
.Lfunc_end2:
_tile_overlayer_lowered:
.L_overlay_start_2:
0x35e: {  	(tag) =	ssettag $0x2  }
0x35f: {  	s0 =	rddreg [dreg:$0x0];
	s2 =	stileid.u32  }
0x360: {  	s1 =	rddreg [dreg:$0x1];
	p0 =	sne.s32 s2, $0x0  }
0x361: {  	s3 =	rddreg [dreg:$0x2];
	[bflag:$0x3] =	sbarrier.arrive $0xFFFF;
	s2 =	simm.s32 @!p0 $0x1C09  }
0x362: {  	[timem:s3], [sflag:s2] =	dma.local @!p0 [hbm:s0], s1  }
0x363: {  	s0 =	simm.s32 @!p0 $0x9  }
0x364: {  	_ =	swait.ge @!p0 [sflag:s0], s1  }
0x365: {  	s1 =	ssub.s32 @!p0 $0x0, s1;
	[sflag:s0] =	ssyncset.done @!p0 $0x0  }
0x366: {  	[sflag:s0] =	ssyncadd.s32 @!p0 s1  }
0x367: {  	[bflag:$0x3] =	sbarrier.arrive $0xFFFF  }
0x368: {  	_ =	shalt  }

</sc_bundles>
